<compile_context>
chip_gen: v7x
topology: tpu7x:2x2x1
jax: 0.10.2.dev20260603
libtpu: 0.0.44.dev20260713+nightly
codegen_flags: <defaults>
</compile_context>

<pallas_src>
import functools

import jax
import jax.numpy as jnp
from jax import lax
from jax.experimental import pallas as pl
from jax.experimental.pallas import tpu as pltpu
from jax.experimental.pallas import tpu_sc as plsc

N_SUB = 10000
E = 160000
N_TILES = 16
N_WORKERS = 32

ROWS_PER_W = 384
NSUB_PAD = N_WORKERS * ROWS_PER_W

_sc_mesh = plsc.VectorSubcoreMesh(core_axis_name="c", subcore_axis_name="s")


@functools.partial(
    pl.kernel,
    out_type=(
        jax.ShapeDtypeStruct((NSUB_PAD, 256), jnp.float32),
        jax.ShapeDtypeStruct((NSUB_PAD, 128), jnp.float32),
    ),
    mesh=_sc_mesh,
    scratch_types=[
        pltpu.VMEM((3, 128), jnp.int32),
        pltpu.VMEM((128, 256), jnp.float32),
        pltpu.VMEM((128, 128), jnp.float32),
        pltpu.SemaphoreType.DMA,
        pltpu.SemaphoreType.DMA,
    ],
)
def _sc_gather(idx_hbm, feat_hbm, label_hbm, outf_hbm, outl_hbm,
               idx_v, rf_v, rl_v, semf, seml):
    cid = lax.axis_index("c")
    sid = lax.axis_index("s")
    wid = sid * 2 + cid
    pltpu.sync_copy(idx_hbm.at[wid], idx_v)
    base = wid * ROWS_PER_W
    for j in range(3):
        pltpu.async_copy(feat_hbm.at[idx_v.at[j]], rf_v, semf).wait()
        pltpu.sync_copy(rf_v, outf_hbm.at[pl.ds(base + j * 128, 128)])
        pltpu.async_copy(label_hbm.at[idx_v.at[j]], rl_v, seml).wait()
        pltpu.sync_copy(rl_v, outl_hbm.at[pl.ds(base + j * 128, 128)])


EPT = 10240
NB = EPT // 128
N_ACC = 10240


def _make_spmm(C, mul, off_fn):
    C_sc = C // 2

    @functools.partial(
        pl.kernel,
        out_type=jax.ShapeDtypeStruct((C, N_ACC, 64), jnp.float32),
        mesh=_sc_mesh,
        compiler_params=pltpu.CompilerParams(use_tc_tiling_on_sc=False),
        scratch_types=[
            pltpu.VMEM((NB, 128), jnp.int32),
            pltpu.VMEM((NB, 128), jnp.int32),
            pltpu.VMEM((128, 16), jnp.float32),
            pltpu.VMEM((NB, 128), jnp.int32),
            pltpu.VMEM((2, 128, 64), jnp.float32),
            pltpu.VMEM_SHARED((N_ACC, 64), jnp.float32),
            pltpu.SemaphoreType.DMA,
            pltpu.SemaphoreType.DMA,
        ],
    )
    def spmm(feat_hbm, src_hbm, dst_hbm, ew_hbm, out_hbm,
             src_v, dst_v, ew_v, gidx_v, rows_v, acc_sh, gsem, esem):
        cid = lax.axis_index("c")
        sid = lax.axis_index("s")
        pltpu.sync_copy(src_hbm.at[sid], src_v)
        pltpu.sync_copy(dst_hbm.at[sid], dst_v)

        for j in range(C_sc):
            c = 2 * j + cid
            off = off_fn(j, cid)
            def idx_body(i, carry):
                for k in range(8):
                    s = src_v[i, pl.ds(k * 16, 16)]
                    gidx_v[i, pl.ds(k * 16, 16)] = s * mul + off
                return carry
            lax.fori_loop(0, NB, idx_body, 0)

            def z_body(i, carry):
                for k in range(4):
                    rows_v[0, i, pl.ds(k * 16, 16)] = jnp.zeros(
                        (16,), jnp.float32)
                return carry
            lax.fori_loop(0, 128, z_body, 0)
            zbase = sid * 640
            for r in range(5):
                pltpu.sync_copy(rows_v.at[0],
                                acc_sh.at[pl.ds(zbase + r * 128, 128)])
            plsc.subcore_barrier()

            def b_body(b, carry):
                cp_ew = pltpu.async_copy(ew_hbm.at[sid].at[b], ew_v, esem)
                cp_rows = pltpu.async_copy(feat_hbm.at[gidx_v.at[b]],
                                           rows_v.at[0], gsem)
                cp_ew.wait()
                cp_rows.wait()

                def e_body(e, carry2):
                    ewb = ew_v[e, :]
                    for k in range(4):
                        rows_v[0, e, pl.ds(k * 16, 16)] = (
                            rows_v[0, e, pl.ds(k * 16, 16)] * ewb)
                    return carry2
                lax.fori_loop(0, 128, e_body, 0)
                pltpu.sync_copy(rows_v.at[0], acc_sh.at[dst_v.at[b]],
                                add=True)
                return carry
            lax.fori_loop(0, NB, b_body, 0)
            plsc.subcore_barrier()
            pltpu.sync_copy(acc_sh.at[pl.ds(zbase, 640)],
                            out_hbm.at[c].at[pl.ds(zbase, 640)])

    return spmm


_spmm_l0 = _make_spmm(4, 4, lambda j, cid: 2 * j + cid)
_spmm_l1 = _make_spmm(8, 2, lambda j, cid: j * 20000 + cid)


RB = 1000
_PREC = jax.lax.Precision.HIGHEST


def _ft(h_lin, b, s, o):
    h = jax.nn.relu(h_lin + b)
    mean = jnp.mean(h, axis=1, keepdims=True)
    d = h - mean
    var = jnp.mean(d * d, axis=1, keepdims=True) + 1e-9
    return d * s * lax.rsqrt(var) + o


def _dot(a, b):
    return jnp.dot(a, b, preferred_element_type=jnp.float32,
                   precision=_PREC)


def _tc1_body(feat_ref, agg_ref, w0a_ref, b0a_ref, s0a_ref, o0a_ref,
              w0b_ref, b0b_ref, s0b_ref, o0b_ref,
              w1a_ref, b1a_ref, s1a_ref, o1a_ref, w1b_ref,
              p01_ref, y_ref):
    x = feat_ref[...]
    p0 = _ft(_dot(x, w0a_ref[...]), b0a_ref[...], s0a_ref[...],
             o0a_ref[...])
    h1 = _dot(agg_ref[0], w0b_ref[0:128]) + _dot(agg_ref[1],
                                                 w0b_ref[128:256])
    p1 = _ft(h1, b0b_ref[...], s0b_ref[...], o0b_ref[...])
    p01 = _ft(_dot(p0, w1a_ref[0:512]) + _dot(p1, w1a_ref[512:1024]),
              b1a_ref[...], s1a_ref[...], o1a_ref[...])
    p01_ref[...] = p01
    y = _dot(p0, w1b_ref[0:512]) + _dot(p1, w1b_ref[512:1024])
    for c in range(4):
        y_ref[c] = y[:, c * 128:(c + 1) * 128]


def _tc2_body(p01_ref, z_ref, b1b_ref, s1b_ref, o1b_ref, wc_ref, bc_ref,
              out_ref):
    z = jnp.concatenate([z_ref[0], z_ref[1], z_ref[2], z_ref[3]], axis=1)
    p11 = _ft(z, b1b_ref[...], s1b_ref[...], o1b_ref[...])
    p01 = p01_ref[...]
    nrm2 = (jnp.sum(p01 * p01, axis=1, keepdims=True)
            + jnp.sum(p11 * p11, axis=1, keepdims=True))
    nrm = jnp.maximum(jnp.sqrt(nrm2), 1e-12)
    pred = (_dot(p01, wc_ref[0:512]) + _dot(p11, wc_ref[512:1024])) / nrm
    out_ref[...] = pred + bc_ref[...]


def _full(shape):
    return pl.BlockSpec(shape, lambda i: (0,) * len(shape))


def _tc1(feat_pad, agg0, w0a, b0a, s0a, o0a, w0b, b0b, s0b, o0b,
         w1a, b1a, s1a, o1a, w1b):
    grid = (N_SUB // RB,)
    return pl.pallas_call(
        _tc1_body,
        grid=grid,
        in_specs=[
            pl.BlockSpec((RB, 256), lambda i: (i, 0)),
            pl.BlockSpec((2, RB, 128), lambda i: (0, i, 0)),
            _full((256, 512)), _full((1, 512)), _full((1, 512)),
            _full((1, 512)),
            _full((256, 512)), _full((1, 512)), _full((1, 512)),
            _full((1, 512)),
            _full((1024, 512)), _full((1, 512)), _full((1, 512)),
            _full((1, 512)), _full((1024, 512)),
        ],
        out_specs=[
            pl.BlockSpec((RB, 512), lambda i: (i, 0)),
            pl.BlockSpec((4, RB, 128), lambda i: (0, i, 0)),
        ],
        out_shape=[
            jax.ShapeDtypeStruct((N_SUB, 512), jnp.float32),
            jax.ShapeDtypeStruct((4, N_SUB, 128), jnp.float32),
        ],
    )(feat_pad, agg0, w0a, b0a, s0a, o0a, w0b, b0b, s0b, o0b,
      w1a, b1a, s1a, o1a, w1b)


def _tc2(p01, z, b1b, s1b, o1b, wc, bc):
    grid = (N_SUB // RB,)
    return pl.pallas_call(
        _tc2_body,
        grid=grid,
        in_specs=[
            pl.BlockSpec((RB, 512), lambda i: (i, 0)),
            pl.BlockSpec((4, RB, 128), lambda i: (0, i, 0)),
            _full((1, 512)), _full((1, 512)), _full((1, 512)),
            _full((1024, 128)), _full((1, 128)),
        ],
        out_specs=pl.BlockSpec((RB, 128), lambda i: (i, 0)),
        out_shape=jax.ShapeDtypeStruct((N_SUB, 128), jnp.float32),
    )(p01, z, b1b, s1b, o1b, wc, bc)


def kernel(node_subgraph, edge_index, edge_weight, feat_full, label_full,
           W0a, b0a, s0a, o0a, W0b, b0b, s0b, o0b,
           W1a, b1a, s1a, o1a, W1b, b1b, s1b, o1b, Wc, bc):
    idx_pad = jnp.zeros((NSUB_PAD,), jnp.int32).at[:N_SUB].set(
        node_subgraph.astype(jnp.int32)).reshape(N_WORKERS, 3, 128)
    src = edge_index[0].astype(jnp.int32)
    dst = edge_index[1].astype(jnp.int32)
    epad = N_TILES * EPT
    src3 = jnp.zeros((epad,), jnp.int32).at[:E].set(src).reshape(
        N_TILES, NB, 128)
    dst3 = jnp.zeros((epad,), jnp.int32).at[:E].set(dst).reshape(
        N_TILES, NB, 128)
    ew_pad = jnp.zeros((epad,), jnp.float32).at[:E].set(edge_weight)
    ew3 = jnp.broadcast_to(ew_pad[:, None], (epad, 16)).reshape(
        N_TILES, NB, 128, 16)

    def row(v):
        return v.reshape(1, -1)

    feat_pad, label_pad = _sc_gather(idx_pad, feat_full, label_full)
    label_subg = label_pad[:N_SUB]

    agg0_64 = _spmm_l0(feat_pad.reshape(-1, 64), src3, dst3, ew3)
    agg0 = agg0_64.reshape(2, 2, N_ACC, 64).transpose(0, 2, 1, 3).reshape(
        2, N_ACC, 128)

    p01, y = _tc1(feat_pad, agg0, W0a, row(b0a), row(s0a), row(o0a),
                  W0b, row(b0b), row(s0b), row(o0b),
                  W1a, row(b1a), row(s1a), row(o1a), W1b)

    z64 = _spmm_l1(y.reshape(-1, 64), src3, dst3, ew3)
    z = z64.reshape(4, 2, N_ACC, 64).transpose(0, 2, 1, 3).reshape(
        4, N_ACC, 128)

    pred = _tc2(p01, z, row(b1b), row(s1b), row(o1b), Wc, row(bc))
    return (pred, label_subg, label_subg)

# --- scband reference (transcript-rebuilt; emitter-appended) ---
"""Pipeline reference for scband-graph-saint-82076825026678 (READ-ONLY COPY).

The authoritative reference and input builder live on the scoring server;
editing this copy changes nothing except your own understanding.
"""

import jax, jax.numpy as jnp
import numpy as np

N_FULL = 50000
N_SUB = 10000
E = 160000
D_IN = 256
D_HID = 512
N_CLS = 128


def setup_inputs(seed: int = 0):
    key = jax.random.key(seed)
    ks = jax.random.split(key, 32)
    inp = {}
    inp["node_subgraph"] = jax.random.randint(ks[0], (N_SUB,), 0, N_FULL)
    inp["edge_index"] = jax.random.randint(ks[1], (2, E), 0, N_SUB)
    inp["edge_weight"] = jax.random.uniform(ks[2], (E,), dtype=jnp.float32)
    inp["feat_full"] = jax.random.normal(ks[3], (N_FULL, D_IN), dtype=jnp.float32)
    inp["label_full"] = (jax.random.uniform(ks[4], (N_FULL, N_CLS)) < 0.1).astype(jnp.float32)
    i = 5
    for l, din in ((0, D_IN), (1, 2 * D_HID)):
        for o in ("a", "b"):
            inp["W%d%s" % (l, o)] = jax.random.normal(ks[i], (din, D_HID), dtype=jnp.float32) * (1.0 / np.sqrt(din)); i += 1
            inp["b%d%s" % (l, o)] = jnp.zeros((D_HID,), dtype=jnp.float32)
            inp["s%d%s" % (l, o)] = jnp.ones((D_HID,), dtype=jnp.float32)
            inp["o%d%s" % (l, o)] = jnp.zeros((D_HID,), dtype=jnp.float32)
    inp["Wc"] = jax.random.normal(ks[i], (2 * D_HID, N_CLS), dtype=jnp.float32) * (1.0 / np.sqrt(2 * D_HID))
    inp["bc"] = jnp.zeros((N_CLS,), dtype=jnp.float32)
    return inp


def _feat_trans(x, W, b, s, o):
    # HighOrderAggregator per-hop transform: linear -> relu -> 'norm' bias (layer-norm style)
    h = jax.nn.relu(x @ W + b)
    mean = jnp.mean(h, axis=1, keepdims=True)
    var = jnp.var(h, axis=1, keepdims=True) + 1e-9
    return (h - mean) * s * jax.lax.rsqrt(var) + o


def _high_order_layer(src, dst, ew, feat, Wa, ba, sa, oa, Wb, bb, sb, ob):
    # order-1 HighOrderAggregator with aggr='concat':
    # feat_hop = [x, A x]; spmm(A, x) via gather + weighted scatter-add (segment_sum)
    msgs = jnp.take(feat, src, axis=0) * ew[:, None]
    agg = jax.ops.segment_sum(msgs, dst, num_segments=feat.shape[0])
    p0 = _feat_trans(feat, Wa, ba, sa, oa)
    p1 = _feat_trans(agg, Wb, bb, sb, ob)
    return jnp.concatenate([p0, p1], axis=1)


def reference(node_subgraph, edge_index, edge_weight, feat_full, label_full,
              W0a, b0a, s0a, o0a, W0b, b0b, s0b, o0b,
              W1a, b1a, s1a, o1a, W1b, b1b, s1b, o1b, Wc, bc):
    src, dst = edge_index[0], edge_index[1]
    feat_subg = jnp.take(feat_full, node_subgraph, axis=0)
    label_subg = jnp.take(label_full, node_subgraph, axis=0)
    emb = _high_order_layer(src, dst, edge_weight, feat_subg, W0a, b0a, s0a, o0a, W0b, b0b, s0b, o0b)
    emb = _high_order_layer(src, dst, edge_weight, emb, W1a, b1a, s1a, o1a, W1b, b1b, s1b, o1b)
    # F.normalize(emb, p=2, dim=1)
    nrm = jnp.maximum(jnp.linalg.norm(emb, axis=1, keepdims=True), 1e-12)
    emb_norm = emb / nrm
    # classifier: HighOrderAggregator order=0, act='I', bias='bias'
    pred_subg = emb_norm @ Wc + bc
    return (pred_subg, label_subg, label_subg)

if __name__ == "__main__":
    import jax
    _d = setup_inputs()
    print(jax.jit(kernel)(*tuple(_d.values())))

</pallas_src>

<mosaic_0001>
#map = affine_map<(d0, d1) -> (0, 0)>
#map1 = affine_map<(d0, d1) -> (0, 0, 0)>
#map2 = affine_map<(d0, d1) -> (0, 0, 0, 0)>
module attributes {stable_mosaic.version = 14 : i64} {
  func.func @spmm(%arg0: i32, %arg1: i32, %arg2: memref<49152x64xf32, #tpu.memory_space<hbm>>, %arg3: memref<16x80x128xi32, #tpu.memory_space<hbm>>, %arg4: memref<16x80x128xi32, #tpu.memory_space<hbm>>, %arg5: memref<16x80x128x16xf32, #tpu.memory_space<hbm>>, %arg6: memref<4x10240x64xf32, #tpu.memory_space<hbm>>, %arg7: memref<80x128xi32, #tpu.memory_space<vmem>>, %arg8: memref<80x128xi32, #tpu.memory_space<vmem>>, %arg9: memref<128x16xf32, #tpu.memory_space<vmem>>, %arg10: memref<80x128xi32, #tpu.memory_space<vmem>>, %arg11: memref<2x128x64xf32, #tpu.memory_space<vmem>>, %arg12: memref<10240x64xf32, #tpu.memory_space<vmem_shared>>, %arg13: memref<!tpu.dma_semaphore, #tpu.memory_space<semaphore_mem>>, %arg14: memref<!tpu.dma_semaphore, #tpu.memory_space<semaphore_mem>>) attributes {dimension_semantics = [#tpu.dimension_semantics<core_parallel>, #tpu.dimension_semantics<subcore_parallel>], iteration_bounds = array<i64: 2, 16>, scalar_prefetch = 0 : i64, scratch_operands = 8 : i64, tpu.core_type = #tpu.core_type<sc_vector_subcore>, window_params = [{transform_indices = #map}, {transform_indices = #map1}, {transform_indices = #map1}, {transform_indices = #map2}, {transform_indices = #map1}]} {
    "tpu.region"() ({
      %run_scoped3A_77 = tpu.sem_alloc : memref<!tpu.dma_semaphore, #tpu.memory_space<semaphore_mem>>
      %dma_start3A = arith.constant 0 : i32
      %dma_start3A_78 = arith.constant 0 : i32
      %dma_start3A_79 = tpu.memref_slice %arg3[%arg1, %dma_start3A, %dma_start3A_78] : memref<16x80x128xi32, #tpu.memory_space<hbm>> -> memref<1x80x128xi32, #tpu.memory_space<hbm>>
      %dma_start3A_80 = tpu.memref_squeeze %dma_start3A_79 : memref<1x80x128xi32, #tpu.memory_space<hbm>> -> memref<80x128xi32, #tpu.memory_space<hbm>>
      %dma_start3A_81 = arith.constant 0 : i32
      %dma_start3A_82 = arith.constant 0 : i32
      %dma_start3A_83 = tpu.memref_slice %arg3[%arg1, %dma_start3A_81, %dma_start3A_82] : memref<16x80x128xi32, #tpu.memory_space<hbm>> -> memref<1x80x128xi32, #tpu.memory_space<hbm>>
      %dma_start3A_84 = tpu.memref_squeeze %dma_start3A_83 : memref<1x80x128xi32, #tpu.memory_space<hbm>> -> memref<80x128xi32, #tpu.memory_space<hbm>>
      tpu.enqueue_dma source(%dma_start3A_84 : memref<80x128xi32, #tpu.memory_space<hbm>>) target(%arg7 : memref<80x128xi32, #tpu.memory_space<vmem>>) target_semaphore(%run_scoped3A_77 : memref<!tpu.dma_semaphore, #tpu.memory_space<semaphore_mem>>)
      %dma_wait3A = arith.constant 0 : i32
      %dma_wait3A_85 = arith.constant 0 : i32
      %dma_wait3A_86 = tpu.memref_slice %arg3[%arg1, %dma_wait3A, %dma_wait3A_85] : memref<16x80x128xi32, #tpu.memory_space<hbm>> -> memref<1x80x128xi32, #tpu.memory_space<hbm>>
      %dma_wait3A_87 = tpu.memref_squeeze %dma_wait3A_86 : memref<1x80x128xi32, #tpu.memory_space<hbm>> -> memref<80x128xi32, #tpu.memory_space<hbm>>
      %dma_wait3A_88 = arith.constant 0 : i32
      %dma_wait3A_89 = arith.constant 0 : i32
      %dma_wait3A_90 = tpu.memref_slice %arg3[%arg1, %dma_wait3A_88, %dma_wait3A_89] : memref<16x80x128xi32, #tpu.memory_space<hbm>> -> memref<1x80x128xi32, #tpu.memory_space<hbm>>
      %dma_wait3A_91 = tpu.memref_squeeze %dma_wait3A_90 : memref<1x80x128xi32, #tpu.memory_space<hbm>> -> memref<80x128xi32, #tpu.memory_space<hbm>>
      tpu.wait_dma2 semaphore(%run_scoped3A_77 : memref<!tpu.dma_semaphore, #tpu.memory_space<semaphore_mem>>) src(%dma_wait3A_91 : memref<80x128xi32, #tpu.memory_space<hbm>>) dst(%arg7 : memref<80x128xi32, #tpu.memory_space<vmem>>)
      tpu.yield
    }) : () -> ()
    "tpu.region"() ({
      %run_scoped3A_77 = tpu.sem_alloc : memref<!tpu.dma_semaphore, #tpu.memory_space<semaphore_mem>>
      %dma_start3A = arith.constant 0 : i32
      %dma_start3A_78 = arith.constant 0 : i32
      %dma_start3A_79 = tpu.memref_slice %arg4[%arg1, %dma_start3A, %dma_start3A_78] : memref<16x80x128xi32, #tpu.memory_space<hbm>> -> memref<1x80x128xi32, #tpu.memory_space<hbm>>
      %dma_start3A_80 = tpu.memref_squeeze %dma_start3A_79 : memref<1x80x128xi32, #tpu.memory_space<hbm>> -> memref<80x128xi32, #tpu.memory_space<hbm>>
      %dma_start3A_81 = arith.constant 0 : i32
      %dma_start3A_82 = arith.constant 0 : i32
      %dma_start3A_83 = tpu.memref_slice %arg4[%arg1, %dma_start3A_81, %dma_start3A_82] : memref<16x80x128xi32, #tpu.memory_space<hbm>> -> memref<1x80x128xi32, #tpu.memory_space<hbm>>
      %dma_start3A_84 = tpu.memref_squeeze %dma_start3A_83 : memref<1x80x128xi32, #tpu.memory_space<hbm>> -> memref<80x128xi32, #tpu.memory_space<hbm>>
      tpu.enqueue_dma source(%dma_start3A_84 : memref<80x128xi32, #tpu.memory_space<hbm>>) target(%arg8 : memref<80x128xi32, #tpu.memory_space<vmem>>) target_semaphore(%run_scoped3A_77 : memref<!tpu.dma_semaphore, #tpu.memory_space<semaphore_mem>>)
      %dma_wait3A = arith.constant 0 : i32
      %dma_wait3A_85 = arith.constant 0 : i32
      %dma_wait3A_86 = tpu.memref_slice %arg4[%arg1, %dma_wait3A, %dma_wait3A_85] : memref<16x80x128xi32, #tpu.memory_space<hbm>> -> memref<1x80x128xi32, #tpu.memory_space<hbm>>
      %dma_wait3A_87 = tpu.memref_squeeze %dma_wait3A_86 : memref<1x80x128xi32, #tpu.memory_space<hbm>> -> memref<80x128xi32, #tpu.memory_space<hbm>>
      %dma_wait3A_88 = arith.constant 0 : i32
      %dma_wait3A_89 = arith.constant 0 : i32
      %dma_wait3A_90 = tpu.memref_slice %arg4[%arg1, %dma_wait3A_88, %dma_wait3A_89] : memref<16x80x128xi32, #tpu.memory_space<hbm>> -> memref<1x80x128xi32, #tpu.memory_space<hbm>>
      %dma_wait3A_91 = tpu.memref_squeeze %dma_wait3A_90 : memref<1x80x128xi32, #tpu.memory_space<hbm>> -> memref<80x128xi32, #tpu.memory_space<hbm>>
      tpu.wait_dma2 semaphore(%run_scoped3A_77 : memref<!tpu.dma_semaphore, #tpu.memory_space<semaphore_mem>>) src(%dma_wait3A_91 : memref<80x128xi32, #tpu.memory_space<hbm>>) dst(%arg8 : memref<80x128xi32, #tpu.memory_space<vmem>>)
      tpu.yield
    }) : () -> ()
    %add3A = arith.constant 0 : i32
    %add3A_0 = arith.addi %add3A, %arg0 : i32
    %add3A_1 = arith.constant 0 : i32
    %add3A_2 = arith.addi %add3A_1, %arg0 : i32
    %scan3A = arith.constant 0 : i32
    %scan3A_3 = arith.constant 0 : i32
    %scan3A_4 = arith.constant 80 : i32
    %scan3A_5 = arith.addi %scan3A_3, %scan3A_4 : i32
    %scan3A_6 = arith.constant 1 : i32
    scf.for %scan3A_77 = %scan3A_3 to %scan3A_5 step %scan3A_6  : i32 {
      %get3A = arith.index_cast %scan3A_77 : i32 to index
      %get3A_78 = arith.constant 0 : index
      %get3A_79 = tpu.vector_load %arg7[%get3A, %get3A_78] {strides = array<i32>} : memref<80x128xi32, #tpu.memory_space<vmem>>, vector<1x16xi32>,
      %get3A_80 = vector.shape_cast %get3A_79 : vector<1x16xi32> to vector<16xi32>
      %mul3A_81 = arith.constant 4 : i32
      %mul3A_82 = vector.broadcast %mul3A_81 : i32 to vector<16xi32>
      %mul3A_83 = arith.muli %get3A_80, %mul3A_82 : vector<16xi32>
      %add3A_84 = vector.broadcast %add3A_2 : i32 to vector<16xi32>
      %add3A_85 = arith.addi %mul3A_83, %add3A_84 : vector<16xi32>
      %swap3A = arith.index_cast %scan3A_77 : i32 to index
      %swap3A_86 = arith.constant 0 : index
      %swap3A_87 = tpu.vector_load %arg10[%swap3A, %swap3A_86] {strides = array<i32>} : memref<80x128xi32, #tpu.memory_space<vmem>>, vector<1x16xi32>,
      %swap3A_88 = vector.shape_cast %swap3A_87 : vector<1x16xi32> to vector<16xi32>
      %swap3A_89 = vector.shape_cast %add3A_85 : vector<16xi32> to vector<1x16xi32>
      tpu.vector_store %arg10[%swap3A, %swap3A_86], %swap3A_89 {strides = array<i32>} : memref<80x128xi32, #tpu.memory_space<vmem>>, vector<1x16xi32>,
      %get3A_90 = arith.index_cast %scan3A_77 : i32 to index
      %get3A_91 = arith.constant 16 : index
      %get3A_92 = tpu.vector_load %arg7[%get3A_90, %get3A_91] {strides = array<i32>} : memref<80x128xi32, #tpu.memory_space<vmem>>, vector<1x16xi32>,
      %get3A_93 = vector.shape_cast %get3A_92 : vector<1x16xi32> to vector<16xi32>
      %mul3A_94 = arith.constant 4 : i32
      %mul3A_95 = vector.broadcast %mul3A_94 : i32 to vector<16xi32>
      %mul3A_96 = arith.muli %get3A_93, %mul3A_95 : vector<16xi32>
      %add3A_97 = vector.broadcast %add3A_2 : i32 to vector<16xi32>
      %add3A_98 = arith.addi %mul3A_96, %add3A_97 : vector<16xi32>
      %swap3A_99 = arith.index_cast %scan3A_77 : i32 to index
      %swap3A_100 = arith.constant 16 : index
      %swap3A_101 = tpu.vector_load %arg10[%swap3A_99, %swap3A_100] {strides = array<i32>} : memref<80x128xi32, #tpu.memory_space<vmem>>, vector<1x16xi32>,
      %swap3A_102 = vector.shape_cast %swap3A_101 : vector<1x16xi32> to vector<16xi32>
      %swap3A_103 = vector.shape_cast %add3A_98 : vector<16xi32> to vector<1x16xi32>
      tpu.vector_store %arg10[%swap3A_99, %swap3A_100], %swap3A_103 {strides = array<i32>} : memref<80x128xi32, #tpu.memory_space<vmem>>, vector<1x16xi32>,
      %get3A_104 = arith.index_cast %scan3A_77 : i32 to index
      %get3A_105 = arith.constant 32 : index
      %get3A_106 = tpu.vector_load %arg7[%get3A_104, %get3A_105] {strides = array<i32>} : memref<80x128xi32, #tpu.memory_space<vmem>>, vector<1x16xi32>,
      %get3A_107 = vector.shape_cast %get3A_106 : vector<1x16xi32> to vector<16xi32>
      %mul3A_108 = arith.constant 4 : i32
      %mul3A_109 = vector.broadcast %mul3A_108 : i32 to vector<16xi32>
      %mul3A_110 = arith.muli %get3A_107, %mul3A_109 : vector<16xi32>
      %add3A_111 = vector.broadcast %add3A_2 : i32 to vector<16xi32>
      %add3A_112 = arith.addi %mul3A_110, %add3A_111 : vector<16xi32>
      %swap3A_113 = arith.index_cast %scan3A_77 : i32 to index
      %swap3A_114 = arith.constant 32 : index
      %swap3A_115 = tpu.vector_load %arg10[%swap3A_113, %swap3A_114] {strides = array<i32>} : memref<80x128xi32, #tpu.memory_space<vmem>>, vector<1x16xi32>,
      %swap3A_116 = vector.shape_cast %swap3A_115 : vector<1x16xi32> to vector<16xi32>
      %swap3A_117 = vector.shape_cast %add3A_112 : vector<16xi32> to vector<1x16xi32>
      tpu.vector_store %arg10[%swap3A_113, %swap3A_114], %swap3A_117 {strides = array<i32>} : memref<80x128xi32, #tpu.memory_space<vmem>>, vector<1x16xi32>,
      %get3A_118 = arith.index_cast %scan3A_77 : i32 to index
      %get3A_119 = arith.constant 48 : index
      %get3A_120 = tpu.vector_load %arg7[%get3A_118, %get3A_119] {strides = array<i32>} : memref<80x128xi32, #tpu.memory_space<vmem>>, vector<1x16xi32>,
      %get3A_121 = vector.shape_cast %get3A_120 : vector<1x16xi32> to vector<16xi32>
      %mul3A_122 = arith.constant 4 : i32
      %mul3A_123 = vector.broadcast %mul3A_122 : i32 to vector<16xi32>
      %mul3A_124 = arith.muli %get3A_121, %mul3A_123 : vector<16xi32>
      %add3A_125 = vector.broadcast %add3A_2 : i32 to vector<16xi32>
      %add3A_126 = arith.addi %mul3A_124, %add3A_125 : vector<16xi32>
      %swap3A_127 = arith.index_cast %scan3A_77 : i32 to index
      %swap3A_128 = arith.constant 48 : index
      %swap3A_129 = tpu.vector_load %arg10[%swap3A_127, %swap3A_128] {strides = array<i32>} : memref<80x128xi32, #tpu.memory_space<vmem>>, vector<1x16xi32>,
      %swap3A_130 = vector.shape_cast %swap3A_129 : vector<1x16xi32> to vector<16xi32>
      %swap3A_131 = vector.shape_cast %add3A_126 : vector<16xi32> to vector<1x16xi32>
      tpu.vector_store %arg10[%swap3A_127, %swap3A_128], %swap3A_131 {strides = array<i32>} : memref<80x128xi32, #tpu.memory_space<vmem>>, vector<1x16xi32>,
      %get3A_132 = arith.index_cast %scan3A_77 : i32 to index
      %get3A_133 = arith.constant 64 : index
      %get3A_134 = tpu.vector_load %arg7[%get3A_132, %get3A_133] {strides = array<i32>} : memref<80x128xi32, #tpu.memory_space<vmem>>, vector<1x16xi32>,
      %get3A_135 = vector.shape_cast %get3A_134 : vector<1x16xi32> to vector<16xi32>
      %mul3A_136 = arith.constant 4 : i32
      %mul3A_137 = vector.broadcast %mul3A_136 : i32 to vector<16xi32>
      %mul3A_138 = arith.muli %get3A_135, %mul3A_137 : vector<16xi32>
      %add3A_139 = vector.broadcast %add3A_2 : i32 to vector<16xi32>
      %add3A_140 = arith.addi %mul3A_138, %add3A_139 : vector<16xi32>
      %swap3A_141 = arith.index_cast %scan3A_77 : i32 to index
      %swap3A_142 = arith.constant 64 : index
      %swap3A_143 = tpu.vector_load %arg10[%swap3A_141, %swap3A_142] {strides = array<i32>} : memref<80x128xi32, #tpu.memory_space<vmem>>, vector<1x16xi32>,
      %swap3A_144 = vector.shape_cast %swap3A_143 : vector<1x16xi32> to vector<16xi32>
      %swap3A_145 = vector.shape_cast %add3A_140 : vector<16xi32> to vector<1x16xi32>
      tpu.vector_store %arg10[%swap3A_141, %swap3A_142], %swap3A_145 {strides = array<i32>} : memref<80x128xi32, #tpu.memory_space<vmem>>, vector<1x16xi32>,
      %get3A_146 = arith.index_cast %scan3A_77 : i32 to index
      %get3A_147 = arith.constant 80 : index
      %get3A_148 = tpu.vector_load %arg7[%get3A_146, %get3A_147] {strides = array<i32>} : memref<80x128xi32, #tpu.memory_space<vmem>>, vector<1x16xi32>,
      %get3A_149 = vector.shape_cast %get3A_148 : vector<1x16xi32> to vector<16xi32>
      %mul3A_150 = arith.constant 4 : i32
      %mul3A_151 = vector.broadcast %mul3A_150 : i32 to vector<16xi32>
      %mul3A_152 = arith.muli %get3A_149, %mul3A_151 : vector<16xi32>
      %add3A_153 = vector.broadcast %add3A_2 : i32 to vector<16xi32>
      %add3A_154 = arith.addi %mul3A_152, %add3A_153 : vector<16xi32>
      %swap3A_155 = arith.index_cast %scan3A_77 : i32 to index
      %swap3A_156 = arith.constant 80 : index
      %swap3A_157 = tpu.vector_load %arg10[%swap3A_155, %swap3A_156] {strides = array<i32>} : memref<80x128xi32, #tpu.memory_space<vmem>>, vector<1x16xi32>,
      %swap3A_158 = vector.shape_cast %swap3A_157 : vector<1x16xi32> to vector<16xi32>
      %swap3A_159 = vector.shape_cast %add3A_154 : vector<16xi32> to vector<1x16xi32>
      tpu.vector_store %arg10[%swap3A_155, %swap3A_156], %swap3A_159 {strides = array<i32>} : memref<80x128xi32, #tpu.memory_space<vmem>>, vector<1x16xi32>,
      %get3A_160 = arith.index_cast %scan3A_77 : i32 to index
      %get3A_161 = arith.constant 96 : index
      %get3A_162 = tpu.vector_load %arg7[%get3A_160, %get3A_161] {strides = array<i32>} : memref<80x128xi32, #tpu.memory_space<vmem>>, vector<1x16xi32>,
      %get3A_163 = vector.shape_cast %get3A_162 : vector<1x16xi32> to vector<16xi32>
      %mul3A_164 = arith.constant 4 : i32
      %mul3A_165 = vector.broadcast %mul3A_164 : i32 to vector<16xi32>
      %mul3A_166 = arith.muli %get3A_163, %mul3A_165 : vector<16xi32>
      %add3A_167 = vector.broadcast %add3A_2 : i32 to vector<16xi32>
      %add3A_168 = arith.addi %mul3A_166, %add3A_167 : vector<16xi32>
      %swap3A_169 = arith.index_cast %scan3A_77 : i32 to index
      %swap3A_170 = arith.constant 96 : index
      %swap3A_171 = tpu.vector_load %arg10[%swap3A_169, %swap3A_170] {strides = array<i32>} : memref<80x128xi32, #tpu.memory_space<vmem>>, vector<1x16xi32>,
      %swap3A_172 = vector.shape_cast %swap3A_171 : vector<1x16xi32> to vector<16xi32>
      %swap3A_173 = vector.shape_cast %add3A_168 : vector<16xi32> to vector<1x16xi32>
      tpu.vector_store %arg10[%swap3A_169, %swap3A_170], %swap3A_173 {strides = array<i32>} : memref<80x128xi32, #tpu.memory_space<vmem>>, vector<1x16xi32>,
      %get3A_174 = arith.index_cast %scan3A_77 : i32 to index
      %get3A_175 = arith.constant 112 : index
      %get3A_176 = tpu.vector_load %arg7[%get3A_174, %get3A_175] {strides = array<i32>} : memref<80x128xi32, #tpu.memory_space<vmem>>, vector<1x16xi32>,
      %get3A_177 = vector.shape_cast %get3A_176 : vector<1x16xi32> to vector<16xi32>
      %mul3A_178 = arith.constant 4 : i32
      %mul3A_179 = vector.broadcast %mul3A_178 : i32 to vector<16xi32>
      %mul3A_180 = arith.muli %get3A_177, %mul3A_179 : vector<16xi32>
      %add3A_181 = vector.broadcast %add3A_2 : i32 to vector<16xi32>
      %add3A_182 = arith.addi %mul3A_180, %add3A_181 : vector<16xi32>
      %swap3A_183 = arith.index_cast %scan3A_77 : i32 to index
      %swap3A_184 = arith.constant 112 : index
      %swap3A_185 = tpu.vector_load %arg10[%swap3A_183, %swap3A_184] {strides = array<i32>} : memref<80x128xi32, #tpu.memory_space<vmem>>, vector<1x16xi32>,
      %swap3A_186 = vector.shape_cast %swap3A_185 : vector<1x16xi32> to vector<16xi32>
      %swap3A_187 = vector.shape_cast %add3A_182 : vector<16xi32> to vector<1x16xi32>
      tpu.vector_store %arg10[%swap3A_183, %swap3A_184], %swap3A_187 {strides = array<i32>} : memref<80x128xi32, #tpu.memory_space<vmem>>, vector<1x16xi32>,
    }
    %scan3A_7 = arith.constant 80 : i32
    %scan3A_8 = arith.constant 0 : i32
    %scan3A_9 = arith.constant 0 : i32
    %scan3A_10 = arith.constant 128 : i32
    %scan3A_11 = arith.addi %scan3A_9, %scan3A_10 : i32
    %scan3A_12 = arith.constant 1 : i32
    scf.for %scan3A_77 = %scan3A_9 to %scan3A_11 step %scan3A_12  : i32 {
      %broadcast_in_dim3A = arith.constant 0.000000e+00 : f32
      %broadcast_in_dim3A_78 = vector.broadcast %broadcast_in_dim3A : f32 to vector<16xf32>
      %swap3A = arith.constant 0 : i32
      %swap3A_79 = arith.index_cast %swap3A : i32 to index
      %swap3A_80 = arith.index_cast %scan3A_77 : i32 to index
      %swap3A_81 = arith.constant 0 : index
      %swap3A_82 = tpu.vector_load %arg11[%swap3A_79, %swap3A_80, %swap3A_81] {strides = array<i32>} : memref<2x128x64xf32, #tpu.memory_space<vmem>>, vector<1x1x16xf32>,
      %swap3A_83 = vector.shape_cast %swap3A_82 : vector<1x1x16xf32> to vector<16xf32>
      %swap3A_84 = vector.shape_cast %broadcast_in_dim3A_78 : vector<16xf32> to vector<1x1x16xf32>
      tpu.vector_store %arg11[%swap3A_79, %swap3A_80, %swap3A_81], %swap3A_84 {strides = array<i32>} : memref<2x128x64xf32, #tpu.memory_space<vmem>>, vector<1x1x16xf32>,
      %broadcast_in_dim3A_85 = arith.constant 0.000000e+00 : f32
      %broadcast_in_dim3A_86 = vector.broadcast %broadcast_in_dim3A_85 : f32 to vector<16xf32>
      %swap3A_87 = arith.constant 0 : i32
      %swap3A_88 = arith.index_cast %swap3A_87 : i32 to index
      %swap3A_89 = arith.index_cast %scan3A_77 : i32 to index
      %swap3A_90 = arith.constant 16 : index
      %swap3A_91 = tpu.vector_load %arg11[%swap3A_88, %swap3A_89, %swap3A_90] {strides = array<i32>} : memref<2x128x64xf32, #tpu.memory_space<vmem>>, vector<1x1x16xf32>,
      %swap3A_92 = vector.shape_cast %swap3A_91 : vector<1x1x16xf32> to vector<16xf32>
      %swap3A_93 = vector.shape_cast %broadcast_in_dim3A_86 : vector<16xf32> to vector<1x1x16xf32>
      tpu.vector_store %arg11[%swap3A_88, %swap3A_89, %swap3A_90], %swap3A_93 {strides = array<i32>} : memref<2x128x64xf32, #tpu.memory_space<vmem>>, vector<1x1x16xf32>,
      %broadcast_in_dim3A_94 = arith.constant 0.000000e+00 : f32
      %broadcast_in_dim3A_95 = vector.broadcast %broadcast_in_dim3A_94 : f32 to vector<16xf32>
      %swap3A_96 = arith.constant 0 : i32
      %swap3A_97 = arith.index_cast %swap3A_96 : i32 to index
      %swap3A_98 = arith.index_cast %scan3A_77 : i32 to index
      %swap3A_99 = arith.constant 32 : index
      %swap3A_100 = tpu.vector_load %arg11[%swap3A_97, %swap3A_98, %swap3A_99] {strides = array<i32>} : memref<2x128x64xf32, #tpu.memory_space<vmem>>, vector<1x1x16xf32>,
      %swap3A_101 = vector.shape_cast %swap3A_100 : vector<1x1x16xf32> to vector<16xf32>
      %swap3A_102 = vector.shape_cast %broadcast_in_dim3A_95 : vector<16xf32> to vector<1x1x16xf32>
      tpu.vector_store %arg11[%swap3A_97, %swap3A_98, %swap3A_99], %swap3A_102 {strides = array<i32>} : memref<2x128x64xf32, #tpu.memory_space<vmem>>, vector<1x1x16xf32>,
      %broadcast_in_dim3A_103 = arith.constant 0.000000e+00 : f32
      %broadcast_in_dim3A_104 = vector.broadcast %broadcast_in_dim3A_103 : f32 to vector<16xf32>
      %swap3A_105 = arith.constant 0 : i32
      %swap3A_106 = arith.index_cast %swap3A_105 : i32 to index
      %swap3A_107 = arith.index_cast %scan3A_77 : i32 to index
      %swap3A_108 = arith.constant 48 : index
      %swap3A_109 = tpu.vector_load %arg11[%swap3A_106, %swap3A_107, %swap3A_108] {strides = array<i32>} : memref<2x128x64xf32, #tpu.memory_space<vmem>>, vector<1x1x16xf32>,
      %swap3A_110 = vector.shape_cast %swap3A_109 : vector<1x1x16xf32> to vector<16xf32>
      %swap3A_111 = vector.shape_cast %broadcast_in_dim3A_104 : vector<16xf32> to vector<1x1x16xf32>
      tpu.vector_store %arg11[%swap3A_106, %swap3A_107, %swap3A_108], %swap3A_111 {strides = array<i32>} : memref<2x128x64xf32, #tpu.memory_space<vmem>>, vector<1x1x16xf32>,
    }
    %scan3A_13 = arith.constant 128 : i32
    %mul3A = arith.constant 640 : i32
    %mul3A_14 = arith.muli %arg1, %mul3A : i32
    %add3A_15 = arith.constant 0 : i32
    %add3A_16 = arith.addi %mul3A_14, %add3A_15 : i32
    %run_scoped3A = arith.constant 0 : i32
    "tpu.region"() ({
      %run_scoped3A_77 = tpu.sem_alloc : memref<!tpu.dma_semaphore, #tpu.memory_space<semaphore_mem>>
      %dma_start3A = arith.constant 0 : i32
      %dma_start3A_78 = arith.constant 0 : i32
      %dma_start3A_79 = tpu.memref_slice %arg11[%run_scoped3A, %dma_start3A, %dma_start3A_78] : memref<2x128x64xf32, #tpu.memory_space<vmem>> -> memref<1x128x64xf32, #tpu.memory_space<vmem>>
      %dma_start3A_80 = tpu.memref_squeeze %dma_start3A_79 : memref<1x128x64xf32, #tpu.memory_space<vmem>> -> memref<128x64xf32, #tpu.memory_space<vmem>>
      %dma_start3A_81 = arith.constant 0 : i32
      %dma_start3A_82 = tpu.memref_slice %arg12[%add3A_16, %dma_start3A_81] : memref<10240x64xf32, #tpu.memory_space<vmem_shared>> -> memref<128x64xf32, #tpu.memory_space<vmem_shared>>
      %dma_start3A_83 = arith.constant 0 : i32
      %dma_start3A_84 = tpu.memref_slice %arg12[%add3A_16, %dma_start3A_83] : memref<10240x64xf32, #tpu.memory_space<vmem_shared>> -> memref<128x64xf32, #tpu.memory_space<vmem_shared>>
      %dma_start3A_85 = arith.constant 0 : i32
      %dma_start3A_86 = arith.constant 0 : i32
      %dma_start3A_87 = tpu.memref_slice %arg11[%run_scoped3A, %dma_start3A_85, %dma_start3A_86] : memref<2x128x64xf32, #tpu.memory_space<vmem>> -> memref<1x128x64xf32, #tpu.memory_space<vmem>>
      %dma_start3A_88 = tpu.memref_squeeze %dma_start3A_87 : memref<1x128x64xf32, #tpu.memory_space<vmem>> -> memref<128x64xf32, #tpu.memory_space<vmem>>
      tpu.enqueue_dma source(%dma_start3A_88 : memref<128x64xf32, #tpu.memory_space<vmem>>) target(%dma_start3A_84 : memref<128x64xf32, #tpu.memory_space<vmem_shared>>) target_semaphore(%run_scoped3A_77 : memref<!tpu.dma_semaphore, #tpu.memory_space<semaphore_mem>>)
      %dma_wait3A = arith.constant 0 : i32
      %dma_wait3A_89 = arith.constant 0 : i32
      %dma_wait3A_90 = tpu.memref_slice %arg11[%run_scoped3A, %dma_wait3A, %dma_wait3A_89] : memref<2x128x64xf32, #tpu.memory_space<vmem>> -> memref<1x128x64xf32, #tpu.memory_space<vmem>>
      %dma_wait3A_91 = tpu.memref_squeeze %dma_wait3A_90 : memref<1x128x64xf32, #tpu.memory_space<vmem>> -> memref<128x64xf32, #tpu.memory_space<vmem>>
      %dma_wait3A_92 = arith.constant 0 : i32
      %dma_wait3A_93 = tpu.memref_slice %arg12[%add3A_16, %dma_wait3A_92] : memref<10240x64xf32, #tpu.memory_space<vmem_shared>> -> memref<128x64xf32, #tpu.memory_space<vmem_shared>>
      %dma_wait3A_94 = arith.constant 0 : i32
      %dma_wait3A_95 = tpu.memref_slice %arg12[%add3A_16, %dma_wait3A_94] : memref<10240x64xf32, #tpu.memory_space<vmem_shared>> -> memref<128x64xf32, #tpu.memory_space<vmem_shared>>
      %dma_wait3A_96 = arith.constant 0 : i32
      %dma_wait3A_97 = arith.constant 0 : i32
      %dma_wait3A_98 = tpu.memref_slice %arg11[%run_scoped3A, %dma_wait3A_96, %dma_wait3A_97] : memref<2x128x64xf32, #tpu.memory_space<vmem>> -> memref<1x128x64xf32, #tpu.memory_space<vmem>>
      %dma_wait3A_99 = tpu.memref_squeeze %dma_wait3A_98 : memref<1x128x64xf32, #tpu.memory_space<vmem>> -> memref<128x64xf32, #tpu.memory_space<vmem>>
      tpu.wait_dma2 semaphore(%run_scoped3A_77 : memref<!tpu.dma_semaphore, #tpu.memory_space<semaphore_mem>>) src(%dma_wait3A_99 : memref<128x64xf32, #tpu.memory_space<vmem>>) dst(%dma_wait3A_95 : memref<128x64xf32, #tpu.memory_space<vmem_shared>>)
      tpu.yield
    }) : () -> ()
    %add3A_17 = arith.constant 128 : i32
    %add3A_18 = arith.addi %mul3A_14, %add3A_17 : i32
    %run_scoped3A_19 = arith.constant 0 : i32
    "tpu.region"() ({
      %run_scoped3A_77 = tpu.sem_alloc : memref<!tpu.dma_semaphore, #tpu.memory_space<semaphore_mem>>
      %dma_start3A = arith.constant 0 : i32
      %dma_start3A_78 = arith.constant 0 : i32
      %dma_start3A_79 = tpu.memref_slice %arg11[%run_scoped3A_19, %dma_start3A, %dma_start3A_78] : memref<2x128x64xf32, #tpu.memory_space<vmem>> -> memref<1x128x64xf32, #tpu.memory_space<vmem>>
      %dma_start3A_80 = tpu.memref_squeeze %dma_start3A_79 : memref<1x128x64xf32, #tpu.memory_space<vmem>> -> memref<128x64xf32, #tpu.memory_space<vmem>>
      %dma_start3A_81 = arith.constant 0 : i32
      %dma_start3A_82 = tpu.memref_slice %arg12[%add3A_18, %dma_start3A_81] : memref<10240x64xf32, #tpu.memory_space<vmem_shared>> -> memref<128x64xf32, #tpu.memory_space<vmem_shared>>
      %dma_start3A_83 = arith.constant 0 : i32
      %dma_start3A_84 = tpu.memref_slice %arg12[%add3A_18, %dma_start3A_83] : memref<10240x64xf32, #tpu.memory_space<vmem_shared>> -> memref<128x64xf32, #tpu.memory_space<vmem_shared>>
      %dma_start3A_85 = arith.constant 0 : i32
      %dma_start3A_86 = arith.constant 0 : i32
      %dma_start3A_87 = tpu.memref_slice %arg11[%run_scoped3A_19, %dma_start3A_85, %dma_start3A_86] : memref<2x128x64xf32, #tpu.memory_space<vmem>> -> memref<1x128x64xf32, #tpu.memory_space<vmem>>
      %dma_start3A_88 = tpu.memref_squeeze %dma_start3A_87 : memref<1x128x64xf32, #tpu.memory_space<vmem>> -> memref<128x64xf32, #tpu.memory_space<vmem>>
      tpu.enqueue_dma source(%dma_start3A_88 : memref<128x64xf32, #tpu.memory_space<vmem>>) target(%dma_start3A_84 : memref<128x64xf32, #tpu.memory_space<vmem_shared>>) target_semaphore(%run_scoped3A_77 : memref<!tpu.dma_semaphore, #tpu.memory_space<semaphore_mem>>)
      %dma_wait3A = arith.constant 0 : i32
      %dma_wait3A_89 = arith.constant 0 : i32
      %dma_wait3A_90 = tpu.memref_slice %arg11[%run_scoped3A_19, %dma_wait3A, %dma_wait3A_89] : memref<2x128x64xf32, #tpu.memory_space<vmem>> -> memref<1x128x64xf32, #tpu.memory_space<vmem>>
      %dma_wait3A_91 = tpu.memref_squeeze %dma_wait3A_90 : memref<1x128x64xf32, #tpu.memory_space<vmem>> -> memref<128x64xf32, #tpu.memory_space<vmem>>
      %dma_wait3A_92 = arith.constant 0 : i32
      %dma_wait3A_93 = tpu.memref_slice %arg12[%add3A_18, %dma_wait3A_92] : memref<10240x64xf32, #tpu.memory_space<vmem_shared>> -> memref<128x64xf32, #tpu.memory_space<vmem_shared>>
      %dma_wait3A_94 = arith.constant 0 : i32
      %dma_wait3A_95 = tpu.memref_slice %arg12[%add3A_18, %dma_wait3A_94] : memref<10240x64xf32, #tpu.memory_space<vmem_shared>> -> memref<128x64xf32, #tpu.memory_space<vmem_shared>>
      %dma_wait3A_96 = arith.constant 0 : i32
      %dma_wait3A_97 = arith.constant 0 : i32
      %dma_wait3A_98 = tpu.memref_slice %arg11[%run_scoped3A_19, %dma_wait3A_96, %dma_wait3A_97] : memref<2x128x64xf32, #tpu.memory_space<vmem>> -> memref<1x128x64xf32, #tpu.memory_space<vmem>>
      %dma_wait3A_99 = tpu.memref_squeeze %dma_wait3A_98 : memref<1x128x64xf32, #tpu.memory_space<vmem>> -> memref<128x64xf32, #tpu.memory_space<vmem>>
      tpu.wait_dma2 semaphore(%run_scoped3A_77 : memref<!tpu.dma_semaphore, #tpu.memory_space<semaphore_mem>>) src(%dma_wait3A_99 : memref<128x64xf32, #tpu.memory_space<vmem>>) dst(%dma_wait3A_95 : memref<128x64xf32, #tpu.memory_space<vmem_shared>>)
      tpu.yield
    }) : () -> ()
    %add3A_20 = arith.constant 256 : i32
    %add3A_21 = arith.addi %mul3A_14, %add3A_20 : i32
    %run_scoped3A_22 = arith.constant 0 : i32
    "tpu.region"() ({
      %run_scoped3A_77 = tpu.sem_alloc : memref<!tpu.dma_semaphore, #tpu.memory_space<semaphore_mem>>
      %dma_start3A = arith.constant 0 : i32
      %dma_start3A_78 = arith.constant 0 : i32
      %dma_start3A_79 = tpu.memref_slice %arg11[%run_scoped3A_22, %dma_start3A, %dma_start3A_78] : memref<2x128x64xf32, #tpu.memory_space<vmem>> -> memref<1x128x64xf32, #tpu.memory_space<vmem>>
      %dma_start3A_80 = tpu.memref_squeeze %dma_start3A_79 : memref<1x128x64xf32, #tpu.memory_space<vmem>> -> memref<128x64xf32, #tpu.memory_space<vmem>>
      %dma_start3A_81 = arith.constant 0 : i32
      %dma_start3A_82 = tpu.memref_slice %arg12[%add3A_21, %dma_start3A_81] : memref<10240x64xf32, #tpu.memory_space<vmem_shared>> -> memref<128x64xf32, #tpu.memory_space<vmem_shared>>
      %dma_start3A_83 = arith.constant 0 : i32
      %dma_start3A_84 = tpu.memref_slice %arg12[%add3A_21, %dma_start3A_83] : memref<10240x64xf32, #tpu.memory_space<vmem_shared>> -> memref<128x64xf32, #tpu.memory_space<vmem_shared>>
      %dma_start3A_85 = arith.constant 0 : i32
      %dma_start3A_86 = arith.constant 0 : i32
      %dma_start3A_87 = tpu.memref_slice %arg11[%run_scoped3A_22, %dma_start3A_85, %dma_start3A_86] : memref<2x128x64xf32, #tpu.memory_space<vmem>> -> memref<1x128x64xf32, #tpu.memory_space<vmem>>
      %dma_start3A_88 = tpu.memref_squeeze %dma_start3A_87 : memref<1x128x64xf32, #tpu.memory_space<vmem>> -> memref<128x64xf32, #tpu.memory_space<vmem>>
      tpu.enqueue_dma source(%dma_start3A_88 : memref<128x64xf32, #tpu.memory_space<vmem>>) target(%dma_start3A_84 : memref<128x64xf32, #tpu.memory_space<vmem_shared>>) target_semaphore(%run_scoped3A_77 : memref<!tpu.dma_semaphore, #tpu.memory_space<semaphore_mem>>)
      %dma_wait3A = arith.constant 0 : i32
      %dma_wait3A_89 = arith.constant 0 : i32
      %dma_wait3A_90 = tpu.memref_slice %arg11[%run_scoped3A_22, %dma_wait3A, %dma_wait3A_89] : memref<2x128x64xf32, #tpu.memory_space<vmem>> -> memref<1x128x64xf32, #tpu.memory_space<vmem>>
      %dma_wait3A_91 = tpu.memref_squeeze %dma_wait3A_90 : memref<1x128x64xf32, #tpu.memory_space<vmem>> -> memref<128x64xf32, #tpu.memory_space<vmem>>
      %dma_wait3A_92 = arith.constant 0 : i32
      %dma_wait3A_93 = tpu.memref_slice %arg12[%add3A_21, %dma_wait3A_92] : memref<10240x64xf32, #tpu.memory_space<vmem_shared>> -> memref<128x64xf32, #tpu.memory_space<vmem_shared>>
      %dma_wait3A_94 = arith.constant 0 : i32
      %dma_wait3A_95 = tpu.memref_slice %arg12[%add3A_21, %dma_wait3A_94] : memref<10240x64xf32, #tpu.memory_space<vmem_shared>> -> memref<128x64xf32, #tpu.memory_space<vmem_shared>>
      %dma_wait3A_96 = arith.constant 0 : i32
      %dma_wait3A_97 = arith.constant 0 : i32
      %dma_wait3A_98 = tpu.memref_slice %arg11[%run_scoped3A_22, %dma_wait3A_96, %dma_wait3A_97] : memref<2x128x64xf32, #tpu.memory_space<vmem>> -> memref<1x128x64xf32, #tpu.memory_space<vmem>>
      %dma_wait3A_99 = tpu.memref_squeeze %dma_wait3A_98 : memref<1x128x64xf32, #tpu.memory_space<vmem>> -> memref<128x64xf32, #tpu.memory_space<vmem>>
      tpu.wait_dma2 semaphore(%run_scoped3A_77 : memref<!tpu.dma_semaphore, #tpu.memory_space<semaphore_mem>>) src(%dma_wait3A_99 : memref<128x64xf32, #tpu.memory_space<vmem>>) dst(%dma_wait3A_95 : memref<128x64xf32, #tpu.memory_space<vmem_shared>>)
      tpu.yield
    }) : () -> ()
    %add3A_23 = arith.constant 384 : i32
    %add3A_24 = arith.addi %mul3A_14, %add3A_23 : i32
    %run_scoped3A_25 = arith.constant 0 : i32
    "tpu.region"() ({
      %run_scoped3A_77 = tpu.sem_alloc : memref<!tpu.dma_semaphore, #tpu.memory_space<semaphore_mem>>
      %dma_start3A = arith.constant 0 : i32
      %dma_start3A_78 = arith.constant 0 : i32
      %dma_start3A_79 = tpu.memref_slice %arg11[%run_scoped3A_25, %dma_start3A, %dma_start3A_78] : memref<2x128x64xf32, #tpu.memory_space<vmem>> -> memref<1x128x64xf32, #tpu.memory_space<vmem>>
      %dma_start3A_80 = tpu.memref_squeeze %dma_start3A_79 : memref<1x128x64xf32, #tpu.memory_space<vmem>> -> memref<128x64xf32, #tpu.memory_space<vmem>>
      %dma_start3A_81 = arith.constant 0 : i32
      %dma_start3A_82 = tpu.memref_slice %arg12[%add3A_24, %dma_start3A_81] : memref<10240x64xf32, #tpu.memory_space<vmem_shared>> -> memref<128x64xf32, #tpu.memory_space<vmem_shared>>
      %dma_start3A_83 = arith.constant 0 : i32
      %dma_start3A_84 = tpu.memref_slice %arg12[%add3A_24, %dma_start3A_83] : memref<10240x64xf32, #tpu.memory_space<vmem_shared>> -> memref<128x64xf32, #tpu.memory_space<vmem_shared>>
      %dma_start3A_85 = arith.constant 0 : i32
      %dma_start3A_86 = arith.constant 0 : i32
      %dma_start3A_87 = tpu.memref_slice %arg11[%run_scoped3A_25, %dma_start3A_85, %dma_start3A_86] : memref<2x128x64xf32, #tpu.memory_space<vmem>> -> memref<1x128x64xf32, #tpu.memory_space<vmem>>
      %dma_start3A_88 = tpu.memref_squeeze %dma_start3A_87 : memref<1x128x64xf32, #tpu.memory_space<vmem>> -> memref<128x64xf32, #tpu.memory_space<vmem>>
      tpu.enqueue_dma source(%dma_start3A_88 : memref<128x64xf32, #tpu.memory_space<vmem>>) target(%dma_start3A_84 : memref<128x64xf32, #tpu.memory_space<vmem_shared>>) target_semaphore(%run_scoped3A_77 : memref<!tpu.dma_semaphore, #tpu.memory_space<semaphore_mem>>)
      %dma_wait3A = arith.constant 0 : i32
      %dma_wait3A_89 = arith.constant 0 : i32
      %dma_wait3A_90 = tpu.memref_slice %arg11[%run_scoped3A_25, %dma_wait3A, %dma_wait3A_89] : memref<2x128x64xf32, #tpu.memory_space<vmem>> -> memref<1x128x64xf32, #tpu.memory_space<vmem>>
      %dma_wait3A_91 = tpu.memref_squeeze %dma_wait3A_90 : memref<1x128x64xf32, #tpu.memory_space<vmem>> -> memref<128x64xf32, #tpu.memory_space<vmem>>
      %dma_wait3A_92 = arith.constant 0 : i32
      %dma_wait3A_93 = tpu.memref_slice %arg12[%add3A_24, %dma_wait3A_92] : memref<10240x64xf32, #tpu.memory_space<vmem_shared>> -> memref<128x64xf32, #tpu.memory_space<vmem_shared>>
      %dma_wait3A_94 = arith.constant 0 : i32
      %dma_wait3A_95 = tpu.memref_slice %arg12[%add3A_24, %dma_wait3A_94] : memref<10240x64xf32, #tpu.memory_space<vmem_shared>> -> memref<128x64xf32, #tpu.memory_space<vmem_shared>>
      %dma_wait3A_96 = arith.constant 0 : i32
      %dma_wait3A_97 = arith.constant 0 : i32
      %dma_wait3A_98 = tpu.memref_slice %arg11[%run_scoped3A_25, %dma_wait3A_96, %dma_wait3A_97] : memref<2x128x64xf32, #tpu.memory_space<vmem>> -> memref<1x128x64xf32, #tpu.memory_space<vmem>>
      %dma_wait3A_99 = tpu.memref_squeeze %dma_wait3A_98 : memref<1x128x64xf32, #tpu.memory_space<vmem>> -> memref<128x64xf32, #tpu.memory_space<vmem>>
      tpu.wait_dma2 semaphore(%run_scoped3A_77 : memref<!tpu.dma_semaphore, #tpu.memory_space<semaphore_mem>>) src(%dma_wait3A_99 : memref<128x64xf32, #tpu.memory_space<vmem>>) dst(%dma_wait3A_95 : memref<128x64xf32, #tpu.memory_space<vmem_shared>>)
      tpu.yield
    }) : () -> ()
    %add3A_26 = arith.constant 512 : i32
    %add3A_27 = arith.addi %mul3A_14, %add3A_26 : i32
    %run_scoped3A_28 = arith.constant 0 : i32
    "tpu.region"() ({
      %run_scoped3A_77 = tpu.sem_alloc : memref<!tpu.dma_semaphore, #tpu.memory_space<semaphore_mem>>
      %dma_start3A = arith.constant 0 : i32
      %dma_start3A_78 = arith.constant 0 : i32
      %dma_start3A_79 = tpu.memref_slice %arg11[%run_scoped3A_28, %dma_start3A, %dma_start3A_78] : memref<2x128x64xf32, #tpu.memory_space<vmem>> -> memref<1x128x64xf32, #tpu.memory_space<vmem>>
      %dma_start3A_80 = tpu.memref_squeeze %dma_start3A_79 : memref<1x128x64xf32, #tpu.memory_space<vmem>> -> memref<128x64xf32, #tpu.memory_space<vmem>>
      %dma_start3A_81 = arith.constant 0 : i32
      %dma_start3A_82 = tpu.memref_slice %arg12[%add3A_27, %dma_start3A_81] : memref<10240x64xf32, #tpu.memory_space<vmem_shared>> -> memref<128x64xf32, #tpu.memory_space<vmem_shared>>
      %dma_start3A_83 = arith.constant 0 : i32
      %dma_start3A_84 = tpu.memref_slice %arg12[%add3A_27, %dma_start3A_83] : memref<10240x64xf32, #tpu.memory_space<vmem_shared>> -> memref<128x64xf32, #tpu.memory_space<vmem_shared>>
      %dma_start3A_85 = arith.constant 0 : i32
      %dma_start3A_86 = arith.constant 0 : i32
      %dma_start3A_87 = tpu.memref_slice %arg11[%run_scoped3A_28, %dma_start3A_85, %dma_start3A_86] : memref<2x128x64xf32, #tpu.memory_space<vmem>> -> memref<1x128x64xf32, #tpu.memory_space<vmem>>
      %dma_start3A_88 = tpu.memref_squeeze %dma_start3A_87 : memref<1x128x64xf32, #tpu.memory_space<vmem>> -> memref<128x64xf32, #tpu.memory_space<vmem>>
      tpu.enqueue_dma source(%dma_start3A_88 : memref<128x64xf32, #tpu.memory_space<vmem>>) target(%dma_start3A_84 : memref<128x64xf32, #tpu.memory_space<vmem_shared>>) target_semaphore(%run_scoped3A_77 : memref<!tpu.dma_semaphore, #tpu.memory_space<semaphore_mem>>)
      %dma_wait3A = arith.constant 0 : i32
      %dma_wait3A_89 = arith.constant 0 : i32
      %dma_wait3A_90 = tpu.memref_slice %arg11[%run_scoped3A_28, %dma_wait3A, %dma_wait3A_89] : memref<2x128x64xf32, #tpu.memory_space<vmem>> -> memref<1x128x64xf32, #tpu.memory_space<vmem>>
      %dma_wait3A_91 = tpu.memref_squeeze %dma_wait3A_90 : memref<1x128x64xf32, #tpu.memory_space<vmem>> -> memref<128x64xf32, #tpu.memory_space<vmem>>
      %dma_wait3A_92 = arith.constant 0 : i32
      %dma_wait3A_93 = tpu.memref_slice %arg12[%add3A_27, %dma_wait3A_92] : memref<10240x64xf32, #tpu.memory_space<vmem_shared>> -> memref<128x64xf32, #tpu.memory_space<vmem_shared>>
      %dma_wait3A_94 = arith.constant 0 : i32
      %dma_wait3A_95 = tpu.memref_slice %arg12[%add3A_27, %dma_wait3A_94] : memref<10240x64xf32, #tpu.memory_space<vmem_shared>> -> memref<128x64xf32, #tpu.memory_space<vmem_shared>>
      %dma_wait3A_96 = arith.constant 0 : i32
      %dma_wait3A_97 = arith.constant 0 : i32
      %dma_wait3A_98 = tpu.memref_slice %arg11[%run_scoped3A_28, %dma_wait3A_96, %dma_wait3A_97] : memref<2x128x64xf32, #tpu.memory_space<vmem>> -> memref<1x128x64xf32, #tpu.memory_space<vmem>>
      %dma_wait3A_99 = tpu.memref_squeeze %dma_wait3A_98 : memref<1x128x64xf32, #tpu.memory_space<vmem>> -> memref<128x64xf32, #tpu.memory_space<vmem>>
      tpu.wait_dma2 semaphore(%run_scoped3A_77 : memref<!tpu.dma_semaphore, #tpu.memory_space<semaphore_mem>>) src(%dma_wait3A_99 : memref<128x64xf32, #tpu.memory_space<vmem>>) dst(%dma_wait3A_95 : memref<128x64xf32, #tpu.memory_space<vmem_shared>>)
      tpu.yield
    }) : () -> ()
    %barrier3A = arith.constant 0 : index
    tpu.barrier barrier_id(%barrier3A)
    %scan3A_29 = arith.constant 0 : i32
    %scan3A_30 = arith.constant 0 : i32
    %scan3A_31 = arith.constant 80 : i32
    %scan3A_32 = arith.addi %scan3A_30, %scan3A_31 : i32
    %scan3A_33 = arith.constant 1 : i32
    scf.for %scan3A_77 = %scan3A_30 to %scan3A_32 step %scan3A_33  : i32 {
      %dma_start3A = arith.constant 0 : i32
      %dma_start3A_78 = arith.constant 0 : i32
      %dma_start3A_79 = arith.constant 0 : i32
      %dma_start3A_80 = tpu.memref_slice %arg5[%arg1, %dma_start3A, %dma_start3A_78, %dma_start3A_79] : memref<16x80x128x16xf32, #tpu.memory_space<hbm>> -> memref<1x80x128x16xf32, #tpu.memory_space<hbm>>
      %dma_start3A_81 = tpu.memref_squeeze %dma_start3A_80 : memref<1x80x128x16xf32, #tpu.memory_space<hbm>> -> memref<80x128x16xf32, #tpu.memory_space<hbm>>
      %dma_start3A_82 = arith.constant 0 : i32
      %dma_start3A_83 = arith.constant 0 : i32
      %dma_start3A_84 = tpu.memref_slice %dma_start3A_81[%scan3A_77, %dma_start3A_82, %dma_start3A_83] : memref<80x128x16xf32, #tpu.memory_space<hbm>> -> memref<1x128x16xf32, #tpu.memory_space<hbm>>
      %dma_start3A_85 = tpu.memref_squeeze %dma_start3A_84 : memref<1x128x16xf32, #tpu.memory_space<hbm>> -> memref<128x16xf32, #tpu.memory_space<hbm>>
      %dma_start3A_86 = arith.constant 0 : i32
      %dma_start3A_87 = arith.constant 0 : i32
      %dma_start3A_88 = arith.constant 0 : i32
      %dma_start3A_89 = tpu.memref_slice %arg5[%arg1, %dma_start3A_86, %dma_start3A_87, %dma_start3A_88] : memref<16x80x128x16xf32, #tpu.memory_space<hbm>> -> memref<1x80x128x16xf32, #tpu.memory_space<hbm>>
      %dma_start3A_90 = tpu.memref_squeeze %dma_start3A_89 : memref<1x80x128x16xf32, #tpu.memory_space<hbm>> -> memref<80x128x16xf32, #tpu.memory_space<hbm>>
      %dma_start3A_91 = arith.constant 0 : i32
      %dma_start3A_92 = arith.constant 0 : i32
      %dma_start3A_93 = tpu.memref_slice %dma_start3A_90[%scan3A_77, %dma_start3A_91, %dma_start3A_92] : memref<80x128x16xf32, #tpu.memory_space<hbm>> -> memref<1x128x16xf32, #tpu.memory_space<hbm>>
      %dma_start3A_94 = tpu.memref_squeeze %dma_start3A_93 : memref<1x128x16xf32, #tpu.memory_space<hbm>> -> memref<128x16xf32, #tpu.memory_space<hbm>>
      tpu.enqueue_dma source(%dma_start3A_94 : memref<128x16xf32, #tpu.memory_space<hbm>>) target(%arg9 : memref<128x16xf32, #tpu.memory_space<vmem>>) target_semaphore(%arg14 : memref<!tpu.dma_semaphore, #tpu.memory_space<semaphore_mem>>)
      %dma_start3A_95 = arith.constant 0 : i32
      %dma_start3A_96 = arith.constant 0 : i32
      %dma_start3A_97 = arith.constant 0 : i32
      %dma_start3A_98 = tpu.memref_slice %arg11[%dma_start3A_95, %dma_start3A_96, %dma_start3A_97] : memref<2x128x64xf32, #tpu.memory_space<vmem>> -> memref<1x128x64xf32, #tpu.memory_space<vmem>>
      %dma_start3A_99 = tpu.memref_squeeze %dma_start3A_98 : memref<1x128x64xf32, #tpu.memory_space<vmem>> -> memref<128x64xf32, #tpu.memory_space<vmem>>
      %dma_start3A_100 = arith.constant 0 : i32
      %dma_start3A_101 = tpu.memref_slice %arg10[%scan3A_77, %dma_start3A_100] : memref<80x128xi32, #tpu.memory_space<vmem>> -> memref<1x128xi32, #tpu.memory_space<vmem>>
      %dma_start3A_102 = tpu.memref_squeeze %dma_start3A_101 : memref<1x128xi32, #tpu.memory_space<vmem>> -> memref<128xi32, #tpu.memory_space<vmem>>
      %dma_start3A_103 = arith.constant 0 : i32
      %dma_start3A_104 = arith.constant 0 : i32
      %dma_start3A_105 = tpu.memref_slice %arg2[%dma_start3A_103, %dma_start3A_104] : memref<49152x64xf32, #tpu.memory_space<hbm>> -> memref<49152x64xf32, #tpu.memory_space<hbm>>
      tpu.enqueue_indirect_dma source(%dma_start3A_105 : memref<49152x64xf32, #tpu.memory_space<hbm>>) target(%dma_start3A_99 : memref<128x64xf32, #tpu.memory_space<vmem>>) offsets(%dma_start3A_102 : memref<128xi32, #tpu.memory_space<vmem>>) semaphore(%arg13 : memref<!tpu.dma_semaphore, #tpu.memory_space<semaphore_mem>>)
      %dma_wait3A = arith.constant 0 : i32
      %dma_wait3A_106 = arith.constant 0 : i32
      %dma_wait3A_107 = arith.constant 0 : i32
      %dma_wait3A_108 = tpu.memref_slice %arg5[%arg1, %dma_wait3A, %dma_wait3A_106, %dma_wait3A_107] : memref<16x80x128x16xf32, #tpu.memory_space<hbm>> -> memref<1x80x128x16xf32, #tpu.memory_space<hbm>>
      %dma_wait3A_109 = tpu.memref_squeeze %dma_wait3A_108 : memref<1x80x128x16xf32, #tpu.memory_space<hbm>> -> memref<80x128x16xf32, #tpu.memory_space<hbm>>
      %dma_wait3A_110 = arith.constant 0 : i32
      %dma_wait3A_111 = arith.constant 0 : i32
      %dma_wait3A_112 = tpu.memref_slice %dma_wait3A_109[%scan3A_77, %dma_wait3A_110, %dma_wait3A_111] : memref<80x128x16xf32, #tpu.memory_space<hbm>> -> memref<1x128x16xf32, #tpu.memory_space<hbm>>
      %dma_wait3A_113 = tpu.memref_squeeze %dma_wait3A_112 : memref<1x128x16xf32, #tpu.memory_space<hbm>> -> memref<128x16xf32, #tpu.memory_space<hbm>>
      %dma_wait3A_114 = arith.constant 0 : i32
      %dma_wait3A_115 = arith.constant 0 : i32
      %dma_wait3A_116 = arith.constant 0 : i32
      %dma_wait3A_117 = tpu.memref_slice %arg5[%arg1, %dma_wait3A_114, %dma_wait3A_115, %dma_wait3A_116] : memref<16x80x128x16xf32, #tpu.memory_space<hbm>> -> memref<1x80x128x16xf32, #tpu.memory_space<hbm>>
      %dma_wait3A_118 = tpu.memref_squeeze %dma_wait3A_117 : memref<1x80x128x16xf32, #tpu.memory_space<hbm>> -> memref<80x128x16xf32, #tpu.memory_space<hbm>>
      %dma_wait3A_119 = arith.constant 0 : i32
      %dma_wait3A_120 = arith.constant 0 : i32
      %dma_wait3A_121 = tpu.memref_slice %dma_wait3A_118[%scan3A_77, %dma_wait3A_119, %dma_wait3A_120] : memref<80x128x16xf32, #tpu.memory_space<hbm>> -> memref<1x128x16xf32, #tpu.memory_space<hbm>>
      %dma_wait3A_122 = tpu.memref_squeeze %dma_wait3A_121 : memref<1x128x16xf32, #tpu.memory_space<hbm>> -> memref<128x16xf32, #tpu.memory_space<hbm>>
      tpu.wait_dma2 semaphore(%arg14 : memref<!tpu.dma_semaphore, #tpu.memory_space<semaphore_mem>>) src(%dma_wait3A_122 : memref<128x16xf32, #tpu.memory_space<hbm>>) dst(%arg9 : memref<128x16xf32, #tpu.memory_space<vmem>>)
      %dma_wait3A_123 = arith.constant 0 : i32
      %dma_wait3A_124 = arith.constant 0 : i32
      %dma_wait3A_125 = arith.constant 0 : i32
      %dma_wait3A_126 = tpu.memref_slice %arg11[%dma_wait3A_123, %dma_wait3A_124, %dma_wait3A_125] : memref<2x128x64xf32, #tpu.memory_space<vmem>> -> memref<1x128x64xf32, #tpu.memory_space<vmem>>
      %dma_wait3A_127 = tpu.memref_squeeze %dma_wait3A_126 : memref<1x128x64xf32, #tpu.memory_space<vmem>> -> memref<128x64xf32, #tpu.memory_space<vmem>>
      %dma_wait3A_128 = arith.constant 0 : i32
      %dma_wait3A_129 = tpu.memref_slice %arg10[%scan3A_77, %dma_wait3A_128] : memref<80x128xi32, #tpu.memory_space<vmem>> -> memref<1x128xi32, #tpu.memory_space<vmem>>
      %dma_wait3A_130 = tpu.memref_squeeze %dma_wait3A_129 : memref<1x128xi32, #tpu.memory_space<vmem>> -> memref<128xi32, #tpu.memory_space<vmem>>
      %dma_wait3A_131 = arith.constant 0 : i32
      %dma_wait3A_132 = arith.constant 0 : i32
      %dma_wait3A_133 = tpu.memref_slice %arg2[%dma_wait3A_131, %dma_wait3A_132] : memref<49152x64xf32, #tpu.memory_space<hbm>> -> memref<49152x64xf32, #tpu.memory_space<hbm>>
      tpu.wait_indirect_dma semaphore(%arg13 : memref<!tpu.dma_semaphore, #tpu.memory_space<semaphore_mem>>) src(%dma_wait3A_133 : memref<49152x64xf32, #tpu.memory_space<hbm>>) dst(%dma_wait3A_127 : memref<128x64xf32, #tpu.memory_space<vmem>>)
      %scan3A_134 = arith.constant 0 : i32
      %scan3A_135 = arith.constant 0 : i32
      %scan3A_136 = arith.constant 128 : i32
      %scan3A_137 = arith.addi %scan3A_135, %scan3A_136 : i32
      %scan3A_138 = arith.constant 1 : i32
      scf.for %scan3A_141 = %scan3A_135 to %scan3A_137 step %scan3A_138  : i32 {
        %get3A = arith.index_cast %scan3A_141 : i32 to index
        %get3A_142 = arith.constant 0 : index
        %get3A_143 = tpu.vector_load %arg9[%get3A, %get3A_142] {strides = array<i32>} : memref<128x16xf32, #tpu.memory_space<vmem>>, vector<1x16xf32>,
        %get3A_144 = vector.shape_cast %get3A_143 : vector<1x16xf32> to vector<16xf32>
        %get3A_145 = arith.constant 0 : i32
        %get3A_146 = arith.index_cast %get3A_145 : i32 to index
        %get3A_147 = arith.index_cast %scan3A_141 : i32 to index
        %get3A_148 = arith.constant 0 : index
        %get3A_149 = tpu.vector_load %arg11[%get3A_146, %get3A_147, %get3A_148] {strides = array<i32>} : memref<2x128x64xf32, #tpu.memory_space<vmem>>, vector<1x1x16xf32>,
        %get3A_150 = vector.shape_cast %get3A_149 : vector<1x1x16xf32> to vector<16xf32>
        %mul3A_151 = arith.mulf %get3A_150, %get3A_144 : vector<16xf32>
        %swap3A = arith.constant 0 : i32
        %swap3A_152 = arith.index_cast %swap3A : i32 to index
        %swap3A_153 = arith.index_cast %scan3A_141 : i32 to index
        %swap3A_154 = arith.constant 0 : index
        %swap3A_155 = tpu.vector_load %arg11[%swap3A_152, %swap3A_153, %swap3A_154] {strides = array<i32>} : memref<2x128x64xf32, #tpu.memory_space<vmem>>, vector<1x1x16xf32>,
        %swap3A_156 = vector.shape_cast %swap3A_155 : vector<1x1x16xf32> to vector<16xf32>
        %swap3A_157 = vector.shape_cast %mul3A_151 : vector<16xf32> to vector<1x1x16xf32>
        tpu.vector_store %arg11[%swap3A_152, %swap3A_153, %swap3A_154], %swap3A_157 {strides = array<i32>} : memref<2x128x64xf32, #tpu.memory_space<vmem>>, vector<1x1x16xf32>,
        %get3A_158 = arith.constant 0 : i32
        %get3A_159 = arith.index_cast %get3A_158 : i32 to index
        %get3A_160 = arith.index_cast %scan3A_141 : i32 to index
        %get3A_161 = arith.constant 16 : index
        %get3A_162 = tpu.vector_load %arg11[%get3A_159, %get3A_160, %get3A_161] {strides = array<i32>} : memref<2x128x64xf32, #tpu.memory_space<vmem>>, vector<1x1x16xf32>,
        %get3A_163 = vector.shape_cast %get3A_162 : vector<1x1x16xf32> to vector<16xf32>
        %mul3A_164 = arith.mulf %get3A_163, %get3A_144 : vector<16xf32>
        %swap3A_165 = arith.constant 0 : i32
        %swap3A_166 = arith.index_cast %swap3A_165 : i32 to index
        %swap3A_167 = arith.index_cast %scan3A_141 : i32 to index
        %swap3A_168 = arith.constant 16 : index
        %swap3A_169 = tpu.vector_load %arg11[%swap3A_166, %swap3A_167, %swap3A_168] {strides = array<i32>} : memref<2x128x64xf32, #tpu.memory_space<vmem>>, vector<1x1x16xf32>,
        %swap3A_170 = vector.shape_cast %swap3A_169 : vector<1x1x16xf32> to vector<16xf32>
        %swap3A_171 = vector.shape_cast %mul3A_164 : vector<16xf32> to vector<1x1x16xf32>
        tpu.vector_store %arg11[%swap3A_166, %swap3A_167, %swap3A_168], %swap3A_171 {strides = array<i32>} : memref<2x128x64xf32, #tpu.memory_space<vmem>>, vector<1x1x16xf32>,
        %get3A_172 = arith.constant 0 : i32
        %get3A_173 = arith.index_cast %get3A_172 : i32 to index
        %get3A_174 = arith.index_cast %scan3A_141 : i32 to index
        %get3A_175 = arith.constant 32 : index
        %get3A_176 = tpu.vector_load %arg11[%get3A_173, %get3A_174, %get3A_175] {strides = array<i32>} : memref<2x128x64xf32, #tpu.memory_space<vmem>>, vector<1x1x16xf32>,
        %get3A_177 = vector.shape_cast %get3A_176 : vector<1x1x16xf32> to vector<16xf32>
        %mul3A_178 = arith.mulf %get3A_177, %get3A_144 : vector<16xf32>
        %swap3A_179 = arith.constant 0 : i32
        %swap3A_180 = arith.index_cast %swap3A_179 : i32 to index
        %swap3A_181 = arith.index_cast %scan3A_141 : i32 to index
        %swap3A_182 = arith.constant 32 : index
        %swap3A_183 = tpu.vector_load %arg11[%swap3A_180, %swap3A_181, %swap3A_182] {strides = array<i32>} : memref<2x128x64xf32, #tpu.memory_space<vmem>>, vector<1x1x16xf32>,
        %swap3A_184 = vector.shape_cast %swap3A_183 : vector<1x1x16xf32> to vector<16xf32>
        %swap3A_185 = vector.shape_cast %mul3A_178 : vector<16xf32> to vector<1x1x16xf32>
        tpu.vector_store %arg11[%swap3A_180, %swap3A_181, %swap3A_182], %swap3A_185 {strides = array<i32>} : memref<2x128x64xf32, #tpu.memory_space<vmem>>, vector<1x1x16xf32>,
        %get3A_186 = arith.constant 0 : i32
        %get3A_187 = arith.index_cast %get3A_186 : i32 to index
        %get3A_188 = arith.index_cast %scan3A_141 : i32 to index
        %get3A_189 = arith.constant 48 : index
        %get3A_190 = tpu.vector_load %arg11[%get3A_187, %get3A_188, %get3A_189] {strides = array<i32>} : memref<2x128x64xf32, #tpu.memory_space<vmem>>, vector<1x1x16xf32>,
        %get3A_191 = vector.shape_cast %get3A_190 : vector<1x1x16xf32> to vector<16xf32>
        %mul3A_192 = arith.mulf %get3A_191, %get3A_144 : vector<16xf32>
        %swap3A_193 = arith.constant 0 : i32
        %swap3A_194 = arith.index_cast %swap3A_193 : i32 to index
        %swap3A_195 = arith.index_cast %scan3A_141 : i32 to index
        %swap3A_196 = arith.constant 48 : index
        %swap3A_197 = tpu.vector_load %arg11[%swap3A_194, %swap3A_195, %swap3A_196] {strides = array<i32>} : memref<2x128x64xf32, #tpu.memory_space<vmem>>, vector<1x1x16xf32>,
        %swap3A_198 = vector.shape_cast %swap3A_197 : vector<1x1x16xf32> to vector<16xf32>
        %swap3A_199 = vector.shape_cast %mul3A_192 : vector<16xf32> to vector<1x1x16xf32>
        tpu.vector_store %arg11[%swap3A_194, %swap3A_195, %swap3A_196], %swap3A_199 {strides = array<i32>} : memref<2x128x64xf32, #tpu.memory_space<vmem>>, vector<1x1x16xf32>,
      }
      %scan3A_139 = arith.constant 128 : i32
      %run_scoped3A_140 = arith.constant 0 : i32
      "tpu.region"() ({
        %run_scoped3A_141 = tpu.sem_alloc : memref<!tpu.dma_semaphore, #tpu.memory_space<semaphore_mem>>
        %dma_start3A_142 = arith.constant 0 : i32
        %dma_start3A_143 = arith.constant 0 : i32
        %dma_start3A_144 = tpu.memref_slice %arg11[%run_scoped3A_140, %dma_start3A_142, %dma_start3A_143] : memref<2x128x64xf32, #tpu.memory_space<vmem>> -> memref<1x128x64xf32, #tpu.memory_space<vmem>>
        %dma_start3A_145 = tpu.memref_squeeze %dma_start3A_144 : memref<1x128x64xf32, #tpu.memory_space<vmem>> -> memref<128x64xf32, #tpu.memory_space<vmem>>
        %dma_start3A_146 = arith.constant 0 : i32
        %dma_start3A_147 = tpu.memref_slice %arg8[%scan3A_77, %dma_start3A_146] : memref<80x128xi32, #tpu.memory_space<vmem>> -> memref<1x128xi32, #tpu.memory_space<vmem>>
        %dma_start3A_148 = tpu.memref_squeeze %dma_start3A_147 : memref<1x128xi32, #tpu.memory_space<vmem>> -> memref<128xi32, #tpu.memory_space<vmem>>
        %dma_start3A_149 = arith.constant 0 : i32
        %dma_start3A_150 = arith.constant 0 : i32
        %dma_start3A_151 = tpu.memref_slice %arg12[%dma_start3A_149, %dma_start3A_150] : memref<10240x64xf32, #tpu.memory_space<vmem_shared>> -> memref<10240x64xf32, #tpu.memory_space<vmem_shared>>
        tpu.enqueue_indirect_dma source(%dma_start3A_145 : memref<128x64xf32, #tpu.memory_space<vmem>>) target(%dma_start3A_151 : memref<10240x64xf32, #tpu.memory_space<vmem_shared>>) offsets(%dma_start3A_148 : memref<128xi32, #tpu.memory_space<vmem>>) semaphore(%run_scoped3A_141 : memref<!tpu.dma_semaphore, #tpu.memory_space<semaphore_mem>>) {add = true}
        %dma_wait3A_152 = arith.constant 0 : i32
        %dma_wait3A_153 = arith.constant 0 : i32
        %dma_wait3A_154 = tpu.memref_slice %arg11[%run_scoped3A_140, %dma_wait3A_152, %dma_wait3A_153] : memref<2x128x64xf32, #tpu.memory_space<vmem>> -> memref<1x128x64xf32, #tpu.memory_space<vmem>>
        %dma_wait3A_155 = tpu.memref_squeeze %dma_wait3A_154 : memref<1x128x64xf32, #tpu.memory_space<vmem>> -> memref<128x64xf32, #tpu.memory_space<vmem>>
        %dma_wait3A_156 = arith.constant 0 : i32
        %dma_wait3A_157 = tpu.memref_slice %arg8[%scan3A_77, %dma_wait3A_156] : memref<80x128xi32, #tpu.memory_space<vmem>> -> memref<1x128xi32, #tpu.memory_space<vmem>>
        %dma_wait3A_158 = tpu.memref_squeeze %dma_wait3A_157 : memref<1x128xi32, #tpu.memory_space<vmem>> -> memref<128xi32, #tpu.memory_space<vmem>>
        %dma_wait3A_159 = arith.constant 0 : i32
        %dma_wait3A_160 = arith.constant 0 : i32
        %dma_wait3A_161 = tpu.memref_slice %arg12[%dma_wait3A_159, %dma_wait3A_160] : memref<10240x64xf32, #tpu.memory_space<vmem_shared>> -> memref<10240x64xf32, #tpu.memory_space<vmem_shared>>
        tpu.wait_indirect_dma semaphore(%run_scoped3A_141 : memref<!tpu.dma_semaphore, #tpu.memory_space<semaphore_mem>>) src(%dma_wait3A_155 : memref<128x64xf32, #tpu.memory_space<vmem>>) dst(%dma_wait3A_161 : memref<10240x64xf32, #tpu.memory_space<vmem_shared>>)
        tpu.yield
      }) : () -> ()
    }
    %scan3A_34 = arith.constant 80 : i32
    %barrier3A_35 = arith.constant 0 : index
    tpu.barrier barrier_id(%barrier3A_35)
    "tpu.region"() ({
      %run_scoped3A_77 = tpu.sem_alloc : memref<!tpu.dma_semaphore, #tpu.memory_space<semaphore_mem>>
      %dma_start3A = arith.constant 0 : i32
      %dma_start3A_78 = arith.constant 0 : i32
      %dma_start3A_79 = tpu.memref_slice %arg6[%add3A_0, %dma_start3A, %dma_start3A_78] : memref<4x10240x64xf32, #tpu.memory_space<hbm>> -> memref<1x10240x64xf32, #tpu.memory_space<hbm>>
      %dma_start3A_80 = tpu.memref_squeeze %dma_start3A_79 : memref<1x10240x64xf32, #tpu.memory_space<hbm>> -> memref<10240x64xf32, #tpu.memory_space<hbm>>
      %dma_start3A_81 = arith.constant 0 : i32
      %dma_start3A_82 = tpu.memref_slice %dma_start3A_80[%mul3A_14, %dma_start3A_81] : memref<10240x64xf32, #tpu.memory_space<hbm>> -> memref<640x64xf32, #tpu.memory_space<hbm>>
      %dma_start3A_83 = arith.constant 0 : i32
      %dma_start3A_84 = tpu.memref_slice %arg12[%mul3A_14, %dma_start3A_83] : memref<10240x64xf32, #tpu.memory_space<vmem_shared>> -> memref<640x64xf32, #tpu.memory_space<vmem_shared>>
      tpu.enqueue_dma source(%dma_start3A_84 : memref<640x64xf32, #tpu.memory_space<vmem_shared>>) target(%dma_start3A_82 : memref<640x64xf32, #tpu.memory_space<hbm>>) target_semaphore(%run_scoped3A_77 : memref<!tpu.dma_semaphore, #tpu.memory_space<semaphore_mem>>)
      %dma_wait3A = arith.constant 0 : i32
      %dma_wait3A_85 = arith.constant 0 : i32
      %dma_wait3A_86 = tpu.memref_slice %arg6[%add3A_0, %dma_wait3A, %dma_wait3A_85] : memref<4x10240x64xf32, #tpu.memory_space<hbm>> -> memref<1x10240x64xf32, #tpu.memory_space<hbm>>
      %dma_wait3A_87 = tpu.memref_squeeze %dma_wait3A_86 : memref<1x10240x64xf32, #tpu.memory_space<hbm>> -> memref<10240x64xf32, #tpu.memory_space<hbm>>
      %dma_wait3A_88 = arith.constant 0 : i32
      %dma_wait3A_89 = tpu.memref_slice %dma_wait3A_87[%mul3A_14, %dma_wait3A_88] : memref<10240x64xf32, #tpu.memory_space<hbm>> -> memref<640x64xf32, #tpu.memory_space<hbm>>
      %dma_wait3A_90 = arith.constant 0 : i32
      %dma_wait3A_91 = tpu.memref_slice %arg12[%mul3A_14, %dma_wait3A_90] : memref<10240x64xf32, #tpu.memory_space<vmem_shared>> -> memref<640x64xf32, #tpu.memory_space<vmem_shared>>
      tpu.wait_dma2 semaphore(%run_scoped3A_77 : memref<!tpu.dma_semaphore, #tpu.memory_space<semaphore_mem>>) src(%dma_wait3A_91 : memref<640x64xf32, #tpu.memory_space<vmem_shared>>) dst(%dma_wait3A_89 : memref<640x64xf32, #tpu.memory_space<hbm>>)
      tpu.yield
    }) : () -> ()
    %add3A_36 = arith.constant 2 : i32
    %add3A_37 = arith.addi %add3A_36, %arg0 : i32
    %add3A_38 = arith.constant 2 : i32
    %add3A_39 = arith.addi %add3A_38, %arg0 : i32
    %scan3A_40 = arith.constant 0 : i32
    %scan3A_41 = arith.constant 0 : i32
    %scan3A_42 = arith.constant 80 : i32
    %scan3A_43 = arith.addi %scan3A_41, %scan3A_42 : i32
    %scan3A_44 = arith.constant 1 : i32
    scf.for %scan3A_77 = %scan3A_41 to %scan3A_43 step %scan3A_44  : i32 {
      %get3A = arith.index_cast %scan3A_77 : i32 to index
      %get3A_78 = arith.constant 0 : index
      %get3A_79 = tpu.vector_load %arg7[%get3A, %get3A_78] {strides = array<i32>} : memref<80x128xi32, #tpu.memory_space<vmem>>, vector<1x16xi32>,
      %get3A_80 = vector.shape_cast %get3A_79 : vector<1x16xi32> to vector<16xi32>
      %mul3A_81 = arith.constant 4 : i32
      %mul3A_82 = vector.broadcast %mul3A_81 : i32 to vector<16xi32>
      %mul3A_83 = arith.muli %get3A_80, %mul3A_82 : vector<16xi32>
      %add3A_84 = vector.broadcast %add3A_39 : i32 to vector<16xi32>
      %add3A_85 = arith.addi %mul3A_83, %add3A_84 : vector<16xi32>
      %swap3A = arith.index_cast %scan3A_77 : i32 to index
      %swap3A_86 = arith.constant 0 : index
      %swap3A_87 = tpu.vector_load %arg10[%swap3A, %swap3A_86] {strides = array<i32>} : memref<80x128xi32, #tpu.memory_space<vmem>>, vector<1x16xi32>,
      %swap3A_88 = vector.shape_cast %swap3A_87 : vector<1x16xi32> to vector<16xi32>
      %swap3A_89 = vector.shape_cast %add3A_85 : vector<16xi32> to vector<1x16xi32>
      tpu.vector_store %arg10[%swap3A, %swap3A_86], %swap3A_89 {strides = array<i32>} : memref<80x128xi32, #tpu.memory_space<vmem>>, vector<1x16xi32>,
      %get3A_90 = arith.index_cast %scan3A_77 : i32 to index
      %get3A_91 = arith.constant 16 : index
      %get3A_92 = tpu.vector_load %arg7[%get3A_90, %get3A_91] {strides = array<i32>} : memref<80x128xi32, #tpu.memory_space<vmem>>, vector<1x16xi32>,
      %get3A_93 = vector.shape_cast %get3A_92 : vector<1x16xi32> to vector<16xi32>
      %mul3A_94 = arith.constant 4 : i32
      %mul3A_95 = vector.broadcast %mul3A_94 : i32 to vector<16xi32>
      %mul3A_96 = arith.muli %get3A_93, %mul3A_95 : vector<16xi32>
      %add3A_97 = vector.broadcast %add3A_39 : i32 to vector<16xi32>
      %add3A_98 = arith.addi %mul3A_96, %add3A_97 : vector<16xi32>
      %swap3A_99 = arith.index_cast %scan3A_77 : i32 to index
      %swap3A_100 = arith.constant 16 : index
      %swap3A_101 = tpu.vector_load %arg10[%swap3A_99, %swap3A_100] {strides = array<i32>} : memref<80x128xi32, #tpu.memory_space<vmem>>, vector<1x16xi32>,
      %swap3A_102 = vector.shape_cast %swap3A_101 : vector<1x16xi32> to vector<16xi32>
      %swap3A_103 = vector.shape_cast %add3A_98 : vector<16xi32> to vector<1x16xi32>
      tpu.vector_store %arg10[%swap3A_99, %swap3A_100], %swap3A_103 {strides = array<i32>} : memref<80x128xi32, #tpu.memory_space<vmem>>, vector<1x16xi32>,
      %get3A_104 = arith.index_cast %scan3A_77 : i32 to index
      %get3A_105 = arith.constant 32 : index
      %get3A_106 = tpu.vector_load %arg7[%get3A_104, %get3A_105] {strides = array<i32>} : memref<80x128xi32, #tpu.memory_space<vmem>>, vector<1x16xi32>,
      %get3A_107 = vector.shape_cast %get3A_106 : vector<1x16xi32> to vector<16xi32>
      %mul3A_108 = arith.constant 4 : i32
      %mul3A_109 = vector.broadcast %mul3A_108 : i32 to vector<16xi32>
      %mul3A_110 = arith.muli %get3A_107, %mul3A_109 : vector<16xi32>
      %add3A_111 = vector.broadcast %add3A_39 : i32 to vector<16xi32>
      %add3A_112 = arith.addi %mul3A_110, %add3A_111 : vector<16xi32>
      %swap3A_113 = arith.index_cast %scan3A_77 : i32 to index
      %swap3A_114 = arith.constant 32 : index
      %swap3A_115 = tpu.vector_load %arg10[%swap3A_113, %swap3A_114] {strides = array<i32>} : memref<80x128xi32, #tpu.memory_space<vmem>>, vector<1x16xi32>,
      %swap3A_116 = vector.shape_cast %swap3A_115 : vector<1x16xi32> to vector<16xi32>
      %swap3A_117 = vector.shape_cast %add3A_112 : vector<16xi32> to vector<1x16xi32>
      tpu.vector_store %arg10[%swap3A_113, %swap3A_114], %swap3A_117 {strides = array<i32>} : memref<80x128xi32, #tpu.memory_space<vmem>>, vector<1x16xi32>,
      %get3A_118 = arith.index_cast %scan3A_77 : i32 to index
      %get3A_119 = arith.constant 48 : index
      %get3A_120 = tpu.vector_load %arg7[%get3A_118, %get3A_119] {strides = array<i32>} : memref<80x128xi32, #tpu.memory_space<vmem>>, vector<1x16xi32>,
      %get3A_121 = vector.shape_cast %get3A_120 : vector<1x16xi32> to vector<16xi32>
      %mul3A_122 = arith.constant 4 : i32
      %mul3A_123 = vector.broadcast %mul3A_122 : i32 to vector<16xi32>
      %mul3A_124 = arith.muli %get3A_121, %mul3A_123 : vector<16xi32>
      %add3A_125 = vector.broadcast %add3A_39 : i32 to vector<16xi32>
      %add3A_126 = arith.addi %mul3A_124, %add3A_125 : vector<16xi32>
      %swap3A_127 = arith.index_cast %scan3A_77 : i32 to index
      %swap3A_128 = arith.constant 48 : index
      %swap3A_129 = tpu.vector_load %arg10[%swap3A_127, %swap3A_128] {strides = array<i32>} : memref<80x128xi32, #tpu.memory_space<vmem>>, vector<1x16xi32>,
      %swap3A_130 = vector.shape_cast %swap3A_129 : vector<1x16xi32> to vector<16xi32>
      %swap3A_131 = vector.shape_cast %add3A_126 : vector<16xi32> to vector<1x16xi32>
      tpu.vector_store %arg10[%swap3A_127, %swap3A_128], %swap3A_131 {strides = array<i32>} : memref<80x128xi32, #tpu.memory_space<vmem>>, vector<1x16xi32>,
      %get3A_132 = arith.index_cast %scan3A_77 : i32 to index
      %get3A_133 = arith.constant 64 : index
      %get3A_134 = tpu.vector_load %arg7[%get3A_132, %get3A_133] {strides = array<i32>} : memref<80x128xi32, #tpu.memory_space<vmem>>, vector<1x16xi32>,
      %get3A_135 = vector.shape_cast %get3A_134 : vector<1x16xi32> to vector<16xi32>
      %mul3A_136 = arith.constant 4 : i32
      %mul3A_137 = vector.broadcast %mul3A_136 : i32 to vector<16xi32>
      %mul3A_138 = arith.muli %get3A_135, %mul3A_137 : vector<16xi32>
      %add3A_139 = vector.broadcast %add3A_39 : i32 to vector<16xi32>
      %add3A_140 = arith.addi %mul3A_138, %add3A_139 : vector<16xi32>
      %swap3A_141 = arith.index_cast %scan3A_77 : i32 to index
      %swap3A_142 = arith.constant 64 : index
      %swap3A_143 = tpu.vector_load %arg10[%swap3A_141, %swap3A_142] {strides = array<i32>} : memref<80x128xi32, #tpu.memory_space<vmem>>, vector<1x16xi32>,
      %swap3A_144 = vector.shape_cast %swap3A_143 : vector<1x16xi32> to vector<16xi32>
      %swap3A_145 = vector.shape_cast %add3A_140 : vector<16xi32> to vector<1x16xi32>
      tpu.vector_store %arg10[%swap3A_141, %swap3A_142], %swap3A_145 {strides = array<i32>} : memref<80x128xi32, #tpu.memory_space<vmem>>, vector<1x16xi32>,
      %get3A_146 = arith.index_cast %scan3A_77 : i32 to index
      %get3A_147 = arith.constant 80 : index
      %get3A_148 = tpu.vector_load %arg7[%get3A_146, %get3A_147] {strides = array<i32>} : memref<80x128xi32, #tpu.memory_space<vmem>>, vector<1x16xi32>,
      %get3A_149 = vector.shape_cast %get3A_148 : vector<1x16xi32> to vector<16xi32>
      %mul3A_150 = arith.constant 4 : i32
      %mul3A_151 = vector.broadcast %mul3A_150 : i32 to vector<16xi32>
      %mul3A_152 = arith.muli %get3A_149, %mul3A_151 : vector<16xi32>
      %add3A_153 = vector.broadcast %add3A_39 : i32 to vector<16xi32>
      %add3A_154 = arith.addi %mul3A_152, %add3A_153 : vector<16xi32>
      %swap3A_155 = arith.index_cast %scan3A_77 : i32 to index
      %swap3A_156 = arith.constant 80 : index
      %swap3A_157 = tpu.vector_load %arg10[%swap3A_155, %swap3A_156] {strides = array<i32>} : memref<80x128xi32, #tpu.memory_space<vmem>>, vector<1x16xi32>,
      %swap3A_158 = vector.shape_cast %swap3A_157 : vector<1x16xi32> to vector<16xi32>
      %swap3A_159 = vector.shape_cast %add3A_154 : vector<16xi32> to vector<1x16xi32>
      tpu.vector_store %arg10[%swap3A_155, %swap3A_156], %swap3A_159 {strides = array<i32>} : memref<80x128xi32, #tpu.memory_space<vmem>>, vector<1x16xi32>,
      %get3A_160 = arith.index_cast %scan3A_77 : i32 to index
      %get3A_161 = arith.constant 96 : index
      %get3A_162 = tpu.vector_load %arg7[%get3A_160, %get3A_161] {strides = array<i32>} : memref<80x128xi32, #tpu.memory_space<vmem>>, vector<1x16xi32>,
      %get3A_163 = vector.shape_cast %get3A_162 : vector<1x16xi32> to vector<16xi32>
      %mul3A_164 = arith.constant 4 : i32
      %mul3A_165 = vector.broadcast %mul3A_164 : i32 to vector<16xi32>
      %mul3A_166 = arith.muli %get3A_163, %mul3A_165 : vector<16xi32>
      %add3A_167 = vector.broadcast %add3A_39 : i32 to vector<16xi32>
      %add3A_168 = arith.addi %mul3A_166, %add3A_167 : vector<16xi32>
      %swap3A_169 = arith.index_cast %scan3A_77 : i32 to index
      %swap3A_170 = arith.constant 96 : index
      %swap3A_171 = tpu.vector_load %arg10[%swap3A_169, %swap3A_170] {strides = array<i32>} : memref<80x128xi32, #tpu.memory_space<vmem>>, vector<1x16xi32>,
      %swap3A_172 = vector.shape_cast %swap3A_171 : vector<1x16xi32> to vector<16xi32>
      %swap3A_173 = vector.shape_cast %add3A_168 : vector<16xi32> to vector<1x16xi32>
      tpu.vector_store %arg10[%swap3A_169, %swap3A_170], %swap3A_173 {strides = array<i32>} : memref<80x128xi32, #tpu.memory_space<vmem>>, vector<1x16xi32>,
      %get3A_174 = arith.index_cast %scan3A_77 : i32 to index
      %get3A_175 = arith.constant 112 : index
      %get3A_176 = tpu.vector_load %arg7[%get3A_174, %get3A_175] {strides = array<i32>} : memref<80x128xi32, #tpu.memory_space<vmem>>, vector<1x16xi32>,
      %get3A_177 = vector.shape_cast %get3A_176 : vector<1x16xi32> to vector<16xi32>
      %mul3A_178 = arith.constant 4 : i32
      %mul3A_179 = vector.broadcast %mul3A_178 : i32 to vector<16xi32>
      %mul3A_180 = arith.muli %get3A_177, %mul3A_179 : vector<16xi32>
      %add3A_181 = vector.broadcast %add3A_39 : i32 to vector<16xi32>
      %add3A_182 = arith.addi %mul3A_180, %add3A_181 : vector<16xi32>
      %swap3A_183 = arith.index_cast %scan3A_77 : i32 to index
      %swap3A_184 = arith.constant 112 : index
      %swap3A_185 = tpu.vector_load %arg10[%swap3A_183, %swap3A_184] {strides = array<i32>} : memref<80x128xi32, #tpu.memory_space<vmem>>, vector<1x16xi32>,
      %swap3A_186 = vector.shape_cast %swap3A_185 : vector<1x16xi32> to vector<16xi32>
      %swap3A_187 = vector.shape_cast %add3A_182 : vector<16xi32> to vector<1x16xi32>
      tpu.vector_store %arg10[%swap3A_183, %swap3A_184], %swap3A_187 {strides = array<i32>} : memref<80x128xi32, #tpu.memory_space<vmem>>, vector<1x16xi32>,
    }
    %scan3A_45 = arith.constant 80 : i32
    %scan3A_46 = arith.constant 0 : i32
    %scan3A_47 = arith.constant 0 : i32
    %scan3A_48 = arith.constant 128 : i32
    %scan3A_49 = arith.addi %scan3A_47, %scan3A_48 : i32
    %scan3A_50 = arith.constant 1 : i32
    scf.for %scan3A_77 = %scan3A_47 to %scan3A_49 step %scan3A_50  : i32 {
      %broadcast_in_dim3A = arith.constant 0.000000e+00 : f32
      %broadcast_in_dim3A_78 = vector.broadcast %broadcast_in_dim3A : f32 to vector<16xf32>
      %swap3A = arith.constant 0 : i32
      %swap3A_79 = arith.index_cast %swap3A : i32 to index
      %swap3A_80 = arith.index_cast %scan3A_77 : i32 to index
      %swap3A_81 = arith.constant 0 : index
      %swap3A_82 = tpu.vector_load %arg11[%swap3A_79, %swap3A_80, %swap3A_81] {strides = array<i32>} : memref<2x128x64xf32, #tpu.memory_space<vmem>>, vector<1x1x16xf32>,
      %swap3A_83 = vector.shape_cast %swap3A_82 : vector<1x1x16xf32> to vector<16xf32>
      %swap3A_84 = vector.shape_cast %broadcast_in_dim3A_78 : vector<16xf32> to vector<1x1x16xf32>
      tpu.vector_store %arg11[%swap3A_79, %swap3A_80, %swap3A_81], %swap3A_84 {strides = array<i32>} : memref<2x128x64xf32, #tpu.memory_space<vmem>>, vector<1x1x16xf32>,
      %broadcast_in_dim3A_85 = arith.constant 0.000000e+00 : f32
      %broadcast_in_dim3A_86 = vector.broadcast %broadcast_in_dim3A_85 : f32 to vector<16xf32>
      %swap3A_87 = arith.constant 0 : i32
      %swap3A_88 = arith.index_cast %swap3A_87 : i32 to index
      %swap3A_89 = arith.index_cast %scan3A_77 : i32 to index
      %swap3A_90 = arith.constant 16 : index
      %swap3A_91 = tpu.vector_load %arg11[%swap3A_88, %swap3A_89, %swap3A_90] {strides = array<i32>} : memref<2x128x64xf32, #tpu.memory_space<vmem>>, vector<1x1x16xf32>,
      %swap3A_92 = vector.shape_cast %swap3A_91 : vector<1x1x16xf32> to vector<16xf32>
      %swap3A_93 = vector.shape_cast %broadcast_in_dim3A_86 : vector<16xf32> to vector<1x1x16xf32>
      tpu.vector_store %arg11[%swap3A_88, %swap3A_89, %swap3A_90], %swap3A_93 {strides = array<i32>} : memref<2x128x64xf32, #tpu.memory_space<vmem>>, vector<1x1x16xf32>,
      %broadcast_in_dim3A_94 = arith.constant 0.000000e+00 : f32
      %broadcast_in_dim3A_95 = vector.broadcast %broadcast_in_dim3A_94 : f32 to vector<16xf32>
      %swap3A_96 = arith.constant 0 : i32
      %swap3A_97 = arith.index_cast %swap3A_96 : i32 to index
      %swap3A_98 = arith.index_cast %scan3A_77 : i32 to index
      %swap3A_99 = arith.constant 32 : index
      %swap3A_100 = tpu.vector_load %arg11[%swap3A_97, %swap3A_98, %swap3A_99] {strides = array<i32>} : memref<2x128x64xf32, #tpu.memory_space<vmem>>, vector<1x1x16xf32>,
      %swap3A_101 = vector.shape_cast %swap3A_100 : vector<1x1x16xf32> to vector<16xf32>
      %swap3A_102 = vector.shape_cast %broadcast_in_dim3A_95 : vector<16xf32> to vector<1x1x16xf32>
      tpu.vector_store %arg11[%swap3A_97, %swap3A_98, %swap3A_99], %swap3A_102 {strides = array<i32>} : memref<2x128x64xf32, #tpu.memory_space<vmem>>, vector<1x1x16xf32>,
      %broadcast_in_dim3A_103 = arith.constant 0.000000e+00 : f32
      %broadcast_in_dim3A_104 = vector.broadcast %broadcast_in_dim3A_103 : f32 to vector<16xf32>
      %swap3A_105 = arith.constant 0 : i32
      %swap3A_106 = arith.index_cast %swap3A_105 : i32 to index
      %swap3A_107 = arith.index_cast %scan3A_77 : i32 to index
      %swap3A_108 = arith.constant 48 : index
      %swap3A_109 = tpu.vector_load %arg11[%swap3A_106, %swap3A_107, %swap3A_108] {strides = array<i32>} : memref<2x128x64xf32, #tpu.memory_space<vmem>>, vector<1x1x16xf32>,
      %swap3A_110 = vector.shape_cast %swap3A_109 : vector<1x1x16xf32> to vector<16xf32>
      %swap3A_111 = vector.shape_cast %broadcast_in_dim3A_104 : vector<16xf32> to vector<1x1x16xf32>
      tpu.vector_store %arg11[%swap3A_106, %swap3A_107, %swap3A_108], %swap3A_111 {strides = array<i32>} : memref<2x128x64xf32, #tpu.memory_space<vmem>>, vector<1x1x16xf32>,
    }
    %scan3A_51 = arith.constant 128 : i32
    %mul3A_52 = arith.constant 640 : i32
    %mul3A_53 = arith.muli %arg1, %mul3A_52 : i32
    %add3A_54 = arith.constant 0 : i32
    %add3A_55 = arith.addi %mul3A_53, %add3A_54 : i32
    %run_scoped3A_56 = arith.constant 0 : i32
    "tpu.region"() ({
      %run_scoped3A_77 = tpu.sem_alloc : memref<!tpu.dma_semaphore, #tpu.memory_space<semaphore_mem>>
      %dma_start3A = arith.constant 0 : i32
      %dma_start3A_78 = arith.constant 0 : i32
      %dma_start3A_79 = tpu.memref_slice %arg11[%run_scoped3A_56, %dma_start3A, %dma_start3A_78] : memref<2x128x64xf32, #tpu.memory_space<vmem>> -> memref<1x128x64xf32, #tpu.memory_space<vmem>>
      %dma_start3A_80 = tpu.memref_squeeze %dma_start3A_79 : memref<1x128x64xf32, #tpu.memory_space<vmem>> -> memref<128x64xf32, #tpu.memory_space<vmem>>
      %dma_start3A_81 = arith.constant 0 : i32
      %dma_start3A_82 = tpu.memref_slice %arg12[%add3A_55, %dma_start3A_81] : memref<10240x64xf32, #tpu.memory_space<vmem_shared>> -> memref<128x64xf32, #tpu.memory_space<vmem_shared>>
      %dma_start3A_83 = arith.constant 0 : i32
      %dma_start3A_84 = tpu.memref_slice %arg12[%add3A_55, %dma_start3A_83] : memref<10240x64xf32, #tpu.memory_space<vmem_shared>> -> memref<128x64xf32, #tpu.memory_space<vmem_shared>>
      %dma_start3A_85 = arith.constant 0 : i32
      %dma_start3A_86 = arith.constant 0 : i32
      %dma_start3A_87 = tpu.memref_slice %arg11[%run_scoped3A_56, %dma_start3A_85, %dma_start3A_86] : memref<2x128x64xf32, #tpu.memory_space<vmem>> -> memref<1x128x64xf32, #tpu.memory_space<vmem>>
      %dma_start3A_88 = tpu.memref_squeeze %dma_start3A_87 : memref<1x128x64xf32, #tpu.memory_space<vmem>> -> memref<128x64xf32, #tpu.memory_space<vmem>>
      tpu.enqueue_dma source(%dma_start3A_88 : memref<128x64xf32, #tpu.memory_space<vmem>>) target(%dma_start3A_84 : memref<128x64xf32, #tpu.memory_space<vmem_shared>>) target_semaphore(%run_scoped3A_77 : memref<!tpu.dma_semaphore, #tpu.memory_space<semaphore_mem>>)
      %dma_wait3A = arith.constant 0 : i32
      %dma_wait3A_89 = arith.constant 0 : i32
      %dma_wait3A_90 = tpu.memref_slice %arg11[%run_scoped3A_56, %dma_wait3A, %dma_wait3A_89] : memref<2x128x64xf32, #tpu.memory_space<vmem>> -> memref<1x128x64xf32, #tpu.memory_space<vmem>>
      %dma_wait3A_91 = tpu.memref_squeeze %dma_wait3A_90 : memref<1x128x64xf32, #tpu.memory_space<vmem>> -> memref<128x64xf32, #tpu.memory_space<vmem>>
      %dma_wait3A_92 = arith.constant 0 : i32
      %dma_wait3A_93 = tpu.memref_slice %arg12[%add3A_55, %dma_wait3A_92] : memref<10240x64xf32, #tpu.memory_space<vmem_shared>> -> memref<128x64xf32, #tpu.memory_space<vmem_shared>>
      %dma_wait3A_94 = arith.constant 0 : i32
      %dma_wait3A_95 = tpu.memref_slice %arg12[%add3A_55, %dma_wait3A_94] : memref<10240x64xf32, #tpu.memory_space<vmem_shared>> -> memref<128x64xf32, #tpu.memory_space<vmem_shared>>
      %dma_wait3A_96 = arith.constant 0 : i32
      %dma_wait3A_97 = arith.constant 0 : i32
      %dma_wait3A_98 = tpu.memref_slice %arg11[%run_scoped3A_56, %dma_wait3A_96, %dma_wait3A_97] : memref<2x128x64xf32, #tpu.memory_space<vmem>> -> memref<1x128x64xf32, #tpu.memory_space<vmem>>
      %dma_wait3A_99 = tpu.memref_squeeze %dma_wait3A_98 : memref<1x128x64xf32, #tpu.memory_space<vmem>> -> memref<128x64xf32, #tpu.memory_space<vmem>>
      tpu.wait_dma2 semaphore(%run_scoped3A_77 : memref<!tpu.dma_semaphore, #tpu.memory_space<semaphore_mem>>) src(%dma_wait3A_99 : memref<128x64xf32, #tpu.memory_space<vmem>>) dst(%dma_wait3A_95 : memref<128x64xf32, #tpu.memory_space<vmem_shared>>)
      tpu.yield
    }) : () -> ()
    %add3A_57 = arith.constant 128 : i32
    %add3A_58 = arith.addi %mul3A_53, %add3A_57 : i32
    %run_scoped3A_59 = arith.constant 0 : i32
    "tpu.region"() ({
      %run_scoped3A_77 = tpu.sem_alloc : memref<!tpu.dma_semaphore, #tpu.memory_space<semaphore_mem>>
      %dma_start3A = arith.constant 0 : i32
      %dma_start3A_78 = arith.constant 0 : i32
      %dma_start3A_79 = tpu.memref_slice %arg11[%run_scoped3A_59, %dma_start3A, %dma_start3A_78] : memref<2x128x64xf32, #tpu.memory_space<vmem>> -> memref<1x128x64xf32, #tpu.memory_space<vmem>>
      %dma_start3A_80 = tpu.memref_squeeze %dma_start3A_79 : memref<1x128x64xf32, #tpu.memory_space<vmem>> -> memref<128x64xf32, #tpu.memory_space<vmem>>
      %dma_start3A_81 = arith.constant 0 : i32
      %dma_start3A_82 = tpu.memref_slice %arg12[%add3A_58, %dma_start3A_81] : memref<10240x64xf32, #tpu.memory_space<vmem_shared>> -> memref<128x64xf32, #tpu.memory_space<vmem_shared>>
      %dma_start3A_83 = arith.constant 0 : i32
      %dma_start3A_84 = tpu.memref_slice %arg12[%add3A_58, %dma_start3A_83] : memref<10240x64xf32, #tpu.memory_space<vmem_shared>> -> memref<128x64xf32, #tpu.memory_space<vmem_shared>>
      %dma_start3A_85 = arith.constant 0 : i32
      %dma_start3A_86 = arith.constant 0 : i32
      %dma_start3A_87 = tpu.memref_slice %arg11[%run_scoped3A_59, %dma_start3A_85, %dma_start3A_86] : memref<2x128x64xf32, #tpu.memory_space<vmem>> -> memref<1x128x64xf32, #tpu.memory_space<vmem>>
      %dma_start3A_88 = tpu.memref_squeeze %dma_start3A_87 : memref<1x128x64xf32, #tpu.memory_space<vmem>> -> memref<128x64xf32, #tpu.memory_space<vmem>>
      tpu.enqueue_dma source(%dma_start3A_88 : memref<128x64xf32, #tpu.memory_space<vmem>>) target(%dma_start3A_84 : memref<128x64xf32, #tpu.memory_space<vmem_shared>>) target_semaphore(%run_scoped3A_77 : memref<!tpu.dma_semaphore, #tpu.memory_space<semaphore_mem>>)
      %dma_wait3A = arith.constant 0 : i32
      %dma_wait3A_89 = arith.constant 0 : i32
      %dma_wait3A_90 = tpu.memref_slice %arg11[%run_scoped3A_59, %dma_wait3A, %dma_wait3A_89] : memref<2x128x64xf32, #tpu.memory_space<vmem>> -> memref<1x128x64xf32, #tpu.memory_space<vmem>>
      %dma_wait3A_91 = tpu.memref_squeeze %dma_wait3A_90 : memref<1x128x64xf32, #tpu.memory_space<vmem>> -> memref<128x64xf32, #tpu.memory_space<vmem>>
      %dma_wait3A_92 = arith.constant 0 : i32
      %dma_wait3A_93 = tpu.memref_slice %arg12[%add3A_58, %dma_wait3A_92] : memref<10240x64xf32, #tpu.memory_space<vmem_shared>> -> memref<128x64xf32, #tpu.memory_space<vmem_shared>>
      %dma_wait3A_94 = arith.constant 0 : i32
      %dma_wait3A_95 = tpu.memref_slice %arg12[%add3A_58, %dma_wait3A_94] : memref<10240x64xf32, #tpu.memory_space<vmem_shared>> -> memref<128x64xf32, #tpu.memory_space<vmem_shared>>
      %dma_wait3A_96 = arith.constant 0 : i32
      %dma_wait3A_97 = arith.constant 0 : i32
      %dma_wait3A_98 = tpu.memref_slice %arg11[%run_scoped3A_59, %dma_wait3A_96, %dma_wait3A_97] : memref<2x128x64xf32, #tpu.memory_space<vmem>> -> memref<1x128x64xf32, #tpu.memory_space<vmem>>
      %dma_wait3A_99 = tpu.memref_squeeze %dma_wait3A_98 : memref<1x128x64xf32, #tpu.memory_space<vmem>> -> memref<128x64xf32, #tpu.memory_space<vmem>>
      tpu.wait_dma2 semaphore(%run_scoped3A_77 : memref<!tpu.dma_semaphore, #tpu.memory_space<semaphore_mem>>) src(%dma_wait3A_99 : memref<128x64xf32, #tpu.memory_space<vmem>>) dst(%dma_wait3A_95 : memref<128x64xf32, #tpu.memory_space<vmem_shared>>)
      tpu.yield
    }) : () -> ()
    %add3A_60 = arith.constant 256 : i32
    %add3A_61 = arith.addi %mul3A_53, %add3A_60 : i32
    %run_scoped3A_62 = arith.constant 0 : i32
    "tpu.region"() ({
      %run_scoped3A_77 = tpu.sem_alloc : memref<!tpu.dma_semaphore, #tpu.memory_space<semaphore_mem>>
      %dma_start3A = arith.constant 0 : i32
      %dma_start3A_78 = arith.constant 0 : i32
      %dma_start3A_79 = tpu.memref_slice %arg11[%run_scoped3A_62, %dma_start3A, %dma_start3A_78] : memref<2x128x64xf32, #tpu.memory_space<vmem>> -> memref<1x128x64xf32, #tpu.memory_space<vmem>>
      %dma_start3A_80 = tpu.memref_squeeze %dma_start3A_79 : memref<1x128x64xf32, #tpu.memory_space<vmem>> -> memref<128x64xf32, #tpu.memory_space<vmem>>
      %dma_start3A_81 = arith.constant 0 : i32
      %dma_start3A_82 = tpu.memref_slice %arg12[%add3A_61, %dma_start3A_81] : memref<10240x64xf32, #tpu.memory_space<vmem_shared>> -> memref<128x64xf32, #tpu.memory_space<vmem_shared>>
      %dma_start3A_83 = arith.constant 0 : i32
      %dma_start3A_84 = tpu.memref_slice %arg12[%add3A_61, %dma_start3A_83] : memref<10240x64xf32, #tpu.memory_space<vmem_shared>> -> memref<128x64xf32, #tpu.memory_space<vmem_shared>>
      %dma_start3A_85 = arith.constant 0 : i32
      %dma_start3A_86 = arith.constant 0 : i32
      %dma_start3A_87 = tpu.memref_slice %arg11[%run_scoped3A_62, %dma_start3A_85, %dma_start3A_86] : memref<2x128x64xf32, #tpu.memory_space<vmem>> -> memref<1x128x64xf32, #tpu.memory_space<vmem>>
      %dma_start3A_88 = tpu.memref_squeeze %dma_start3A_87 : memref<1x128x64xf32, #tpu.memory_space<vmem>> -> memref<128x64xf32, #tpu.memory_space<vmem>>
      tpu.enqueue_dma source(%dma_start3A_88 : memref<128x64xf32, #tpu.memory_space<vmem>>) target(%dma_start3A_84 : memref<128x64xf32, #tpu.memory_space<vmem_shared>>) target_semaphore(%run_scoped3A_77 : memref<!tpu.dma_semaphore, #tpu.memory_space<semaphore_mem>>)
      %dma_wait3A = arith.constant 0 : i32
      %dma_wait3A_89 = arith.constant 0 : i32
      %dma_wait3A_90 = tpu.memref_slice %arg11[%run_scoped3A_62, %dma_wait3A, %dma_wait3A_89] : memref<2x128x64xf32, #tpu.memory_space<vmem>> -> memref<1x128x64xf32, #tpu.memory_space<vmem>>
      %dma_wait3A_91 = tpu.memref_squeeze %dma_wait3A_90 : memref<1x128x64xf32, #tpu.memory_space<vmem>> -> memref<128x64xf32, #tpu.memory_space<vmem>>
      %dma_wait3A_92 = arith.constant 0 : i32
      %dma_wait3A_93 = tpu.memref_slice %arg12[%add3A_61, %dma_wait3A_92] : memref<10240x64xf32, #tpu.memory_space<vmem_shared>> -> memref<128x64xf32, #tpu.memory_space<vmem_shared>>
      %dma_wait3A_94 = arith.constant 0 : i32
      %dma_wait3A_95 = tpu.memref_slice %arg12[%add3A_61, %dma_wait3A_94] : memref<10240x64xf32, #tpu.memory_space<vmem_shared>> -> memref<128x64xf32, #tpu.memory_space<vmem_shared>>
      %dma_wait3A_96 = arith.constant 0 : i32
      %dma_wait3A_97 = arith.constant 0 : i32
      %dma_wait3A_98 = tpu.memref_slice %arg11[%run_scoped3A_62, %dma_wait3A_96, %dma_wait3A_97] : memref<2x128x64xf32, #tpu.memory_space<vmem>> -> memref<1x128x64xf32, #tpu.memory_space<vmem>>
      %dma_wait3A_99 = tpu.memref_squeeze %dma_wait3A_98 : memref<1x128x64xf32, #tpu.memory_space<vmem>> -> memref<128x64xf32, #tpu.memory_space<vmem>>
      tpu.wait_dma2 semaphore(%run_scoped3A_77 : memref<!tpu.dma_semaphore, #tpu.memory_space<semaphore_mem>>) src(%dma_wait3A_99 : memref<128x64xf32, #tpu.memory_space<vmem>>) dst(%dma_wait3A_95 : memref<128x64xf32, #tpu.memory_space<vmem_shared>>)
      tpu.yield
    }) : () -> ()
    %add3A_63 = arith.constant 384 : i32
    %add3A_64 = arith.addi %mul3A_53, %add3A_63 : i32
    %run_scoped3A_65 = arith.constant 0 : i32
    "tpu.region"() ({
      %run_scoped3A_77 = tpu.sem_alloc : memref<!tpu.dma_semaphore, #tpu.memory_space<semaphore_mem>>
      %dma_start3A = arith.constant 0 : i32
      %dma_start3A_78 = arith.constant 0 : i32
      %dma_start3A_79 = tpu.memref_slice %arg11[%run_scoped3A_65, %dma_start3A, %dma_start3A_78] : memref<2x128x64xf32, #tpu.memory_space<vmem>> -> memref<1x128x64xf32, #tpu.memory_space<vmem>>
      %dma_start3A_80 = tpu.memref_squeeze %dma_start3A_79 : memref<1x128x64xf32, #tpu.memory_space<vmem>> -> memref<128x64xf32, #tpu.memory_space<vmem>>
      %dma_start3A_81 = arith.constant 0 : i32
      %dma_start3A_82 = tpu.memref_slice %arg12[%add3A_64, %dma_start3A_81] : memref<10240x64xf32, #tpu.memory_space<vmem_shared>> -> memref<128x64xf32, #tpu.memory_space<vmem_shared>>
      %dma_start3A_83 = arith.constant 0 : i32
      %dma_start3A_84 = tpu.memref_slice %arg12[%add3A_64, %dma_start3A_83] : memref<10240x64xf32, #tpu.memory_space<vmem_shared>> -> memref<128x64xf32, #tpu.memory_space<vmem_shared>>
      %dma_start3A_85 = arith.constant 0 : i32
      %dma_start3A_86 = arith.constant 0 : i32
      %dma_start3A_87 = tpu.memref_slice %arg11[%run_scoped3A_65, %dma_start3A_85, %dma_start3A_86] : memref<2x128x64xf32, #tpu.memory_space<vmem>> -> memref<1x128x64xf32, #tpu.memory_space<vmem>>
      %dma_start3A_88 = tpu.memref_squeeze %dma_start3A_87 : memref<1x128x64xf32, #tpu.memory_space<vmem>> -> memref<128x64xf32, #tpu.memory_space<vmem>>
      tpu.enqueue_dma source(%dma_start3A_88 : memref<128x64xf32, #tpu.memory_space<vmem>>) target(%dma_start3A_84 : memref<128x64xf32, #tpu.memory_space<vmem_shared>>) target_semaphore(%run_scoped3A_77 : memref<!tpu.dma_semaphore, #tpu.memory_space<semaphore_mem>>)
      %dma_wait3A = arith.constant 0 : i32
      %dma_wait3A_89 = arith.constant 0 : i32
      %dma_wait3A_90 = tpu.memref_slice %arg11[%run_scoped3A_65, %dma_wait3A, %dma_wait3A_89] : memref<2x128x64xf32, #tpu.memory_space<vmem>> -> memref<1x128x64xf32, #tpu.memory_space<vmem>>
      %dma_wait3A_91 = tpu.memref_squeeze %dma_wait3A_90 : memref<1x128x64xf32, #tpu.memory_space<vmem>> -> memref<128x64xf32, #tpu.memory_space<vmem>>
      %dma_wait3A_92 = arith.constant 0 : i32
      %dma_wait3A_93 = tpu.memref_slice %arg12[%add3A_64, %dma_wait3A_92] : memref<10240x64xf32, #tpu.memory_space<vmem_shared>> -> memref<128x64xf32, #tpu.memory_space<vmem_shared>>
      %dma_wait3A_94 = arith.constant 0 : i32
      %dma_wait3A_95 = tpu.memref_slice %arg12[%add3A_64, %dma_wait3A_94] : memref<10240x64xf32, #tpu.memory_space<vmem_shared>> -> memref<128x64xf32, #tpu.memory_space<vmem_shared>>
      %dma_wait3A_96 = arith.constant 0 : i32
      %dma_wait3A_97 = arith.constant 0 : i32
      %dma_wait3A_98 = tpu.memref_slice %arg11[%run_scoped3A_65, %dma_wait3A_96, %dma_wait3A_97] : memref<2x128x64xf32, #tpu.memory_space<vmem>> -> memref<1x128x64xf32, #tpu.memory_space<vmem>>
      %dma_wait3A_99 = tpu.memref_squeeze %dma_wait3A_98 : memref<1x128x64xf32, #tpu.memory_space<vmem>> -> memref<128x64xf32, #tpu.memory_space<vmem>>
      tpu.wait_dma2 semaphore(%run_scoped3A_77 : memref<!tpu.dma_semaphore, #tpu.memory_space<semaphore_mem>>) src(%dma_wait3A_99 : memref<128x64xf32, #tpu.memory_space<vmem>>) dst(%dma_wait3A_95 : memref<128x64xf32, #tpu.memory_space<vmem_shared>>)
      tpu.yield
    }) : () -> ()
    %add3A_66 = arith.constant 512 : i32
    %add3A_67 = arith.addi %mul3A_53, %add3A_66 : i32
    %run_scoped3A_68 = arith.constant 0 : i32
    "tpu.region"() ({
      %run_scoped3A_77 = tpu.sem_alloc : memref<!tpu.dma_semaphore, #tpu.memory_space<semaphore_mem>>
      %dma_start3A = arith.constant 0 : i32
      %dma_start3A_78 = arith.constant 0 : i32
      %dma_start3A_79 = tpu.memref_slice %arg11[%run_scoped3A_68, %dma_start3A, %dma_start3A_78] : memref<2x128x64xf32, #tpu.memory_space<vmem>> -> memref<1x128x64xf32, #tpu.memory_space<vmem>>
      %dma_start3A_80 = tpu.memref_squeeze %dma_start3A_79 : memref<1x128x64xf32, #tpu.memory_space<vmem>> -> memref<128x64xf32, #tpu.memory_space<vmem>>
      %dma_start3A_81 = arith.constant 0 : i32
      %dma_start3A_82 = tpu.memref_slice %arg12[%add3A_67, %dma_start3A_81] : memref<10240x64xf32, #tpu.memory_space<vmem_shared>> -> memref<128x64xf32, #tpu.memory_space<vmem_shared>>
      %dma_start3A_83 = arith.constant 0 : i32
      %dma_start3A_84 = tpu.memref_slice %arg12[%add3A_67, %dma_start3A_83] : memref<10240x64xf32, #tpu.memory_space<vmem_shared>> -> memref<128x64xf32, #tpu.memory_space<vmem_shared>>
      %dma_start3A_85 = arith.constant 0 : i32
      %dma_start3A_86 = arith.constant 0 : i32
      %dma_start3A_87 = tpu.memref_slice %arg11[%run_scoped3A_68, %dma_start3A_85, %dma_start3A_86] : memref<2x128x64xf32, #tpu.memory_space<vmem>> -> memref<1x128x64xf32, #tpu.memory_space<vmem>>
      %dma_start3A_88 = tpu.memref_squeeze %dma_start3A_87 : memref<1x128x64xf32, #tpu.memory_space<vmem>> -> memref<128x64xf32, #tpu.memory_space<vmem>>
      tpu.enqueue_dma source(%dma_start3A_88 : memref<128x64xf32, #tpu.memory_space<vmem>>) target(%dma_start3A_84 : memref<128x64xf32, #tpu.memory_space<vmem_shared>>) target_semaphore(%run_scoped3A_77 : memref<!tpu.dma_semaphore, #tpu.memory_space<semaphore_mem>>)
      %dma_wait3A = arith.constant 0 : i32
      %dma_wait3A_89 = arith.constant 0 : i32
      %dma_wait3A_90 = tpu.memref_slice %arg11[%run_scoped3A_68, %dma_wait3A, %dma_wait3A_89] : memref<2x128x64xf32, #tpu.memory_space<vmem>> -> memref<1x128x64xf32, #tpu.memory_space<vmem>>
      %dma_wait3A_91 = tpu.memref_squeeze %dma_wait3A_90 : memref<1x128x64xf32, #tpu.memory_space<vmem>> -> memref<128x64xf32, #tpu.memory_space<vmem>>
      %dma_wait3A_92 = arith.constant 0 : i32
      %dma_wait3A_93 = tpu.memref_slice %arg12[%add3A_67, %dma_wait3A_92] : memref<10240x64xf32, #tpu.memory_space<vmem_shared>> -> memref<128x64xf32, #tpu.memory_space<vmem_shared>>
      %dma_wait3A_94 = arith.constant 0 : i32
      %dma_wait3A_95 = tpu.memref_slice %arg12[%add3A_67, %dma_wait3A_94] : memref<10240x64xf32, #tpu.memory_space<vmem_shared>> -> memref<128x64xf32, #tpu.memory_space<vmem_shared>>
      %dma_wait3A_96 = arith.constant 0 : i32
      %dma_wait3A_97 = arith.constant 0 : i32
      %dma_wait3A_98 = tpu.memref_slice %arg11[%run_scoped3A_68, %dma_wait3A_96, %dma_wait3A_97] : memref<2x128x64xf32, #tpu.memory_space<vmem>> -> memref<1x128x64xf32, #tpu.memory_space<vmem>>
      %dma_wait3A_99 = tpu.memref_squeeze %dma_wait3A_98 : memref<1x128x64xf32, #tpu.memory_space<vmem>> -> memref<128x64xf32, #tpu.memory_space<vmem>>
      tpu.wait_dma2 semaphore(%run_scoped3A_77 : memref<!tpu.dma_semaphore, #tpu.memory_space<semaphore_mem>>) src(%dma_wait3A_99 : memref<128x64xf32, #tpu.memory_space<vmem>>) dst(%dma_wait3A_95 : memref<128x64xf32, #tpu.memory_space<vmem_shared>>)
      tpu.yield
    }) : () -> ()
    %barrier3A_69 = arith.constant 0 : index
    tpu.barrier barrier_id(%barrier3A_69)
    %scan3A_70 = arith.constant 0 : i32
    %scan3A_71 = arith.constant 0 : i32
    %scan3A_72 = arith.constant 80 : i32
    %scan3A_73 = arith.addi %scan3A_71, %scan3A_72 : i32
    %scan3A_74 = arith.constant 1 : i32
    scf.for %scan3A_77 = %scan3A_71 to %scan3A_73 step %scan3A_74  : i32 {
      %dma_start3A = arith.constant 0 : i32
      %dma_start3A_78 = arith.constant 0 : i32
      %dma_start3A_79 = arith.constant 0 : i32
      %dma_start3A_80 = tpu.memref_slice %arg5[%arg1, %dma_start3A, %dma_start3A_78, %dma_start3A_79] : memref<16x80x128x16xf32, #tpu.memory_space<hbm>> -> memref<1x80x128x16xf32, #tpu.memory_space<hbm>>
      %dma_start3A_81 = tpu.memref_squeeze %dma_start3A_80 : memref<1x80x128x16xf32, #tpu.memory_space<hbm>> -> memref<80x128x16xf32, #tpu.memory_space<hbm>>
      %dma_start3A_82 = arith.constant 0 : i32
      %dma_start3A_83 = arith.constant 0 : i32
      %dma_start3A_84 = tpu.memref_slice %dma_start3A_81[%scan3A_77, %dma_start3A_82, %dma_start3A_83] : memref<80x128x16xf32, #tpu.memory_space<hbm>> -> memref<1x128x16xf32, #tpu.memory_space<hbm>>
      %dma_start3A_85 = tpu.memref_squeeze %dma_start3A_84 : memref<1x128x16xf32, #tpu.memory_space<hbm>> -> memref<128x16xf32, #tpu.memory_space<hbm>>
      %dma_start3A_86 = arith.constant 0 : i32
      %dma_start3A_87 = arith.constant 0 : i32
      %dma_start3A_88 = arith.constant 0 : i32
      %dma_start3A_89 = tpu.memref_slice %arg5[%arg1, %dma_start3A_86, %dma_start3A_87, %dma_start3A_88] : memref<16x80x128x16xf32, #tpu.memory_space<hbm>> -> memref<1x80x128x16xf32, #tpu.memory_space<hbm>>
      %dma_start3A_90 = tpu.memref_squeeze %dma_start3A_89 : memref<1x80x128x16xf32, #tpu.memory_space<hbm>> -> memref<80x128x16xf32, #tpu.memory_space<hbm>>
      %dma_start3A_91 = arith.constant 0 : i32
      %dma_start3A_92 = arith.constant 0 : i32
      %dma_start3A_93 = tpu.memref_slice %dma_start3A_90[%scan3A_77, %dma_start3A_91, %dma_start3A_92] : memref<80x128x16xf32, #tpu.memory_space<hbm>> -> memref<1x128x16xf32, #tpu.memory_space<hbm>>
      %dma_start3A_94 = tpu.memref_squeeze %dma_start3A_93 : memref<1x128x16xf32, #tpu.memory_space<hbm>> -> memref<128x16xf32, #tpu.memory_space<hbm>>
      tpu.enqueue_dma source(%dma_start3A_94 : memref<128x16xf32, #tpu.memory_space<hbm>>) target(%arg9 : memref<128x16xf32, #tpu.memory_space<vmem>>) target_semaphore(%arg14 : memref<!tpu.dma_semaphore, #tpu.memory_space<semaphore_mem>>)
      %dma_start3A_95 = arith.constant 0 : i32
      %dma_start3A_96 = arith.constant 0 : i32
      %dma_start3A_97 = arith.constant 0 : i32
      %dma_start3A_98 = tpu.memref_slice %arg11[%dma_start3A_95, %dma_start3A_96, %dma_start3A_97] : memref<2x128x64xf32, #tpu.memory_space<vmem>> -> memref<1x128x64xf32, #tpu.memory_space<vmem>>
      %dma_start3A_99 = tpu.memref_squeeze %dma_start3A_98 : memref<1x128x64xf32, #tpu.memory_space<vmem>> -> memref<128x64xf32, #tpu.memory_space<vmem>>
      %dma_start3A_100 = arith.constant 0 : i32
      %dma_start3A_101 = tpu.memref_slice %arg10[%scan3A_77, %dma_start3A_100] : memref<80x128xi32, #tpu.memory_space<vmem>> -> memref<1x128xi32, #tpu.memory_space<vmem>>
      %dma_start3A_102 = tpu.memref_squeeze %dma_start3A_101 : memref<1x128xi32, #tpu.memory_space<vmem>> -> memref<128xi32, #tpu.memory_space<vmem>>
      %dma_start3A_103 = arith.constant 0 : i32
      %dma_start3A_104 = arith.constant 0 : i32
      %dma_start3A_105 = tpu.memref_slice %arg2[%dma_start3A_103, %dma_start3A_104] : memref<49152x64xf32, #tpu.memory_space<hbm>> -> memref<49152x64xf32, #tpu.memory_space<hbm>>
      tpu.enqueue_indirect_dma source(%dma_start3A_105 : memref<49152x64xf32, #tpu.memory_space<hbm>>) target(%dma_start3A_99 : memref<128x64xf32, #tpu.memory_space<vmem>>) offsets(%dma_start3A_102 : memref<128xi32, #tpu.memory_space<vmem>>) semaphore(%arg13 : memref<!tpu.dma_semaphore, #tpu.memory_space<semaphore_mem>>)
      %dma_wait3A = arith.constant 0 : i32
      %dma_wait3A_106 = arith.constant 0 : i32
      %dma_wait3A_107 = arith.constant 0 : i32
      %dma_wait3A_108 = tpu.memref_slice %arg5[%arg1, %dma_wait3A, %dma_wait3A_106, %dma_wait3A_107] : memref<16x80x128x16xf32, #tpu.memory_space<hbm>> -> memref<1x80x128x16xf32, #tpu.memory_space<hbm>>
      %dma_wait3A_109 = tpu.memref_squeeze %dma_wait3A_108 : memref<1x80x128x16xf32, #tpu.memory_space<hbm>> -> memref<80x128x16xf32, #tpu.memory_space<hbm>>
      %dma_wait3A_110 = arith.constant 0 : i32
      %dma_wait3A_111 = arith.constant 0 : i32
      %dma_wait3A_112 = tpu.memref_slice %dma_wait3A_109[%scan3A_77, %dma_wait3A_110, %dma_wait3A_111] : memref<80x128x16xf32, #tpu.memory_space<hbm>> -> memref<1x128x16xf32, #tpu.memory_space<hbm>>
      %dma_wait3A_113 = tpu.memref_squeeze %dma_wait3A_112 : memref<1x128x16xf32, #tpu.memory_space<hbm>> -> memref<128x16xf32, #tpu.memory_space<hbm>>
      %dma_wait3A_114 = arith.constant 0 : i32
      %dma_wait3A_115 = arith.constant 0 : i32
      %dma_wait3A_116 = arith.constant 0 : i32
      %dma_wait3A_117 = tpu.memref_slice %arg5[%arg1, %dma_wait3A_114, %dma_wait3A_115, %dma_wait3A_116] : memref<16x80x128x16xf32, #tpu.memory_space<hbm>> -> memref<1x80x128x16xf32, #tpu.memory_space<hbm>>
      %dma_wait3A_118 = tpu.memref_squeeze %dma_wait3A_117 : memref<1x80x128x16xf32, #tpu.memory_space<hbm>> -> memref<80x128x16xf32, #tpu.memory_space<hbm>>
      %dma_wait3A_119 = arith.constant 0 : i32
      %dma_wait3A_120 = arith.constant 0 : i32
      %dma_wait3A_121 = tpu.memref_slice %dma_wait3A_118[%scan3A_77, %dma_wait3A_119, %dma_wait3A_120] : memref<80x128x16xf32, #tpu.memory_space<hbm>> -> memref<1x128x16xf32, #tpu.memory_space<hbm>>
      %dma_wait3A_122 = tpu.memref_squeeze %dma_wait3A_121 : memref<1x128x16xf32, #tpu.memory_space<hbm>> -> memref<128x16xf32, #tpu.memory_space<hbm>>
      tpu.wait_dma2 semaphore(%arg14 : memref<!tpu.dma_semaphore, #tpu.memory_space<semaphore_mem>>) src(%dma_wait3A_122 : memref<128x16xf32, #tpu.memory_space<hbm>>) dst(%arg9 : memref<128x16xf32, #tpu.memory_space<vmem>>)
      %dma_wait3A_123 = arith.constant 0 : i32
      %dma_wait3A_124 = arith.constant 0 : i32
      %dma_wait3A_125 = arith.constant 0 : i32
      %dma_wait3A_126 = tpu.memref_slice %arg11[%dma_wait3A_123, %dma_wait3A_124, %dma_wait3A_125] : memref<2x128x64xf32, #tpu.memory_space<vmem>> -> memref<1x128x64xf32, #tpu.memory_space<vmem>>
      %dma_wait3A_127 = tpu.memref_squeeze %dma_wait3A_126 : memref<1x128x64xf32, #tpu.memory_space<vmem>> -> memref<128x64xf32, #tpu.memory_space<vmem>>
      %dma_wait3A_128 = arith.constant 0 : i32
      %dma_wait3A_129 = tpu.memref_slice %arg10[%scan3A_77, %dma_wait3A_128] : memref<80x128xi32, #tpu.memory_space<vmem>> -> memref<1x128xi32, #tpu.memory_space<vmem>>
      %dma_wait3A_130 = tpu.memref_squeeze %dma_wait3A_129 : memref<1x128xi32, #tpu.memory_space<vmem>> -> memref<128xi32, #tpu.memory_space<vmem>>
      %dma_wait3A_131 = arith.constant 0 : i32
      %dma_wait3A_132 = arith.constant 0 : i32
      %dma_wait3A_133 = tpu.memref_slice %arg2[%dma_wait3A_131, %dma_wait3A_132] : memref<49152x64xf32, #tpu.memory_space<hbm>> -> memref<49152x64xf32, #tpu.memory_space<hbm>>
      tpu.wait_indirect_dma semaphore(%arg13 : memref<!tpu.dma_semaphore, #tpu.memory_space<semaphore_mem>>) src(%dma_wait3A_133 : memref<49152x64xf32, #tpu.memory_space<hbm>>) dst(%dma_wait3A_127 : memref<128x64xf32, #tpu.memory_space<vmem>>)
      %scan3A_134 = arith.constant 0 : i32
      %scan3A_135 = arith.constant 0 : i32
      %scan3A_136 = arith.constant 128 : i32
      %scan3A_137 = arith.addi %scan3A_135, %scan3A_136 : i32
      %scan3A_138 = arith.constant 1 : i32
      scf.for %scan3A_141 = %scan3A_135 to %scan3A_137 step %scan3A_138  : i32 {
        %get3A = arith.index_cast %scan3A_141 : i32 to index
        %get3A_142 = arith.constant 0 : index
        %get3A_143 = tpu.vector_load %arg9[%get3A, %get3A_142] {strides = array<i32>} : memref<128x16xf32, #tpu.memory_space<vmem>>, vector<1x16xf32>,
        %get3A_144 = vector.shape_cast %get3A_143 : vector<1x16xf32> to vector<16xf32>
        %get3A_145 = arith.constant 0 : i32
        %get3A_146 = arith.index_cast %get3A_145 : i32 to index
        %get3A_147 = arith.index_cast %scan3A_141 : i32 to index
        %get3A_148 = arith.constant 0 : index
        %get3A_149 = tpu.vector_load %arg11[%get3A_146, %get3A_147, %get3A_148] {strides = array<i32>} : memref<2x128x64xf32, #tpu.memory_space<vmem>>, vector<1x1x16xf32>,
        %get3A_150 = vector.shape_cast %get3A_149 : vector<1x1x16xf32> to vector<16xf32>
        %mul3A_151 = arith.mulf %get3A_150, %get3A_144 : vector<16xf32>
        %swap3A = arith.constant 0 : i32
        %swap3A_152 = arith.index_cast %swap3A : i32 to index
        %swap3A_153 = arith.index_cast %scan3A_141 : i32 to index
        %swap3A_154 = arith.constant 0 : index
        %swap3A_155 = tpu.vector_load %arg11[%swap3A_152, %swap3A_153, %swap3A_154] {strides = array<i32>} : memref<2x128x64xf32, #tpu.memory_space<vmem>>, vector<1x1x16xf32>,
        %swap3A_156 = vector.shape_cast %swap3A_155 : vector<1x1x16xf32> to vector<16xf32>
        %swap3A_157 = vector.shape_cast %mul3A_151 : vector<16xf32> to vector<1x1x16xf32>
        tpu.vector_store %arg11[%swap3A_152, %swap3A_153, %swap3A_154], %swap3A_157 {strides = array<i32>} : memref<2x128x64xf32, #tpu.memory_space<vmem>>, vector<1x1x16xf32>,
        %get3A_158 = arith.constant 0 : i32
        %get3A_159 = arith.index_cast %get3A_158 : i32 to index
        %get3A_160 = arith.index_cast %scan3A_141 : i32 to index
        %get3A_161 = arith.constant 16 : index
        %get3A_162 = tpu.vector_load %arg11[%get3A_159, %get3A_160, %get3A_161] {strides = array<i32>} : memref<2x128x64xf32, #tpu.memory_space<vmem>>, vector<1x1x16xf32>,
        %get3A_163 = vector.shape_cast %get3A_162 : vector<1x1x16xf32> to vector<16xf32>
        %mul3A_164 = arith.mulf %get3A_163, %get3A_144 : vector<16xf32>
        %swap3A_165 = arith.constant 0 : i32
        %swap3A_166 = arith.index_cast %swap3A_165 : i32 to index
        %swap3A_167 = arith.index_cast %scan3A_141 : i32 to index
        %swap3A_168 = arith.constant 16 : index
        %swap3A_169 = tpu.vector_load %arg11[%swap3A_166, %swap3A_167, %swap3A_168] {strides = array<i32>} : memref<2x128x64xf32, #tpu.memory_space<vmem>>, vector<1x1x16xf32>,
        %swap3A_170 = vector.shape_cast %swap3A_169 : vector<1x1x16xf32> to vector<16xf32>
        %swap3A_171 = vector.shape_cast %mul3A_164 : vector<16xf32> to vector<1x1x16xf32>
        tpu.vector_store %arg11[%swap3A_166, %swap3A_167, %swap3A_168], %swap3A_171 {strides = array<i32>} : memref<2x128x64xf32, #tpu.memory_space<vmem>>, vector<1x1x16xf32>,
        %get3A_172 = arith.constant 0 : i32
        %get3A_173 = arith.index_cast %get3A_172 : i32 to index
        %get3A_174 = arith.index_cast %scan3A_141 : i32 to index
        %get3A_175 = arith.constant 32 : index
        %get3A_176 = tpu.vector_load %arg11[%get3A_173, %get3A_174, %get3A_175] {strides = array<i32>} : memref<2x128x64xf32, #tpu.memory_space<vmem>>, vector<1x1x16xf32>,
        %get3A_177 = vector.shape_cast %get3A_176 : vector<1x1x16xf32> to vector<16xf32>
        %mul3A_178 = arith.mulf %get3A_177, %get3A_144 : vector<16xf32>
        %swap3A_179 = arith.constant 0 : i32
        %swap3A_180 = arith.index_cast %swap3A_179 : i32 to index
        %swap3A_181 = arith.index_cast %scan3A_141 : i32 to index
        %swap3A_182 = arith.constant 32 : index
        %swap3A_183 = tpu.vector_load %arg11[%swap3A_180, %swap3A_181, %swap3A_182] {strides = array<i32>} : memref<2x128x64xf32, #tpu.memory_space<vmem>>, vector<1x1x16xf32>,
        %swap3A_184 = vector.shape_cast %swap3A_183 : vector<1x1x16xf32> to vector<16xf32>
        %swap3A_185 = vector.shape_cast %mul3A_178 : vector<16xf32> to vector<1x1x16xf32>
        tpu.vector_store %arg11[%swap3A_180, %swap3A_181, %swap3A_182], %swap3A_185 {strides = array<i32>} : memref<2x128x64xf32, #tpu.memory_space<vmem>>, vector<1x1x16xf32>,
        %get3A_186 = arith.constant 0 : i32
        %get3A_187 = arith.index_cast %get3A_186 : i32 to index
        %get3A_188 = arith.index_cast %scan3A_141 : i32 to index
        %get3A_189 = arith.constant 48 : index
        %get3A_190 = tpu.vector_load %arg11[%get3A_187, %get3A_188, %get3A_189] {strides = array<i32>} : memref<2x128x64xf32, #tpu.memory_space<vmem>>, vector<1x1x16xf32>,
        %get3A_191 = vector.shape_cast %get3A_190 : vector<1x1x16xf32> to vector<16xf32>
        %mul3A_192 = arith.mulf %get3A_191, %get3A_144 : vector<16xf32>
        %swap3A_193 = arith.constant 0 : i32
        %swap3A_194 = arith.index_cast %swap3A_193 : i32 to index
        %swap3A_195 = arith.index_cast %scan3A_141 : i32 to index
        %swap3A_196 = arith.constant 48 : index
        %swap3A_197 = tpu.vector_load %arg11[%swap3A_194, %swap3A_195, %swap3A_196] {strides = array<i32>} : memref<2x128x64xf32, #tpu.memory_space<vmem>>, vector<1x1x16xf32>,
        %swap3A_198 = vector.shape_cast %swap3A_197 : vector<1x1x16xf32> to vector<16xf32>
        %swap3A_199 = vector.shape_cast %mul3A_192 : vector<16xf32> to vector<1x1x16xf32>
        tpu.vector_store %arg11[%swap3A_194, %swap3A_195, %swap3A_196], %swap3A_199 {strides = array<i32>} : memref<2x128x64xf32, #tpu.memory_space<vmem>>, vector<1x1x16xf32>,
      }
      %scan3A_139 = arith.constant 128 : i32
      %run_scoped3A_140 = arith.constant 0 : i32
      "tpu.region"() ({
        %run_scoped3A_141 = tpu.sem_alloc : memref<!tpu.dma_semaphore, #tpu.memory_space<semaphore_mem>>
        %dma_start3A_142 = arith.constant 0 : i32
        %dma_start3A_143 = arith.constant 0 : i32
        %dma_start3A_144 = tpu.memref_slice %arg11[%run_scoped3A_140, %dma_start3A_142, %dma_start3A_143] : memref<2x128x64xf32, #tpu.memory_space<vmem>> -> memref<1x128x64xf32, #tpu.memory_space<vmem>>
        %dma_start3A_145 = tpu.memref_squeeze %dma_start3A_144 : memref<1x128x64xf32, #tpu.memory_space<vmem>> -> memref<128x64xf32, #tpu.memory_space<vmem>>
        %dma_start3A_146 = arith.constant 0 : i32
        %dma_start3A_147 = tpu.memref_slice %arg8[%scan3A_77, %dma_start3A_146] : memref<80x128xi32, #tpu.memory_space<vmem>> -> memref<1x128xi32, #tpu.memory_space<vmem>>
        %dma_start3A_148 = tpu.memref_squeeze %dma_start3A_147 : memref<1x128xi32, #tpu.memory_space<vmem>> -> memref<128xi32, #tpu.memory_space<vmem>>
        %dma_start3A_149 = arith.constant 0 : i32
        %dma_start3A_150 = arith.constant 0 : i32
        %dma_start3A_151 = tpu.memref_slice %arg12[%dma_start3A_149, %dma_start3A_150] : memref<10240x64xf32, #tpu.memory_space<vmem_shared>> -> memref<10240x64xf32, #tpu.memory_space<vmem_shared>>
        tpu.enqueue_indirect_dma source(%dma_start3A_145 : memref<128x64xf32, #tpu.memory_space<vmem>>) target(%dma_start3A_151 : memref<10240x64xf32, #tpu.memory_space<vmem_shared>>) offsets(%dma_start3A_148 : memref<128xi32, #tpu.memory_space<vmem>>) semaphore(%run_scoped3A_141 : memref<!tpu.dma_semaphore, #tpu.memory_space<semaphore_mem>>) {add = true}
        %dma_wait3A_152 = arith.constant 0 : i32
        %dma_wait3A_153 = arith.constant 0 : i32
        %dma_wait3A_154 = tpu.memref_slice %arg11[%run_scoped3A_140, %dma_wait3A_152, %dma_wait3A_153] : memref<2x128x64xf32, #tpu.memory_space<vmem>> -> memref<1x128x64xf32, #tpu.memory_space<vmem>>
        %dma_wait3A_155 = tpu.memref_squeeze %dma_wait3A_154 : memref<1x128x64xf32, #tpu.memory_space<vmem>> -> memref<128x64xf32, #tpu.memory_space<vmem>>
        %dma_wait3A_156 = arith.constant 0 : i32
        %dma_wait3A_157 = tpu.memref_slice %arg8[%scan3A_77, %dma_wait3A_156] : memref<80x128xi32, #tpu.memory_space<vmem>> -> memref<1x128xi32, #tpu.memory_space<vmem>>
        %dma_wait3A_158 = tpu.memref_squeeze %dma_wait3A_157 : memref<1x128xi32, #tpu.memory_space<vmem>> -> memref<128xi32, #tpu.memory_space<vmem>>
        %dma_wait3A_159 = arith.constant 0 : i32
        %dma_wait3A_160 = arith.constant 0 : i32
        %dma_wait3A_161 = tpu.memref_slice %arg12[%dma_wait3A_159, %dma_wait3A_160] : memref<10240x64xf32, #tpu.memory_space<vmem_shared>> -> memref<10240x64xf32, #tpu.memory_space<vmem_shared>>
        tpu.wait_indirect_dma semaphore(%run_scoped3A_141 : memref<!tpu.dma_semaphore, #tpu.memory_space<semaphore_mem>>) src(%dma_wait3A_155 : memref<128x64xf32, #tpu.memory_space<vmem>>) dst(%dma_wait3A_161 : memref<10240x64xf32, #tpu.memory_space<vmem_shared>>)
        tpu.yield
      }) : () -> ()
    }
    %scan3A_75 = arith.constant 80 : i32
    %barrier3A_76 = arith.constant 0 : index
    tpu.barrier barrier_id(%barrier3A_76)
    "tpu.region"() ({
      %run_scoped3A_77 = tpu.sem_alloc : memref<!tpu.dma_semaphore, #tpu.memory_space<semaphore_mem>>
      %dma_start3A = arith.constant 0 : i32
      %dma_start3A_78 = arith.constant 0 : i32
      %dma_start3A_79 = tpu.memref_slice %arg6[%add3A_37, %dma_start3A, %dma_start3A_78] : memref<4x10240x64xf32, #tpu.memory_space<hbm>> -> memref<1x10240x64xf32, #tpu.memory_space<hbm>>
      %dma_start3A_80 = tpu.memref_squeeze %dma_start3A_79 : memref<1x10240x64xf32, #tpu.memory_space<hbm>> -> memref<10240x64xf32, #tpu.memory_space<hbm>>
      %dma_start3A_81 = arith.constant 0 : i32
      %dma_start3A_82 = tpu.memref_slice %dma_start3A_80[%mul3A_53, %dma_start3A_81] : memref<10240x64xf32, #tpu.memory_space<hbm>> -> memref<640x64xf32, #tpu.memory_space<hbm>>
      %dma_start3A_83 = arith.constant 0 : i32
      %dma_start3A_84 = tpu.memref_slice %arg12[%mul3A_53, %dma_start3A_83] : memref<10240x64xf32, #tpu.memory_space<vmem_shared>> -> memref<640x64xf32, #tpu.memory_space<vmem_shared>>
      tpu.enqueue_dma source(%dma_start3A_84 : memref<640x64xf32, #tpu.memory_space<vmem_shared>>) target(%dma_start3A_82 : memref<640x64xf32, #tpu.memory_space<hbm>>) target_semaphore(%run_scoped3A_77 : memref<!tpu.dma_semaphore, #tpu.memory_space<semaphore_mem>>)
      %dma_wait3A = arith.constant 0 : i32
      %dma_wait3A_85 = arith.constant 0 : i32
      %dma_wait3A_86 = tpu.memref_slice %arg6[%add3A_37, %dma_wait3A, %dma_wait3A_85] : memref<4x10240x64xf32, #tpu.memory_space<hbm>> -> memref<1x10240x64xf32, #tpu.memory_space<hbm>>
      %dma_wait3A_87 = tpu.memref_squeeze %dma_wait3A_86 : memref<1x10240x64xf32, #tpu.memory_space<hbm>> -> memref<10240x64xf32, #tpu.memory_space<hbm>>
      %dma_wait3A_88 = arith.constant 0 : i32
      %dma_wait3A_89 = tpu.memref_slice %dma_wait3A_87[%mul3A_53, %dma_wait3A_88] : memref<10240x64xf32, #tpu.memory_space<hbm>> -> memref<640x64xf32, #tpu.memory_space<hbm>>
      %dma_wait3A_90 = arith.constant 0 : i32
      %dma_wait3A_91 = tpu.memref_slice %arg12[%mul3A_53, %dma_wait3A_90] : memref<10240x64xf32, #tpu.memory_space<vmem_shared>> -> memref<640x64xf32, #tpu.memory_space<vmem_shared>>
      tpu.wait_dma2 semaphore(%run_scoped3A_77 : memref<!tpu.dma_semaphore, #tpu.memory_space<semaphore_mem>>) src(%dma_wait3A_91 : memref<640x64xf32, #tpu.memory_space<vmem_shared>>) dst(%dma_wait3A_89 : memref<640x64xf32, #tpu.memory_space<hbm>>)
      tpu.yield
    }) : () -> ()
    return
  }
}

#map = affine_map<(d0, d1) -> (0, 0)>
#map1 = affine_map<(d0, d1) -> (0, 0, 0)>
#map2 = affine_map<(d0, d1) -> (0, 0, 0, 0)>
module attributes {stable_mosaic.version = 14 : i64} {
  func.func @spmm(%arg0: i32, %arg1: i32, %arg2: memref<80000x64xf32, #tpu.memory_space<hbm>>, %arg3: memref<16x80x128xi32, #tpu.memory_space<hbm>>, %arg4: memref<16x80x128xi32, #tpu.memory_space<hbm>>, %arg5: memref<16x80x128x16xf32, #tpu.memory_space<hbm>>, %arg6: memref<8x10240x64xf32, #tpu.memory_space<hbm>>, %arg7: memref<80x128xi32, #tpu.memory_space<vmem>>, %arg8: memref<80x128xi32, #tpu.memory_space<vmem>>, %arg9: memref<128x16xf32, #tpu.memory_space<vmem>>, %arg10: memref<80x128xi32, #tpu.memory_space<vmem>>, %arg11: memref<2x128x64xf32, #tpu.memory_space<vmem>>, %arg12: memref<10240x64xf32, #tpu.memory_space<vmem_shared>>, %arg13: memref<!tpu.dma_semaphore, #tpu.memory_space<semaphore_mem>>, %arg14: memref<!tpu.dma_semaphore, #tpu.memory_space<semaphore_mem>>) attributes {dimension_semantics = [#tpu.dimension_semantics<core_parallel>, #tpu.dimension_semantics<subcore_parallel>], iteration_bounds = array<i64: 2, 16>, scalar_prefetch = 0 : i64, scratch_operands = 8 : i64, tpu.core_type = #tpu.core_type<sc_vector_subcore>, window_params = [{transform_indices = #map}, {transform_indices = #map1}, {transform_indices = #map1}, {transform_indices = #map2}, {transform_indices = #map1}]} {
    "tpu.region"() ({
      %run_scoped3A_159 = tpu.sem_alloc : memref<!tpu.dma_semaphore, #tpu.memory_space<semaphore_mem>>
      %dma_start3A = arith.constant 0 : i32
      %dma_start3A_160 = arith.constant 0 : i32
      %dma_start3A_161 = tpu.memref_slice %arg3[%arg1, %dma_start3A, %dma_start3A_160] : memref<16x80x128xi32, #tpu.memory_space<hbm>> -> memref<1x80x128xi32, #tpu.memory_space<hbm>>
      %dma_start3A_162 = tpu.memref_squeeze %dma_start3A_161 : memref<1x80x128xi32, #tpu.memory_space<hbm>> -> memref<80x128xi32, #tpu.memory_space<hbm>>
      %dma_start3A_163 = arith.constant 0 : i32
      %dma_start3A_164 = arith.constant 0 : i32
      %dma_start3A_165 = tpu.memref_slice %arg3[%arg1, %dma_start3A_163, %dma_start3A_164] : memref<16x80x128xi32, #tpu.memory_space<hbm>> -> memref<1x80x128xi32, #tpu.memory_space<hbm>>
      %dma_start3A_166 = tpu.memref_squeeze %dma_start3A_165 : memref<1x80x128xi32, #tpu.memory_space<hbm>> -> memref<80x128xi32, #tpu.memory_space<hbm>>
      tpu.enqueue_dma source(%dma_start3A_166 : memref<80x128xi32, #tpu.memory_space<hbm>>) target(%arg7 : memref<80x128xi32, #tpu.memory_space<vmem>>) target_semaphore(%run_scoped3A_159 : memref<!tpu.dma_semaphore, #tpu.memory_space<semaphore_mem>>)
      %dma_wait3A = arith.constant 0 : i32
      %dma_wait3A_167 = arith.constant 0 : i32
      %dma_wait3A_168 = tpu.memref_slice %arg3[%arg1, %dma_wait3A, %dma_wait3A_167] : memref<16x80x128xi32, #tpu.memory_space<hbm>> -> memref<1x80x128xi32, #tpu.memory_space<hbm>>
      %dma_wait3A_169 = tpu.memref_squeeze %dma_wait3A_168 : memref<1x80x128xi32, #tpu.memory_space<hbm>> -> memref<80x128xi32, #tpu.memory_space<hbm>>
      %dma_wait3A_170 = arith.constant 0 : i32
      %dma_wait3A_171 = arith.constant 0 : i32
      %dma_wait3A_172 = tpu.memref_slice %arg3[%arg1, %dma_wait3A_170, %dma_wait3A_171] : memref<16x80x128xi32, #tpu.memory_space<hbm>> -> memref<1x80x128xi32, #tpu.memory_space<hbm>>
      %dma_wait3A_173 = tpu.memref_squeeze %dma_wait3A_172 : memref<1x80x128xi32, #tpu.memory_space<hbm>> -> memref<80x128xi32, #tpu.memory_space<hbm>>
      tpu.wait_dma2 semaphore(%run_scoped3A_159 : memref<!tpu.dma_semaphore, #tpu.memory_space<semaphore_mem>>) src(%dma_wait3A_173 : memref<80x128xi32, #tpu.memory_space<hbm>>) dst(%arg7 : memref<80x128xi32, #tpu.memory_space<vmem>>)
      tpu.yield
    }) : () -> ()
    "tpu.region"() ({
      %run_scoped3A_159 = tpu.sem_alloc : memref<!tpu.dma_semaphore, #tpu.memory_space<semaphore_mem>>
      %dma_start3A = arith.constant 0 : i32
      %dma_start3A_160 = arith.constant 0 : i32
      %dma_start3A_161 = tpu.memref_slice %arg4[%arg1, %dma_start3A, %dma_start3A_160] : memref<16x80x128xi32, #tpu.memory_space<hbm>> -> memref<1x80x128xi32, #tpu.memory_space<hbm>>
      %dma_start3A_162 = tpu.memref_squeeze %dma_start3A_161 : memref<1x80x128xi32, #tpu.memory_space<hbm>> -> memref<80x128xi32, #tpu.memory_space<hbm>>
      %dma_start3A_163 = arith.constant 0 : i32
      %dma_start3A_164 = arith.constant 0 : i32
      %dma_start3A_165 = tpu.memref_slice %arg4[%arg1, %dma_start3A_163, %dma_start3A_164] : memref<16x80x128xi32, #tpu.memory_space<hbm>> -> memref<1x80x128xi32, #tpu.memory_space<hbm>>
      %dma_start3A_166 = tpu.memref_squeeze %dma_start3A_165 : memref<1x80x128xi32, #tpu.memory_space<hbm>> -> memref<80x128xi32, #tpu.memory_space<hbm>>
      tpu.enqueue_dma source(%dma_start3A_166 : memref<80x128xi32, #tpu.memory_space<hbm>>) target(%arg8 : memref<80x128xi32, #tpu.memory_space<vmem>>) target_semaphore(%run_scoped3A_159 : memref<!tpu.dma_semaphore, #tpu.memory_space<semaphore_mem>>)
      %dma_wait3A = arith.constant 0 : i32
      %dma_wait3A_167 = arith.constant 0 : i32
      %dma_wait3A_168 = tpu.memref_slice %arg4[%arg1, %dma_wait3A, %dma_wait3A_167] : memref<16x80x128xi32, #tpu.memory_space<hbm>> -> memref<1x80x128xi32, #tpu.memory_space<hbm>>
      %dma_wait3A_169 = tpu.memref_squeeze %dma_wait3A_168 : memref<1x80x128xi32, #tpu.memory_space<hbm>> -> memref<80x128xi32, #tpu.memory_space<hbm>>
      %dma_wait3A_170 = arith.constant 0 : i32
      %dma_wait3A_171 = arith.constant 0 : i32
      %dma_wait3A_172 = tpu.memref_slice %arg4[%arg1, %dma_wait3A_170, %dma_wait3A_171] : memref<16x80x128xi32, #tpu.memory_space<hbm>> -> memref<1x80x128xi32, #tpu.memory_space<hbm>>
      %dma_wait3A_173 = tpu.memref_squeeze %dma_wait3A_172 : memref<1x80x128xi32, #tpu.memory_space<hbm>> -> memref<80x128xi32, #tpu.memory_space<hbm>>
      tpu.wait_dma2 semaphore(%run_scoped3A_159 : memref<!tpu.dma_semaphore, #tpu.memory_space<semaphore_mem>>) src(%dma_wait3A_173 : memref<80x128xi32, #tpu.memory_space<hbm>>) dst(%arg8 : memref<80x128xi32, #tpu.memory_space<vmem>>)
      tpu.yield
    }) : () -> ()
    %add3A = arith.constant 0 : i32
    %add3A_0 = arith.addi %add3A, %arg0 : i32
    %add3A_1 = arith.constant 0 : i32
    %add3A_2 = arith.addi %add3A_1, %arg0 : i32
    %scan3A = arith.constant 0 : i32
    %scan3A_3 = arith.constant 0 : i32
    %scan3A_4 = arith.constant 80 : i32
    %scan3A_5 = arith.addi %scan3A_3, %scan3A_4 : i32
    %scan3A_6 = arith.constant 1 : i32
    scf.for %scan3A_159 = %scan3A_3 to %scan3A_5 step %scan3A_6  : i32 {
      %get3A = arith.index_cast %scan3A_159 : i32 to index
      %get3A_160 = arith.constant 0 : index
      %get3A_161 = tpu.vector_load %arg7[%get3A, %get3A_160] {strides = array<i32>} : memref<80x128xi32, #tpu.memory_space<vmem>>, vector<1x16xi32>,
      %get3A_162 = vector.shape_cast %get3A_161 : vector<1x16xi32> to vector<16xi32>
      %mul3A_163 = arith.constant 2 : i32
      %mul3A_164 = vector.broadcast %mul3A_163 : i32 to vector<16xi32>
      %mul3A_165 = arith.muli %get3A_162, %mul3A_164 : vector<16xi32>
      %add3A_166 = vector.broadcast %add3A_2 : i32 to vector<16xi32>
      %add3A_167 = arith.addi %mul3A_165, %add3A_166 : vector<16xi32>
      %swap3A = arith.index_cast %scan3A_159 : i32 to index
      %swap3A_168 = arith.constant 0 : index
      %swap3A_169 = tpu.vector_load %arg10[%swap3A, %swap3A_168] {strides = array<i32>} : memref<80x128xi32, #tpu.memory_space<vmem>>, vector<1x16xi32>,
      %swap3A_170 = vector.shape_cast %swap3A_169 : vector<1x16xi32> to vector<16xi32>
      %swap3A_171 = vector.shape_cast %add3A_167 : vector<16xi32> to vector<1x16xi32>
      tpu.vector_store %arg10[%swap3A, %swap3A_168], %swap3A_171 {strides = array<i32>} : memref<80x128xi32, #tpu.memory_space<vmem>>, vector<1x16xi32>,
      %get3A_172 = arith.index_cast %scan3A_159 : i32 to index
      %get3A_173 = arith.constant 16 : index
      %get3A_174 = tpu.vector_load %arg7[%get3A_172, %get3A_173] {strides = array<i32>} : memref<80x128xi32, #tpu.memory_space<vmem>>, vector<1x16xi32>,
      %get3A_175 = vector.shape_cast %get3A_174 : vector<1x16xi32> to vector<16xi32>
      %mul3A_176 = arith.constant 2 : i32
      %mul3A_177 = vector.broadcast %mul3A_176 : i32 to vector<16xi32>
      %mul3A_178 = arith.muli %get3A_175, %mul3A_177 : vector<16xi32>
      %add3A_179 = vector.broadcast %add3A_2 : i32 to vector<16xi32>
      %add3A_180 = arith.addi %mul3A_178, %add3A_179 : vector<16xi32>
      %swap3A_181 = arith.index_cast %scan3A_159 : i32 to index
      %swap3A_182 = arith.constant 16 : index
      %swap3A_183 = tpu.vector_load %arg10[%swap3A_181, %swap3A_182] {strides = array<i32>} : memref<80x128xi32, #tpu.memory_space<vmem>>, vector<1x16xi32>,
      %swap3A_184 = vector.shape_cast %swap3A_183 : vector<1x16xi32> to vector<16xi32>
      %swap3A_185 = vector.shape_cast %add3A_180 : vector<16xi32> to vector<1x16xi32>
      tpu.vector_store %arg10[%swap3A_181, %swap3A_182], %swap3A_185 {strides = array<i32>} : memref<80x128xi32, #tpu.memory_space<vmem>>, vector<1x16xi32>,
      %get3A_186 = arith.index_cast %scan3A_159 : i32 to index
      %get3A_187 = arith.constant 32 : index
      %get3A_188 = tpu.vector_load %arg7[%get3A_186, %get3A_187] {strides = array<i32>} : memref<80x128xi32, #tpu.memory_space<vmem>>, vector<1x16xi32>,
      %get3A_189 = vector.shape_cast %get3A_188 : vector<1x16xi32> to vector<16xi32>
      %mul3A_190 = arith.constant 2 : i32
      %mul3A_191 = vector.broadcast %mul3A_190 : i32 to vector<16xi32>
      %mul3A_192 = arith.muli %get3A_189, %mul3A_191 : vector<16xi32>
      %add3A_193 = vector.broadcast %add3A_2 : i32 to vector<16xi32>
      %add3A_194 = arith.addi %mul3A_192, %add3A_193 : vector<16xi32>
      %swap3A_195 = arith.index_cast %scan3A_159 : i32 to index
      %swap3A_196 = arith.constant 32 : index
      %swap3A_197 = tpu.vector_load %arg10[%swap3A_195, %swap3A_196] {strides = array<i32>} : memref<80x128xi32, #tpu.memory_space<vmem>>, vector<1x16xi32>,
      %swap3A_198 = vector.shape_cast %swap3A_197 : vector<1x16xi32> to vector<16xi32>
      %swap3A_199 = vector.shape_cast %add3A_194 : vector<16xi32> to vector<1x16xi32>
      tpu.vector_store %arg10[%swap3A_195, %swap3A_196], %swap3A_199 {strides = array<i32>} : memref<80x128xi32, #tpu.memory_space<vmem>>, vector<1x16xi32>,
      %get3A_200 = arith.index_cast %scan3A_159 : i32 to index
      %get3A_201 = arith.constant 48 : index
      %get3A_202 = tpu.vector_load %arg7[%get3A_200, %get3A_201] {strides = array<i32>} : memref<80x128xi32, #tpu.memory_space<vmem>>, vector<1x16xi32>,
      %get3A_203 = vector.shape_cast %get3A_202 : vector<1x16xi32> to vector<16xi32>
      %mul3A_204 = arith.constant 2 : i32
      %mul3A_205 = vector.broadcast %mul3A_204 : i32 to vector<16xi32>
      %mul3A_206 = arith.muli %get3A_203, %mul3A_205 : vector<16xi32>
      %add3A_207 = vector.broadcast %add3A_2 : i32 to vector<16xi32>
      %add3A_208 = arith.addi %mul3A_206, %add3A_207 : vector<16xi32>
      %swap3A_209 = arith.index_cast %scan3A_159 : i32 to index
      %swap3A_210 = arith.constant 48 : index
      %swap3A_211 = tpu.vector_load %arg10[%swap3A_209, %swap3A_210] {strides = array<i32>} : memref<80x128xi32, #tpu.memory_space<vmem>>, vector<1x16xi32>,
      %swap3A_212 = vector.shape_cast %swap3A_211 : vector<1x16xi32> to vector<16xi32>
      %swap3A_213 = vector.shape_cast %add3A_208 : vector<16xi32> to vector<1x16xi32>
      tpu.vector_store %arg10[%swap3A_209, %swap3A_210], %swap3A_213 {strides = array<i32>} : memref<80x128xi32, #tpu.memory_space<vmem>>, vector<1x16xi32>,
      %get3A_214 = arith.index_cast %scan3A_159 : i32 to index
      %get3A_215 = arith.constant 64 : index
      %get3A_216 = tpu.vector_load %arg7[%get3A_214, %get3A_215] {strides = array<i32>} : memref<80x128xi32, #tpu.memory_space<vmem>>, vector<1x16xi32>,
      %get3A_217 = vector.shape_cast %get3A_216 : vector<1x16xi32> to vector<16xi32>
      %mul3A_218 = arith.constant 2 : i32
      %mul3A_219 = vector.broadcast %mul3A_218 : i32 to vector<16xi32>
      %mul3A_220 = arith.muli %get3A_217, %mul3A_219 : vector<16xi32>
      %add3A_221 = vector.broadcast %add3A_2 : i32 to vector<16xi32>
      %add3A_222 = arith.addi %mul3A_220, %add3A_221 : vector<16xi32>
      %swap3A_223 = arith.index_cast %scan3A_159 : i32 to index
      %swap3A_224 = arith.constant 64 : index
      %swap3A_225 = tpu.vector_load %arg10[%swap3A_223, %swap3A_224] {strides = array<i32>} : memref<80x128xi32, #tpu.memory_space<vmem>>, vector<1x16xi32>,
      %swap3A_226 = vector.shape_cast %swap3A_225 : vector<1x16xi32> to vector<16xi32>
      %swap3A_227 = vector.shape_cast %add3A_222 : vector<16xi32> to vector<1x16xi32>
      tpu.vector_store %arg10[%swap3A_223, %swap3A_224], %swap3A_227 {strides = array<i32>} : memref<80x128xi32, #tpu.memory_space<vmem>>, vector<1x16xi32>,
      %get3A_228 = arith.index_cast %scan3A_159 : i32 to index
      %get3A_229 = arith.constant 80 : index
      %get3A_230 = tpu.vector_load %arg7[%get3A_228, %get3A_229] {strides = array<i32>} : memref<80x128xi32, #tpu.memory_space<vmem>>, vector<1x16xi32>,
      %get3A_231 = vector.shape_cast %get3A_230 : vector<1x16xi32> to vector<16xi32>
      %mul3A_232 = arith.constant 2 : i32
      %mul3A_233 = vector.broadcast %mul3A_232 : i32 to vector<16xi32>
      %mul3A_234 = arith.muli %get3A_231, %mul3A_233 : vector<16xi32>
      %add3A_235 = vector.broadcast %add3A_2 : i32 to vector<16xi32>
      %add3A_236 = arith.addi %mul3A_234, %add3A_235 : vector<16xi32>
      %swap3A_237 = arith.index_cast %scan3A_159 : i32 to index
      %swap3A_238 = arith.constant 80 : index
      %swap3A_239 = tpu.vector_load %arg10[%swap3A_237, %swap3A_238] {strides = array<i32>} : memref<80x128xi32, #tpu.memory_space<vmem>>, vector<1x16xi32>,
      %swap3A_240 = vector.shape_cast %swap3A_239 : vector<1x16xi32> to vector<16xi32>
      %swap3A_241 = vector.shape_cast %add3A_236 : vector<16xi32> to vector<1x16xi32>
      tpu.vector_store %arg10[%swap3A_237, %swap3A_238], %swap3A_241 {strides = array<i32>} : memref<80x128xi32, #tpu.memory_space<vmem>>, vector<1x16xi32>,
      %get3A_242 = arith.index_cast %scan3A_159 : i32 to index
      %get3A_243 = arith.constant 96 : index
      %get3A_244 = tpu.vector_load %arg7[%get3A_242, %get3A_243] {strides = array<i32>} : memref<80x128xi32, #tpu.memory_space<vmem>>, vector<1x16xi32>,
      %get3A_245 = vector.shape_cast %get3A_244 : vector<1x16xi32> to vector<16xi32>
      %mul3A_246 = arith.constant 2 : i32
      %mul3A_247 = vector.broadcast %mul3A_246 : i32 to vector<16xi32>
      %mul3A_248 = arith.muli %get3A_245, %mul3A_247 : vector<16xi32>
      %add3A_249 = vector.broadcast %add3A_2 : i32 to vector<16xi32>
      %add3A_250 = arith.addi %mul3A_248, %add3A_249 : vector<16xi32>
      %swap3A_251 = arith.index_cast %scan3A_159 : i32 to index
      %swap3A_252 = arith.constant 96 : index
      %swap3A_253 = tpu.vector_load %arg10[%swap3A_251, %swap3A_252] {strides = array<i32>} : memref<80x128xi32, #tpu.memory_space<vmem>>, vector<1x16xi32>,
      %swap3A_254 = vector.shape_cast %swap3A_253 : vector<1x16xi32> to vector<16xi32>
      %swap3A_255 = vector.shape_cast %add3A_250 : vector<16xi32> to vector<1x16xi32>
      tpu.vector_store %arg10[%swap3A_251, %swap3A_252], %swap3A_255 {strides = array<i32>} : memref<80x128xi32, #tpu.memory_space<vmem>>, vector<1x16xi32>,
      %get3A_256 = arith.index_cast %scan3A_159 : i32 to index
      %get3A_257 = arith.constant 112 : index
      %get3A_258 = tpu.vector_load %arg7[%get3A_256, %get3A_257] {strides = array<i32>} : memref<80x128xi32, #tpu.memory_space<vmem>>, vector<1x16xi32>,
      %get3A_259 = vector.shape_cast %get3A_258 : vector<1x16xi32> to vector<16xi32>
      %mul3A_260 = arith.constant 2 : i32
      %mul3A_261 = vector.broadcast %mul3A_260 : i32 to vector<16xi32>
      %mul3A_262 = arith.muli %get3A_259, %mul3A_261 : vector<16xi32>
      %add3A_263 = vector.broadcast %add3A_2 : i32 to vector<16xi32>
      %add3A_264 = arith.addi %mul3A_262, %add3A_263 : vector<16xi32>
      %swap3A_265 = arith.index_cast %scan3A_159 : i32 to index
      %swap3A_266 = arith.constant 112 : index
      %swap3A_267 = tpu.vector_load %arg10[%swap3A_265, %swap3A_266] {strides = array<i32>} : memref<80x128xi32, #tpu.memory_space<vmem>>, vector<1x16xi32>,
      %swap3A_268 = vector.shape_cast %swap3A_267 : vector<1x16xi32> to vector<16xi32>
      %swap3A_269 = vector.shape_cast %add3A_264 : vector<16xi32> to vector<1x16xi32>
      tpu.vector_store %arg10[%swap3A_265, %swap3A_266], %swap3A_269 {strides = array<i32>} : memref<80x128xi32, #tpu.memory_space<vmem>>, vector<1x16xi32>,
    }
    %scan3A_7 = arith.constant 80 : i32
    %scan3A_8 = arith.constant 0 : i32
    %scan3A_9 = arith.constant 0 : i32
    %scan3A_10 = arith.constant 128 : i32
    %scan3A_11 = arith.addi %scan3A_9, %scan3A_10 : i32
    %scan3A_12 = arith.constant 1 : i32
    scf.for %scan3A_159 = %scan3A_9 to %scan3A_11 step %scan3A_12  : i32 {
      %broadcast_in_dim3A = arith.constant 0.000000e+00 : f32
      %broadcast_in_dim3A_160 = vector.broadcast %broadcast_in_dim3A : f32 to vector<16xf32>
      %swap3A = arith.constant 0 : i32
      %swap3A_161 = arith.index_cast %swap3A : i32 to index
      %swap3A_162 = arith.index_cast %scan3A_159 : i32 to index
      %swap3A_163 = arith.constant 0 : index
      %swap3A_164 = tpu.vector_load %arg11[%swap3A_161, %swap3A_162, %swap3A_163] {strides = array<i32>} : memref<2x128x64xf32, #tpu.memory_space<vmem>>, vector<1x1x16xf32>,
      %swap3A_165 = vector.shape_cast %swap3A_164 : vector<1x1x16xf32> to vector<16xf32>
      %swap3A_166 = vector.shape_cast %broadcast_in_dim3A_160 : vector<16xf32> to vector<1x1x16xf32>
      tpu.vector_store %arg11[%swap3A_161, %swap3A_162, %swap3A_163], %swap3A_166 {strides = array<i32>} : memref<2x128x64xf32, #tpu.memory_space<vmem>>, vector<1x1x16xf32>,
      %broadcast_in_dim3A_167 = arith.constant 0.000000e+00 : f32
      %broadcast_in_dim3A_168 = vector.broadcast %broadcast_in_dim3A_167 : f32 to vector<16xf32>
      %swap3A_169 = arith.constant 0 : i32
      %swap3A_170 = arith.index_cast %swap3A_169 : i32 to index
      %swap3A_171 = arith.index_cast %scan3A_159 : i32 to index
      %swap3A_172 = arith.constant 16 : index
      %swap3A_173 = tpu.vector_load %arg11[%swap3A_170, %swap3A_171, %swap3A_172] {strides = array<i32>} : memref<2x128x64xf32, #tpu.memory_space<vmem>>, vector<1x1x16xf32>,
      %swap3A_174 = vector.shape_cast %swap3A_173 : vector<1x1x16xf32> to vector<16xf32>
      %swap3A_175 = vector.shape_cast %broadcast_in_dim3A_168 : vector<16xf32> to vector<1x1x16xf32>
      tpu.vector_store %arg11[%swap3A_170, %swap3A_171, %swap3A_172], %swap3A_175 {strides = array<i32>} : memref<2x128x64xf32, #tpu.memory_space<vmem>>, vector<1x1x16xf32>,
      %broadcast_in_dim3A_176 = arith.constant 0.000000e+00 : f32
      %broadcast_in_dim3A_177 = vector.broadcast %broadcast_in_dim3A_176 : f32 to vector<16xf32>
      %swap3A_178 = arith.constant 0 : i32
      %swap3A_179 = arith.index_cast %swap3A_178 : i32 to index
      %swap3A_180 = arith.index_cast %scan3A_159 : i32 to index
      %swap3A_181 = arith.constant 32 : index
      %swap3A_182 = tpu.vector_load %arg11[%swap3A_179, %swap3A_180, %swap3A_181] {strides = array<i32>} : memref<2x128x64xf32, #tpu.memory_space<vmem>>, vector<1x1x16xf32>,
      %swap3A_183 = vector.shape_cast %swap3A_182 : vector<1x1x16xf32> to vector<16xf32>
      %swap3A_184 = vector.shape_cast %broadcast_in_dim3A_177 : vector<16xf32> to vector<1x1x16xf32>
      tpu.vector_store %arg11[%swap3A_179, %swap3A_180, %swap3A_181], %swap3A_184 {strides = array<i32>} : memref<2x128x64xf32, #tpu.memory_space<vmem>>, vector<1x1x16xf32>,
      %broadcast_in_dim3A_185 = arith.constant 0.000000e+00 : f32
      %broadcast_in_dim3A_186 = vector.broadcast %broadcast_in_dim3A_185 : f32 to vector<16xf32>
      %swap3A_187 = arith.constant 0 : i32
      %swap3A_188 = arith.index_cast %swap3A_187 : i32 to index
      %swap3A_189 = arith.index_cast %scan3A_159 : i32 to index
      %swap3A_190 = arith.constant 48 : index
      %swap3A_191 = tpu.vector_load %arg11[%swap3A_188, %swap3A_189, %swap3A_190] {strides = array<i32>} : memref<2x128x64xf32, #tpu.memory_space<vmem>>, vector<1x1x16xf32>,
      %swap3A_192 = vector.shape_cast %swap3A_191 : vector<1x1x16xf32> to vector<16xf32>
      %swap3A_193 = vector.shape_cast %broadcast_in_dim3A_186 : vector<16xf32> to vector<1x1x16xf32>
      tpu.vector_store %arg11[%swap3A_188, %swap3A_189, %swap3A_190], %swap3A_193 {strides = array<i32>} : memref<2x128x64xf32, #tpu.memory_space<vmem>>, vector<1x1x16xf32>,
    }
    %scan3A_13 = arith.constant 128 : i32
    %mul3A = arith.constant 640 : i32
    %mul3A_14 = arith.muli %arg1, %mul3A : i32
    %add3A_15 = arith.constant 0 : i32
    %add3A_16 = arith.addi %mul3A_14, %add3A_15 : i32
    %run_scoped3A = arith.constant 0 : i32
    "tpu.region"() ({
      %run_scoped3A_159 = tpu.sem_alloc : memref<!tpu.dma_semaphore, #tpu.memory_space<semaphore_mem>>
      %dma_start3A = arith.constant 0 : i32
      %dma_start3A_160 = arith.constant 0 : i32
      %dma_start3A_161 = tpu.memref_slice %arg11[%run_scoped3A, %dma_start3A, %dma_start3A_160] : memref<2x128x64xf32, #tpu.memory_space<vmem>> -> memref<1x128x64xf32, #tpu.memory_space<vmem>>
      %dma_start3A_162 = tpu.memref_squeeze %dma_start3A_161 : memref<1x128x64xf32, #tpu.memory_space<vmem>> -> memref<128x64xf32, #tpu.memory_space<vmem>>
      %dma_start3A_163 = arith.constant 0 : i32
      %dma_start3A_164 = tpu.memref_slice %arg12[%add3A_16, %dma_start3A_163] : memref<10240x64xf32, #tpu.memory_space<vmem_shared>> -> memref<128x64xf32, #tpu.memory_space<vmem_shared>>
      %dma_start3A_165 = arith.constant 0 : i32
      %dma_start3A_166 = tpu.memref_slice %arg12[%add3A_16, %dma_start3A_165] : memref<10240x64xf32, #tpu.memory_space<vmem_shared>> -> memref<128x64xf32, #tpu.memory_space<vmem_shared>>
      %dma_start3A_167 = arith.constant 0 : i32
      %dma_start3A_168 = arith.constant 0 : i32
      %dma_start3A_169 = tpu.memref_slice %arg11[%run_scoped3A, %dma_start3A_167, %dma_start3A_168] : memref<2x128x64xf32, #tpu.memory_space<vmem>> -> memref<1x128x64xf32, #tpu.memory_space<vmem>>
      %dma_start3A_170 = tpu.memref_squeeze %dma_start3A_169 : memref<1x128x64xf32, #tpu.memory_space<vmem>> -> memref<128x64xf32, #tpu.memory_space<vmem>>
      tpu.enqueue_dma source(%dma_start3A_170 : memref<128x64xf32, #tpu.memory_space<vmem>>) target(%dma_start3A_166 : memref<128x64xf32, #tpu.memory_space<vmem_shared>>) target_semaphore(%run_scoped3A_159 : memref<!tpu.dma_semaphore, #tpu.memory_space<semaphore_mem>>)
      %dma_wait3A = arith.constant 0 : i32
      %dma_wait3A_171 = arith.constant 0 : i32
      %dma_wait3A_172 = tpu.memref_slice %arg11[%run_scoped3A, %dma_wait3A, %dma_wait3A_171] : memref<2x128x64xf32, #tpu.memory_space<vmem>> -> memref<1x128x64xf32, #tpu.memory_space<vmem>>
      %dma_wait3A_173 = tpu.memref_squeeze %dma_wait3A_172 : memref<1x128x64xf32, #tpu.memory_space<vmem>> -> memref<128x64xf32, #tpu.memory_space<vmem>>
      %dma_wait3A_174 = arith.constant 0 : i32
      %dma_wait3A_175 = tpu.memref_slice %arg12[%add3A_16, %dma_wait3A_174] : memref<10240x64xf32, #tpu.memory_space<vmem_shared>> -> memref<128x64xf32, #tpu.memory_space<vmem_shared>>
      %dma_wait3A_176 = arith.constant 0 : i32
      %dma_wait3A_177 = tpu.memref_slice %arg12[%add3A_16, %dma_wait3A_176] : memref<10240x64xf32, #tpu.memory_space<vmem_shared>> -> memref<128x64xf32, #tpu.memory_space<vmem_shared>>
      %dma_wait3A_178 = arith.constant 0 : i32
      %dma_wait3A_179 = arith.constant 0 : i32
      %dma_wait3A_180 = tpu.memref_slice %arg11[%run_scoped3A, %dma_wait3A_178, %dma_wait3A_179] : memref<2x128x64xf32, #tpu.memory_space<vmem>> -> memref<1x128x64xf32, #tpu.memory_space<vmem>>
      %dma_wait3A_181 = tpu.memref_squeeze %dma_wait3A_180 : memref<1x128x64xf32, #tpu.memory_space<vmem>> -> memref<128x64xf32, #tpu.memory_space<vmem>>
      tpu.wait_dma2 semaphore(%run_scoped3A_159 : memref<!tpu.dma_semaphore, #tpu.memory_space<semaphore_mem>>) src(%dma_wait3A_181 : memref<128x64xf32, #tpu.memory_space<vmem>>) dst(%dma_wait3A_177 : memref<128x64xf32, #tpu.memory_space<vmem_shared>>)
      tpu.yield
    }) : () -> ()
    %add3A_17 = arith.constant 128 : i32
    %add3A_18 = arith.addi %mul3A_14, %add3A_17 : i32
    %run_scoped3A_19 = arith.constant 0 : i32
    "tpu.region"() ({
      %run_scoped3A_159 = tpu.sem_alloc : memref<!tpu.dma_semaphore, #tpu.memory_space<semaphore_mem>>
      %dma_start3A = arith.constant 0 : i32
      %dma_start3A_160 = arith.constant 0 : i32
      %dma_start3A_161 = tpu.memref_slice %arg11[%run_scoped3A_19, %dma_start3A, %dma_start3A_160] : memref<2x128x64xf32, #tpu.memory_space<vmem>> -> memref<1x128x64xf32, #tpu.memory_space<vmem>>
      %dma_start3A_162 = tpu.memref_squeeze %dma_start3A_161 : memref<1x128x64xf32, #tpu.memory_space<vmem>> -> memref<128x64xf32, #tpu.memory_space<vmem>>
      %dma_start3A_163 = arith.constant 0 : i32
      %dma_start3A_164 = tpu.memref_slice %arg12[%add3A_18, %dma_start3A_163] : memref<10240x64xf32, #tpu.memory_space<vmem_shared>> -> memref<128x64xf32, #tpu.memory_space<vmem_shared>>
      %dma_start3A_165 = arith.constant 0 : i32
      %dma_start3A_166 = tpu.memref_slice %arg12[%add3A_18, %dma_start3A_165] : memref<10240x64xf32, #tpu.memory_space<vmem_shared>> -> memref<128x64xf32, #tpu.memory_space<vmem_shared>>
      %dma_start3A_167 = arith.constant 0 : i32
      %dma_start3A_168 = arith.constant 0 : i32
      %dma_start3A_169 = tpu.memref_slice %arg11[%run_scoped3A_19, %dma_start3A_167, %dma_start3A_168] : memref<2x128x64xf32, #tpu.memory_space<vmem>> -> memref<1x128x64xf32, #tpu.memory_space<vmem>>
      %dma_start3A_170 = tpu.memref_squeeze %dma_start3A_169 : memref<1x128x64xf32, #tpu.memory_space<vmem>> -> memref<128x64xf32, #tpu.memory_space<vmem>>
      tpu.enqueue_dma source(%dma_start3A_170 : memref<128x64xf32, #tpu.memory_space<vmem>>) target(%dma_start3A_166 : memref<128x64xf32, #tpu.memory_space<vmem_shared>>) target_semaphore(%run_scoped3A_159 : memref<!tpu.dma_semaphore, #tpu.memory_space<semaphore_mem>>)
      %dma_wait3A = arith.constant 0 : i32
      %dma_wait3A_171 = arith.constant 0 : i32
      %dma_wait3A_172 = tpu.memref_slice %arg11[%run_scoped3A_19, %dma_wait3A, %dma_wait3A_171] : memref<2x128x64xf32, #tpu.memory_space<vmem>> -> memref<1x128x64xf32, #tpu.memory_space<vmem>>
      %dma_wait3A_173 = tpu.memref_squeeze %dma_wait3A_172 : memref<1x128x64xf32, #tpu.memory_space<vmem>> -> memref<128x64xf32, #tpu.memory_space<vmem>>
      %dma_wait3A_174 = arith.constant 0 : i32
      %dma_wait3A_175 = tpu.memref_slice %arg12[%add3A_18, %dma_wait3A_174] : memref<10240x64xf32, #tpu.memory_space<vmem_shared>> -> memref<128x64xf32, #tpu.memory_space<vmem_shared>>
      %dma_wait3A_176 = arith.constant 0 : i32
      %dma_wait3A_177 = tpu.memref_slice %arg12[%add3A_18, %dma_wait3A_176] : memref<10240x64xf32, #tpu.memory_space<vmem_shared>> -> memref<128x64xf32, #tpu.memory_space<vmem_shared>>
      %dma_wait3A_178 = arith.constant 0 : i32
      %dma_wait3A_179 = arith.constant 0 : i32
      %dma_wait3A_180 = tpu.memref_slice %arg11[%run_scoped3A_19, %dma_wait3A_178, %dma_wait3A_179] : memref<2x128x64xf32, #tpu.memory_space<vmem>> -> memref<1x128x64xf32, #tpu.memory_space<vmem>>
      %dma_wait3A_181 = tpu.memref_squeeze %dma_wait3A_180 : memref<1x128x64xf32, #tpu.memory_space<vmem>> -> memref<128x64xf32, #tpu.memory_space<vmem>>
      tpu.wait_dma2 semaphore(%run_scoped3A_159 : memref<!tpu.dma_semaphore, #tpu.memory_space<semaphore_mem>>) src(%dma_wait3A_181 : memref<128x64xf32, #tpu.memory_space<vmem>>) dst(%dma_wait3A_177 : memref<128x64xf32, #tpu.memory_space<vmem_shared>>)
      tpu.yield
    }) : () -> ()
    %add3A_20 = arith.constant 256 : i32
    %add3A_21 = arith.addi %mul3A_14, %add3A_20 : i32
    %run_scoped3A_22 = arith.constant 0 : i32
    "tpu.region"() ({
      %run_scoped3A_159 = tpu.sem_alloc : memref<!tpu.dma_semaphore, #tpu.memory_space<semaphore_mem>>
      %dma_start3A = arith.constant 0 : i32
      %dma_start3A_160 = arith.constant 0 : i32
      %dma_start3A_161 = tpu.memref_slice %arg11[%run_scoped3A_22, %dma_start3A, %dma_start3A_160] : memref<2x128x64xf32, #tpu.memory_space<vmem>> -> memref<1x128x64xf32, #tpu.memory_space<vmem>>
      %dma_start3A_162 = tpu.memref_squeeze %dma_start3A_161 : memref<1x128x64xf32, #tpu.memory_space<vmem>> -> memref<128x64xf32, #tpu.memory_space<vmem>>
      %dma_start3A_163 = arith.constant 0 : i32
      %dma_start3A_164 = tpu.memref_slice %arg12[%add3A_21, %dma_start3A_163] : memref<10240x64xf32, #tpu.memory_space<vmem_shared>> -> memref<128x64xf32, #tpu.memory_space<vmem_shared>>
      %dma_start3A_165 = arith.constant 0 : i32
      %dma_start3A_166 = tpu.memref_slice %arg12[%add3A_21, %dma_start3A_165] : memref<10240x64xf32, #tpu.memory_space<vmem_shared>> -> memref<128x64xf32, #tpu.memory_space<vmem_shared>>
      %dma_start3A_167 = arith.constant 0 : i32
      %dma_start3A_168 = arith.constant 0 : i32
      %dma_start3A_169 = tpu.memref_slice %arg11[%run_scoped3A_22, %dma_start3A_167, %dma_start3A_168] : memref<2x128x64xf32, #tpu.memory_space<vmem>> -> memref<1x128x64xf32, #tpu.memory_space<vmem>>
      %dma_start3A_170 = tpu.memref_squeeze %dma_start3A_169 : memref<1x128x64xf32, #tpu.memory_space<vmem>> -> memref<128x64xf32, #tpu.memory_space<vmem>>
      tpu.enqueue_dma source(%dma_start3A_170 : memref<128x64xf32, #tpu.memory_space<vmem>>) target(%dma_start3A_166 : memref<128x64xf32, #tpu.memory_space<vmem_shared>>) target_semaphore(%run_scoped3A_159 : memref<!tpu.dma_semaphore, #tpu.memory_space<semaphore_mem>>)
      %dma_wait3A = arith.constant 0 : i32
      %dma_wait3A_171 = arith.constant 0 : i32
      %dma_wait3A_172 = tpu.memref_slice %arg11[%run_scoped3A_22, %dma_wait3A, %dma_wait3A_171] : memref<2x128x64xf32, #tpu.memory_space<vmem>> -> memref<1x128x64xf32, #tpu.memory_space<vmem>>
      %dma_wait3A_173 = tpu.memref_squeeze %dma_wait3A_172 : memref<1x128x64xf32, #tpu.memory_space<vmem>> -> memref<128x64xf32, #tpu.memory_space<vmem>>
      %dma_wait3A_174 = arith.constant 0 : i32
      %dma_wait3A_175 = tpu.memref_slice %arg12[%add3A_21, %dma_wait3A_174] : memref<10240x64xf32, #tpu.memory_space<vmem_shared>> -> memref<128x64xf32, #tpu.memory_space<vmem_shared>>
      %dma_wait3A_176 = arith.constant 0 : i32
      %dma_wait3A_177 = tpu.memref_slice %arg12[%add3A_21, %dma_wait3A_176] : memref<10240x64xf32, #tpu.memory_space<vmem_shared>> -> memref<128x64xf32, #tpu.memory_space<vmem_shared>>
      %dma_wait3A_178 = arith.constant 0 : i32
      %dma_wait3A_179 = arith.constant 0 : i32
      %dma_wait3A_180 = tpu.memref_slice %arg11[%run_scoped3A_22, %dma_wait3A_178, %dma_wait3A_179] : memref<2x128x64xf32, #tpu.memory_space<vmem>> -> memref<1x128x64xf32, #tpu.memory_space<vmem>>
      %dma_wait3A_181 = tpu.memref_squeeze %dma_wait3A_180 : memref<1x128x64xf32, #tpu.memory_space<vmem>> -> memref<128x64xf32, #tpu.memory_space<vmem>>
      tpu.wait_dma2 semaphore(%run_scoped3A_159 : memref<!tpu.dma_semaphore, #tpu.memory_space<semaphore_mem>>) src(%dma_wait3A_181 : memref<128x64xf32, #tpu.memory_space<vmem>>) dst(%dma_wait3A_177 : memref<128x64xf32, #tpu.memory_space<vmem_shared>>)
      tpu.yield
    }) : () -> ()
    %add3A_23 = arith.constant 384 : i32
    %add3A_24 = arith.addi %mul3A_14, %add3A_23 : i32
    %run_scoped3A_25 = arith.constant 0 : i32
    "tpu.region"() ({
      %run_scoped3A_159 = tpu.sem_alloc : memref<!tpu.dma_semaphore, #tpu.memory_space<semaphore_mem>>
      %dma_start3A = arith.constant 0 : i32
      %dma_start3A_160 = arith.constant 0 : i32
      %dma_start3A_161 = tpu.memref_slice %arg11[%run_scoped3A_25, %dma_start3A, %dma_start3A_160] : memref<2x128x64xf32, #tpu.memory_space<vmem>> -> memref<1x128x64xf32, #tpu.memory_space<vmem>>
      %dma_start3A_162 = tpu.memref_squeeze %dma_start3A_161 : memref<1x128x64xf32, #tpu.memory_space<vmem>> -> memref<128x64xf32, #tpu.memory_space<vmem>>
      %dma_start3A_163 = arith.constant 0 : i32
      %dma_start3A_164 = tpu.memref_slice %arg12[%add3A_24, %dma_start3A_163] : memref<10240x64xf32, #tpu.memory_space<vmem_shared>> -> memref<128x64xf32, #tpu.memory_space<vmem_shared>>
      %dma_start3A_165 = arith.constant 0 : i32
      %dma_start3A_166 = tpu.memref_slice %arg12[%add3A_24, %dma_start3A_165] : memref<10240x64xf32, #tpu.memory_space<vmem_shared>> -> memref<128x64xf32, #tpu.memory_space<vmem_shared>>
      %dma_start3A_167 = arith.constant 0 : i32
      %dma_start3A_168 = arith.constant 0 : i32
      %dma_start3A_169 = tpu.memref_slice %arg11[%run_scoped3A_25, %dma_start3A_167, %dma_start3A_168] : memref<2x128x64xf32, #tpu.memory_space<vmem>> -> memref<1x128x64xf32, #tpu.memory_space<vmem>>
      %dma_start3A_170 = tpu.memref_squeeze %dma_start3A_169 : memref<1x128x64xf32, #tpu.memory_space<vmem>> -> memref<128x64xf32, #tpu.memory_space<vmem>>
      tpu.enqueue_dma source(%dma_start3A_170 : memref<128x64xf32, #tpu.memory_space<vmem>>) target(%dma_start3A_166 : memref<128x64xf32, #tpu.memory_space<vmem_shared>>) target_semaphore(%run_scoped3A_159 : memref<!tpu.dma_semaphore, #tpu.memory_space<semaphore_mem>>)
      %dma_wait3A = arith.constant 0 : i32
      %dma_wait3A_171 = arith.constant 0 : i32
      %dma_wait3A_172 = tpu.memref_slice %arg11[%run_scoped3A_25, %dma_wait3A, %dma_wait3A_171] : memref<2x128x64xf32, #tpu.memory_space<vmem>> -> memref<1x128x64xf32, #tpu.memory_space<vmem>>
      %dma_wait3A_173 = tpu.memref_squeeze %dma_wait3A_172 : memref<1x128x64xf32, #tpu.memory_space<vmem>> -> memref<128x64xf32, #tpu.memory_space<vmem>>
      %dma_wait3A_174 = arith.constant 0 : i32
      %dma_wait3A_175 = tpu.memref_slice %arg12[%add3A_24, %dma_wait3A_174] : memref<10240x64xf32, #tpu.memory_space<vmem_shared>> -> memref<128x64xf32, #tpu.memory_space<vmem_shared>>
      %dma_wait3A_176 = arith.constant 0 : i32
      %dma_wait3A_177 = tpu.memref_slice %arg12[%add3A_24, %dma_wait3A_176] : memref<10240x64xf32, #tpu.memory_space<vmem_shared>> -> memref<128x64xf32, #tpu.memory_space<vmem_shared>>
      %dma_wait3A_178 = arith.constant 0 : i32
      %dma_wait3A_179 = arith.constant 0 : i32
      %dma_wait3A_180 = tpu.memref_slice %arg11[%run_scoped3A_25, %dma_wait3A_178, %dma_wait3A_179] : memref<2x128x64xf32, #tpu.memory_space<vmem>> -> memref<1x128x64xf32, #tpu.memory_space<vmem>>
      %dma_wait3A_181 = tpu.memref_squeeze %dma_wait3A_180 : memref<1x128x64xf32, #tpu.memory_space<vmem>> -> memref<128x64xf32, #tpu.memory_space<vmem>>
      tpu.wait_dma2 semaphore(%run_scoped3A_159 : memref<!tpu.dma_semaphore, #tpu.memory_space<semaphore_mem>>) src(%dma_wait3A_181 : memref<128x64xf32, #tpu.memory_space<vmem>>) dst(%dma_wait3A_177 : memref<128x64xf32, #tpu.memory_space<vmem_shared>>)
      tpu.yield
    }) : () -> ()
    %add3A_26 = arith.constant 512 : i32
    %add3A_27 = arith.addi %mul3A_14, %add3A_26 : i32
    %run_scoped3A_28 = arith.constant 0 : i32
    "tpu.region"() ({
      %run_scoped3A_159 = tpu.sem_alloc : memref<!tpu.dma_semaphore, #tpu.memory_space<semaphore_mem>>
      %dma_start3A = arith.constant 0 : i32
      %dma_start3A_160 = arith.constant 0 : i32
      %dma_start3A_161 = tpu.memref_slice %arg11[%run_scoped3A_28, %dma_start3A, %dma_start3A_160] : memref<2x128x64xf32, #tpu.memory_space<vmem>> -> memref<1x128x64xf32, #tpu.memory_space<vmem>>
      %dma_start3A_162 = tpu.memref_squeeze %dma_start3A_161 : memref<1x128x64xf32, #tpu.memory_space<vmem>> -> memref<128x64xf32, #tpu.memory_space<vmem>>
      %dma_start3A_163 = arith.constant 0 : i32
      %dma_start3A_164 = tpu.memref_slice %arg12[%add3A_27, %dma_start3A_163] : memref<10240x64xf32, #tpu.memory_space<vmem_shared>> -> memref<128x64xf32, #tpu.memory_space<vmem_shared>>
      %dma_start3A_165 = arith.constant 0 : i32
      %dma_start3A_166 = tpu.memref_slice %arg12[%add3A_27, %dma_start3A_165] : memref<10240x64xf32, #tpu.memory_space<vmem_shared>> -> memref<128x64xf32, #tpu.memory_space<vmem_shared>>
      %dma_start3A_167 = arith.constant 0 : i32
      %dma_start3A_168 = arith.constant 0 : i32
      %dma_start3A_169 = tpu.memref_slice %arg11[%run_scoped3A_28, %dma_start3A_167, %dma_start3A_168] : memref<2x128x64xf32, #tpu.memory_space<vmem>> -> memref<1x128x64xf32, #tpu.memory_space<vmem>>
      %dma_start3A_170 = tpu.memref_squeeze %dma_start3A_169 : memref<1x128x64xf32, #tpu.memory_space<vmem>> -> memref<128x64xf32, #tpu.memory_space<vmem>>
      tpu.enqueue_dma source(%dma_start3A_170 : memref<128x64xf32, #tpu.memory_space<vmem>>) target(%dma_start3A_166 : memref<128x64xf32, #tpu.memory_space<vmem_shared>>) target_semaphore(%run_scoped3A_159 : memref<!tpu.dma_semaphore, #tpu.memory_space<semaphore_mem>>)
      %dma_wait3A = arith.constant 0 : i32
      %dma_wait3A_171 = arith.constant 0 : i32
      %dma_wait3A_172 = tpu.memref_slice %arg11[%run_scoped3A_28, %dma_wait3A, %dma_wait3A_171] : memref<2x128x64xf32, #tpu.memory_space<vmem>> -> memref<1x128x64xf32, #tpu.memory_space<vmem>>
      %dma_wait3A_173 = tpu.memref_squeeze %dma_wait3A_172 : memref<1x128x64xf32, #tpu.memory_space<vmem>> -> memref<128x64xf32, #tpu.memory_space<vmem>>
      %dma_wait3A_174 = arith.constant 0 : i32
      %dma_wait3A_175 = tpu.memref_slice %arg12[%add3A_27, %dma_wait3A_174] : memref<10240x64xf32, #tpu.memory_space<vmem_shared>> -> memref<128x64xf32, #tpu.memory_space<vmem_shared>>
      %dma_wait3A_176 = arith.constant 0 : i32
      %dma_wait3A_177 = tpu.memref_slice %arg12[%add3A_27, %dma_wait3A_176] : memref<10240x64xf32, #tpu.memory_space<vmem_shared>> -> memref<128x64xf32, #tpu.memory_space<vmem_shared>>
      %dma_wait3A_178 = arith.constant 0 : i32
      %dma_wait3A_179 = arith.constant 0 : i32
      %dma_wait3A_180 = tpu.memref_slice %arg11[%run_scoped3A_28, %dma_wait3A_178, %dma_wait3A_179] : memref<2x128x64xf32, #tpu.memory_space<vmem>> -> memref<1x128x64xf32, #tpu.memory_space<vmem>>
      %dma_wait3A_181 = tpu.memref_squeeze %dma_wait3A_180 : memref<1x128x64xf32, #tpu.memory_space<vmem>> -> memref<128x64xf32, #tpu.memory_space<vmem>>
      tpu.wait_dma2 semaphore(%run_scoped3A_159 : memref<!tpu.dma_semaphore, #tpu.memory_space<semaphore_mem>>) src(%dma_wait3A_181 : memref<128x64xf32, #tpu.memory_space<vmem>>) dst(%dma_wait3A_177 : memref<128x64xf32, #tpu.memory_space<vmem_shared>>)
      tpu.yield
    }) : () -> ()
    %barrier3A = arith.constant 0 : index
    tpu.barrier barrier_id(%barrier3A)
    %scan3A_29 = arith.constant 0 : i32
    %scan3A_30 = arith.constant 0 : i32
    %scan3A_31 = arith.constant 80 : i32
    %scan3A_32 = arith.addi %scan3A_30, %scan3A_31 : i32
    %scan3A_33 = arith.constant 1 : i32
    scf.for %scan3A_159 = %scan3A_30 to %scan3A_32 step %scan3A_33  : i32 {
      %dma_start3A = arith.constant 0 : i32
      %dma_start3A_160 = arith.constant 0 : i32
      %dma_start3A_161 = arith.constant 0 : i32
      %dma_start3A_162 = tpu.memref_slice %arg5[%arg1, %dma_start3A, %dma_start3A_160, %dma_start3A_161] : memref<16x80x128x16xf32, #tpu.memory_space<hbm>> -> memref<1x80x128x16xf32, #tpu.memory_space<hbm>>
      %dma_start3A_163 = tpu.memref_squeeze %dma_start3A_162 : memref<1x80x128x16xf32, #tpu.memory_space<hbm>> -> memref<80x128x16xf32, #tpu.memory_space<hbm>>
      %dma_start3A_164 = arith.constant 0 : i32
      %dma_start3A_165 = arith.constant 0 : i32
      %dma_start3A_166 = tpu.memref_slice %dma_start3A_163[%scan3A_159, %dma_start3A_164, %dma_start3A_165] : memref<80x128x16xf32, #tpu.memory_space<hbm>> -> memref<1x128x16xf32, #tpu.memory_space<hbm>>
      %dma_start3A_167 = tpu.memref_squeeze %dma_start3A_166 : memref<1x128x16xf32, #tpu.memory_space<hbm>> -> memref<128x16xf32, #tpu.memory_space<hbm>>
      %dma_start3A_168 = arith.constant 0 : i32
      %dma_start3A_169 = arith.constant 0 : i32
      %dma_start3A_170 = arith.constant 0 : i32
      %dma_start3A_171 = tpu.memref_slice %arg5[%arg1, %dma_start3A_168, %dma_start3A_169, %dma_start3A_170] : memref<16x80x128x16xf32, #tpu.memory_space<hbm>> -> memref<1x80x128x16xf32, #tpu.memory_space<hbm>>
      %dma_start3A_172 = tpu.memref_squeeze %dma_start3A_171 : memref<1x80x128x16xf32, #tpu.memory_space<hbm>> -> memref<80x128x16xf32, #tpu.memory_space<hbm>>
      %dma_start3A_173 = arith.constant 0 : i32
      %dma_start3A_174 = arith.constant 0 : i32
      %dma_start3A_175 = tpu.memref_slice %dma_start3A_172[%scan3A_159, %dma_start3A_173, %dma_start3A_174] : memref<80x128x16xf32, #tpu.memory_space<hbm>> -> memref<1x128x16xf32, #tpu.memory_space<hbm>>
      %dma_start3A_176 = tpu.memref_squeeze %dma_start3A_175 : memref<1x128x16xf32, #tpu.memory_space<hbm>> -> memref<128x16xf32, #tpu.memory_space<hbm>>
      tpu.enqueue_dma source(%dma_start3A_176 : memref<128x16xf32, #tpu.memory_space<hbm>>) target(%arg9 : memref<128x16xf32, #tpu.memory_space<vmem>>) target_semaphore(%arg14 : memref<!tpu.dma_semaphore, #tpu.memory_space<semaphore_mem>>)
      %dma_start3A_177 = arith.constant 0 : i32
      %dma_start3A_178 = arith.constant 0 : i32
      %dma_start3A_179 = arith.constant 0 : i32
      %dma_start3A_180 = tpu.memref_slice %arg11[%dma_start3A_177, %dma_start3A_178, %dma_start3A_179] : memref<2x128x64xf32, #tpu.memory_space<vmem>> -> memref<1x128x64xf32, #tpu.memory_space<vmem>>
      %dma_start3A_181 = tpu.memref_squeeze %dma_start3A_180 : memref<1x128x64xf32, #tpu.memory_space<vmem>> -> memref<128x64xf32, #tpu.memory_space<vmem>>
      %dma_start3A_182 = arith.constant 0 : i32
      %dma_start3A_183 = tpu.memref_slice %arg10[%scan3A_159, %dma_start3A_182] : memref<80x128xi32, #tpu.memory_space<vmem>> -> memref<1x128xi32, #tpu.memory_space<vmem>>
      %dma_start3A_184 = tpu.memref_squeeze %dma_start3A_183 : memref<1x128xi32, #tpu.memory_space<vmem>> -> memref<128xi32, #tpu.memory_space<vmem>>
      %dma_start3A_185 = arith.constant 0 : i32
      %dma_start3A_186 = arith.constant 0 : i32
      %dma_start3A_187 = tpu.memref_slice %arg2[%dma_start3A_185, %dma_start3A_186] : memref<80000x64xf32, #tpu.memory_space<hbm>> -> memref<80000x64xf32, #tpu.memory_space<hbm>>
      tpu.enqueue_indirect_dma source(%dma_start3A_187 : memref<80000x64xf32, #tpu.memory_space<hbm>>) target(%dma_start3A_181 : memref<128x64xf32, #tpu.memory_space<vmem>>) offsets(%dma_start3A_184 : memref<128xi32, #tpu.memory_space<vmem>>) semaphore(%arg13 : memref<!tpu.dma_semaphore, #tpu.memory_space<semaphore_mem>>)
      %dma_wait3A = arith.constant 0 : i32
      %dma_wait3A_188 = arith.constant 0 : i32
      %dma_wait3A_189 = arith.constant 0 : i32
      %dma_wait3A_190 = tpu.memref_slice %arg5[%arg1, %dma_wait3A, %dma_wait3A_188, %dma_wait3A_189] : memref<16x80x128x16xf32, #tpu.memory_space<hbm>> -> memref<1x80x128x16xf32, #tpu.memory_space<hbm>>
      %dma_wait3A_191 = tpu.memref_squeeze %dma_wait3A_190 : memref<1x80x128x16xf32, #tpu.memory_space<hbm>> -> memref<80x128x16xf32, #tpu.memory_space<hbm>>
      %dma_wait3A_192 = arith.constant 0 : i32
      %dma_wait3A_193 = arith.constant 0 : i32
      %dma_wait3A_194 = tpu.memref_slice %dma_wait3A_191[%scan3A_159, %dma_wait3A_192, %dma_wait3A_193] : memref<80x128x16xf32, #tpu.memory_space<hbm>> -> memref<1x128x16xf32, #tpu.memory_space<hbm>>
      %dma_wait3A_195 = tpu.memref_squeeze %dma_wait3A_194 : memref<1x128x16xf32, #tpu.memory_space<hbm>> -> memref<128x16xf32, #tpu.memory_space<hbm>>
      %dma_wait3A_196 = arith.constant 0 : i32
      %dma_wait3A_197 = arith.constant 0 : i32
      %dma_wait3A_198 = arith.constant 0 : i32
      %dma_wait3A_199 = tpu.memref_slice %arg5[%arg1, %dma_wait3A_196, %dma_wait3A_197, %dma_wait3A_198] : memref<16x80x128x16xf32, #tpu.memory_space<hbm>> -> memref<1x80x128x16xf32, #tpu.memory_space<hbm>>
      %dma_wait3A_200 = tpu.memref_squeeze %dma_wait3A_199 : memref<1x80x128x16xf32, #tpu.memory_space<hbm>> -> memref<80x128x16xf32, #tpu.memory_space<hbm>>
      %dma_wait3A_201 = arith.constant 0 : i32
      %dma_wait3A_202 = arith.constant 0 : i32
      %dma_wait3A_203 = tpu.memref_slice %dma_wait3A_200[%scan3A_159, %dma_wait3A_201, %dma_wait3A_202] : memref<80x128x16xf32, #tpu.memory_space<hbm>> -> memref<1x128x16xf32, #tpu.memory_space<hbm>>
      %dma_wait3A_204 = tpu.memref_squeeze %dma_wait3A_203 : memref<1x128x16xf32, #tpu.memory_space<hbm>> -> memref<128x16xf32, #tpu.memory_space<hbm>>
      tpu.wait_dma2 semaphore(%arg14 : memref<!tpu.dma_semaphore, #tpu.memory_space<semaphore_mem>>) src(%dma_wait3A_204 : memref<128x16xf32, #tpu.memory_space<hbm>>) dst(%arg9 : memref<128x16xf32, #tpu.memory_space<vmem>>)
      %dma_wait3A_205 = arith.constant 0 : i32
      %dma_wait3A_206 = arith.constant 0 : i32
      %dma_wait3A_207 = arith.constant 0 : i32
      %dma_wait3A_208 = tpu.memref_slice %arg11[%dma_wait3A_205, %dma_wait3A_206, %dma_wait3A_207] : memref<2x128x64xf32, #tpu.memory_space<vmem>> -> memref<1x128x64xf32, #tpu.memory_space<vmem>>
      %dma_wait3A_209 = tpu.memref_squeeze %dma_wait3A_208 : memref<1x128x64xf32, #tpu.memory_space<vmem>> -> memref<128x64xf32, #tpu.memory_space<vmem>>
      %dma_wait3A_210 = arith.constant 0 : i32
      %dma_wait3A_211 = tpu.memref_slice %arg10[%scan3A_159, %dma_wait3A_210] : memref<80x128xi32, #tpu.memory_space<vmem>> -> memref<1x128xi32, #tpu.memory_space<vmem>>
      %dma_wait3A_212 = tpu.memref_squeeze %dma_wait3A_211 : memref<1x128xi32, #tpu.memory_space<vmem>> -> memref<128xi32, #tpu.memory_space<vmem>>
      %dma_wait3A_213 = arith.constant 0 : i32
      %dma_wait3A_214 = arith.constant 0 : i32
      %dma_wait3A_215 = tpu.memref_slice %arg2[%dma_wait3A_213, %dma_wait3A_214] : memref<80000x64xf32, #tpu.memory_space<hbm>> -> memref<80000x64xf32, #tpu.memory_space<hbm>>
      tpu.wait_indirect_dma semaphore(%arg13 : memref<!tpu.dma_semaphore, #tpu.memory_space<semaphore_mem>>) src(%dma_wait3A_215 : memref<80000x64xf32, #tpu.memory_space<hbm>>) dst(%dma_wait3A_209 : memref<128x64xf32, #tpu.memory_space<vmem>>)
      %scan3A_216 = arith.constant 0 : i32
      %scan3A_217 = arith.constant 0 : i32
      %scan3A_218 = arith.constant 128 : i32
      %scan3A_219 = arith.addi %scan3A_217, %scan3A_218 : i32
      %scan3A_220 = arith.constant 1 : i32
      scf.for %scan3A_223 = %scan3A_217 to %scan3A_219 step %scan3A_220  : i32 {
        %get3A = arith.index_cast %scan3A_223 : i32 to index
        %get3A_224 = arith.constant 0 : index
        %get3A_225 = tpu.vector_load %arg9[%get3A, %get3A_224] {strides = array<i32>} : memref<128x16xf32, #tpu.memory_space<vmem>>, vector<1x16xf32>,
        %get3A_226 = vector.shape_cast %get3A_225 : vector<1x16xf32> to vector<16xf32>
        %get3A_227 = arith.constant 0 : i32
        %get3A_228 = arith.index_cast %get3A_227 : i32 to index
        %get3A_229 = arith.index_cast %scan3A_223 : i32 to index
        %get3A_230 = arith.constant 0 : index
        %get3A_231 = tpu.vector_load %arg11[%get3A_228, %get3A_229, %get3A_230] {strides = array<i32>} : memref<2x128x64xf32, #tpu.memory_space<vmem>>, vector<1x1x16xf32>,
        %get3A_232 = vector.shape_cast %get3A_231 : vector<1x1x16xf32> to vector<16xf32>
        %mul3A_233 = arith.mulf %get3A_232, %get3A_226 : vector<16xf32>
        %swap3A = arith.constant 0 : i32
        %swap3A_234 = arith.index_cast %swap3A : i32 to index
        %swap3A_235 = arith.index_cast %scan3A_223 : i32 to index
        %swap3A_236 = arith.constant 0 : index
        %swap3A_237 = tpu.vector_load %arg11[%swap3A_234, %swap3A_235, %swap3A_236] {strides = array<i32>} : memref<2x128x64xf32, #tpu.memory_space<vmem>>, vector<1x1x16xf32>,
        %swap3A_238 = vector.shape_cast %swap3A_237 : vector<1x1x16xf32> to vector<16xf32>
        %swap3A_239 = vector.shape_cast %mul3A_233 : vector<16xf32> to vector<1x1x16xf32>
        tpu.vector_store %arg11[%swap3A_234, %swap3A_235, %swap3A_236], %swap3A_239 {strides = array<i32>} : memref<2x128x64xf32, #tpu.memory_space<vmem>>, vector<1x1x16xf32>,
        %get3A_240 = arith.constant 0 : i32
        %get3A_241 = arith.index_cast %get3A_240 : i32 to index
        %get3A_242 = arith.index_cast %scan3A_223 : i32 to index
        %get3A_243 = arith.constant 16 : index
        %get3A_244 = tpu.vector_load %arg11[%get3A_241, %get3A_242, %get3A_243] {strides = array<i32>} : memref<2x128x64xf32, #tpu.memory_space<vmem>>, vector<1x1x16xf32>,
        %get3A_245 = vector.shape_cast %get3A_244 : vector<1x1x16xf32> to vector<16xf32>
        %mul3A_246 = arith.mulf %get3A_245, %get3A_226 : vector<16xf32>
        %swap3A_247 = arith.constant 0 : i32
        %swap3A_248 = arith.index_cast %swap3A_247 : i32 to index
        %swap3A_249 = arith.index_cast %scan3A_223 : i32 to index
        %swap3A_250 = arith.constant 16 : index
        %swap3A_251 = tpu.vector_load %arg11[%swap3A_248, %swap3A_249, %swap3A_250] {strides = array<i32>} : memref<2x128x64xf32, #tpu.memory_space<vmem>>, vector<1x1x16xf32>,
        %swap3A_252 = vector.shape_cast %swap3A_251 : vector<1x1x16xf32> to vector<16xf32>
        %swap3A_253 = vector.shape_cast %mul3A_246 : vector<16xf32> to vector<1x1x16xf32>
        tpu.vector_store %arg11[%swap3A_248, %swap3A_249, %swap3A_250], %swap3A_253 {strides = array<i32>} : memref<2x128x64xf32, #tpu.memory_space<vmem>>, vector<1x1x16xf32>,
        %get3A_254 = arith.constant 0 : i32
        %get3A_255 = arith.index_cast %get3A_254 : i32 to index
        %get3A_256 = arith.index_cast %scan3A_223 : i32 to index
        %get3A_257 = arith.constant 32 : index
        %get3A_258 = tpu.vector_load %arg11[%get3A_255, %get3A_256, %get3A_257] {strides = array<i32>} : memref<2x128x64xf32, #tpu.memory_space<vmem>>, vector<1x1x16xf32>,
        %get3A_259 = vector.shape_cast %get3A_258 : vector<1x1x16xf32> to vector<16xf32>
        %mul3A_260 = arith.mulf %get3A_259, %get3A_226 : vector<16xf32>
        %swap3A_261 = arith.constant 0 : i32
        %swap3A_262 = arith.index_cast %swap3A_261 : i32 to index
        %swap3A_263 = arith.index_cast %scan3A_223 : i32 to index
        %swap3A_264 = arith.constant 32 : index
        %swap3A_265 = tpu.vector_load %arg11[%swap3A_262, %swap3A_263, %swap3A_264] {strides = array<i32>} : memref<2x128x64xf32, #tpu.memory_space<vmem>>, vector<1x1x16xf32>,
        %swap3A_266 = vector.shape_cast %swap3A_265 : vector<1x1x16xf32> to vector<16xf32>
        %swap3A_267 = vector.shape_cast %mul3A_260 : vector<16xf32> to vector<1x1x16xf32>
        tpu.vector_store %arg11[%swap3A_262, %swap3A_263, %swap3A_264], %swap3A_267 {strides = array<i32>} : memref<2x128x64xf32, #tpu.memory_space<vmem>>, vector<1x1x16xf32>,
        %get3A_268 = arith.constant 0 : i32
        %get3A_269 = arith.index_cast %get3A_268 : i32 to index
        %get3A_270 = arith.index_cast %scan3A_223 : i32 to index
        %get3A_271 = arith.constant 48 : index
        %get3A_272 = tpu.vector_load %arg11[%get3A_269, %get3A_270, %get3A_271] {strides = array<i32>} : memref<2x128x64xf32, #tpu.memory_space<vmem>>, vector<1x1x16xf32>,
        %get3A_273 = vector.shape_cast %get3A_272 : vector<1x1x16xf32> to vector<16xf32>
        %mul3A_274 = arith.mulf %get3A_273, %get3A_226 : vector<16xf32>
        %swap3A_275 = arith.constant 0 : i32
        %swap3A_276 = arith.index_cast %swap3A_275 : i32 to index
        %swap3A_277 = arith.index_cast %scan3A_223 : i32 to index
        %swap3A_278 = arith.constant 48 : index
        %swap3A_279 = tpu.vector_load %arg11[%swap3A_276, %swap3A_277, %swap3A_278] {strides = array<i32>} : memref<2x128x64xf32, #tpu.memory_space<vmem>>, vector<1x1x16xf32>,
        %swap3A_280 = vector.shape_cast %swap3A_279 : vector<1x1x16xf32> to vector<16xf32>
        %swap3A_281 = vector.shape_cast %mul3A_274 : vector<16xf32> to vector<1x1x16xf32>
        tpu.vector_store %arg11[%swap3A_276, %swap3A_277, %swap3A_278], %swap3A_281 {strides = array<i32>} : memref<2x128x64xf32, #tpu.memory_space<vmem>>, vector<1x1x16xf32>,
      }
      %scan3A_221 = arith.constant 128 : i32
      %run_scoped3A_222 = arith.constant 0 : i32
      "tpu.region"() ({
        %run_scoped3A_223 = tpu.sem_alloc : memref<!tpu.dma_semaphore, #tpu.memory_space<semaphore_mem>>
        %dma_start3A_224 = arith.constant 0 : i32
        %dma_start3A_225 = arith.constant 0 : i32
        %dma_start3A_226 = tpu.memref_slice %arg11[%run_scoped3A_222, %dma_start3A_224, %dma_start3A_225] : memref<2x128x64xf32, #tpu.memory_space<vmem>> -> memref<1x128x64xf32, #tpu.memory_space<vmem>>
        %dma_start3A_227 = tpu.memref_squeeze %dma_start3A_226 : memref<1x128x64xf32, #tpu.memory_space<vmem>> -> memref<128x64xf32, #tpu.memory_space<vmem>>
        %dma_start3A_228 = arith.constant 0 : i32
        %dma_start3A_229 = tpu.memref_slice %arg8[%scan3A_159, %dma_start3A_228] : memref<80x128xi32, #tpu.memory_space<vmem>> -> memref<1x128xi32, #tpu.memory_space<vmem>>
        %dma_start3A_230 = tpu.memref_squeeze %dma_start3A_229 : memref<1x128xi32, #tpu.memory_space<vmem>> -> memref<128xi32, #tpu.memory_space<vmem>>
        %dma_start3A_231 = arith.constant 0 : i32
        %dma_start3A_232 = arith.constant 0 : i32
        %dma_start3A_233 = tpu.memref_slice %arg12[%dma_start3A_231, %dma_start3A_232] : memref<10240x64xf32, #tpu.memory_space<vmem_shared>> -> memref<10240x64xf32, #tpu.memory_space<vmem_shared>>
        tpu.enqueue_indirect_dma source(%dma_start3A_227 : memref<128x64xf32, #tpu.memory_space<vmem>>) target(%dma_start3A_233 : memref<10240x64xf32, #tpu.memory_space<vmem_shared>>) offsets(%dma_start3A_230 : memref<128xi32, #tpu.memory_space<vmem>>) semaphore(%run_scoped3A_223 : memref<!tpu.dma_semaphore, #tpu.memory_space<semaphore_mem>>) {add = true}
        %dma_wait3A_234 = arith.constant 0 : i32
        %dma_wait3A_235 = arith.constant 0 : i32
        %dma_wait3A_236 = tpu.memref_slice %arg11[%run_scoped3A_222, %dma_wait3A_234, %dma_wait3A_235] : memref<2x128x64xf32, #tpu.memory_space<vmem>> -> memref<1x128x64xf32, #tpu.memory_space<vmem>>
        %dma_wait3A_237 = tpu.memref_squeeze %dma_wait3A_236 : memref<1x128x64xf32, #tpu.memory_space<vmem>> -> memref<128x64xf32, #tpu.memory_space<vmem>>
        %dma_wait3A_238 = arith.constant 0 : i32
        %dma_wait3A_239 = tpu.memref_slice %arg8[%scan3A_159, %dma_wait3A_238] : memref<80x128xi32, #tpu.memory_space<vmem>> -> memref<1x128xi32, #tpu.memory_space<vmem>>
        %dma_wait3A_240 = tpu.memref_squeeze %dma_wait3A_239 : memref<1x128xi32, #tpu.memory_space<vmem>> -> memref<128xi32, #tpu.memory_space<vmem>>
        %dma_wait3A_241 = arith.constant 0 : i32
        %dma_wait3A_242 = arith.constant 0 : i32
        %dma_wait3A_243 = tpu.memref_slice %arg12[%dma_wait3A_241, %dma_wait3A_242] : memref<10240x64xf32, #tpu.memory_space<vmem_shared>> -> memref<10240x64xf32, #tpu.memory_space<vmem_shared>>
        tpu.wait_indirect_dma semaphore(%run_scoped3A_223 : memref<!tpu.dma_semaphore, #tpu.memory_space<semaphore_mem>>) src(%dma_wait3A_237 : memref<128x64xf32, #tpu.memory_space<vmem>>) dst(%dma_wait3A_243 : memref<10240x64xf32, #tpu.memory_space<vmem_shared>>)
        tpu.yield
      }) : () -> ()
    }
    %scan3A_34 = arith.constant 80 : i32
    %barrier3A_35 = arith.constant 0 : index
    tpu.barrier barrier_id(%barrier3A_35)
    "tpu.region"() ({
      %run_scoped3A_159 = tpu.sem_alloc : memref<!tpu.dma_semaphore, #tpu.memory_space<semaphore_mem>>
      %dma_start3A = arith.constant 0 : i32
      %dma_start3A_160 = arith.constant 0 : i32
      %dma_start3A_161 = tpu.memref_slice %arg6[%add3A_0, %dma_start3A, %dma_start3A_160] : memref<8x10240x64xf32, #tpu.memory_space<hbm>> -> memref<1x10240x64xf32, #tpu.memory_space<hbm>>
      %dma_start3A_162 = tpu.memref_squeeze %dma_start3A_161 : memref<1x10240x64xf32, #tpu.memory_space<hbm>> -> memref<10240x64xf32, #tpu.memory_space<hbm>>
      %dma_start3A_163 = arith.constant 0 : i32
      %dma_start3A_164 = tpu.memref_slice %dma_start3A_162[%mul3A_14, %dma_start3A_163] : memref<10240x64xf32, #tpu.memory_space<hbm>> -> memref<640x64xf32, #tpu.memory_space<hbm>>
      %dma_start3A_165 = arith.constant 0 : i32
      %dma_start3A_166 = tpu.memref_slice %arg12[%mul3A_14, %dma_start3A_165] : memref<10240x64xf32, #tpu.memory_space<vmem_shared>> -> memref<640x64xf32, #tpu.memory_space<vmem_shared>>
      tpu.enqueue_dma source(%dma_start3A_166 : memref<640x64xf32, #tpu.memory_space<vmem_shared>>) target(%dma_start3A_164 : memref<640x64xf32, #tpu.memory_space<hbm>>) target_semaphore(%run_scoped3A_159 : memref<!tpu.dma_semaphore, #tpu.memory_space<semaphore_mem>>)
      %dma_wait3A = arith.constant 0 : i32
      %dma_wait3A_167 = arith.constant 0 : i32
      %dma_wait3A_168 = tpu.memref_slice %arg6[%add3A_0, %dma_wait3A, %dma_wait3A_167] : memref<8x10240x64xf32, #tpu.memory_space<hbm>> -> memref<1x10240x64xf32, #tpu.memory_space<hbm>>
      %dma_wait3A_169 = tpu.memref_squeeze %dma_wait3A_168 : memref<1x10240x64xf32, #tpu.memory_space<hbm>> -> memref<10240x64xf32, #tpu.memory_space<hbm>>
      %dma_wait3A_170 = arith.constant 0 : i32
      %dma_wait3A_171 = tpu.memref_slice %dma_wait3A_169[%mul3A_14, %dma_wait3A_170] : memref<10240x64xf32, #tpu.memory_space<hbm>> -> memref<640x64xf32, #tpu.memory_space<hbm>>
      %dma_wait3A_172 = arith.constant 0 : i32
      %dma_wait3A_173 = tpu.memref_slice %arg12[%mul3A_14, %dma_wait3A_172] : memref<10240x64xf32, #tpu.memory_space<vmem_shared>> -> memref<640x64xf32, #tpu.memory_space<vmem_shared>>
      tpu.wait_dma2 semaphore(%run_scoped3A_159 : memref<!tpu.dma_semaphore, #tpu.memory_space<semaphore_mem>>) src(%dma_wait3A_173 : memref<640x64xf32, #tpu.memory_space<vmem_shared>>) dst(%dma_wait3A_171 : memref<640x64xf32, #tpu.memory_space<hbm>>)
      tpu.yield
    }) : () -> ()
    %add3A_36 = arith.constant 2 : i32
    %add3A_37 = arith.addi %add3A_36, %arg0 : i32
    %add3A_38 = arith.constant 20000 : i32
    %add3A_39 = arith.addi %add3A_38, %arg0 : i32
    %scan3A_40 = arith.constant 0 : i32
    %scan3A_41 = arith.constant 0 : i32
    %scan3A_42 = arith.constant 80 : i32
    %scan3A_43 = arith.addi %scan3A_41, %scan3A_42 : i32
    %scan3A_44 = arith.constant 1 : i32
    scf.for %scan3A_159 = %scan3A_41 to %scan3A_43 step %scan3A_44  : i32 {
      %get3A = arith.index_cast %scan3A_159 : i32 to index
      %get3A_160 = arith.constant 0 : index
      %get3A_161 = tpu.vector_load %arg7[%get3A, %get3A_160] {strides = array<i32>} : memref<80x128xi32, #tpu.memory_space<vmem>>, vector<1x16xi32>,
      %get3A_162 = vector.shape_cast %get3A_161 : vector<1x16xi32> to vector<16xi32>
      %mul3A_163 = arith.constant 2 : i32
      %mul3A_164 = vector.broadcast %mul3A_163 : i32 to vector<16xi32>
      %mul3A_165 = arith.muli %get3A_162, %mul3A_164 : vector<16xi32>
      %add3A_166 = vector.broadcast %add3A_39 : i32 to vector<16xi32>
      %add3A_167 = arith.addi %mul3A_165, %add3A_166 : vector<16xi32>
      %swap3A = arith.index_cast %scan3A_159 : i32 to index
      %swap3A_168 = arith.constant 0 : index
      %swap3A_169 = tpu.vector_load %arg10[%swap3A, %swap3A_168] {strides = array<i32>} : memref<80x128xi32, #tpu.memory_space<vmem>>, vector<1x16xi32>,
      %swap3A_170 = vector.shape_cast %swap3A_169 : vector<1x16xi32> to vector<16xi32>
      %swap3A_171 = vector.shape_cast %add3A_167 : vector<16xi32> to vector<1x16xi32>
      tpu.vector_store %arg10[%swap3A, %swap3A_168], %swap3A_171 {strides = array<i32>} : memref<80x128xi32, #tpu.memory_space<vmem>>, vector<1x16xi32>,
      %get3A_172 = arith.index_cast %scan3A_159 : i32 to index
      %get3A_173 = arith.constant 16 : index
      %get3A_174 = tpu.vector_load %arg7[%get3A_172, %get3A_173] {strides = array<i32>} : memref<80x128xi32, #tpu.memory_space<vmem>>, vector<1x16xi32>,
      %get3A_175 = vector.shape_cast %get3A_174 : vector<1x16xi32> to vector<16xi32>
      %mul3A_176 = arith.constant 2 : i32
      %mul3A_177 = vector.broadcast %mul3A_176 : i32 to vector<16xi32>
      %mul3A_178 = arith.muli %get3A_175, %mul3A_177 : vector<16xi32>
      %add3A_179 = vector.broadcast %add3A_39 : i32 to vector<16xi32>
      %add3A_180 = arith.addi %mul3A_178, %add3A_179 : vector<16xi32>
      %swap3A_181 = arith.index_cast %scan3A_159 : i32 to index
      %swap3A_182 = arith.constant 16 : index
      %swap3A_183 = tpu.vector_load %arg10[%swap3A_181, %swap3A_182] {strides = array<i32>} : memref<80x128xi32, #tpu.memory_space<vmem>>, vector<1x16xi32>,
      %swap3A_184 = vector.shape_cast %swap3A_183 : vector<1x16xi32> to vector<16xi32>
      %swap3A_185 = vector.shape_cast %add3A_180 : vector<16xi32> to vector<1x16xi32>
      tpu.vector_store %arg10[%swap3A_181, %swap3A_182], %swap3A_185 {strides = array<i32>} : memref<80x128xi32, #tpu.memory_space<vmem>>, vector<1x16xi32>,
      %get3A_186 = arith.index_cast %scan3A_159 : i32 to index
      %get3A_187 = arith.constant 32 : index
      %get3A_188 = tpu.vector_load %arg7[%get3A_186, %get3A_187] {strides = array<i32>} : memref<80x128xi32, #tpu.memory_space<vmem>>, vector<1x16xi32>,
      %get3A_189 = vector.shape_cast %get3A_188 : vector<1x16xi32> to vector<16xi32>
      %mul3A_190 = arith.constant 2 : i32
      %mul3A_191 = vector.broadcast %mul3A_190 : i32 to vector<16xi32>
      %mul3A_192 = arith.muli %get3A_189, %mul3A_191 : vector<16xi32>
      %add3A_193 = vector.broadcast %add3A_39 : i32 to vector<16xi32>
      %add3A_194 = arith.addi %mul3A_192, %add3A_193 : vector<16xi32>
      %swap3A_195 = arith.index_cast %scan3A_159 : i32 to index
      %swap3A_196 = arith.constant 32 : index
      %swap3A_197 = tpu.vector_load %arg10[%swap3A_195, %swap3A_196] {strides = array<i32>} : memref<80x128xi32, #tpu.memory_space<vmem>>, vector<1x16xi32>,
      %swap3A_198 = vector.shape_cast %swap3A_197 : vector<1x16xi32> to vector<16xi32>
      %swap3A_199 = vector.shape_cast %add3A_194 : vector<16xi32> to vector<1x16xi32>
      tpu.vector_store %arg10[%swap3A_195, %swap3A_196], %swap3A_199 {strides = array<i32>} : memref<80x128xi32, #tpu.memory_space<vmem>>, vector<1x16xi32>,
      %get3A_200 = arith.index_cast %scan3A_159 : i32 to index
      %get3A_201 = arith.constant 48 : index
      %get3A_202 = tpu.vector_load %arg7[%get3A_200, %get3A_201] {strides = array<i32>} : memref<80x128xi32, #tpu.memory_space<vmem>>, vector<1x16xi32>,
      %get3A_203 = vector.shape_cast %get3A_202 : vector<1x16xi32> to vector<16xi32>
      %mul3A_204 = arith.constant 2 : i32
      %mul3A_205 = vector.broadcast %mul3A_204 : i32 to vector<16xi32>
      %mul3A_206 = arith.muli %get3A_203, %mul3A_205 : vector<16xi32>
      %add3A_207 = vector.broadcast %add3A_39 : i32 to vector<16xi32>
      %add3A_208 = arith.addi %mul3A_206, %add3A_207 : vector<16xi32>
      %swap3A_209 = arith.index_cast %scan3A_159 : i32 to index
      %swap3A_210 = arith.constant 48 : index
      %swap3A_211 = tpu.vector_load %arg10[%swap3A_209, %swap3A_210] {strides = array<i32>} : memref<80x128xi32, #tpu.memory_space<vmem>>, vector<1x16xi32>,
      %swap3A_212 = vector.shape_cast %swap3A_211 : vector<1x16xi32> to vector<16xi32>
      %swap3A_213 = vector.shape_cast %add3A_208 : vector<16xi32> to vector<1x16xi32>
      tpu.vector_store %arg10[%swap3A_209, %swap3A_210], %swap3A_213 {strides = array<i32>} : memref<80x128xi32, #tpu.memory_space<vmem>>, vector<1x16xi32>,
      %get3A_214 = arith.index_cast %scan3A_159 : i32 to index
      %get3A_215 = arith.constant 64 : index
      %get3A_216 = tpu.vector_load %arg7[%get3A_214, %get3A_215] {strides = array<i32>} : memref<80x128xi32, #tpu.memory_space<vmem>>, vector<1x16xi32>,
      %get3A_217 = vector.shape_cast %get3A_216 : vector<1x16xi32> to vector<16xi32>
      %mul3A_218 = arith.constant 2 : i32
      %mul3A_219 = vector.broadcast %mul3A_218 : i32 to vector<16xi32>
      %mul3A_220 = arith.muli %get3A_217, %mul3A_219 : vector<16xi32>
      %add3A_221 = vector.broadcast %add3A_39 : i32 to vector<16xi32>
      %add3A_222 = arith.addi %mul3A_220, %add3A_221 : vector<16xi32>
      %swap3A_223 = arith.index_cast %scan3A_159 : i32 to index
      %swap3A_224 = arith.constant 64 : index
      %swap3A_225 = tpu.vector_load %arg10[%swap3A_223, %swap3A_224] {strides = array<i32>} : memref<80x128xi32, #tpu.memory_space<vmem>>, vector<1x16xi32>,
      %swap3A_226 = vector.shape_cast %swap3A_225 : vector<1x16xi32> to vector<16xi32>
      %swap3A_227 = vector.shape_cast %add3A_222 : vector<16xi32> to vector<1x16xi32>
      tpu.vector_store %arg10[%swap3A_223, %swap3A_224], %swap3A_227 {strides = array<i32>} : memref<80x128xi32, #tpu.memory_space<vmem>>, vector<1x16xi32>,
      %get3A_228 = arith.index_cast %scan3A_159 : i32 to index
      %get3A_229 = arith.constant 80 : index
      %get3A_230 = tpu.vector_load %arg7[%get3A_228, %get3A_229] {strides = array<i32>} : memref<80x128xi32, #tpu.memory_space<vmem>>, vector<1x16xi32>,
      %get3A_231 = vector.shape_cast %get3A_230 : vector<1x16xi32> to vector<16xi32>
      %mul3A_232 = arith.constant 2 : i32
      %mul3A_233 = vector.broadcast %mul3A_232 : i32 to vector<16xi32>
      %mul3A_234 = arith.muli %get3A_231, %mul3A_233 : vector<16xi32>
      %add3A_235 = vector.broadcast %add3A_39 : i32 to vector<16xi32>
      %add3A_236 = arith.addi %mul3A_234, %add3A_235 : vector<16xi32>
      %swap3A_237 = arith.index_cast %scan3A_159 : i32 to index
      %swap3A_238 = arith.constant 80 : index
      %swap3A_239 = tpu.vector_load %arg10[%swap3A_237, %swap3A_238] {strides = array<i32>} : memref<80x128xi32, #tpu.memory_space<vmem>>, vector<1x16xi32>,
      %swap3A_240 = vector.shape_cast %swap3A_239 : vector<1x16xi32> to vector<16xi32>
      %swap3A_241 = vector.shape_cast %add3A_236 : vector<16xi32> to vector<1x16xi32>
      tpu.vector_store %arg10[%swap3A_237, %swap3A_238], %swap3A_241 {strides = array<i32>} : memref<80x128xi32, #tpu.memory_space<vmem>>, vector<1x16xi32>,
      %get3A_242 = arith.index_cast %scan3A_159 : i32 to index
      %get3A_243 = arith.constant 96 : index
      %get3A_244 = tpu.vector_load %arg7[%get3A_242, %get3A_243] {strides = array<i32>} : memref<80x128xi32, #tpu.memory_space<vmem>>, vector<1x16xi32>,
      %get3A_245 = vector.shape_cast %get3A_244 : vector<1x16xi32> to vector<16xi32>
      %mul3A_246 = arith.constant 2 : i32
      %mul3A_247 = vector.broadcast %mul3A_246 : i32 to vector<16xi32>
      %mul3A_248 = arith.muli %get3A_245, %mul3A_247 : vector<16xi32>
      %add3A_249 = vector.broadcast %add3A_39 : i32 to vector<16xi32>
      %add3A_250 = arith.addi %mul3A_248, %add3A_249 : vector<16xi32>
      %swap3A_251 = arith.index_cast %scan3A_159 : i32 to index
      %swap3A_252 = arith.constant 96 : index
      %swap3A_253 = tpu.vector_load %arg10[%swap3A_251, %swap3A_252] {strides = array<i32>} : memref<80x128xi32, #tpu.memory_space<vmem>>, vector<1x16xi32>,
      %swap3A_254 = vector.shape_cast %swap3A_253 : vector<1x16xi32> to vector<16xi32>
      %swap3A_255 = vector.shape_cast %add3A_250 : vector<16xi32> to vector<1x16xi32>
      tpu.vector_store %arg10[%swap3A_251, %swap3A_252], %swap3A_255 {strides = array<i32>} : memref<80x128xi32, #tpu.memory_space<vmem>>, vector<1x16xi32>,
      %get3A_256 = arith.index_cast %scan3A_159 : i32 to index
      %get3A_257 = arith.constant 112 : index
      %get3A_258 = tpu.vector_load %arg7[%get3A_256, %get3A_257] {strides = array<i32>} : memref<80x128xi32, #tpu.memory_space<vmem>>, vector<1x16xi32>,
      %get3A_259 = vector.shape_cast %get3A_258 : vector<1x16xi32> to vector<16xi32>
      %mul3A_260 = arith.constant 2 : i32
      %mul3A_261 = vector.broadcast %mul3A_260 : i32 to vector<16xi32>
      %mul3A_262 = arith.muli %get3A_259, %mul3A_261 : vector<16xi32>
      %add3A_263 = vector.broadcast %add3A_39 : i32 to vector<16xi32>
      %add3A_264 = arith.addi %mul3A_262, %add3A_263 : vector<16xi32>
      %swap3A_265 = arith.index_cast %scan3A_159 : i32 to index
      %swap3A_266 = arith.constant 112 : index
      %swap3A_267 = tpu.vector_load %arg10[%swap3A_265, %swap3A_266] {strides = array<i32>} : memref<80x128xi32, #tpu.memory_space<vmem>>, vector<1x16xi32>,
      %swap3A_268 = vector.shape_cast %swap3A_267 : vector<1x16xi32> to vector<16xi32>
      %swap3A_269 = vector.shape_cast %add3A_264 : vector<16xi32> to vector<1x16xi32>
      tpu.vector_store %arg10[%swap3A_265, %swap3A_266], %swap3A_269 {strides = array<i32>} : memref<80x128xi32, #tpu.memory_space<vmem>>, vector<1x16xi32>,
    }
    %scan3A_45 = arith.constant 80 : i32
    %scan3A_46 = arith.constant 0 : i32
    %scan3A_47 = arith.constant 0 : i32
    %scan3A_48 = arith.constant 128 : i32
    %scan3A_49 = arith.addi %scan3A_47, %scan3A_48 : i32
    %scan3A_50 = arith.constant 1 : i32
    scf.for %scan3A_159 = %scan3A_47 to %scan3A_49 step %scan3A_50  : i32 {
      %broadcast_in_dim3A = arith.constant 0.000000e+00 : f32
      %broadcast_in_dim3A_160 = vector.broadcast %broadcast_in_dim3A : f32 to vector<16xf32>
      %swap3A = arith.constant 0 : i32
      %swap3A_161 = arith.index_cast %swap3A : i32 to index
      %swap3A_162 = arith.index_cast %scan3A_159 : i32 to index
      %swap3A_163 = arith.constant 0 : index
      %swap3A_164 = tpu.vector_load %arg11[%swap3A_161, %swap3A_162, %swap3A_163] {strides = array<i32>} : memref<2x128x64xf32, #tpu.memory_space<vmem>>, vector<1x1x16xf32>,
      %swap3A_165 = vector.shape_cast %swap3A_164 : vector<1x1x16xf32> to vector<16xf32>
      %swap3A_166 = vector.shape_cast %broadcast_in_dim3A_160 : vector<16xf32> to vector<1x1x16xf32>
      tpu.vector_store %arg11[%swap3A_161, %swap3A_162, %swap3A_163], %swap3A_166 {strides = array<i32>} : memref<2x128x64xf32, #tpu.memory_space<vmem>>, vector<1x1x16xf32>,
      %broadcast_in_dim3A_167 = arith.constant 0.000000e+00 : f32
      %broadcast_in_dim3A_168 = vector.broadcast %broadcast_in_dim3A_167 : f32 to vector<16xf32>
      %swap3A_169 = arith.constant 0 : i32
      %swap3A_170 = arith.index_cast %swap3A_169 : i32 to index
      %swap3A_171 = arith.index_cast %scan3A_159 : i32 to index
      %swap3A_172 = arith.constant 16 : index
      %swap3A_173 = tpu.vector_load %arg11[%swap3A_170, %swap3A_171, %swap3A_172] {strides = array<i32>} : memref<2x128x64xf32, #tpu.memory_space<vmem>>, vector<1x1x16xf32>,
      %swap3A_174 = vector.shape_cast %swap3A_173 : vector<1x1x16xf32> to vector<16xf32>
      %swap3A_175 = vector.shape_cast %broadcast_in_dim3A_168 : vector<16xf32> to vector<1x1x16xf32>
      tpu.vector_store %arg11[%swap3A_170, %swap3A_171, %swap3A_172], %swap3A_175 {strides = array<i32>} : memref<2x128x64xf32, #tpu.memory_space<vmem>>, vector<1x1x16xf32>,
      %broadcast_in_dim3A_176 = arith.constant 0.000000e+00 : f32
      %broadcast_in_dim3A_177 = vector.broadcast %broadcast_in_dim3A_176 : f32 to vector<16xf32>
      %swap3A_178 = arith.constant 0 : i32
      %swap3A_179 = arith.index_cast %swap3A_178 : i32 to index
      %swap3A_180 = arith.index_cast %scan3A_159 : i32 to index
      %swap3A_181 = arith.constant 32 : index
      %swap3A_182 = tpu.vector_load %arg11[%swap3A_179, %swap3A_180, %swap3A_181] {strides = array<i32>} : memref<2x128x64xf32, #tpu.memory_space<vmem>>, vector<1x1x16xf32>,
      %swap3A_183 = vector.shape_cast %swap3A_182 : vector<1x1x16xf32> to vector<16xf32>
      %swap3A_184 = vector.shape_cast %broadcast_in_dim3A_177 : vector<16xf32> to vector<1x1x16xf32>
      tpu.vector_store %arg11[%swap3A_179, %swap3A_180, %swap3A_181], %swap3A_184 {strides = array<i32>} : memref<2x128x64xf32, #tpu.memory_space<vmem>>, vector<1x1x16xf32>,
      %broadcast_in_dim3A_185 = arith.constant 0.000000e+00 : f32
      %broadcast_in_dim3A_186 = vector.broadcast %broadcast_in_dim3A_185 : f32 to vector<16xf32>
      %swap3A_187 = arith.constant 0 : i32
      %swap3A_188 = arith.index_cast %swap3A_187 : i32 to index
      %swap3A_189 = arith.index_cast %scan3A_159 : i32 to index
      %swap3A_190 = arith.constant 48 : index
      %swap3A_191 = tpu.vector_load %arg11[%swap3A_188, %swap3A_189, %swap3A_190] {strides = array<i32>} : memref<2x128x64xf32, #tpu.memory_space<vmem>>, vector<1x1x16xf32>,
      %swap3A_192 = vector.shape_cast %swap3A_191 : vector<1x1x16xf32> to vector<16xf32>
      %swap3A_193 = vector.shape_cast %broadcast_in_dim3A_186 : vector<16xf32> to vector<1x1x16xf32>
      tpu.vector_store %arg11[%swap3A_188, %swap3A_189, %swap3A_190], %swap3A_193 {strides = array<i32>} : memref<2x128x64xf32, #tpu.memory_space<vmem>>, vector<1x1x16xf32>,
    }
    %scan3A_51 = arith.constant 128 : i32
    %mul3A_52 = arith.constant 640 : i32
    %mul3A_53 = arith.muli %arg1, %mul3A_52 : i32
    %add3A_54 = arith.constant 0 : i32
    %add3A_55 = arith.addi %mul3A_53, %add3A_54 : i32
    %run_scoped3A_56 = arith.constant 0 : i32
    "tpu.region"() ({
      %run_scoped3A_159 = tpu.sem_alloc : memref<!tpu.dma_semaphore, #tpu.memory_space<semaphore_mem>>
      %dma_start3A = arith.constant 0 : i32
      %dma_start3A_160 = arith.constant 0 : i32
      %dma_start3A_161 = tpu.memref_slice %arg11[%run_scoped3A_56, %dma_start3A, %dma_start3A_160] : memref<2x128x64xf32, #tpu.memory_space<vmem>> -> memref<1x128x64xf32, #tpu.memory_space<vmem>>
      %dma_start3A_162 = tpu.memref_squeeze %dma_start3A_161 : memref<1x128x64xf32, #tpu.memory_space<vmem>> -> memref<128x64xf32, #tpu.memory_space<vmem>>
      %dma_start3A_163 = arith.constant 0 : i32
      %dma_start3A_164 = tpu.memref_slice %arg12[%add3A_55, %dma_start3A_163] : memref<10240x64xf32, #tpu.memory_space<vmem_shared>> -> memref<128x64xf32, #tpu.memory_space<vmem_shared>>
      %dma_start3A_165 = arith.constant 0 : i32
      %dma_start3A_166 = tpu.memref_slice %arg12[%add3A_55, %dma_start3A_165] : memref<10240x64xf32, #tpu.memory_space<vmem_shared>> -> memref<128x64xf32, #tpu.memory_space<vmem_shared>>
      %dma_start3A_167 = arith.constant 0 : i32
      %dma_start3A_168 = arith.constant 0 : i32
      %dma_start3A_169 = tpu.memref_slice %arg11[%run_scoped3A_56, %dma_start3A_167, %dma_start3A_168] : memref<2x128x64xf32, #tpu.memory_space<vmem>> -> memref<1x128x64xf32, #tpu.memory_space<vmem>>
      %dma_start3A_170 = tpu.memref_squeeze %dma_start3A_169 : memref<1x128x64xf32, #tpu.memory_space<vmem>> -> memref<128x64xf32, #tpu.memory_space<vmem>>
      tpu.enqueue_dma source(%dma_start3A_170 : memref<128x64xf32, #tpu.memory_space<vmem>>) target(%dma_start3A_166 : memref<128x64xf32, #tpu.memory_space<vmem_shared>>) target_semaphore(%run_scoped3A_159 : memref<!tpu.dma_semaphore, #tpu.memory_space<semaphore_mem>>)
      %dma_wait3A = arith.constant 0 : i32
      %dma_wait3A_171 = arith.constant 0 : i32
      %dma_wait3A_172 = tpu.memref_slice %arg11[%run_scoped3A_56, %dma_wait3A, %dma_wait3A_171] : memref<2x128x64xf32, #tpu.memory_space<vmem>> -> memref<1x128x64xf32, #tpu.memory_space<vmem>>
      %dma_wait3A_173 = tpu.memref_squeeze %dma_wait3A_172 : memref<1x128x64xf32, #tpu.memory_space<vmem>> -> memref<128x64xf32, #tpu.memory_space<vmem>>
      %dma_wait3A_174 = arith.constant 0 : i32
      %dma_wait3A_175 = tpu.memref_slice %arg12[%add3A_55, %dma_wait3A_174] : memref<10240x64xf32, #tpu.memory_space<vmem_shared>> -> memref<128x64xf32, #tpu.memory_space<vmem_shared>>
      %dma_wait3A_176 = arith.constant 0 : i32
      %dma_wait3A_177 = tpu.memref_slice %arg12[%add3A_55, %dma_wait3A_176] : memref<10240x64xf32, #tpu.memory_space<vmem_shared>> -> memref<128x64xf32, #tpu.memory_space<vmem_shared>>
      %dma_wait3A_178 = arith.constant 0 : i32
      %dma_wait3A_179 = arith.constant 0 : i32
      %dma_wait3A_180 = tpu.memref_slice %arg11[%run_scoped3A_56, %dma_wait3A_178, %dma_wait3A_179] : memref<2x128x64xf32, #tpu.memory_space<vmem>> -> memref<1x128x64xf32, #tpu.memory_space<vmem>>
      %dma_wait3A_181 = tpu.memref_squeeze %dma_wait3A_180 : memref<1x128x64xf32, #tpu.memory_space<vmem>> -> memref<128x64xf32, #tpu.memory_space<vmem>>
      tpu.wait_dma2 semaphore(%run_scoped3A_159 : memref<!tpu.dma_semaphore, #tpu.memory_space<semaphore_mem>>) src(%dma_wait3A_181 : memref<128x64xf32, #tpu.memory_space<vmem>>) dst(%dma_wait3A_177 : memref<128x64xf32, #tpu.memory_space<vmem_shared>>)
      tpu.yield
    }) : () -> ()
    %add3A_57 = arith.constant 128 : i32
    %add3A_58 = arith.addi %mul3A_53, %add3A_57 : i32
    %run_scoped3A_59 = arith.constant 0 : i32
    "tpu.region"() ({
      %run_scoped3A_159 = tpu.sem_alloc : memref<!tpu.dma_semaphore, #tpu.memory_space<semaphore_mem>>
      %dma_start3A = arith.constant 0 : i32
      %dma_start3A_160 = arith.constant 0 : i32
      %dma_start3A_161 = tpu.memref_slice %arg11[%run_scoped3A_59, %dma_start3A, %dma_start3A_160] : memref<2x128x64xf32, #tpu.memory_space<vmem>> -> memref<1x128x64xf32, #tpu.memory_space<vmem>>
      %dma_start3A_162 = tpu.memref_squeeze %dma_start3A_161 : memref<1x128x64xf32, #tpu.memory_space<vmem>> -> memref<128x64xf32, #tpu.memory_space<vmem>>
      %dma_start3A_163 = arith.constant 0 : i32
      %dma_start3A_164 = tpu.memref_slice %arg12[%add3A_58, %dma_start3A_163] : memref<10240x64xf32, #tpu.memory_space<vmem_shared>> -> memref<128x64xf32, #tpu.memory_space<vmem_shared>>
      %dma_start3A_165 = arith.constant 0 : i32
      %dma_start3A_166 = tpu.memref_slice %arg12[%add3A_58, %dma_start3A_165] : memref<10240x64xf32, #tpu.memory_space<vmem_shared>> -> memref<128x64xf32, #tpu.memory_space<vmem_shared>>
      %dma_start3A_167 = arith.constant 0 : i32
      %dma_start3A_168 = arith.constant 0 : i32
      %dma_start3A_169 = tpu.memref_slice %arg11[%run_scoped3A_59, %dma_start3A_167, %dma_start3A_168] : memref<2x128x64xf32, #tpu.memory_space<vmem>> -> memref<1x128x64xf32, #tpu.memory_space<vmem>>
      %dma_start3A_170 = tpu.memref_squeeze %dma_start3A_169 : memref<1x128x64xf32, #tpu.memory_space<vmem>> -> memref<128x64xf32, #tpu.memory_space<vmem>>
      tpu.enqueue_dma source(%dma_start3A_170 : memref<128x64xf32, #tpu.memory_space<vmem>>) target(%dma_start3A_166 : memref<128x64xf32, #tpu.memory_space<vmem_shared>>) target_semaphore(%run_scoped3A_159 : memref<!tpu.dma_semaphore, #tpu.memory_space<semaphore_mem>>)
      %dma_wait3A = arith.constant 0 : i32
      %dma_wait3A_171 = arith.constant 0 : i32
      %dma_wait3A_172 = tpu.memref_slice %arg11[%run_scoped3A_59, %dma_wait3A, %dma_wait3A_171] : memref<2x128x64xf32, #tpu.memory_space<vmem>> -> memref<1x128x64xf32, #tpu.memory_space<vmem>>
      %dma_wait3A_173 = tpu.memref_squeeze %dma_wait3A_172 : memref<1x128x64xf32, #tpu.memory_space<vmem>> -> memref<128x64xf32, #tpu.memory_space<vmem>>
      %dma_wait3A_174 = arith.constant 0 : i32
      %dma_wait3A_175 = tpu.memref_slice %arg12[%add3A_58, %dma_wait3A_174] : memref<10240x64xf32, #tpu.memory_space<vmem_shared>> -> memref<128x64xf32, #tpu.memory_space<vmem_shared>>
      %dma_wait3A_176 = arith.constant 0 : i32
      %dma_wait3A_177 = tpu.memref_slice %arg12[%add3A_58, %dma_wait3A_176] : memref<10240x64xf32, #tpu.memory_space<vmem_shared>> -> memref<128x64xf32, #tpu.memory_space<vmem_shared>>
      %dma_wait3A_178 = arith.constant 0 : i32
      %dma_wait3A_179 = arith.constant 0 : i32
      %dma_wait3A_180 = tpu.memref_slice %arg11[%run_scoped3A_59, %dma_wait3A_178, %dma_wait3A_179] : memref<2x128x64xf32, #tpu.memory_space<vmem>> -> memref<1x128x64xf32, #tpu.memory_space<vmem>>
      %dma_wait3A_181 = tpu.memref_squeeze %dma_wait3A_180 : memref<1x128x64xf32, #tpu.memory_space<vmem>> -> memref<128x64xf32, #tpu.memory_space<vmem>>
      tpu.wait_dma2 semaphore(%run_scoped3A_159 : memref<!tpu.dma_semaphore, #tpu.memory_space<semaphore_mem>>) src(%dma_wait3A_181 : memref<128x64xf32, #tpu.memory_space<vmem>>) dst(%dma_wait3A_177 : memref<128x64xf32, #tpu.memory_space<vmem_shared>>)
      tpu.yield
    }) : () -> ()
    %add3A_60 = arith.constant 256 : i32
    %add3A_61 = arith.addi %mul3A_53, %add3A_60 : i32
    %run_scoped3A_62 = arith.constant 0 : i32
    "tpu.region"() ({
      %run_scoped3A_159 = tpu.sem_alloc : memref<!tpu.dma_semaphore, #tpu.memory_space<semaphore_mem>>
      %dma_start3A = arith.constant 0 : i32
      %dma_start3A_160 = arith.constant 0 : i32
      %dma_start3A_161 = tpu.memref_slice %arg11[%run_scoped3A_62, %dma_start3A, %dma_start3A_160] : memref<2x128x64xf32, #tpu.memory_space<vmem>> -> memref<1x128x64xf32, #tpu.memory_space<vmem>>
      %dma_start3A_162 = tpu.memref_squeeze %dma_start3A_161 : memref<1x128x64xf32, #tpu.memory_space<vmem>> -> memref<128x64xf32, #tpu.memory_space<vmem>>
      %dma_start3A_163 = arith.constant 0 : i32
      %dma_start3A_164 = tpu.memref_slice %arg12[%add3A_61, %dma_start3A_163] : memref<10240x64xf32, #tpu.memory_space<vmem_shared>> -> memref<128x64xf32, #tpu.memory_space<vmem_shared>>
      %dma_start3A_165 = arith.constant 0 : i32
      %dma_start3A_166 = tpu.memref_slice %arg12[%add3A_61, %dma_start3A_165] : memref<10240x64xf32, #tpu.memory_space<vmem_shared>> -> memref<128x64xf32, #tpu.memory_space<vmem_shared>>
      %dma_start3A_167 = arith.constant 0 : i32
      %dma_start3A_168 = arith.constant 0 : i32
      %dma_start3A_169 = tpu.memref_slice %arg11[%run_scoped3A_62, %dma_start3A_167, %dma_start3A_168] : memref<2x128x64xf32, #tpu.memory_space<vmem>> -> memref<1x128x64xf32, #tpu.memory_space<vmem>>
      %dma_start3A_170 = tpu.memref_squeeze %dma_start3A_169 : memref<1x128x64xf32, #tpu.memory_space<vmem>> -> memref<128x64xf32, #tpu.memory_space<vmem>>
      tpu.enqueue_dma source(%dma_start3A_170 : memref<128x64xf32, #tpu.memory_space<vmem>>) target(%dma_start3A_166 : memref<128x64xf32, #tpu.memory_space<vmem_shared>>) target_semaphore(%run_scoped3A_159 : memref<!tpu.dma_semaphore, #tpu.memory_space<semaphore_mem>>)
      %dma_wait3A = arith.constant 0 : i32
      %dma_wait3A_171 = arith.constant 0 : i32
      %dma_wait3A_172 = tpu.memref_slice %arg11[%run_scoped3A_62, %dma_wait3A, %dma_wait3A_171] : memref<2x128x64xf32, #tpu.memory_space<vmem>> -> memref<1x128x64xf32, #tpu.memory_space<vmem>>
      %dma_wait3A_173 = tpu.memref_squeeze %dma_wait3A_172 : memref<1x128x64xf32, #tpu.memory_space<vmem>> -> memref<128x64xf32, #tpu.memory_space<vmem>>
      %dma_wait3A_174 = arith.constant 0 : i32
      %dma_wait3A_175 = tpu.memref_slice %arg12[%add3A_61, %dma_wait3A_174] : memref<10240x64xf32, #tpu.memory_space<vmem_shared>> -> memref<128x64xf32, #tpu.memory_space<vmem_shared>>
      %dma_wait3A_176 = arith.constant 0 : i32
      %dma_wait3A_177 = tpu.memref_slice %arg12[%add3A_61, %dma_wait3A_176] : memref<10240x64xf32, #tpu.memory_space<vmem_shared>> -> memref<128x64xf32, #tpu.memory_space<vmem_shared>>
      %dma_wait3A_178 = arith.constant 0 : i32
      %dma_wait3A_179 = arith.constant 0 : i32
      %dma_wait3A_180 = tpu.memref_slice %arg11[%run_scoped3A_62, %dma_wait3A_178, %dma_wait3A_179] : memref<2x128x64xf32, #tpu.memory_space<vmem>> -> memref<1x128x64xf32, #tpu.memory_space<vmem>>
      %dma_wait3A_181 = tpu.memref_squeeze %dma_wait3A_180 : memref<1x128x64xf32, #tpu.memory_space<vmem>> -> memref<128x64xf32, #tpu.memory_space<vmem>>
      tpu.wait_dma2 semaphore(%run_scoped3A_159 : memref<!tpu.dma_semaphore, #tpu.memory_space<semaphore_mem>>) src(%dma_wait3A_181 : memref<128x64xf32, #tpu.memory_space<vmem>>) dst(%dma_wait3A_177 : memref<128x64xf32, #tpu.memory_space<vmem_shared>>)
      tpu.yield
    }) : () -> ()
    %add3A_63 = arith.constant 384 : i32
    %add3A_64 = arith.addi %mul3A_53, %add3A_63 : i32
    %run_scoped3A_65 = arith.constant 0 : i32
    "tpu.region"() ({
      %run_scoped3A_159 = tpu.sem_alloc : memref<!tpu.dma_semaphore, #tpu.memory_space<semaphore_mem>>
      %dma_start3A = arith.constant 0 : i32
      %dma_start3A_160 = arith.constant 0 : i32
      %dma_start3A_161 = tpu.memref_slice %arg11[%run_scoped3A_65, %dma_start3A, %dma_start3A_160] : memref<2x128x64xf32, #tpu.memory_space<vmem>> -> memref<1x128x64xf32, #tpu.memory_space<vmem>>
      %dma_start3A_162 = tpu.memref_squeeze %dma_start3A_161 : memref<1x128x64xf32, #tpu.memory_space<vmem>> -> memref<128x64xf32, #tpu.memory_space<vmem>>
      %dma_start3A_163 = arith.constant 0 : i32
      %dma_start3A_164 = tpu.memref_slice %arg12[%add3A_64, %dma_start3A_163] : memref<10240x64xf32, #tpu.memory_space<vmem_shared>> -> memref<128x64xf32, #tpu.memory_space<vmem_shared>>
      %dma_start3A_165 = arith.constant 0 : i32
      %dma_start3A_166 = tpu.memref_slice %arg12[%add3A_64, %dma_start3A_165] : memref<10240x64xf32, #tpu.memory_space<vmem_shared>> -> memref<128x64xf32, #tpu.memory_space<vmem_shared>>
      %dma_start3A_167 = arith.constant 0 : i32
      %dma_start3A_168 = arith.constant 0 : i32
      %dma_start3A_169 = tpu.memref_slice %arg11[%run_scoped3A_65, %dma_start3A_167, %dma_start3A_168] : memref<2x128x64xf32, #tpu.memory_space<vmem>> -> memref<1x128x64xf32, #tpu.memory_space<vmem>>
      %dma_start3A_170 = tpu.memref_squeeze %dma_start3A_169 : memref<1x128x64xf32, #tpu.memory_space<vmem>> -> memref<128x64xf32, #tpu.memory_space<vmem>>
      tpu.enqueue_dma source(%dma_start3A_170 : memref<128x64xf32, #tpu.memory_space<vmem>>) target(%dma_start3A_166 : memref<128x64xf32, #tpu.memory_space<vmem_shared>>) target_semaphore(%run_scoped3A_159 : memref<!tpu.dma_semaphore, #tpu.memory_space<semaphore_mem>>)
      %dma_wait3A = arith.constant 0 : i32
      %dma_wait3A_171 = arith.constant 0 : i32
      %dma_wait3A_172 = tpu.memref_slice %arg11[%run_scoped3A_65, %dma_wait3A, %dma_wait3A_171] : memref<2x128x64xf32, #tpu.memory_space<vmem>> -> memref<1x128x64xf32, #tpu.memory_space<vmem>>
      %dma_wait3A_173 = tpu.memref_squeeze %dma_wait3A_172 : memref<1x128x64xf32, #tpu.memory_space<vmem>> -> memref<128x64xf32, #tpu.memory_space<vmem>>
      %dma_wait3A_174 = arith.constant 0 : i32
      %dma_wait3A_175 = tpu.memref_slice %arg12[%add3A_64, %dma_wait3A_174] : memref<10240x64xf32, #tpu.memory_space<vmem_shared>> -> memref<128x64xf32, #tpu.memory_space<vmem_shared>>
      %dma_wait3A_176 = arith.constant 0 : i32
      %dma_wait3A_177 = tpu.memref_slice %arg12[%add3A_64, %dma_wait3A_176] : memref<10240x64xf32, #tpu.memory_space<vmem_shared>> -> memref<128x64xf32, #tpu.memory_space<vmem_shared>>
      %dma_wait3A_178 = arith.constant 0 : i32
      %dma_wait3A_179 = arith.constant 0 : i32
      %dma_wait3A_180 = tpu.memref_slice %arg11[%run_scoped3A_65, %dma_wait3A_178, %dma_wait3A_179] : memref<2x128x64xf32, #tpu.memory_space<vmem>> -> memref<1x128x64xf32, #tpu.memory_space<vmem>>
      %dma_wait3A_181 = tpu.memref_squeeze %dma_wait3A_180 : memref<1x128x64xf32, #tpu.memory_space<vmem>> -> memref<128x64xf32, #tpu.memory_space<vmem>>
      tpu.wait_dma2 semaphore(%run_scoped3A_159 : memref<!tpu.dma_semaphore, #tpu.memory_space<semaphore_mem>>) src(%dma_wait3A_181 : memref<128x64xf32, #tpu.memory_space<vmem>>) dst(%dma_wait3A_177 : memref<128x64xf32, #tpu.memory_space<vmem_shared>>)
      tpu.yield
    }) : () -> ()
    %add3A_66 = arith.constant 512 : i32
    %add3A_67 = arith.addi %mul3A_53, %add3A_66 : i32
    %run_scoped3A_68 = arith.constant 0 : i32
    "tpu.region"() ({
      %run_scoped3A_159 = tpu.sem_alloc : memref<!tpu.dma_semaphore, #tpu.memory_space<semaphore_mem>>
      %dma_start3A = arith.constant 0 : i32
      %dma_start3A_160 = arith.constant 0 : i32
      %dma_start3A_161 = tpu.memref_slice %arg11[%run_scoped3A_68, %dma_start3A, %dma_start3A_160] : memref<2x128x64xf32, #tpu.memory_space<vmem>> -> memref<1x128x64xf32, #tpu.memory_space<vmem>>
      %dma_start3A_162 = tpu.memref_squeeze %dma_start3A_161 : memref<1x128x64xf32, #tpu.memory_space<vmem>> -> memref<128x64xf32, #tpu.memory_space<vmem>>
      %dma_start3A_163 = arith.constant 0 : i32
      %dma_start3A_164 = tpu.memref_slice %arg12[%add3A_67, %dma_start3A_163] : memref<10240x64xf32, #tpu.memory_space<vmem_shared>> -> memref<128x64xf32, #tpu.memory_space<vmem_shared>>
      %dma_start3A_165 = arith.constant 0 : i32
      %dma_start3A_166 = tpu.memref_slice %arg12[%add3A_67, %dma_start3A_165] : memref<10240x64xf32, #tpu.memory_space<vmem_shared>> -> memref<128x64xf32, #tpu.memory_space<vmem_shared>>
      %dma_start3A_167 = arith.constant 0 : i32
      %dma_start3A_168 = arith.constant 0 : i32
      %dma_start3A_169 = tpu.memref_slice %arg11[%run_scoped3A_68, %dma_start3A_167, %dma_start3A_168] : memref<2x128x64xf32, #tpu.memory_space<vmem>> -> memref<1x128x64xf32, #tpu.memory_space<vmem>>
      %dma_start3A_170 = tpu.memref_squeeze %dma_start3A_169 : memref<1x128x64xf32, #tpu.memory_space<vmem>> -> memref<128x64xf32, #tpu.memory_space<vmem>>
      tpu.enqueue_dma source(%dma_start3A_170 : memref<128x64xf32, #tpu.memory_space<vmem>>) target(%dma_start3A_166 : memref<128x64xf32, #tpu.memory_space<vmem_shared>>) target_semaphore(%run_scoped3A_159 : memref<!tpu.dma_semaphore, #tpu.memory_space<semaphore_mem>>)
      %dma_wait3A = arith.constant 0 : i32
      %dma_wait3A_171 = arith.constant 0 : i32
      %dma_wait3A_172 = tpu.memref_slice %arg11[%run_scoped3A_68, %dma_wait3A, %dma_wait3A_171] : memref<2x128x64xf32, #tpu.memory_space<vmem>> -> memref<1x128x64xf32, #tpu.memory_space<vmem>>
      %dma_wait3A_173 = tpu.memref_squeeze %dma_wait3A_172 : memref<1x128x64xf32, #tpu.memory_space<vmem>> -> memref<128x64xf32, #tpu.memory_space<vmem>>
      %dma_wait3A_174 = arith.constant 0 : i32
      %dma_wait3A_175 = tpu.memref_slice %arg12[%add3A_67, %dma_wait3A_174] : memref<10240x64xf32, #tpu.memory_space<vmem_shared>> -> memref<128x64xf32, #tpu.memory_space<vmem_shared>>
      %dma_wait3A_176 = arith.constant 0 : i32
      %dma_wait3A_177 = tpu.memref_slice %arg12[%add3A_67, %dma_wait3A_176] : memref<10240x64xf32, #tpu.memory_space<vmem_shared>> -> memref<128x64xf32, #tpu.memory_space<vmem_shared>>
      %dma_wait3A_178 = arith.constant 0 : i32
      %dma_wait3A_179 = arith.constant 0 : i32
      %dma_wait3A_180 = tpu.memref_slice %arg11[%run_scoped3A_68, %dma_wait3A_178, %dma_wait3A_179] : memref<2x128x64xf32, #tpu.memory_space<vmem>> -> memref<1x128x64xf32, #tpu.memory_space<vmem>>
      %dma_wait3A_181 = tpu.memref_squeeze %dma_wait3A_180 : memref<1x128x64xf32, #tpu.memory_space<vmem>> -> memref<128x64xf32, #tpu.memory_space<vmem>>
      tpu.wait_dma2 semaphore(%run_scoped3A_159 : memref<!tpu.dma_semaphore, #tpu.memory_space<semaphore_mem>>) src(%dma_wait3A_181 : memref<128x64xf32, #tpu.memory_space<vmem>>) dst(%dma_wait3A_177 : memref<128x64xf32, #tpu.memory_space<vmem_shared>>)
      tpu.yield
    }) : () -> ()
    %barrier3A_69 = arith.constant 0 : index
    tpu.barrier barrier_id(%barrier3A_69)
    %scan3A_70 = arith.constant 0 : i32
    %scan3A_71 = arith.constant 0 : i32
    %scan3A_72 = arith.constant 80 : i32
    %scan3A_73 = arith.addi %scan3A_71, %scan3A_72 : i32
    %scan3A_74 = arith.constant 1 : i32
    scf.for %scan3A_159 = %scan3A_71 to %scan3A_73 step %scan3A_74  : i32 {
      %dma_start3A = arith.constant 0 : i32
      %dma_start3A_160 = arith.constant 0 : i32
      %dma_start3A_161 = arith.constant 0 : i32
      %dma_start3A_162 = tpu.memref_slice %arg5[%arg1, %dma_start3A, %dma_start3A_160, %dma_start3A_161] : memref<16x80x128x16xf32, #tpu.memory_space<hbm>> -> memref<1x80x128x16xf32, #tpu.memory_space<hbm>>
      %dma_start3A_163 = tpu.memref_squeeze %dma_start3A_162 : memref<1x80x128x16xf32, #tpu.memory_space<hbm>> -> memref<80x128x16xf32, #tpu.memory_space<hbm>>
      %dma_start3A_164 = arith.constant 0 : i32
      %dma_start3A_165 = arith.constant 0 : i32
      %dma_start3A_166 = tpu.memref_slice %dma_start3A_163[%scan3A_159, %dma_start3A_164, %dma_start3A_165] : memref<80x128x16xf32, #tpu.memory_space<hbm>> -> memref<1x128x16xf32, #tpu.memory_space<hbm>>
      %dma_start3A_167 = tpu.memref_squeeze %dma_start3A_166 : memref<1x128x16xf32, #tpu.memory_space<hbm>> -> memref<128x16xf32, #tpu.memory_space<hbm>>
      %dma_start3A_168 = arith.constant 0 : i32
      %dma_start3A_169 = arith.constant 0 : i32
      %dma_start3A_170 = arith.constant 0 : i32
      %dma_start3A_171 = tpu.memref_slice %arg5[%arg1, %dma_start3A_168, %dma_start3A_169, %dma_start3A_170] : memref<16x80x128x16xf32, #tpu.memory_space<hbm>> -> memref<1x80x128x16xf32, #tpu.memory_space<hbm>>
      %dma_start3A_172 = tpu.memref_squeeze %dma_start3A_171 : memref<1x80x128x16xf32, #tpu.memory_space<hbm>> -> memref<80x128x16xf32, #tpu.memory_space<hbm>>
      %dma_start3A_173 = arith.constant 0 : i32
      %dma_start3A_174 = arith.constant 0 : i32
      %dma_start3A_175 = tpu.memref_slice %dma_start3A_172[%scan3A_159, %dma_start3A_173, %dma_start3A_174] : memref<80x128x16xf32, #tpu.memory_space<hbm>> -> memref<1x128x16xf32, #tpu.memory_space<hbm>>
      %dma_start3A_176 = tpu.memref_squeeze %dma_start3A_175 : memref<1x128x16xf32, #tpu.memory_space<hbm>> -> memref<128x16xf32, #tpu.memory_space<hbm>>
      tpu.enqueue_dma source(%dma_start3A_176 : memref<128x16xf32, #tpu.memory_space<hbm>>) target(%arg9 : memref<128x16xf32, #tpu.memory_space<vmem>>) target_semaphore(%arg14 : memref<!tpu.dma_semaphore, #tpu.memory_space<semaphore_mem>>)
      %dma_start3A_177 = arith.constant 0 : i32
      %dma_start3A_178 = arith.constant 0 : i32
      %dma_start3A_179 = arith.constant 0 : i32
      %dma_start3A_180 = tpu.memref_slice %arg11[%dma_start3A_177, %dma_start3A_178, %dma_start3A_179] : memref<2x128x64xf32, #tpu.memory_space<vmem>> -> memref<1x128x64xf32, #tpu.memory_space<vmem>>
      %dma_start3A_181 = tpu.memref_squeeze %dma_start3A_180 : memref<1x128x64xf32, #tpu.memory_space<vmem>> -> memref<128x64xf32, #tpu.memory_space<vmem>>
      %dma_start3A_182 = arith.constant 0 : i32
      %dma_start3A_183 = tpu.memref_slice %arg10[%scan3A_159, %dma_start3A_182] : memref<80x128xi32, #tpu.memory_space<vmem>> -> memref<1x128xi32, #tpu.memory_space<vmem>>
      %dma_start3A_184 = tpu.memref_squeeze %dma_start3A_183 : memref<1x128xi32, #tpu.memory_space<vmem>> -> memref<128xi32, #tpu.memory_space<vmem>>
      %dma_start3A_185 = arith.constant 0 : i32
      %dma_start3A_186 = arith.constant 0 : i32
      %dma_start3A_187 = tpu.memref_slice %arg2[%dma_start3A_185, %dma_start3A_186] : memref<80000x64xf32, #tpu.memory_space<hbm>> -> memref<80000x64xf32, #tpu.memory_space<hbm>>
      tpu.enqueue_indirect_dma source(%dma_start3A_187 : memref<80000x64xf32, #tpu.memory_space<hbm>>) target(%dma_start3A_181 : memref<128x64xf32, #tpu.memory_space<vmem>>) offsets(%dma_start3A_184 : memref<128xi32, #tpu.memory_space<vmem>>) semaphore(%arg13 : memref<!tpu.dma_semaphore, #tpu.memory_space<semaphore_mem>>)
      %dma_wait3A = arith.constant 0 : i32
      %dma_wait3A_188 = arith.constant 0 : i32
      %dma_wait3A_189 = arith.constant 0 : i32
      %dma_wait3A_190 = tpu.memref_slice %arg5[%arg1, %dma_wait3A, %dma_wait3A_188, %dma_wait3A_189] : memref<16x80x128x16xf32, #tpu.memory_space<hbm>> -> memref<1x80x128x16xf32, #tpu.memory_space<hbm>>
      %dma_wait3A_191 = tpu.memref_squeeze %dma_wait3A_190 : memref<1x80x128x16xf32, #tpu.memory_space<hbm>> -> memref<80x128x16xf32, #tpu.memory_space<hbm>>
      %dma_wait3A_192 = arith.constant 0 : i32
      %dma_wait3A_193 = arith.constant 0 : i32
      %dma_wait3A_194 = tpu.memref_slice %dma_wait3A_191[%scan3A_159, %dma_wait3A_192, %dma_wait3A_193] : memref<80x128x16xf32, #tpu.memory_space<hbm>> -> memref<1x128x16xf32, #tpu.memory_space<hbm>>
      %dma_wait3A_195 = tpu.memref_squeeze %dma_wait3A_194 : memref<1x128x16xf32, #tpu.memory_space<hbm>> -> memref<128x16xf32, #tpu.memory_space<hbm>>
      %dma_wait3A_196 = arith.constant 0 : i32
      %dma_wait3A_197 = arith.constant 0 : i32
      %dma_wait3A_198 = arith.constant 0 : i32
      %dma_wait3A_199 = tpu.memref_slice %arg5[%arg1, %dma_wait3A_196, %dma_wait3A_197, %dma_wait3A_198] : memref<16x80x128x16xf32, #tpu.memory_space<hbm>> -> memref<1x80x128x16xf32, #tpu.memory_space<hbm>>
      %dma_wait3A_200 = tpu.memref_squeeze %dma_wait3A_199 : memref<1x80x128x16xf32, #tpu.memory_space<hbm>> -> memref<80x128x16xf32, #tpu.memory_space<hbm>>
      %dma_wait3A_201 = arith.constant 0 : i32
      %dma_wait3A_202 = arith.constant 0 : i32
      %dma_wait3A_203 = tpu.memref_slice %dma_wait3A_200[%scan3A_159, %dma_wait3A_201, %dma_wait3A_202] : memref<80x128x16xf32, #tpu.memory_space<hbm>> -> memref<1x128x16xf32, #tpu.memory_space<hbm>>
      %dma_wait3A_204 = tpu.memref_squeeze %dma_wait3A_203 : memref<1x128x16xf32, #tpu.memory_space<hbm>> -> memref<128x16xf32, #tpu.memory_space<hbm>>
      tpu.wait_dma2 semaphore(%arg14 : memref<!tpu.dma_semaphore, #tpu.memory_space<semaphore_mem>>) src(%dma_wait3A_204 : memref<128x16xf32, #tpu.memory_space<hbm>>) dst(%arg9 : memref<128x16xf32, #tpu.memory_space<vmem>>)
      %dma_wait3A_205 = arith.constant 0 : i32
      %dma_wait3A_206 = arith.constant 0 : i32
      %dma_wait3A_207 = arith.constant 0 : i32
      %dma_wait3A_208 = tpu.memref_slice %arg11[%dma_wait3A_205, %dma_wait3A_206, %dma_wait3A_207] : memref<2x128x64xf32, #tpu.memory_space<vmem>> -> memref<1x128x64xf32, #tpu.memory_space<vmem>>
      %dma_wait3A_209 = tpu.memref_squeeze %dma_wait3A_208 : memref<1x128x64xf32, #tpu.memory_space<vmem>> -> memref<128x64xf32, #tpu.memory_space<vmem>>
      %dma_wait3A_210 = arith.constant 0 : i32
      %dma_wait3A_211 = tpu.memref_slice %arg10[%scan3A_159, %dma_wait3A_210] : memref<80x128xi32, #tpu.memory_space<vmem>> -> memref<1x128xi32, #tpu.memory_space<vmem>>
      %dma_wait3A_212 = tpu.memref_squeeze %dma_wait3A_211 : memref<1x128xi32, #tpu.memory_space<vmem>> -> memref<128xi32, #tpu.memory_space<vmem>>
      %dma_wait3A_213 = arith.constant 0 : i32
      %dma_wait3A_214 = arith.constant 0 : i32
      %dma_wait3A_215 = tpu.memref_slice %arg2[%dma_wait3A_213, %dma_wait3A_214] : memref<80000x64xf32, #tpu.memory_space<hbm>> -> memref<80000x64xf32, #tpu.memory_space<hbm>>
      tpu.wait_indirect_dma semaphore(%arg13 : memref<!tpu.dma_semaphore, #tpu.memory_space<semaphore_mem>>) src(%dma_wait3A_215 : memref<80000x64xf32, #tpu.memory_space<hbm>>) dst(%dma_wait3A_209 : memref<128x64xf32, #tpu.memory_space<vmem>>)
      %scan3A_216 = arith.constant 0 : i32
      %scan3A_217 = arith.constant 0 : i32
      %scan3A_218 = arith.constant 128 : i32
      %scan3A_219 = arith.addi %scan3A_217, %scan3A_218 : i32
      %scan3A_220 = arith.constant 1 : i32
      scf.for %scan3A_223 = %scan3A_217 to %scan3A_219 step %scan3A_220  : i32 {
        %get3A = arith.index_cast %scan3A_223 : i32 to index
        %get3A_224 = arith.constant 0 : index
        %get3A_225 = tpu.vector_load %arg9[%get3A, %get3A_224] {strides = array<i32>} : memref<128x16xf32, #tpu.memory_space<vmem>>, vector<1x16xf32>,
        %get3A_226 = vector.shape_cast %get3A_225 : vector<1x16xf32> to vector<16xf32>
        %get3A_227 = arith.constant 0 : i32
        %get3A_228 = arith.index_cast %get3A_227 : i32 to index
        %get3A_229 = arith.index_cast %scan3A_223 : i32 to index
        %get3A_230 = arith.constant 0 : index
        %get3A_231 = tpu.vector_load %arg11[%get3A_228, %get3A_229, %get3A_230] {strides = array<i32>} : memref<2x128x64xf32, #tpu.memory_space<vmem>>, vector<1x1x16xf32>,
        %get3A_232 = vector.shape_cast %get3A_231 : vector<1x1x16xf32> to vector<16xf32>
        %mul3A_233 = arith.mulf %get3A_232, %get3A_226 : vector<16xf32>
        %swap3A = arith.constant 0 : i32
        %swap3A_234 = arith.index_cast %swap3A : i32 to index
        %swap3A_235 = arith.index_cast %scan3A_223 : i32 to index
        %swap3A_236 = arith.constant 0 : index
        %swap3A_237 = tpu.vector_load %arg11[%swap3A_234, %swap3A_235, %swap3A_236] {strides = array<i32>} : memref<2x128x64xf32, #tpu.memory_space<vmem>>, vector<1x1x16xf32>,
        %swap3A_238 = vector.shape_cast %swap3A_237 : vector<1x1x16xf32> to vector<16xf32>
        %swap3A_239 = vector.shape_cast %mul3A_233 : vector<16xf32> to vector<1x1x16xf32>
        tpu.vector_store %arg11[%swap3A_234, %swap3A_235, %swap3A_236], %swap3A_239 {strides = array<i32>} : memref<2x128x64xf32, #tpu.memory_space<vmem>>, vector<1x1x16xf32>,
        %get3A_240 = arith.constant 0 : i32
        %get3A_241 = arith.index_cast %get3A_240 : i32 to index
        %get3A_242 = arith.index_cast %scan3A_223 : i32 to index
        %get3A_243 = arith.constant 16 : index
        %get3A_244 = tpu.vector_load %arg11[%get3A_241, %get3A_242, %get3A_243] {strides = array<i32>} : memref<2x128x64xf32, #tpu.memory_space<vmem>>, vector<1x1x16xf32>,
        %get3A_245 = vector.shape_cast %get3A_244 : vector<1x1x16xf32> to vector<16xf32>
        %mul3A_246 = arith.mulf %get3A_245, %get3A_226 : vector<16xf32>
        %swap3A_247 = arith.constant 0 : i32
        %swap3A_248 = arith.index_cast %swap3A_247 : i32 to index
        %swap3A_249 = arith.index_cast %scan3A_223 : i32 to index
        %swap3A_250 = arith.constant 16 : index
        %swap3A_251 = tpu.vector_load %arg11[%swap3A_248, %swap3A_249, %swap3A_250] {strides = array<i32>} : memref<2x128x64xf32, #tpu.memory_space<vmem>>, vector<1x1x16xf32>,
        %swap3A_252 = vector.shape_cast %swap3A_251 : vector<1x1x16xf32> to vector<16xf32>
        %swap3A_253 = vector.shape_cast %mul3A_246 : vector<16xf32> to vector<1x1x16xf32>
        tpu.vector_store %arg11[%swap3A_248, %swap3A_249, %swap3A_250], %swap3A_253 {strides = array<i32>} : memref<2x128x64xf32, #tpu.memory_space<vmem>>, vector<1x1x16xf32>,
        %get3A_254 = arith.constant 0 : i32
        %get3A_255 = arith.index_cast %get3A_254 : i32 to index
        %get3A_256 = arith.index_cast %scan3A_223 : i32 to index
        %get3A_257 = arith.constant 32 : index
        %get3A_258 = tpu.vector_load %arg11[%get3A_255, %get3A_256, %get3A_257] {strides = array<i32>} : memref<2x128x64xf32, #tpu.memory_space<vmem>>, vector<1x1x16xf32>,
        %get3A_259 = vector.shape_cast %get3A_258 : vector<1x1x16xf32> to vector<16xf32>
        %mul3A_260 = arith.mulf %get3A_259, %get3A_226 : vector<16xf32>
        %swap3A_261 = arith.constant 0 : i32
        %swap3A_262 = arith.index_cast %swap3A_261 : i32 to index
        %swap3A_263 = arith.index_cast %scan3A_223 : i32 to index
        %swap3A_264 = arith.constant 32 : index
        %swap3A_265 = tpu.vector_load %arg11[%swap3A_262, %swap3A_263, %swap3A_264] {strides = array<i32>} : memref<2x128x64xf32, #tpu.memory_space<vmem>>, vector<1x1x16xf32>,
        %swap3A_266 = vector.shape_cast %swap3A_265 : vector<1x1x16xf32> to vector<16xf32>
        %swap3A_267 = vector.shape_cast %mul3A_260 : vector<16xf32> to vector<1x1x16xf32>
        tpu.vector_store %arg11[%swap3A_262, %swap3A_263, %swap3A_264], %swap3A_267 {strides = array<i32>} : memref<2x128x64xf32, #tpu.memory_space<vmem>>, vector<1x1x16xf32>,
        %get3A_268 = arith.constant 0 : i32
        %get3A_269 = arith.index_cast %get3A_268 : i32 to index
        %get3A_270 = arith.index_cast %scan3A_223 : i32 to index
        %get3A_271 = arith.constant 48 : index
        %get3A_272 = tpu.vector_load %arg11[%get3A_269, %get3A_270, %get3A_271] {strides = array<i32>} : memref<2x128x64xf32, #tpu.memory_space<vmem>>, vector<1x1x16xf32>,
        %get3A_273 = vector.shape_cast %get3A_272 : vector<1x1x16xf32> to vector<16xf32>
        %mul3A_274 = arith.mulf %get3A_273, %get3A_226 : vector<16xf32>
        %swap3A_275 = arith.constant 0 : i32
        %swap3A_276 = arith.index_cast %swap3A_275 : i32 to index
        %swap3A_277 = arith.index_cast %scan3A_223 : i32 to index
        %swap3A_278 = arith.constant 48 : index
        %swap3A_279 = tpu.vector_load %arg11[%swap3A_276, %swap3A_277, %swap3A_278] {strides = array<i32>} : memref<2x128x64xf32, #tpu.memory_space<vmem>>, vector<1x1x16xf32>,
        %swap3A_280 = vector.shape_cast %swap3A_279 : vector<1x1x16xf32> to vector<16xf32>
        %swap3A_281 = vector.shape_cast %mul3A_274 : vector<16xf32> to vector<1x1x16xf32>
        tpu.vector_store %arg11[%swap3A_276, %swap3A_277, %swap3A_278], %swap3A_281 {strides = array<i32>} : memref<2x128x64xf32, #tpu.memory_space<vmem>>, vector<1x1x16xf32>,
      }
      %scan3A_221 = arith.constant 128 : i32
      %run_scoped3A_222 = arith.constant 0 : i32
      "tpu.region"() ({
        %run_scoped3A_223 = tpu.sem_alloc : memref<!tpu.dma_semaphore, #tpu.memory_space<semaphore_mem>>
        %dma_start3A_224 = arith.constant 0 : i32
        %dma_start3A_225 = arith.constant 0 : i32
        %dma_start3A_226 = tpu.memref_slice %arg11[%run_scoped3A_222, %dma_start3A_224, %dma_start3A_225] : memref<2x128x64xf32, #tpu.memory_space<vmem>> -> memref<1x128x64xf32, #tpu.memory_space<vmem>>
        %dma_start3A_227 = tpu.memref_squeeze %dma_start3A_226 : memref<1x128x64xf32, #tpu.memory_space<vmem>> -> memref<128x64xf32, #tpu.memory_space<vmem>>
        %dma_start3A_228 = arith.constant 0 : i32
        %dma_start3A_229 = tpu.memref_slice %arg8[%scan3A_159, %dma_start3A_228] : memref<80x128xi32, #tpu.memory_space<vmem>> -> memref<1x128xi32, #tpu.memory_space<vmem>>
        %dma_start3A_230 = tpu.memref_squeeze %dma_start3A_229 : memref<1x128xi32, #tpu.memory_space<vmem>> -> memref<128xi32, #tpu.memory_space<vmem>>
        %dma_start3A_231 = arith.constant 0 : i32
        %dma_start3A_232 = arith.constant 0 : i32
        %dma_start3A_233 = tpu.memref_slice %arg12[%dma_start3A_231, %dma_start3A_232] : memref<10240x64xf32, #tpu.memory_space<vmem_shared>> -> memref<10240x64xf32, #tpu.memory_space<vmem_shared>>
        tpu.enqueue_indirect_dma source(%dma_start3A_227 : memref<128x64xf32, #tpu.memory_space<vmem>>) target(%dma_start3A_233 : memref<10240x64xf32, #tpu.memory_space<vmem_shared>>) offsets(%dma_start3A_230 : memref<128xi32, #tpu.memory_space<vmem>>) semaphore(%run_scoped3A_223 : memref<!tpu.dma_semaphore, #tpu.memory_space<semaphore_mem>>) {add = true}
        %dma_wait3A_234 = arith.constant 0 : i32
        %dma_wait3A_235 = arith.constant 0 : i32
        %dma_wait3A_236 = tpu.memref_slice %arg11[%run_scoped3A_222, %dma_wait3A_234, %dma_wait3A_235] : memref<2x128x64xf32, #tpu.memory_space<vmem>> -> memref<1x128x64xf32, #tpu.memory_space<vmem>>
        %dma_wait3A_237 = tpu.memref_squeeze %dma_wait3A_236 : memref<1x128x64xf32, #tpu.memory_space<vmem>> -> memref<128x64xf32, #tpu.memory_space<vmem>>
        %dma_wait3A_238 = arith.constant 0 : i32
        %dma_wait3A_239 = tpu.memref_slice %arg8[%scan3A_159, %dma_wait3A_238] : memref<80x128xi32, #tpu.memory_space<vmem>> -> memref<1x128xi32, #tpu.memory_space<vmem>>
        %dma_wait3A_240 = tpu.memref_squeeze %dma_wait3A_239 : memref<1x128xi32, #tpu.memory_space<vmem>> -> memref<128xi32, #tpu.memory_space<vmem>>
        %dma_wait3A_241 = arith.constant 0 : i32
        %dma_wait3A_242 = arith.constant 0 : i32
        %dma_wait3A_243 = tpu.memref_slice %arg12[%dma_wait3A_241, %dma_wait3A_242] : memref<10240x64xf32, #tpu.memory_space<vmem_shared>> -> memref<10240x64xf32, #tpu.memory_space<vmem_shared>>
        tpu.wait_indirect_dma semaphore(%run_scoped3A_223 : memref<!tpu.dma_semaphore, #tpu.memory_space<semaphore_mem>>) src(%dma_wait3A_237 : memref<128x64xf32, #tpu.memory_space<vmem>>) dst(%dma_wait3A_243 : memref<10240x64xf32, #tpu.memory_space<vmem_shared>>)
        tpu.yield
      }) : () -> ()
    }
    %scan3A_75 = arith.constant 80 : i32
    %barrier3A_76 = arith.constant 0 : index
    tpu.barrier barrier_id(%barrier3A_76)
    "tpu.region"() ({
      %run_scoped3A_159 = tpu.sem_alloc : memref<!tpu.dma_semaphore, #tpu.memory_space<semaphore_mem>>
      %dma_start3A = arith.constant 0 : i32
      %dma_start3A_160 = arith.constant 0 : i32
      %dma_start3A_161 = tpu.memref_slice %arg6[%add3A_37, %dma_start3A, %dma_start3A_160] : memref<8x10240x64xf32, #tpu.memory_space<hbm>> -> memref<1x10240x64xf32, #tpu.memory_space<hbm>>
      %dma_start3A_162 = tpu.memref_squeeze %dma_start3A_161 : memref<1x10240x64xf32, #tpu.memory_space<hbm>> -> memref<10240x64xf32, #tpu.memory_space<hbm>>
      %dma_start3A_163 = arith.constant 0 : i32
      %dma_start3A_164 = tpu.memref_slice %dma_start3A_162[%mul3A_53, %dma_start3A_163] : memref<10240x64xf32, #tpu.memory_space<hbm>> -> memref<640x64xf32, #tpu.memory_space<hbm>>
      %dma_start3A_165 = arith.constant 0 : i32
      %dma_start3A_166 = tpu.memref_slice %arg12[%mul3A_53, %dma_start3A_165] : memref<10240x64xf32, #tpu.memory_space<vmem_shared>> -> memref<640x64xf32, #tpu.memory_space<vmem_shared>>
      tpu.enqueue_dma source(%dma_start3A_166 : memref<640x64xf32, #tpu.memory_space<vmem_shared>>) target(%dma_start3A_164 : memref<640x64xf32, #tpu.memory_space<hbm>>) target_semaphore(%run_scoped3A_159 : memref<!tpu.dma_semaphore, #tpu.memory_space<semaphore_mem>>)
      %dma_wait3A = arith.constant 0 : i32
      %dma_wait3A_167 = arith.constant 0 : i32
      %dma_wait3A_168 = tpu.memref_slice %arg6[%add3A_37, %dma_wait3A, %dma_wait3A_167] : memref<8x10240x64xf32, #tpu.memory_space<hbm>> -> memref<1x10240x64xf32, #tpu.memory_space<hbm>>
      %dma_wait3A_169 = tpu.memref_squeeze %dma_wait3A_168 : memref<1x10240x64xf32, #tpu.memory_space<hbm>> -> memref<10240x64xf32, #tpu.memory_space<hbm>>
      %dma_wait3A_170 = arith.constant 0 : i32
      %dma_wait3A_171 = tpu.memref_slice %dma_wait3A_169[%mul3A_53, %dma_wait3A_170] : memref<10240x64xf32, #tpu.memory_space<hbm>> -> memref<640x64xf32, #tpu.memory_space<hbm>>
      %dma_wait3A_172 = arith.constant 0 : i32
      %dma_wait3A_173 = tpu.memref_slice %arg12[%mul3A_53, %dma_wait3A_172] : memref<10240x64xf32, #tpu.memory_space<vmem_shared>> -> memref<640x64xf32, #tpu.memory_space<vmem_shared>>
      tpu.wait_dma2 semaphore(%run_scoped3A_159 : memref<!tpu.dma_semaphore, #tpu.memory_space<semaphore_mem>>) src(%dma_wait3A_173 : memref<640x64xf32, #tpu.memory_space<vmem_shared>>) dst(%dma_wait3A_171 : memref<640x64xf32, #tpu.memory_space<hbm>>)
      tpu.yield
    }) : () -> ()
    %add3A_77 = arith.constant 4 : i32
    %add3A_78 = arith.addi %add3A_77, %arg0 : i32
    %add3A_79 = arith.constant 40000 : i32
    %add3A_80 = arith.addi %add3A_79, %arg0 : i32
    %scan3A_81 = arith.constant 0 : i32
    %scan3A_82 = arith.constant 0 : i32
    %scan3A_83 = arith.constant 80 : i32
    %scan3A_84 = arith.addi %scan3A_82, %scan3A_83 : i32
    %scan3A_85 = arith.constant 1 : i32
    scf.for %scan3A_159 = %scan3A_82 to %scan3A_84 step %scan3A_85  : i32 {
      %get3A = arith.index_cast %scan3A_159 : i32 to index
      %get3A_160 = arith.constant 0 : index
      %get3A_161 = tpu.vector_load %arg7[%get3A, %get3A_160] {strides = array<i32>} : memref<80x128xi32, #tpu.memory_space<vmem>>, vector<1x16xi32>,
      %get3A_162 = vector.shape_cast %get3A_161 : vector<1x16xi32> to vector<16xi32>
      %mul3A_163 = arith.constant 2 : i32
      %mul3A_164 = vector.broadcast %mul3A_163 : i32 to vector<16xi32>
      %mul3A_165 = arith.muli %get3A_162, %mul3A_164 : vector<16xi32>
      %add3A_166 = vector.broadcast %add3A_80 : i32 to vector<16xi32>
      %add3A_167 = arith.addi %mul3A_165, %add3A_166 : vector<16xi32>
      %swap3A = arith.index_cast %scan3A_159 : i32 to index
      %swap3A_168 = arith.constant 0 : index
      %swap3A_169 = tpu.vector_load %arg10[%swap3A, %swap3A_168] {strides = array<i32>} : memref<80x128xi32, #tpu.memory_space<vmem>>, vector<1x16xi32>,
      %swap3A_170 = vector.shape_cast %swap3A_169 : vector<1x16xi32> to vector<16xi32>
      %swap3A_171 = vector.shape_cast %add3A_167 : vector<16xi32> to vector<1x16xi32>
      tpu.vector_store %arg10[%swap3A, %swap3A_168], %swap3A_171 {strides = array<i32>} : memref<80x128xi32, #tpu.memory_space<vmem>>, vector<1x16xi32>,
      %get3A_172 = arith.index_cast %scan3A_159 : i32 to index
      %get3A_173 = arith.constant 16 : index
      %get3A_174 = tpu.vector_load %arg7[%get3A_172, %get3A_173] {strides = array<i32>} : memref<80x128xi32, #tpu.memory_space<vmem>>, vector<1x16xi32>,
      %get3A_175 = vector.shape_cast %get3A_174 : vector<1x16xi32> to vector<16xi32>
      %mul3A_176 = arith.constant 2 : i32
      %mul3A_177 = vector.broadcast %mul3A_176 : i32 to vector<16xi32>
      %mul3A_178 = arith.muli %get3A_175, %mul3A_177 : vector<16xi32>
      %add3A_179 = vector.broadcast %add3A_80 : i32 to vector<16xi32>
      %add3A_180 = arith.addi %mul3A_178, %add3A_179 : vector<16xi32>
      %swap3A_181 = arith.index_cast %scan3A_159 : i32 to index
      %swap3A_182 = arith.constant 16 : index
      %swap3A_183 = tpu.vector_load %arg10[%swap3A_181, %swap3A_182] {strides = array<i32>} : memref<80x128xi32, #tpu.memory_space<vmem>>, vector<1x16xi32>,
      %swap3A_184 = vector.shape_cast %swap3A_183 : vector<1x16xi32> to vector<16xi32>
      %swap3A_185 = vector.shape_cast %add3A_180 : vector<16xi32> to vector<1x16xi32>
      tpu.vector_store %arg10[%swap3A_181, %swap3A_182], %swap3A_185 {strides = array<i32>} : memref<80x128xi32, #tpu.memory_space<vmem>>, vector<1x16xi32>,
      %get3A_186 = arith.index_cast %scan3A_159 : i32 to index
      %get3A_187 = arith.constant 32 : index
      %get3A_188 = tpu.vector_load %arg7[%get3A_186, %get3A_187] {strides = array<i32>} : memref<80x128xi32, #tpu.memory_space<vmem>>, vector<1x16xi32>,
      %get3A_189 = vector.shape_cast %get3A_188 : vector<1x16xi32> to vector<16xi32>
      %mul3A_190 = arith.constant 2 : i32
      %mul3A_191 = vector.broadcast %mul3A_190 : i32 to vector<16xi32>
      %mul3A_192 = arith.muli %get3A_189, %mul3A_191 : vector<16xi32>
      %add3A_193 = vector.broadcast %add3A_80 : i32 to vector<16xi32>
      %add3A_194 = arith.addi %mul3A_192, %add3A_193 : vector<16xi32>
      %swap3A_195 = arith.index_cast %scan3A_159 : i32 to index
      %swap3A_196 = arith.constant 32 : index
      %swap3A_197 = tpu.vector_load %arg10[%swap3A_195, %swap3A_196] {strides = array<i32>} : memref<80x128xi32, #tpu.memory_space<vmem>>, vector<1x16xi32>,
      %swap3A_198 = vector.shape_cast %swap3A_197 : vector<1x16xi32> to vector<16xi32>
      %swap3A_199 = vector.shape_cast %add3A_194 : vector<16xi32> to vector<1x16xi32>
      tpu.vector_store %arg10[%swap3A_195, %swap3A_196], %swap3A_199 {strides = array<i32>} : memref<80x128xi32, #tpu.memory_space<vmem>>, vector<1x16xi32>,
      %get3A_200 = arith.index_cast %scan3A_159 : i32 to index
      %get3A_201 = arith.constant 48 : index
      %get3A_202 = tpu.vector_load %arg7[%get3A_200, %get3A_201] {strides = array<i32>} : memref<80x128xi32, #tpu.memory_space<vmem>>, vector<1x16xi32>,
      %get3A_203 = vector.shape_cast %get3A_202 : vector<1x16xi32> to vector<16xi32>
      %mul3A_204 = arith.constant 2 : i32
      %mul3A_205 = vector.broadcast %mul3A_204 : i32 to vector<16xi32>
      %mul3A_206 = arith.muli %get3A_203, %mul3A_205 : vector<16xi32>
      %add3A_207 = vector.broadcast %add3A_80 : i32 to vector<16xi32>
      %add3A_208 = arith.addi %mul3A_206, %add3A_207 : vector<16xi32>
      %swap3A_209 = arith.index_cast %scan3A_159 : i32 to index
      %swap3A_210 = arith.constant 48 : index
      %swap3A_211 = tpu.vector_load %arg10[%swap3A_209, %swap3A_210] {strides = array<i32>} : memref<80x128xi32, #tpu.memory_space<vmem>>, vector<1x16xi32>,
      %swap3A_212 = vector.shape_cast %swap3A_211 : vector<1x16xi32> to vector<16xi32>
      %swap3A_213 = vector.shape_cast %add3A_208 : vector<16xi32> to vector<1x16xi32>
      tpu.vector_store %arg10[%swap3A_209, %swap3A_210], %swap3A_213 {strides = array<i32>} : memref<80x128xi32, #tpu.memory_space<vmem>>, vector<1x16xi32>,
      %get3A_214 = arith.index_cast %scan3A_159 : i32 to index
      %get3A_215 = arith.constant 64 : index
      %get3A_216 = tpu.vector_load %arg7[%get3A_214, %get3A_215] {strides = array<i32>} : memref<80x128xi32, #tpu.memory_space<vmem>>, vector<1x16xi32>,
      %get3A_217 = vector.shape_cast %get3A_216 : vector<1x16xi32> to vector<16xi32>
      %mul3A_218 = arith.constant 2 : i32
      %mul3A_219 = vector.broadcast %mul3A_218 : i32 to vector<16xi32>
      %mul3A_220 = arith.muli %get3A_217, %mul3A_219 : vector<16xi32>
      %add3A_221 = vector.broadcast %add3A_80 : i32 to vector<16xi32>
      %add3A_222 = arith.addi %mul3A_220, %add3A_221 : vector<16xi32>
      %swap3A_223 = arith.index_cast %scan3A_159 : i32 to index
      %swap3A_224 = arith.constant 64 : index
      %swap3A_225 = tpu.vector_load %arg10[%swap3A_223, %swap3A_224] {strides = array<i32>} : memref<80x128xi32, #tpu.memory_space<vmem>>, vector<1x16xi32>,
      %swap3A_226 = vector.shape_cast %swap3A_225 : vector<1x16xi32> to vector<16xi32>
      %swap3A_227 = vector.shape_cast %add3A_222 : vector<16xi32> to vector<1x16xi32>
      tpu.vector_store %arg10[%swap3A_223, %swap3A_224], %swap3A_227 {strides = array<i32>} : memref<80x128xi32, #tpu.memory_space<vmem>>, vector<1x16xi32>,
      %get3A_228 = arith.index_cast %scan3A_159 : i32 to index
      %get3A_229 = arith.constant 80 : index
      %get3A_230 = tpu.vector_load %arg7[%get3A_228, %get3A_229] {strides = array<i32>} : memref<80x128xi32, #tpu.memory_space<vmem>>, vector<1x16xi32>,
      %get3A_231 = vector.shape_cast %get3A_230 : vector<1x16xi32> to vector<16xi32>
      %mul3A_232 = arith.constant 2 : i32
      %mul3A_233 = vector.broadcast %mul3A_232 : i32 to vector<16xi32>
      %mul3A_234 = arith.muli %get3A_231, %mul3A_233 : vector<16xi32>
      %add3A_235 = vector.broadcast %add3A_80 : i32 to vector<16xi32>
      %add3A_236 = arith.addi %mul3A_234, %add3A_235 : vector<16xi32>
      %swap3A_237 = arith.index_cast %scan3A_159 : i32 to index
      %swap3A_238 = arith.constant 80 : index
      %swap3A_239 = tpu.vector_load %arg10[%swap3A_237, %swap3A_238] {strides = array<i32>} : memref<80x128xi32, #tpu.memory_space<vmem>>, vector<1x16xi32>,
      %swap3A_240 = vector.shape_cast %swap3A_239 : vector<1x16xi32> to vector<16xi32>
      %swap3A_241 = vector.shape_cast %add3A_236 : vector<16xi32> to vector<1x16xi32>
      tpu.vector_store %arg10[%swap3A_237, %swap3A_238], %swap3A_241 {strides = array<i32>} : memref<80x128xi32, #tpu.memory_space<vmem>>, vector<1x16xi32>,
      %get3A_242 = arith.index_cast %scan3A_159 : i32 to index
      %get3A_243 = arith.constant 96 : index
      %get3A_244 = tpu.vector_load %arg7[%get3A_242, %get3A_243] {strides = array<i32>} : memref<80x128xi32, #tpu.memory_space<vmem>>, vector<1x16xi32>,
      %get3A_245 = vector.shape_cast %get3A_244 : vector<1x16xi32> to vector<16xi32>
      %mul3A_246 = arith.constant 2 : i32
      %mul3A_247 = vector.broadcast %mul3A_246 : i32 to vector<16xi32>
      %mul3A_248 = arith.muli %get3A_245, %mul3A_247 : vector<16xi32>
      %add3A_249 = vector.broadcast %add3A_80 : i32 to vector<16xi32>
      %add3A_250 = arith.addi %mul3A_248, %add3A_249 : vector<16xi32>
      %swap3A_251 = arith.index_cast %scan3A_159 : i32 to index
      %swap3A_252 = arith.constant 96 : index
      %swap3A_253 = tpu.vector_load %arg10[%swap3A_251, %swap3A_252] {strides = array<i32>} : memref<80x128xi32, #tpu.memory_space<vmem>>, vector<1x16xi32>,
      %swap3A_254 = vector.shape_cast %swap3A_253 : vector<1x16xi32> to vector<16xi32>
      %swap3A_255 = vector.shape_cast %add3A_250 : vector<16xi32> to vector<1x16xi32>
      tpu.vector_store %arg10[%swap3A_251, %swap3A_252], %swap3A_255 {strides = array<i32>} : memref<80x128xi32, #tpu.memory_space<vmem>>, vector<1x16xi32>,
      %get3A_256 = arith.index_cast %scan3A_159 : i32 to index
      %get3A_257 = arith.constant 112 : index
      %get3A_258 = tpu.vector_load %arg7[%get3A_256, %get3A_257] {strides = array<i32>} : memref<80x128xi32, #tpu.memory_space<vmem>>, vector<1x16xi32>,
      %get3A_259 = vector.shape_cast %get3A_258 : vector<1x16xi32> to vector<16xi32>
      %mul3A_260 = arith.constant 2 : i32
      %mul3A_261 = vector.broadcast %mul3A_260 : i32 to vector<16xi32>
      %mul3A_262 = arith.muli %get3A_259, %mul3A_261 : vector<16xi32>
      %add3A_263 = vector.broadcast %add3A_80 : i32 to vector<16xi32>
      %add3A_264 = arith.addi %mul3A_262, %add3A_263 : vector<16xi32>
      %swap3A_265 = arith.index_cast %scan3A_159 : i32 to index
      %swap3A_266 = arith.constant 112 : index
      %swap3A_267 = tpu.vector_load %arg10[%swap3A_265, %swap3A_266] {strides = array<i32>} : memref<80x128xi32, #tpu.memory_space<vmem>>, vector<1x16xi32>,
      %swap3A_268 = vector.shape_cast %swap3A_267 : vector<1x16xi32> to vector<16xi32>
      %swap3A_269 = vector.shape_cast %add3A_264 : vector<16xi32> to vector<1x16xi32>
      tpu.vector_store %arg10[%swap3A_265, %swap3A_266], %swap3A_269 {strides = array<i32>} : memref<80x128xi32, #tpu.memory_space<vmem>>, vector<1x16xi32>,
    }
    %scan3A_86 = arith.constant 80 : i32
    %scan3A_87 = arith.constant 0 : i32
    %scan3A_88 = arith.constant 0 : i32
    %scan3A_89 = arith.constant 128 : i32
    %scan3A_90 = arith.addi %scan3A_88, %scan3A_89 : i32
    %scan3A_91 = arith.constant 1 : i32
    scf.for %scan3A_159 = %scan3A_88 to %scan3A_90 step %scan3A_91  : i32 {
      %broadcast_in_dim3A = arith.constant 0.000000e+00 : f32
      %broadcast_in_dim3A_160 = vector.broadcast %broadcast_in_dim3A : f32 to vector<16xf32>
      %swap3A = arith.constant 0 : i32
      %swap3A_161 = arith.index_cast %swap3A : i32 to index
      %swap3A_162 = arith.index_cast %scan3A_159 : i32 to index
      %swap3A_163 = arith.constant 0 : index
      %swap3A_164 = tpu.vector_load %arg11[%swap3A_161, %swap3A_162, %swap3A_163] {strides = array<i32>} : memref<2x128x64xf32, #tpu.memory_space<vmem>>, vector<1x1x16xf32>,
      %swap3A_165 = vector.shape_cast %swap3A_164 : vector<1x1x16xf32> to vector<16xf32>
      %swap3A_166 = vector.shape_cast %broadcast_in_dim3A_160 : vector<16xf32> to vector<1x1x16xf32>
      tpu.vector_store %arg11[%swap3A_161, %swap3A_162, %swap3A_163], %swap3A_166 {strides = array<i32>} : memref<2x128x64xf32, #tpu.memory_space<vmem>>, vector<1x1x16xf32>,
      %broadcast_in_dim3A_167 = arith.constant 0.000000e+00 : f32
      %broadcast_in_dim3A_168 = vector.broadcast %broadcast_in_dim3A_167 : f32 to vector<16xf32>
      %swap3A_169 = arith.constant 0 : i32
      %swap3A_170 = arith.index_cast %swap3A_169 : i32 to index
      %swap3A_171 = arith.index_cast %scan3A_159 : i32 to index
      %swap3A_172 = arith.constant 16 : index
      %swap3A_173 = tpu.vector_load %arg11[%swap3A_170, %swap3A_171, %swap3A_172] {strides = array<i32>} : memref<2x128x64xf32, #tpu.memory_space<vmem>>, vector<1x1x16xf32>,
      %swap3A_174 = vector.shape_cast %swap3A_173 : vector<1x1x16xf32> to vector<16xf32>
      %swap3A_175 = vector.shape_cast %broadcast_in_dim3A_168 : vector<16xf32> to vector<1x1x16xf32>
      tpu.vector_store %arg11[%swap3A_170, %swap3A_171, %swap3A_172], %swap3A_175 {strides = array<i32>} : memref<2x128x64xf32, #tpu.memory_space<vmem>>, vector<1x1x16xf32>,
      %broadcast_in_dim3A_176 = arith.constant 0.000000e+00 : f32
      %broadcast_in_dim3A_177 = vector.broadcast %broadcast_in_dim3A_176 : f32 to vector<16xf32>
      %swap3A_178 = arith.constant 0 : i32
      %swap3A_179 = arith.index_cast %swap3A_178 : i32 to index
      %swap3A_180 = arith.index_cast %scan3A_159 : i32 to index
      %swap3A_181 = arith.constant 32 : index
      %swap3A_182 = tpu.vector_load %arg11[%swap3A_179, %swap3A_180, %swap3A_181] {strides = array<i32>} : memref<2x128x64xf32, #tpu.memory_space<vmem>>, vector<1x1x16xf32>,
      %swap3A_183 = vector.shape_cast %swap3A_182 : vector<1x1x16xf32> to vector<16xf32>
      %swap3A_184 = vector.shape_cast %broadcast_in_dim3A_177 : vector<16xf32> to vector<1x1x16xf32>
      tpu.vector_store %arg11[%swap3A_179, %swap3A_180, %swap3A_181], %swap3A_184 {strides = array<i32>} : memref<2x128x64xf32, #tpu.memory_space<vmem>>, vector<1x1x16xf32>,
      %broadcast_in_dim3A_185 = arith.constant 0.000000e+00 : f32
      %broadcast_in_dim3A_186 = vector.broadcast %broadcast_in_dim3A_185 : f32 to vector<16xf32>
      %swap3A_187 = arith.constant 0 : i32
      %swap3A_188 = arith.index_cast %swap3A_187 : i32 to index
      %swap3A_189 = arith.index_cast %scan3A_159 : i32 to index
      %swap3A_190 = arith.constant 48 : index
      %swap3A_191 = tpu.vector_load %arg11[%swap3A_188, %swap3A_189, %swap3A_190] {strides = array<i32>} : memref<2x128x64xf32, #tpu.memory_space<vmem>>, vector<1x1x16xf32>,
      %swap3A_192 = vector.shape_cast %swap3A_191 : vector<1x1x16xf32> to vector<16xf32>
      %swap3A_193 = vector.shape_cast %broadcast_in_dim3A_186 : vector<16xf32> to vector<1x1x16xf32>
      tpu.vector_store %arg11[%swap3A_188, %swap3A_189, %swap3A_190], %swap3A_193 {strides = array<i32>} : memref<2x128x64xf32, #tpu.memory_space<vmem>>, vector<1x1x16xf32>,
    }
    %scan3A_92 = arith.constant 128 : i32
    %mul3A_93 = arith.constant 640 : i32
    %mul3A_94 = arith.muli %arg1, %mul3A_93 : i32
    %add3A_95 = arith.constant 0 : i32
    %add3A_96 = arith.addi %mul3A_94, %add3A_95 : i32
    %run_scoped3A_97 = arith.constant 0 : i32
    "tpu.region"() ({
      %run_scoped3A_159 = tpu.sem_alloc : memref<!tpu.dma_semaphore, #tpu.memory_space<semaphore_mem>>
      %dma_start3A = arith.constant 0 : i32
      %dma_start3A_160 = arith.constant 0 : i32
      %dma_start3A_161 = tpu.memref_slice %arg11[%run_scoped3A_97, %dma_start3A, %dma_start3A_160] : memref<2x128x64xf32, #tpu.memory_space<vmem>> -> memref<1x128x64xf32, #tpu.memory_space<vmem>>
      %dma_start3A_162 = tpu.memref_squeeze %dma_start3A_161 : memref<1x128x64xf32, #tpu.memory_space<vmem>> -> memref<128x64xf32, #tpu.memory_space<vmem>>
      %dma_start3A_163 = arith.constant 0 : i32
      %dma_start3A_164 = tpu.memref_slice %arg12[%add3A_96, %dma_start3A_163] : memref<10240x64xf32, #tpu.memory_space<vmem_shared>> -> memref<128x64xf32, #tpu.memory_space<vmem_shared>>
      %dma_start3A_165 = arith.constant 0 : i32
      %dma_start3A_166 = tpu.memref_slice %arg12[%add3A_96, %dma_start3A_165] : memref<10240x64xf32, #tpu.memory_space<vmem_shared>> -> memref<128x64xf32, #tpu.memory_space<vmem_shared>>
      %dma_start3A_167 = arith.constant 0 : i32
      %dma_start3A_168 = arith.constant 0 : i32
      %dma_start3A_169 = tpu.memref_slice %arg11[%run_scoped3A_97, %dma_start3A_167, %dma_start3A_168] : memref<2x128x64xf32, #tpu.memory_space<vmem>> -> memref<1x128x64xf32, #tpu.memory_space<vmem>>
      %dma_start3A_170 = tpu.memref_squeeze %dma_start3A_169 : memref<1x128x64xf32, #tpu.memory_space<vmem>> -> memref<128x64xf32, #tpu.memory_space<vmem>>
      tpu.enqueue_dma source(%dma_start3A_170 : memref<128x64xf32, #tpu.memory_space<vmem>>) target(%dma_start3A_166 : memref<128x64xf32, #tpu.memory_space<vmem_shared>>) target_semaphore(%run_scoped3A_159 : memref<!tpu.dma_semaphore, #tpu.memory_space<semaphore_mem>>)
      %dma_wait3A = arith.constant 0 : i32
      %dma_wait3A_171 = arith.constant 0 : i32
      %dma_wait3A_172 = tpu.memref_slice %arg11[%run_scoped3A_97, %dma_wait3A, %dma_wait3A_171] : memref<2x128x64xf32, #tpu.memory_space<vmem>> -> memref<1x128x64xf32, #tpu.memory_space<vmem>>
      %dma_wait3A_173 = tpu.memref_squeeze %dma_wait3A_172 : memref<1x128x64xf32, #tpu.memory_space<vmem>> -> memref<128x64xf32, #tpu.memory_space<vmem>>
      %dma_wait3A_174 = arith.constant 0 : i32
      %dma_wait3A_175 = tpu.memref_slice %arg12[%add3A_96, %dma_wait3A_174] : memref<10240x64xf32, #tpu.memory_space<vmem_shared>> -> memref<128x64xf32, #tpu.memory_space<vmem_shared>>
      %dma_wait3A_176 = arith.constant 0 : i32
      %dma_wait3A_177 = tpu.memref_slice %arg12[%add3A_96, %dma_wait3A_176] : memref<10240x64xf32, #tpu.memory_space<vmem_shared>> -> memref<128x64xf32, #tpu.memory_space<vmem_shared>>
      %dma_wait3A_178 = arith.constant 0 : i32
      %dma_wait3A_179 = arith.constant 0 : i32
      %dma_wait3A_180 = tpu.memref_slice %arg11[%run_scoped3A_97, %dma_wait3A_178, %dma_wait3A_179] : memref<2x128x64xf32, #tpu.memory_space<vmem>> -> memref<1x128x64xf32, #tpu.memory_space<vmem>>
      %dma_wait3A_181 = tpu.memref_squeeze %dma_wait3A_180 : memref<1x128x64xf32, #tpu.memory_space<vmem>> -> memref<128x64xf32, #tpu.memory_space<vmem>>
      tpu.wait_dma2 semaphore(%run_scoped3A_159 : memref<!tpu.dma_semaphore, #tpu.memory_space<semaphore_mem>>) src(%dma_wait3A_181 : memref<128x64xf32, #tpu.memory_space<vmem>>) dst(%dma_wait3A_177 : memref<128x64xf32, #tpu.memory_space<vmem_shared>>)
      tpu.yield
    }) : () -> ()
    %add3A_98 = arith.constant 128 : i32
    %add3A_99 = arith.addi %mul3A_94, %add3A_98 : i32
    %run_scoped3A_100 = arith.constant 0 : i32
    "tpu.region"() ({
      %run_scoped3A_159 = tpu.sem_alloc : memref<!tpu.dma_semaphore, #tpu.memory_space<semaphore_mem>>
      %dma_start3A = arith.constant 0 : i32
      %dma_start3A_160 = arith.constant 0 : i32
      %dma_start3A_161 = tpu.memref_slice %arg11[%run_scoped3A_100, %dma_start3A, %dma_start3A_160] : memref<2x128x64xf32, #tpu.memory_space<vmem>> -> memref<1x128x64xf32, #tpu.memory_space<vmem>>
      %dma_start3A_162 = tpu.memref_squeeze %dma_start3A_161 : memref<1x128x64xf32, #tpu.memory_space<vmem>> -> memref<128x64xf32, #tpu.memory_space<vmem>>
      %dma_start3A_163 = arith.constant 0 : i32
      %dma_start3A_164 = tpu.memref_slice %arg12[%add3A_99, %dma_start3A_163] : memref<10240x64xf32, #tpu.memory_space<vmem_shared>> -> memref<128x64xf32, #tpu.memory_space<vmem_shared>>
      %dma_start3A_165 = arith.constant 0 : i32
      %dma_start3A_166 = tpu.memref_slice %arg12[%add3A_99, %dma_start3A_165] : memref<10240x64xf32, #tpu.memory_space<vmem_shared>> -> memref<128x64xf32, #tpu.memory_space<vmem_shared>>
      %dma_start3A_167 = arith.constant 0 : i32
      %dma_start3A_168 = arith.constant 0 : i32
      %dma_start3A_169 = tpu.memref_slice %arg11[%run_scoped3A_100, %dma_start3A_167, %dma_start3A_168] : memref<2x128x64xf32, #tpu.memory_space<vmem>> -> memref<1x128x64xf32, #tpu.memory_space<vmem>>
      %dma_start3A_170 = tpu.memref_squeeze %dma_start3A_169 : memref<1x128x64xf32, #tpu.memory_space<vmem>> -> memref<128x64xf32, #tpu.memory_space<vmem>>
      tpu.enqueue_dma source(%dma_start3A_170 : memref<128x64xf32, #tpu.memory_space<vmem>>) target(%dma_start3A_166 : memref<128x64xf32, #tpu.memory_space<vmem_shared>>) target_semaphore(%run_scoped3A_159 : memref<!tpu.dma_semaphore, #tpu.memory_space<semaphore_mem>>)
      %dma_wait3A = arith.constant 0 : i32
      %dma_wait3A_171 = arith.constant 0 : i32
      %dma_wait3A_172 = tpu.memref_slice %arg11[%run_scoped3A_100, %dma_wait3A, %dma_wait3A_171] : memref<2x128x64xf32, #tpu.memory_space<vmem>> -> memref<1x128x64xf32, #tpu.memory_space<vmem>>
      %dma_wait3A_173 = tpu.memref_squeeze %dma_wait3A_172 : memref<1x128x64xf32, #tpu.memory_space<vmem>> -> memref<128x64xf32, #tpu.memory_space<vmem>>
      %dma_wait3A_174 = arith.constant 0 : i32
      %dma_wait3A_175 = tpu.memref_slice %arg12[%add3A_99, %dma_wait3A_174] : memref<10240x64xf32, #tpu.memory_space<vmem_shared>> -> memref<128x64xf32, #tpu.memory_space<vmem_shared>>
      %dma_wait3A_176 = arith.constant 0 : i32
      %dma_wait3A_177 = tpu.memref_slice %arg12[%add3A_99, %dma_wait3A_176] : memref<10240x64xf32, #tpu.memory_space<vmem_shared>> -> memref<128x64xf32, #tpu.memory_space<vmem_shared>>
      %dma_wait3A_178 = arith.constant 0 : i32
      %dma_wait3A_179 = arith.constant 0 : i32
      %dma_wait3A_180 = tpu.memref_slice %arg11[%run_scoped3A_100, %dma_wait3A_178, %dma_wait3A_179] : memref<2x128x64xf32, #tpu.memory_space<vmem>> -> memref<1x128x64xf32, #tpu.memory_space<vmem>>
      %dma_wait3A_181 = tpu.memref_squeeze %dma_wait3A_180 : memref<1x128x64xf32, #tpu.memory_space<vmem>> -> memref<128x64xf32, #tpu.memory_space<vmem>>
      tpu.wait_dma2 semaphore(%run_scoped3A_159 : memref<!tpu.dma_semaphore, #tpu.memory_space<semaphore_mem>>) src(%dma_wait3A_181 : memref<128x64xf32, #tpu.memory_space<vmem>>) dst(%dma_wait3A_177 : memref<128x64xf32, #tpu.memory_space<vmem_shared>>)
      tpu.yield
    }) : () -> ()
    %add3A_101 = arith.constant 256 : i32
    %add3A_102 = arith.addi %mul3A_94, %add3A_101 : i32
    %run_scoped3A_103 = arith.constant 0 : i32
    "tpu.region"() ({
      %run_scoped3A_159 = tpu.sem_alloc : memref<!tpu.dma_semaphore, #tpu.memory_space<semaphore_mem>>
      %dma_start3A = arith.constant 0 : i32
      %dma_start3A_160 = arith.constant 0 : i32
      %dma_start3A_161 = tpu.memref_slice %arg11[%run_scoped3A_103, %dma_start3A, %dma_start3A_160] : memref<2x128x64xf32, #tpu.memory_space<vmem>> -> memref<1x128x64xf32, #tpu.memory_space<vmem>>
      %dma_start3A_162 = tpu.memref_squeeze %dma_start3A_161 : memref<1x128x64xf32, #tpu.memory_space<vmem>> -> memref<128x64xf32, #tpu.memory_space<vmem>>
      %dma_start3A_163 = arith.constant 0 : i32
      %dma_start3A_164 = tpu.memref_slice %arg12[%add3A_102, %dma_start3A_163] : memref<10240x64xf32, #tpu.memory_space<vmem_shared>> -> memref<128x64xf32, #tpu.memory_space<vmem_shared>>
      %dma_start3A_165 = arith.constant 0 : i32
      %dma_start3A_166 = tpu.memref_slice %arg12[%add3A_102, %dma_start3A_165] : memref<10240x64xf32, #tpu.memory_space<vmem_shared>> -> memref<128x64xf32, #tpu.memory_space<vmem_shared>>
      %dma_start3A_167 = arith.constant 0 : i32
      %dma_start3A_168 = arith.constant 0 : i32
      %dma_start3A_169 = tpu.memref_slice %arg11[%run_scoped3A_103, %dma_start3A_167, %dma_start3A_168] : memref<2x128x64xf32, #tpu.memory_space<vmem>> -> memref<1x128x64xf32, #tpu.memory_space<vmem>>
      %dma_start3A_170 = tpu.memref_squeeze %dma_start3A_169 : memref<1x128x64xf32, #tpu.memory_space<vmem>> -> memref<128x64xf32, #tpu.memory_space<vmem>>
      tpu.enqueue_dma source(%dma_start3A_170 : memref<128x64xf32, #tpu.memory_space<vmem>>) target(%dma_start3A_166 : memref<128x64xf32, #tpu.memory_space<vmem_shared>>) target_semaphore(%run_scoped3A_159 : memref<!tpu.dma_semaphore, #tpu.memory_space<semaphore_mem>>)
      %dma_wait3A = arith.constant 0 : i32
      %dma_wait3A_171 = arith.constant 0 : i32
      %dma_wait3A_172 = tpu.memref_slice %arg11[%run_scoped3A_103, %dma_wait3A, %dma_wait3A_171] : memref<2x128x64xf32, #tpu.memory_space<vmem>> -> memref<1x128x64xf32, #tpu.memory_space<vmem>>
      %dma_wait3A_173 = tpu.memref_squeeze %dma_wait3A_172 : memref<1x128x64xf32, #tpu.memory_space<vmem>> -> memref<128x64xf32, #tpu.memory_space<vmem>>
      %dma_wait3A_174 = arith.constant 0 : i32
      %dma_wait3A_175 = tpu.memref_slice %arg12[%add3A_102, %dma_wait3A_174] : memref<10240x64xf32, #tpu.memory_space<vmem_shared>> -> memref<128x64xf32, #tpu.memory_space<vmem_shared>>
      %dma_wait3A_176 = arith.constant 0 : i32
      %dma_wait3A_177 = tpu.memref_slice %arg12[%add3A_102, %dma_wait3A_176] : memref<10240x64xf32, #tpu.memory_space<vmem_shared>> -> memref<128x64xf32, #tpu.memory_space<vmem_shared>>
      %dma_wait3A_178 = arith.constant 0 : i32
      %dma_wait3A_179 = arith.constant 0 : i32
      %dma_wait3A_180 = tpu.memref_slice %arg11[%run_scoped3A_103, %dma_wait3A_178, %dma_wait3A_179] : memref<2x128x64xf32, #tpu.memory_space<vmem>> -> memref<1x128x64xf32, #tpu.memory_space<vmem>>
      %dma_wait3A_181 = tpu.memref_squeeze %dma_wait3A_180 : memref<1x128x64xf32, #tpu.memory_space<vmem>> -> memref<128x64xf32, #tpu.memory_space<vmem>>
      tpu.wait_dma2 semaphore(%run_scoped3A_159 : memref<!tpu.dma_semaphore, #tpu.memory_space<semaphore_mem>>) src(%dma_wait3A_181 : memref<128x64xf32, #tpu.memory_space<vmem>>) dst(%dma_wait3A_177 : memref<128x64xf32, #tpu.memory_space<vmem_shared>>)
      tpu.yield
    }) : () -> ()
    %add3A_104 = arith.constant 384 : i32
    %add3A_105 = arith.addi %mul3A_94, %add3A_104 : i32
    %run_scoped3A_106 = arith.constant 0 : i32
    "tpu.region"() ({
      %run_scoped3A_159 = tpu.sem_alloc : memref<!tpu.dma_semaphore, #tpu.memory_space<semaphore_mem>>
      %dma_start3A = arith.constant 0 : i32
      %dma_start3A_160 = arith.constant 0 : i32
      %dma_start3A_161 = tpu.memref_slice %arg11[%run_scoped3A_106, %dma_start3A, %dma_start3A_160] : memref<2x128x64xf32, #tpu.memory_space<vmem>> -> memref<1x128x64xf32, #tpu.memory_space<vmem>>
      %dma_start3A_162 = tpu.memref_squeeze %dma_start3A_161 : memref<1x128x64xf32, #tpu.memory_space<vmem>> -> memref<128x64xf32, #tpu.memory_space<vmem>>
      %dma_start3A_163 = arith.constant 0 : i32
      %dma_start3A_164 = tpu.memref_slice %arg12[%add3A_105, %dma_start3A_163] : memref<10240x64xf32, #tpu.memory_space<vmem_shared>> -> memref<128x64xf32, #tpu.memory_space<vmem_shared>>
      %dma_start3A_165 = arith.constant 0 : i32
      %dma_start3A_166 = tpu.memref_slice %arg12[%add3A_105, %dma_start3A_165] : memref<10240x64xf32, #tpu.memory_space<vmem_shared>> -> memref<128x64xf32, #tpu.memory_space<vmem_shared>>
      %dma_start3A_167 = arith.constant 0 : i32
      %dma_start3A_168 = arith.constant 0 : i32
      %dma_start3A_169 = tpu.memref_slice %arg11[%run_scoped3A_106, %dma_start3A_167, %dma_start3A_168] : memref<2x128x64xf32, #tpu.memory_space<vmem>> -> memref<1x128x64xf32, #tpu.memory_space<vmem>>
      %dma_start3A_170 = tpu.memref_squeeze %dma_start3A_169 : memref<1x128x64xf32, #tpu.memory_space<vmem>> -> memref<128x64xf32, #tpu.memory_space<vmem>>
      tpu.enqueue_dma source(%dma_start3A_170 : memref<128x64xf32, #tpu.memory_space<vmem>>) target(%dma_start3A_166 : memref<128x64xf32, #tpu.memory_space<vmem_shared>>) target_semaphore(%run_scoped3A_159 : memref<!tpu.dma_semaphore, #tpu.memory_space<semaphore_mem>>)
      %dma_wait3A = arith.constant 0 : i32
      %dma_wait3A_171 = arith.constant 0 : i32
      %dma_wait3A_172 = tpu.memref_slice %arg11[%run_scoped3A_106, %dma_wait3A, %dma_wait3A_171] : memref<2x128x64xf32, #tpu.memory_space<vmem>> -> memref<1x128x64xf32, #tpu.memory_space<vmem>>
      %dma_wait3A_173 = tpu.memref_squeeze %dma_wait3A_172 : memref<1x128x64xf32, #tpu.memory_space<vmem>> -> memref<128x64xf32, #tpu.memory_space<vmem>>
      %dma_wait3A_174 = arith.constant 0 : i32
      %dma_wait3A_175 = tpu.memref_slice %arg12[%add3A_105, %dma_wait3A_174] : memref<10240x64xf32, #tpu.memory_space<vmem_shared>> -> memref<128x64xf32, #tpu.memory_space<vmem_shared>>
      %dma_wait3A_176 = arith.constant 0 : i32
      %dma_wait3A_177 = tpu.memref_slice %arg12[%add3A_105, %dma_wait3A_176] : memref<10240x64xf32, #tpu.memory_space<vmem_shared>> -> memref<128x64xf32, #tpu.memory_space<vmem_shared>>
      %dma_wait3A_178 = arith.constant 0 : i32
      %dma_wait3A_179 = arith.constant 0 : i32
      %dma_wait3A_180 = tpu.memref_slice %arg11[%run_scoped3A_106, %dma_wait3A_178, %dma_wait3A_179] : memref<2x128x64xf32, #tpu.memory_space<vmem>> -> memref<1x128x64xf32, #tpu.memory_space<vmem>>
      %dma_wait3A_181 = tpu.memref_squeeze %dma_wait3A_180 : memref<1x128x64xf32, #tpu.memory_space<vmem>> -> memref<128x64xf32, #tpu.memory_space<vmem>>
      tpu.wait_dma2 semaphore(%run_scoped3A_159 : memref<!tpu.dma_semaphore, #tpu.memory_space<semaphore_mem>>) src(%dma_wait3A_181 : memref<128x64xf32, #tpu.memory_space<vmem>>) dst(%dma_wait3A_177 : memref<128x64xf32, #tpu.memory_space<vmem_shared>>)
      tpu.yield
    }) : () -> ()
    %add3A_107 = arith.constant 512 : i32
    %add3A_108 = arith.addi %mul3A_94, %add3A_107 : i32
    %run_scoped3A_109 = arith.constant 0 : i32
    "tpu.region"() ({
      %run_scoped3A_159 = tpu.sem_alloc : memref<!tpu.dma_semaphore, #tpu.memory_space<semaphore_mem>>
      %dma_start3A = arith.constant 0 : i32
      %dma_start3A_160 = arith.constant 0 : i32
      %dma_start3A_161 = tpu.memref_slice %arg11[%run_scoped3A_109, %dma_start3A, %dma_start3A_160] : memref<2x128x64xf32, #tpu.memory_space<vmem>> -> memref<1x128x64xf32, #tpu.memory_space<vmem>>
      %dma_start3A_162 = tpu.memref_squeeze %dma_start3A_161 : memref<1x128x64xf32, #tpu.memory_space<vmem>> -> memref<128x64xf32, #tpu.memory_space<vmem>>
      %dma_start3A_163 = arith.constant 0 : i32
      %dma_start3A_164 = tpu.memref_slice %arg12[%add3A_108, %dma_start3A_163] : memref<10240x64xf32, #tpu.memory_space<vmem_shared>> -> memref<128x64xf32, #tpu.memory_space<vmem_shared>>
      %dma_start3A_165 = arith.constant 0 : i32
      %dma_start3A_166 = tpu.memref_slice %arg12[%add3A_108, %dma_start3A_165] : memref<10240x64xf32, #tpu.memory_space<vmem_shared>> -> memref<128x64xf32, #tpu.memory_space<vmem_shared>>
      %dma_start3A_167 = arith.constant 0 : i32
      %dma_start3A_168 = arith.constant 0 : i32
      %dma_start3A_169 = tpu.memref_slice %arg11[%run_scoped3A_109, %dma_start3A_167, %dma_start3A_168] : memref<2x128x64xf32, #tpu.memory_space<vmem>> -> memref<1x128x64xf32, #tpu.memory_space<vmem>>
      %dma_start3A_170 = tpu.memref_squeeze %dma_start3A_169 : memref<1x128x64xf32, #tpu.memory_space<vmem>> -> memref<128x64xf32, #tpu.memory_space<vmem>>
      tpu.enqueue_dma source(%dma_start3A_170 : memref<128x64xf32, #tpu.memory_space<vmem>>) target(%dma_start3A_166 : memref<128x64xf32, #tpu.memory_space<vmem_shared>>) target_semaphore(%run_scoped3A_159 : memref<!tpu.dma_semaphore, #tpu.memory_space<semaphore_mem>>)
      %dma_wait3A = arith.constant 0 : i32
      %dma_wait3A_171 = arith.constant 0 : i32
      %dma_wait3A_172 = tpu.memref_slice %arg11[%run_scoped3A_109, %dma_wait3A, %dma_wait3A_171] : memref<2x128x64xf32, #tpu.memory_space<vmem>> -> memref<1x128x64xf32, #tpu.memory_space<vmem>>
      %dma_wait3A_173 = tpu.memref_squeeze %dma_wait3A_172 : memref<1x128x64xf32, #tpu.memory_space<vmem>> -> memref<128x64xf32, #tpu.memory_space<vmem>>
      %dma_wait3A_174 = arith.constant 0 : i32
      %dma_wait3A_175 = tpu.memref_slice %arg12[%add3A_108, %dma_wait3A_174] : memref<10240x64xf32, #tpu.memory_space<vmem_shared>> -> memref<128x64xf32, #tpu.memory_space<vmem_shared>>
      %dma_wait3A_176 = arith.constant 0 : i32
      %dma_wait3A_177 = tpu.memref_slice %arg12[%add3A_108, %dma_wait3A_176] : memref<10240x64xf32, #tpu.memory_space<vmem_shared>> -> memref<128x64xf32, #tpu.memory_space<vmem_shared>>
      %dma_wait3A_178 = arith.constant 0 : i32
      %dma_wait3A_179 = arith.constant 0 : i32
      %dma_wait3A_180 = tpu.memref_slice %arg11[%run_scoped3A_109, %dma_wait3A_178, %dma_wait3A_179] : memref<2x128x64xf32, #tpu.memory_space<vmem>> -> memref<1x128x64xf32, #tpu.memory_space<vmem>>
      %dma_wait3A_181 = tpu.memref_squeeze %dma_wait3A_180 : memref<1x128x64xf32, #tpu.memory_space<vmem>> -> memref<128x64xf32, #tpu.memory_space<vmem>>
      tpu.wait_dma2 semaphore(%run_scoped3A_159 : memref<!tpu.dma_semaphore, #tpu.memory_space<semaphore_mem>>) src(%dma_wait3A_181 : memref<128x64xf32, #tpu.memory_space<vmem>>) dst(%dma_wait3A_177 : memref<128x64xf32, #tpu.memory_space<vmem_shared>>)
      tpu.yield
    }) : () -> ()
    %barrier3A_110 = arith.constant 0 : index
    tpu.barrier barrier_id(%barrier3A_110)
    %scan3A_111 = arith.constant 0 : i32
    %scan3A_112 = arith.constant 0 : i32
    %scan3A_113 = arith.constant 80 : i32
    %scan3A_114 = arith.addi %scan3A_112, %scan3A_113 : i32
    %scan3A_115 = arith.constant 1 : i32
    scf.for %scan3A_159 = %scan3A_112 to %scan3A_114 step %scan3A_115  : i32 {
      %dma_start3A = arith.constant 0 : i32
      %dma_start3A_160 = arith.constant 0 : i32
      %dma_start3A_161 = arith.constant 0 : i32
      %dma_start3A_162 = tpu.memref_slice %arg5[%arg1, %dma_start3A, %dma_start3A_160, %dma_start3A_161] : memref<16x80x128x16xf32, #tpu.memory_space<hbm>> -> memref<1x80x128x16xf32, #tpu.memory_space<hbm>>
      %dma_start3A_163 = tpu.memref_squeeze %dma_start3A_162 : memref<1x80x128x16xf32, #tpu.memory_space<hbm>> -> memref<80x128x16xf32, #tpu.memory_space<hbm>>
      %dma_start3A_164 = arith.constant 0 : i32
      %dma_start3A_165 = arith.constant 0 : i32
      %dma_start3A_166 = tpu.memref_slice %dma_start3A_163[%scan3A_159, %dma_start3A_164, %dma_start3A_165] : memref<80x128x16xf32, #tpu.memory_space<hbm>> -> memref<1x128x16xf32, #tpu.memory_space<hbm>>
      %dma_start3A_167 = tpu.memref_squeeze %dma_start3A_166 : memref<1x128x16xf32, #tpu.memory_space<hbm>> -> memref<128x16xf32, #tpu.memory_space<hbm>>
      %dma_start3A_168 = arith.constant 0 : i32
      %dma_start3A_169 = arith.constant 0 : i32
      %dma_start3A_170 = arith.constant 0 : i32
      %dma_start3A_171 = tpu.memref_slice %arg5[%arg1, %dma_start3A_168, %dma_start3A_169, %dma_start3A_170] : memref<16x80x128x16xf32, #tpu.memory_space<hbm>> -> memref<1x80x128x16xf32, #tpu.memory_space<hbm>>
      %dma_start3A_172 = tpu.memref_squeeze %dma_start3A_171 : memref<1x80x128x16xf32, #tpu.memory_space<hbm>> -> memref<80x128x16xf32, #tpu.memory_space<hbm>>
      %dma_start3A_173 = arith.constant 0 : i32
      %dma_start3A_174 = arith.constant 0 : i32
      %dma_start3A_175 = tpu.memref_slice %dma_start3A_172[%scan3A_159, %dma_start3A_173, %dma_start3A_174] : memref<80x128x16xf32, #tpu.memory_space<hbm>> -> memref<1x128x16xf32, #tpu.memory_space<hbm>>
      %dma_start3A_176 = tpu.memref_squeeze %dma_start3A_175 : memref<1x128x16xf32, #tpu.memory_space<hbm>> -> memref<128x16xf32, #tpu.memory_space<hbm>>
      tpu.enqueue_dma source(%dma_start3A_176 : memref<128x16xf32, #tpu.memory_space<hbm>>) target(%arg9 : memref<128x16xf32, #tpu.memory_space<vmem>>) target_semaphore(%arg14 : memref<!tpu.dma_semaphore, #tpu.memory_space<semaphore_mem>>)
      %dma_start3A_177 = arith.constant 0 : i32
      %dma_start3A_178 = arith.constant 0 : i32
      %dma_start3A_179 = arith.constant 0 : i32
      %dma_start3A_180 = tpu.memref_slice %arg11[%dma_start3A_177, %dma_start3A_178, %dma_start3A_179] : memref<2x128x64xf32, #tpu.memory_space<vmem>> -> memref<1x128x64xf32, #tpu.memory_space<vmem>>
      %dma_start3A_181 = tpu.memref_squeeze %dma_start3A_180 : memref<1x128x64xf32, #tpu.memory_space<vmem>> -> memref<128x64xf32, #tpu.memory_space<vmem>>
      %dma_start3A_182 = arith.constant 0 : i32
      %dma_start3A_183 = tpu.memref_slice %arg10[%scan3A_159, %dma_start3A_182] : memref<80x128xi32, #tpu.memory_space<vmem>> -> memref<1x128xi32, #tpu.memory_space<vmem>>
      %dma_start3A_184 = tpu.memref_squeeze %dma_start3A_183 : memref<1x128xi32, #tpu.memory_space<vmem>> -> memref<128xi32, #tpu.memory_space<vmem>>
      %dma_start3A_185 = arith.constant 0 : i32
      %dma_start3A_186 = arith.constant 0 : i32
      %dma_start3A_187 = tpu.memref_slice %arg2[%dma_start3A_185, %dma_start3A_186] : memref<80000x64xf32, #tpu.memory_space<hbm>> -> memref<80000x64xf32, #tpu.memory_space<hbm>>
      tpu.enqueue_indirect_dma source(%dma_start3A_187 : memref<80000x64xf32, #tpu.memory_space<hbm>>) target(%dma_start3A_181 : memref<128x64xf32, #tpu.memory_space<vmem>>) offsets(%dma_start3A_184 : memref<128xi32, #tpu.memory_space<vmem>>) semaphore(%arg13 : memref<!tpu.dma_semaphore, #tpu.memory_space<semaphore_mem>>)
      %dma_wait3A = arith.constant 0 : i32
      %dma_wait3A_188 = arith.constant 0 : i32
      %dma_wait3A_189 = arith.constant 0 : i32
      %dma_wait3A_190 = tpu.memref_slice %arg5[%arg1, %dma_wait3A, %dma_wait3A_188, %dma_wait3A_189] : memref<16x80x128x16xf32, #tpu.memory_space<hbm>> -> memref<1x80x128x16xf32, #tpu.memory_space<hbm>>
      %dma_wait3A_191 = tpu.memref_squeeze %dma_wait3A_190 : memref<1x80x128x16xf32, #tpu.memory_space<hbm>> -> memref<80x128x16xf32, #tpu.memory_space<hbm>>
      %dma_wait3A_192 = arith.constant 0 : i32
      %dma_wait3A_193 = arith.constant 0 : i32
      %dma_wait3A_194 = tpu.memref_slice %dma_wait3A_191[%scan3A_159, %dma_wait3A_192, %dma_wait3A_193] : memref<80x128x16xf32, #tpu.memory_space<hbm>> -> memref<1x128x16xf32, #tpu.memory_space<hbm>>
      %dma_wait3A_195 = tpu.memref_squeeze %dma_wait3A_194 : memref<1x128x16xf32, #tpu.memory_space<hbm>> -> memref<128x16xf32, #tpu.memory_space<hbm>>
      %dma_wait3A_196 = arith.constant 0 : i32
      %dma_wait3A_197 = arith.constant 0 : i32
      %dma_wait3A_198 = arith.constant 0 : i32
      %dma_wait3A_199 = tpu.memref_slice %arg5[%arg1, %dma_wait3A_196, %dma_wait3A_197, %dma_wait3A_198] : memref<16x80x128x16xf32, #tpu.memory_space<hbm>> -> memref<1x80x128x16xf32, #tpu.memory_space<hbm>>
      %dma_wait3A_200 = tpu.memref_squeeze %dma_wait3A_199 : memref<1x80x128x16xf32, #tpu.memory_space<hbm>> -> memref<80x128x16xf32, #tpu.memory_space<hbm>>
      %dma_wait3A_201 = arith.constant 0 : i32
      %dma_wait3A_202 = arith.constant 0 : i32
      %dma_wait3A_203 = tpu.memref_slice %dma_wait3A_200[%scan3A_159, %dma_wait3A_201, %dma_wait3A_202] : memref<80x128x16xf32, #tpu.memory_space<hbm>> -> memref<1x128x16xf32, #tpu.memory_space<hbm>>
      %dma_wait3A_204 = tpu.memref_squeeze %dma_wait3A_203 : memref<1x128x16xf32, #tpu.memory_space<hbm>> -> memref<128x16xf32, #tpu.memory_space<hbm>>
      tpu.wait_dma2 semaphore(%arg14 : memref<!tpu.dma_semaphore, #tpu.memory_space<semaphore_mem>>) src(%dma_wait3A_204 : memref<128x16xf32, #tpu.memory_space<hbm>>) dst(%arg9 : memref<128x16xf32, #tpu.memory_space<vmem>>)
      %dma_wait3A_205 = arith.constant 0 : i32
      %dma_wait3A_206 = arith.constant 0 : i32
      %dma_wait3A_207 = arith.constant 0 : i32
      %dma_wait3A_208 = tpu.memref_slice %arg11[%dma_wait3A_205, %dma_wait3A_206, %dma_wait3A_207] : memref<2x128x64xf32, #tpu.memory_space<vmem>> -> memref<1x128x64xf32, #tpu.memory_space<vmem>>
      %dma_wait3A_209 = tpu.memref_squeeze %dma_wait3A_208 : memref<1x128x64xf32, #tpu.memory_space<vmem>> -> memref<128x64xf32, #tpu.memory_space<vmem>>
      %dma_wait3A_210 = arith.constant 0 : i32
      %dma_wait3A_211 = tpu.memref_slice %arg10[%scan3A_159, %dma_wait3A_210] : memref<80x128xi32, #tpu.memory_space<vmem>> -> memref<1x128xi32, #tpu.memory_space<vmem>>
      %dma_wait3A_212 = tpu.memref_squeeze %dma_wait3A_211 : memref<1x128xi32, #tpu.memory_space<vmem>> -> memref<128xi32, #tpu.memory_space<vmem>>
      %dma_wait3A_213 = arith.constant 0 : i32
      %dma_wait3A_214 = arith.constant 0 : i32
      %dma_wait3A_215 = tpu.memref_slice %arg2[%dma_wait3A_213, %dma_wait3A_214] : memref<80000x64xf32, #tpu.memory_space<hbm>> -> memref<80000x64xf32, #tpu.memory_space<hbm>>
      tpu.wait_indirect_dma semaphore(%arg13 : memref<!tpu.dma_semaphore, #tpu.memory_space<semaphore_mem>>) src(%dma_wait3A_215 : memref<80000x64xf32, #tpu.memory_space<hbm>>) dst(%dma_wait3A_209 : memref<128x64xf32, #tpu.memory_space<vmem>>)
      %scan3A_216 = arith.constant 0 : i32
      %scan3A_217 = arith.constant 0 : i32
      %scan3A_218 = arith.constant 128 : i32
      %scan3A_219 = arith.addi %scan3A_217, %scan3A_218 : i32
      %scan3A_220 = arith.constant 1 : i32
      scf.for %scan3A_223 = %scan3A_217 to %scan3A_219 step %scan3A_220  : i32 {
        %get3A = arith.index_cast %scan3A_223 : i32 to index
        %get3A_224 = arith.constant 0 : index
        %get3A_225 = tpu.vector_load %arg9[%get3A, %get3A_224] {strides = array<i32>} : memref<128x16xf32, #tpu.memory_space<vmem>>, vector<1x16xf32>,
        %get3A_226 = vector.shape_cast %get3A_225 : vector<1x16xf32> to vector<16xf32>
        %get3A_227 = arith.constant 0 : i32
        %get3A_228 = arith.index_cast %get3A_227 : i32 to index
        %get3A_229 = arith.index_cast %scan3A_223 : i32 to index
        %get3A_230 = arith.constant 0 : index
        %get3A_231 = tpu.vector_load %arg11[%get3A_228, %get3A_229, %get3A_230] {strides = array<i32>} : memref<2x128x64xf32, #tpu.memory_space<vmem>>, vector<1x1x16xf32>,
        %get3A_232 = vector.shape_cast %get3A_231 : vector<1x1x16xf32> to vector<16xf32>
        %mul3A_233 = arith.mulf %get3A_232, %get3A_226 : vector<16xf32>
        %swap3A = arith.constant 0 : i32
        %swap3A_234 = arith.index_cast %swap3A : i32 to index
        %swap3A_235 = arith.index_cast %scan3A_223 : i32 to index
        %swap3A_236 = arith.constant 0 : index
        %swap3A_237 = tpu.vector_load %arg11[%swap3A_234, %swap3A_235, %swap3A_236] {strides = array<i32>} : memref<2x128x64xf32, #tpu.memory_space<vmem>>, vector<1x1x16xf32>,
        %swap3A_238 = vector.shape_cast %swap3A_237 : vector<1x1x16xf32> to vector<16xf32>
        %swap3A_239 = vector.shape_cast %mul3A_233 : vector<16xf32> to vector<1x1x16xf32>
        tpu.vector_store %arg11[%swap3A_234, %swap3A_235, %swap3A_236], %swap3A_239 {strides = array<i32>} : memref<2x128x64xf32, #tpu.memory_space<vmem>>, vector<1x1x16xf32>,
        %get3A_240 = arith.constant 0 : i32
        %get3A_241 = arith.index_cast %get3A_240 : i32 to index
        %get3A_242 = arith.index_cast %scan3A_223 : i32 to index
        %get3A_243 = arith.constant 16 : index
        %get3A_244 = tpu.vector_load %arg11[%get3A_241, %get3A_242, %get3A_243] {strides = array<i32>} : memref<2x128x64xf32, #tpu.memory_space<vmem>>, vector<1x1x16xf32>,
        %get3A_245 = vector.shape_cast %get3A_244 : vector<1x1x16xf32> to vector<16xf32>
        %mul3A_246 = arith.mulf %get3A_245, %get3A_226 : vector<16xf32>
        %swap3A_247 = arith.constant 0 : i32
        %swap3A_248 = arith.index_cast %swap3A_247 : i32 to index
        %swap3A_249 = arith.index_cast %scan3A_223 : i32 to index
        %swap3A_250 = arith.constant 16 : index
        %swap3A_251 = tpu.vector_load %arg11[%swap3A_248, %swap3A_249, %swap3A_250] {strides = array<i32>} : memref<2x128x64xf32, #tpu.memory_space<vmem>>, vector<1x1x16xf32>,
        %swap3A_252 = vector.shape_cast %swap3A_251 : vector<1x1x16xf32> to vector<16xf32>
        %swap3A_253 = vector.shape_cast %mul3A_246 : vector<16xf32> to vector<1x1x16xf32>
        tpu.vector_store %arg11[%swap3A_248, %swap3A_249, %swap3A_250], %swap3A_253 {strides = array<i32>} : memref<2x128x64xf32, #tpu.memory_space<vmem>>, vector<1x1x16xf32>,
        %get3A_254 = arith.constant 0 : i32
        %get3A_255 = arith.index_cast %get3A_254 : i32 to index
        %get3A_256 = arith.index_cast %scan3A_223 : i32 to index
        %get3A_257 = arith.constant 32 : index
        %get3A_258 = tpu.vector_load %arg11[%get3A_255, %get3A_256, %get3A_257] {strides = array<i32>} : memref<2x128x64xf32, #tpu.memory_space<vmem>>, vector<1x1x16xf32>,
        %get3A_259 = vector.shape_cast %get3A_258 : vector<1x1x16xf32> to vector<16xf32>
        %mul3A_260 = arith.mulf %get3A_259, %get3A_226 : vector<16xf32>
        %swap3A_261 = arith.constant 0 : i32
        %swap3A_262 = arith.index_cast %swap3A_261 : i32 to index
        %swap3A_263 = arith.index_cast %scan3A_223 : i32 to index
        %swap3A_264 = arith.constant 32 : index
        %swap3A_265 = tpu.vector_load %arg11[%swap3A_262, %swap3A_263, %swap3A_264] {strides = array<i32>} : memref<2x128x64xf32, #tpu.memory_space<vmem>>, vector<1x1x16xf32>,
        %swap3A_266 = vector.shape_cast %swap3A_265 : vector<1x1x16xf32> to vector<16xf32>
        %swap3A_267 = vector.shape_cast %mul3A_260 : vector<16xf32> to vector<1x1x16xf32>
        tpu.vector_store %arg11[%swap3A_262, %swap3A_263, %swap3A_264], %swap3A_267 {strides = array<i32>} : memref<2x128x64xf32, #tpu.memory_space<vmem>>, vector<1x1x16xf32>,
        %get3A_268 = arith.constant 0 : i32
        %get3A_269 = arith.index_cast %get3A_268 : i32 to index
        %get3A_270 = arith.index_cast %scan3A_223 : i32 to index
        %get3A_271 = arith.constant 48 : index
        %get3A_272 = tpu.vector_load %arg11[%get3A_269, %get3A_270, %get3A_271] {strides = array<i32>} : memref<2x128x64xf32, #tpu.memory_space<vmem>>, vector<1x1x16xf32>,
        %get3A_273 = vector.shape_cast %get3A_272 : vector<1x1x16xf32> to vector<16xf32>
        %mul3A_274 = arith.mulf %get3A_273, %get3A_226 : vector<16xf32>
        %swap3A_275 = arith.constant 0 : i32
        %swap3A_276 = arith.index_cast %swap3A_275 : i32 to index
        %swap3A_277 = arith.index_cast %scan3A_223 : i32 to index
        %swap3A_278 = arith.constant 48 : index
        %swap3A_279 = tpu.vector_load %arg11[%swap3A_276, %swap3A_277, %swap3A_278] {strides = array<i32>} : memref<2x128x64xf32, #tpu.memory_space<vmem>>, vector<1x1x16xf32>,
        %swap3A_280 = vector.shape_cast %swap3A_279 : vector<1x1x16xf32> to vector<16xf32>
        %swap3A_281 = vector.shape_cast %mul3A_274 : vector<16xf32> to vector<1x1x16xf32>
        tpu.vector_store %arg11[%swap3A_276, %swap3A_277, %swap3A_278], %swap3A_281 {strides = array<i32>} : memref<2x128x64xf32, #tpu.memory_space<vmem>>, vector<1x1x16xf32>,
      }
      %scan3A_221 = arith.constant 128 : i32
      %run_scoped3A_222 = arith.constant 0 : i32
      "tpu.region"() ({
        %run_scoped3A_223 = tpu.sem_alloc : memref<!tpu.dma_semaphore, #tpu.memory_space<semaphore_mem>>
        %dma_start3A_224 = arith.constant 0 : i32
        %dma_start3A_225 = arith.constant 0 : i32
        %dma_start3A_226 = tpu.memref_slice %arg11[%run_scoped3A_222, %dma_start3A_224, %dma_start3A_225] : memref<2x128x64xf32, #tpu.memory_space<vmem>> -> memref<1x128x64xf32, #tpu.memory_space<vmem>>
        %dma_start3A_227 = tpu.memref_squeeze %dma_start3A_226 : memref<1x128x64xf32, #tpu.memory_space<vmem>> -> memref<128x64xf32, #tpu.memory_space<vmem>>
        %dma_start3A_228 = arith.constant 0 : i32
        %dma_start3A_229 = tpu.memref_slice %arg8[%scan3A_159, %dma_start3A_228] : memref<80x128xi32, #tpu.memory_space<vmem>> -> memref<1x128xi32, #tpu.memory_space<vmem>>
        %dma_start3A_230 = tpu.memref_squeeze %dma_start3A_229 : memref<1x128xi32, #tpu.memory_space<vmem>> -> memref<128xi32, #tpu.memory_space<vmem>>
        %dma_start3A_231 = arith.constant 0 : i32
        %dma_start3A_232 = arith.constant 0 : i32
        %dma_start3A_233 = tpu.memref_slice %arg12[%dma_start3A_231, %dma_start3A_232] : memref<10240x64xf32, #tpu.memory_space<vmem_shared>> -> memref<10240x64xf32, #tpu.memory_space<vmem_shared>>
        tpu.enqueue_indirect_dma source(%dma_start3A_227 : memref<128x64xf32, #tpu.memory_space<vmem>>) target(%dma_start3A_233 : memref<10240x64xf32, #tpu.memory_space<vmem_shared>>) offsets(%dma_start3A_230 : memref<128xi32, #tpu.memory_space<vmem>>) semaphore(%run_scoped3A_223 : memref<!tpu.dma_semaphore, #tpu.memory_space<semaphore_mem>>) {add = true}
        %dma_wait3A_234 = arith.constant 0 : i32
        %dma_wait3A_235 = arith.constant 0 : i32
        %dma_wait3A_236 = tpu.memref_slice %arg11[%run_scoped3A_222, %dma_wait3A_234, %dma_wait3A_235] : memref<2x128x64xf32, #tpu.memory_space<vmem>> -> memref<1x128x64xf32, #tpu.memory_space<vmem>>
        %dma_wait3A_237 = tpu.memref_squeeze %dma_wait3A_236 : memref<1x128x64xf32, #tpu.memory_space<vmem>> -> memref<128x64xf32, #tpu.memory_space<vmem>>
        %dma_wait3A_238 = arith.constant 0 : i32
        %dma_wait3A_239 = tpu.memref_slice %arg8[%scan3A_159, %dma_wait3A_238] : memref<80x128xi32, #tpu.memory_space<vmem>> -> memref<1x128xi32, #tpu.memory_space<vmem>>
        %dma_wait3A_240 = tpu.memref_squeeze %dma_wait3A_239 : memref<1x128xi32, #tpu.memory_space<vmem>> -> memref<128xi32, #tpu.memory_space<vmem>>
        %dma_wait3A_241 = arith.constant 0 : i32
        %dma_wait3A_242 = arith.constant 0 : i32
        %dma_wait3A_243 = tpu.memref_slice %arg12[%dma_wait3A_241, %dma_wait3A_242] : memref<10240x64xf32, #tpu.memory_space<vmem_shared>> -> memref<10240x64xf32, #tpu.memory_space<vmem_shared>>
        tpu.wait_indirect_dma semaphore(%run_scoped3A_223 : memref<!tpu.dma_semaphore, #tpu.memory_space<semaphore_mem>>) src(%dma_wait3A_237 : memref<128x64xf32, #tpu.memory_space<vmem>>) dst(%dma_wait3A_243 : memref<10240x64xf32, #tpu.memory_space<vmem_shared>>)
        tpu.yield
      }) : () -> ()
    }
    %scan3A_116 = arith.constant 80 : i32
    %barrier3A_117 = arith.constant 0 : index
    tpu.barrier barrier_id(%barrier3A_117)
    "tpu.region"() ({
      %run_scoped3A_159 = tpu.sem_alloc : memref<!tpu.dma_semaphore, #tpu.memory_space<semaphore_mem>>
      %dma_start3A = arith.constant 0 : i32
      %dma_start3A_160 = arith.constant 0 : i32
      %dma_start3A_161 = tpu.memref_slice %arg6[%add3A_78, %dma_start3A, %dma_start3A_160] : memref<8x10240x64xf32, #tpu.memory_space<hbm>> -> memref<1x10240x64xf32, #tpu.memory_space<hbm>>
      %dma_start3A_162 = tpu.memref_squeeze %dma_start3A_161 : memref<1x10240x64xf32, #tpu.memory_space<hbm>> -> memref<10240x64xf32, #tpu.memory_space<hbm>>
      %dma_start3A_163 = arith.constant 0 : i32
      %dma_start3A_164 = tpu.memref_slice %dma_start3A_162[%mul3A_94, %dma_start3A_163] : memref<10240x64xf32, #tpu.memory_space<hbm>> -> memref<640x64xf32, #tpu.memory_space<hbm>>
      %dma_start3A_165 = arith.constant 0 : i32
      %dma_start3A_166 = tpu.memref_slice %arg12[%mul3A_94, %dma_start3A_165] : memref<10240x64xf32, #tpu.memory_space<vmem_shared>> -> memref<640x64xf32, #tpu.memory_space<vmem_shared>>
      tpu.enqueue_dma source(%dma_start3A_166 : memref<640x64xf32, #tpu.memory_space<vmem_shared>>) target(%dma_start3A_164 : memref<640x64xf32, #tpu.memory_space<hbm>>) target_semaphore(%run_scoped3A_159 : memref<!tpu.dma_semaphore, #tpu.memory_space<semaphore_mem>>)
      %dma_wait3A = arith.constant 0 : i32
      %dma_wait3A_167 = arith.constant 0 : i32
      %dma_wait3A_168 = tpu.memref_slice %arg6[%add3A_78, %dma_wait3A, %dma_wait3A_167] : memref<8x10240x64xf32, #tpu.memory_space<hbm>> -> memref<1x10240x64xf32, #tpu.memory_space<hbm>>
      %dma_wait3A_169 = tpu.memref_squeeze %dma_wait3A_168 : memref<1x10240x64xf32, #tpu.memory_space<hbm>> -> memref<10240x64xf32, #tpu.memory_space<hbm>>
      %dma_wait3A_170 = arith.constant 0 : i32
      %dma_wait3A_171 = tpu.memref_slice %dma_wait3A_169[%mul3A_94, %dma_wait3A_170] : memref<10240x64xf32, #tpu.memory_space<hbm>> -> memref<640x64xf32, #tpu.memory_space<hbm>>
      %dma_wait3A_172 = arith.constant 0 : i32
      %dma_wait3A_173 = tpu.memref_slice %arg12[%mul3A_94, %dma_wait3A_172] : memref<10240x64xf32, #tpu.memory_space<vmem_shared>> -> memref<640x64xf32, #tpu.memory_space<vmem_shared>>
      tpu.wait_dma2 semaphore(%run_scoped3A_159 : memref<!tpu.dma_semaphore, #tpu.memory_space<semaphore_mem>>) src(%dma_wait3A_173 : memref<640x64xf32, #tpu.memory_space<vmem_shared>>) dst(%dma_wait3A_171 : memref<640x64xf32, #tpu.memory_space<hbm>>)
      tpu.yield
    }) : () -> ()
    %add3A_118 = arith.constant 6 : i32
    %add3A_119 = arith.addi %add3A_118, %arg0 : i32
    %add3A_120 = arith.constant 60000 : i32
    %add3A_121 = arith.addi %add3A_120, %arg0 : i32
    %scan3A_122 = arith.constant 0 : i32
    %scan3A_123 = arith.constant 0 : i32
    %scan3A_124 = arith.constant 80 : i32
    %scan3A_125 = arith.addi %scan3A_123, %scan3A_124 : i32
    %scan3A_126 = arith.constant 1 : i32
    scf.for %scan3A_159 = %scan3A_123 to %scan3A_125 step %scan3A_126  : i32 {
      %get3A = arith.index_cast %scan3A_159 : i32 to index
      %get3A_160 = arith.constant 0 : index
      %get3A_161 = tpu.vector_load %arg7[%get3A, %get3A_160] {strides = array<i32>} : memref<80x128xi32, #tpu.memory_space<vmem>>, vector<1x16xi32>,
      %get3A_162 = vector.shape_cast %get3A_161 : vector<1x16xi32> to vector<16xi32>
      %mul3A_163 = arith.constant 2 : i32
      %mul3A_164 = vector.broadcast %mul3A_163 : i32 to vector<16xi32>
      %mul3A_165 = arith.muli %get3A_162, %mul3A_164 : vector<16xi32>
      %add3A_166 = vector.broadcast %add3A_121 : i32 to vector<16xi32>
      %add3A_167 = arith.addi %mul3A_165, %add3A_166 : vector<16xi32>
      %swap3A = arith.index_cast %scan3A_159 : i32 to index
      %swap3A_168 = arith.constant 0 : index
      %swap3A_169 = tpu.vector_load %arg10[%swap3A, %swap3A_168] {strides = array<i32>} : memref<80x128xi32, #tpu.memory_space<vmem>>, vector<1x16xi32>,
      %swap3A_170 = vector.shape_cast %swap3A_169 : vector<1x16xi32> to vector<16xi32>
      %swap3A_171 = vector.shape_cast %add3A_167 : vector<16xi32> to vector<1x16xi32>
      tpu.vector_store %arg10[%swap3A, %swap3A_168], %swap3A_171 {strides = array<i32>} : memref<80x128xi32, #tpu.memory_space<vmem>>, vector<1x16xi32>,
      %get3A_172 = arith.index_cast %scan3A_159 : i32 to index
      %get3A_173 = arith.constant 16 : index
      %get3A_174 = tpu.vector_load %arg7[%get3A_172, %get3A_173] {strides = array<i32>} : memref<80x128xi32, #tpu.memory_space<vmem>>, vector<1x16xi32>,
      %get3A_175 = vector.shape_cast %get3A_174 : vector<1x16xi32> to vector<16xi32>
      %mul3A_176 = arith.constant 2 : i32
      %mul3A_177 = vector.broadcast %mul3A_176 : i32 to vector<16xi32>
      %mul3A_178 = arith.muli %get3A_175, %mul3A_177 : vector<16xi32>
      %add3A_179 = vector.broadcast %add3A_121 : i32 to vector<16xi32>
      %add3A_180 = arith.addi %mul3A_178, %add3A_179 : vector<16xi32>
      %swap3A_181 = arith.index_cast %scan3A_159 : i32 to index
      %swap3A_182 = arith.constant 16 : index
      %swap3A_183 = tpu.vector_load %arg10[%swap3A_181, %swap3A_182] {strides = array<i32>} : memref<80x128xi32, #tpu.memory_space<vmem>>, vector<1x16xi32>,
      %swap3A_184 = vector.shape_cast %swap3A_183 : vector<1x16xi32> to vector<16xi32>
      %swap3A_185 = vector.shape_cast %add3A_180 : vector<16xi32> to vector<1x16xi32>
      tpu.vector_store %arg10[%swap3A_181, %swap3A_182], %swap3A_185 {strides = array<i32>} : memref<80x128xi32, #tpu.memory_space<vmem>>, vector<1x16xi32>,
      %get3A_186 = arith.index_cast %scan3A_159 : i32 to index
      %get3A_187 = arith.constant 32 : index
      %get3A_188 = tpu.vector_load %arg7[%get3A_186, %get3A_187] {strides = array<i32>} : memref<80x128xi32, #tpu.memory_space<vmem>>, vector<1x16xi32>,
      %get3A_189 = vector.shape_cast %get3A_188 : vector<1x16xi32> to vector<16xi32>
      %mul3A_190 = arith.constant 2 : i32
      %mul3A_191 = vector.broadcast %mul3A_190 : i32 to vector<16xi32>
      %mul3A_192 = arith.muli %get3A_189, %mul3A_191 : vector<16xi32>
      %add3A_193 = vector.broadcast %add3A_121 : i32 to vector<16xi32>
      %add3A_194 = arith.addi %mul3A_192, %add3A_193 : vector<16xi32>
      %swap3A_195 = arith.index_cast %scan3A_159 : i32 to index
      %swap3A_196 = arith.constant 32 : index
      %swap3A_197 = tpu.vector_load %arg10[%swap3A_195, %swap3A_196] {strides = array<i32>} : memref<80x128xi32, #tpu.memory_space<vmem>>, vector<1x16xi32>,
      %swap3A_198 = vector.shape_cast %swap3A_197 : vector<1x16xi32> to vector<16xi32>
      %swap3A_199 = vector.shape_cast %add3A_194 : vector<16xi32> to vector<1x16xi32>
      tpu.vector_store %arg10[%swap3A_195, %swap3A_196], %swap3A_199 {strides = array<i32>} : memref<80x128xi32, #tpu.memory_space<vmem>>, vector<1x16xi32>,
      %get3A_200 = arith.index_cast %scan3A_159 : i32 to index
      %get3A_201 = arith.constant 48 : index
      %get3A_202 = tpu.vector_load %arg7[%get3A_200, %get3A_201] {strides = array<i32>} : memref<80x128xi32, #tpu.memory_space<vmem>>, vector<1x16xi32>,
      %get3A_203 = vector.shape_cast %get3A_202 : vector<1x16xi32> to vector<16xi32>
      %mul3A_204 = arith.constant 2 : i32
      %mul3A_205 = vector.broadcast %mul3A_204 : i32 to vector<16xi32>
      %mul3A_206 = arith.muli %get3A_203, %mul3A_205 : vector<16xi32>
      %add3A_207 = vector.broadcast %add3A_121 : i32 to vector<16xi32>
      %add3A_208 = arith.addi %mul3A_206, %add3A_207 : vector<16xi32>
      %swap3A_209 = arith.index_cast %scan3A_159 : i32 to index
      %swap3A_210 = arith.constant 48 : index
      %swap3A_211 = tpu.vector_load %arg10[%swap3A_209, %swap3A_210] {strides = array<i32>} : memref<80x128xi32, #tpu.memory_space<vmem>>, vector<1x16xi32>,
      %swap3A_212 = vector.shape_cast %swap3A_211 : vector<1x16xi32> to vector<16xi32>
      %swap3A_213 = vector.shape_cast %add3A_208 : vector<16xi32> to vector<1x16xi32>
      tpu.vector_store %arg10[%swap3A_209, %swap3A_210], %swap3A_213 {strides = array<i32>} : memref<80x128xi32, #tpu.memory_space<vmem>>, vector<1x16xi32>,
      %get3A_214 = arith.index_cast %scan3A_159 : i32 to index
      %get3A_215 = arith.constant 64 : index
      %get3A_216 = tpu.vector_load %arg7[%get3A_214, %get3A_215] {strides = array<i32>} : memref<80x128xi32, #tpu.memory_space<vmem>>, vector<1x16xi32>,
      %get3A_217 = vector.shape_cast %get3A_216 : vector<1x16xi32> to vector<16xi32>
      %mul3A_218 = arith.constant 2 : i32
      %mul3A_219 = vector.broadcast %mul3A_218 : i32 to vector<16xi32>
      %mul3A_220 = arith.muli %get3A_217, %mul3A_219 : vector<16xi32>
      %add3A_221 = vector.broadcast %add3A_121 : i32 to vector<16xi32>
      %add3A_222 = arith.addi %mul3A_220, %add3A_221 : vector<16xi32>
      %swap3A_223 = arith.index_cast %scan3A_159 : i32 to index
      %swap3A_224 = arith.constant 64 : index
      %swap3A_225 = tpu.vector_load %arg10[%swap3A_223, %swap3A_224] {strides = array<i32>} : memref<80x128xi32, #tpu.memory_space<vmem>>, vector<1x16xi32>,
      %swap3A_226 = vector.shape_cast %swap3A_225 : vector<1x16xi32> to vector<16xi32>
      %swap3A_227 = vector.shape_cast %add3A_222 : vector<16xi32> to vector<1x16xi32>
      tpu.vector_store %arg10[%swap3A_223, %swap3A_224], %swap3A_227 {strides = array<i32>} : memref<80x128xi32, #tpu.memory_space<vmem>>, vector<1x16xi32>,
      %get3A_228 = arith.index_cast %scan3A_159 : i32 to index
      %get3A_229 = arith.constant 80 : index
      %get3A_230 = tpu.vector_load %arg7[%get3A_228, %get3A_229] {strides = array<i32>} : memref<80x128xi32, #tpu.memory_space<vmem>>, vector<1x16xi32>,
      %get3A_231 = vector.shape_cast %get3A_230 : vector<1x16xi32> to vector<16xi32>
      %mul3A_232 = arith.constant 2 : i32
      %mul3A_233 = vector.broadcast %mul3A_232 : i32 to vector<16xi32>
      %mul3A_234 = arith.muli %get3A_231, %mul3A_233 : vector<16xi32>
      %add3A_235 = vector.broadcast %add3A_121 : i32 to vector<16xi32>
      %add3A_236 = arith.addi %mul3A_234, %add3A_235 : vector<16xi32>
      %swap3A_237 = arith.index_cast %scan3A_159 : i32 to index
      %swap3A_238 = arith.constant 80 : index
      %swap3A_239 = tpu.vector_load %arg10[%swap3A_237, %swap3A_238] {strides = array<i32>} : memref<80x128xi32, #tpu.memory_space<vmem>>, vector<1x16xi32>,
      %swap3A_240 = vector.shape_cast %swap3A_239 : vector<1x16xi32> to vector<16xi32>
      %swap3A_241 = vector.shape_cast %add3A_236 : vector<16xi32> to vector<1x16xi32>
      tpu.vector_store %arg10[%swap3A_237, %swap3A_238], %swap3A_241 {strides = array<i32>} : memref<80x128xi32, #tpu.memory_space<vmem>>, vector<1x16xi32>,
      %get3A_242 = arith.index_cast %scan3A_159 : i32 to index
      %get3A_243 = arith.constant 96 : index
      %get3A_244 = tpu.vector_load %arg7[%get3A_242, %get3A_243] {strides = array<i32>} : memref<80x128xi32, #tpu.memory_space<vmem>>, vector<1x16xi32>,
      %get3A_245 = vector.shape_cast %get3A_244 : vector<1x16xi32> to vector<16xi32>
      %mul3A_246 = arith.constant 2 : i32
      %mul3A_247 = vector.broadcast %mul3A_246 : i32 to vector<16xi32>
      %mul3A_248 = arith.muli %get3A_245, %mul3A_247 : vector<16xi32>
      %add3A_249 = vector.broadcast %add3A_121 : i32 to vector<16xi32>
      %add3A_250 = arith.addi %mul3A_248, %add3A_249 : vector<16xi32>
      %swap3A_251 = arith.index_cast %scan3A_159 : i32 to index
      %swap3A_252 = arith.constant 96 : index
      %swap3A_253 = tpu.vector_load %arg10[%swap3A_251, %swap3A_252] {strides = array<i32>} : memref<80x128xi32, #tpu.memory_space<vmem>>, vector<1x16xi32>,
      %swap3A_254 = vector.shape_cast %swap3A_253 : vector<1x16xi32> to vector<16xi32>
      %swap3A_255 = vector.shape_cast %add3A_250 : vector<16xi32> to vector<1x16xi32>
      tpu.vector_store %arg10[%swap3A_251, %swap3A_252], %swap3A_255 {strides = array<i32>} : memref<80x128xi32, #tpu.memory_space<vmem>>, vector<1x16xi32>,
      %get3A_256 = arith.index_cast %scan3A_159 : i32 to index
      %get3A_257 = arith.constant 112 : index
      %get3A_258 = tpu.vector_load %arg7[%get3A_256, %get3A_257] {strides = array<i32>} : memref<80x128xi32, #tpu.memory_space<vmem>>, vector<1x16xi32>,
      %get3A_259 = vector.shape_cast %get3A_258 : vector<1x16xi32> to vector<16xi32>
      %mul3A_260 = arith.constant 2 : i32
      %mul3A_261 = vector.broadcast %mul3A_260 : i32 to vector<16xi32>
      %mul3A_262 = arith.muli %get3A_259, %mul3A_261 : vector<16xi32>
      %add3A_263 = vector.broadcast %add3A_121 : i32 to vector<16xi32>
      %add3A_264 = arith.addi %mul3A_262, %add3A_263 : vector<16xi32>
      %swap3A_265 = arith.index_cast %scan3A_159 : i32 to index
      %swap3A_266 = arith.constant 112 : index
      %swap3A_267 = tpu.vector_load %arg10[%swap3A_265, %swap3A_266] {strides = array<i32>} : memref<80x128xi32, #tpu.memory_space<vmem>>, vector<1x16xi32>,
      %swap3A_268 = vector.shape_cast %swap3A_267 : vector<1x16xi32> to vector<16xi32>
      %swap3A_269 = vector.shape_cast %add3A_264 : vector<16xi32> to vector<1x16xi32>
      tpu.vector_store %arg10[%swap3A_265, %swap3A_266], %swap3A_269 {strides = array<i32>} : memref<80x128xi32, #tpu.memory_space<vmem>>, vector<1x16xi32>,
    }
    %scan3A_127 = arith.constant 80 : i32
    %scan3A_128 = arith.constant 0 : i32
    %scan3A_129 = arith.constant 0 : i32
    %scan3A_130 = arith.constant 128 : i32
    %scan3A_131 = arith.addi %scan3A_129, %scan3A_130 : i32
    %scan3A_132 = arith.constant 1 : i32
    scf.for %scan3A_159 = %scan3A_129 to %scan3A_131 step %scan3A_132  : i32 {
      %broadcast_in_dim3A = arith.constant 0.000000e+00 : f32
      %broadcast_in_dim3A_160 = vector.broadcast %broadcast_in_dim3A : f32 to vector<16xf32>
      %swap3A = arith.constant 0 : i32
      %swap3A_161 = arith.index_cast %swap3A : i32 to index
      %swap3A_162 = arith.index_cast %scan3A_159 : i32 to index
      %swap3A_163 = arith.constant 0 : index
      %swap3A_164 = tpu.vector_load %arg11[%swap3A_161, %swap3A_162, %swap3A_163] {strides = array<i32>} : memref<2x128x64xf32, #tpu.memory_space<vmem>>, vector<1x1x16xf32>,
      %swap3A_165 = vector.shape_cast %swap3A_164 : vector<1x1x16xf32> to vector<16xf32>
      %swap3A_166 = vector.shape_cast %broadcast_in_dim3A_160 : vector<16xf32> to vector<1x1x16xf32>
      tpu.vector_store %arg11[%swap3A_161, %swap3A_162, %swap3A_163], %swap3A_166 {strides = array<i32>} : memref<2x128x64xf32, #tpu.memory_space<vmem>>, vector<1x1x16xf32>,
      %broadcast_in_dim3A_167 = arith.constant 0.000000e+00 : f32
      %broadcast_in_dim3A_168 = vector.broadcast %broadcast_in_dim3A_167 : f32 to vector<16xf32>
      %swap3A_169 = arith.constant 0 : i32
      %swap3A_170 = arith.index_cast %swap3A_169 : i32 to index
      %swap3A_171 = arith.index_cast %scan3A_159 : i32 to index
      %swap3A_172 = arith.constant 16 : index
      %swap3A_173 = tpu.vector_load %arg11[%swap3A_170, %swap3A_171, %swap3A_172] {strides = array<i32>} : memref<2x128x64xf32, #tpu.memory_space<vmem>>, vector<1x1x16xf32>,
      %swap3A_174 = vector.shape_cast %swap3A_173 : vector<1x1x16xf32> to vector<16xf32>
      %swap3A_175 = vector.shape_cast %broadcast_in_dim3A_168 : vector<16xf32> to vector<1x1x16xf32>
      tpu.vector_store %arg11[%swap3A_170, %swap3A_171, %swap3A_172], %swap3A_175 {strides = array<i32>} : memref<2x128x64xf32, #tpu.memory_space<vmem>>, vector<1x1x16xf32>,
      %broadcast_in_dim3A_176 = arith.constant 0.000000e+00 : f32
      %broadcast_in_dim3A_177 = vector.broadcast %broadcast_in_dim3A_176 : f32 to vector<16xf32>
      %swap3A_178 = arith.constant 0 : i32
      %swap3A_179 = arith.index_cast %swap3A_178 : i32 to index
      %swap3A_180 = arith.index_cast %scan3A_159 : i32 to index
      %swap3A_181 = arith.constant 32 : index
      %swap3A_182 = tpu.vector_load %arg11[%swap3A_179, %swap3A_180, %swap3A_181] {strides = array<i32>} : memref<2x128x64xf32, #tpu.memory_space<vmem>>, vector<1x1x16xf32>,
      %swap3A_183 = vector.shape_cast %swap3A_182 : vector<1x1x16xf32> to vector<16xf32>
      %swap3A_184 = vector.shape_cast %broadcast_in_dim3A_177 : vector<16xf32> to vector<1x1x16xf32>
      tpu.vector_store %arg11[%swap3A_179, %swap3A_180, %swap3A_181], %swap3A_184 {strides = array<i32>} : memref<2x128x64xf32, #tpu.memory_space<vmem>>, vector<1x1x16xf32>,
      %broadcast_in_dim3A_185 = arith.constant 0.000000e+00 : f32
      %broadcast_in_dim3A_186 = vector.broadcast %broadcast_in_dim3A_185 : f32 to vector<16xf32>
      %swap3A_187 = arith.constant 0 : i32
      %swap3A_188 = arith.index_cast %swap3A_187 : i32 to index
      %swap3A_189 = arith.index_cast %scan3A_159 : i32 to index
      %swap3A_190 = arith.constant 48 : index
      %swap3A_191 = tpu.vector_load %arg11[%swap3A_188, %swap3A_189, %swap3A_190] {strides = array<i32>} : memref<2x128x64xf32, #tpu.memory_space<vmem>>, vector<1x1x16xf32>,
      %swap3A_192 = vector.shape_cast %swap3A_191 : vector<1x1x16xf32> to vector<16xf32>
      %swap3A_193 = vector.shape_cast %broadcast_in_dim3A_186 : vector<16xf32> to vector<1x1x16xf32>
      tpu.vector_store %arg11[%swap3A_188, %swap3A_189, %swap3A_190], %swap3A_193 {strides = array<i32>} : memref<2x128x64xf32, #tpu.memory_space<vmem>>, vector<1x1x16xf32>,
    }
    %scan3A_133 = arith.constant 128 : i32
    %mul3A_134 = arith.constant 640 : i32
    %mul3A_135 = arith.muli %arg1, %mul3A_134 : i32
    %add3A_136 = arith.constant 0 : i32
    %add3A_137 = arith.addi %mul3A_135, %add3A_136 : i32
    %run_scoped3A_138 = arith.constant 0 : i32
    "tpu.region"() ({
      %run_scoped3A_159 = tpu.sem_alloc : memref<!tpu.dma_semaphore, #tpu.memory_space<semaphore_mem>>
      %dma_start3A = arith.constant 0 : i32
      %dma_start3A_160 = arith.constant 0 : i32
      %dma_start3A_161 = tpu.memref_slice %arg11[%run_scoped3A_138, %dma_start3A, %dma_start3A_160] : memref<2x128x64xf32, #tpu.memory_space<vmem>> -> memref<1x128x64xf32, #tpu.memory_space<vmem>>
      %dma_start3A_162 = tpu.memref_squeeze %dma_start3A_161 : memref<1x128x64xf32, #tpu.memory_space<vmem>> -> memref<128x64xf32, #tpu.memory_space<vmem>>
      %dma_start3A_163 = arith.constant 0 : i32
      %dma_start3A_164 = tpu.memref_slice %arg12[%add3A_137, %dma_start3A_163] : memref<10240x64xf32, #tpu.memory_space<vmem_shared>> -> memref<128x64xf32, #tpu.memory_space<vmem_shared>>
      %dma_start3A_165 = arith.constant 0 : i32
      %dma_start3A_166 = tpu.memref_slice %arg12[%add3A_137, %dma_start3A_165] : memref<10240x64xf32, #tpu.memory_space<vmem_shared>> -> memref<128x64xf32, #tpu.memory_space<vmem_shared>>
      %dma_start3A_167 = arith.constant 0 : i32
      %dma_start3A_168 = arith.constant 0 : i32
      %dma_start3A_169 = tpu.memref_slice %arg11[%run_scoped3A_138, %dma_start3A_167, %dma_start3A_168] : memref<2x128x64xf32, #tpu.memory_space<vmem>> -> memref<1x128x64xf32, #tpu.memory_space<vmem>>
      %dma_start3A_170 = tpu.memref_squeeze %dma_start3A_169 : memref<1x128x64xf32, #tpu.memory_space<vmem>> -> memref<128x64xf32, #tpu.memory_space<vmem>>
      tpu.enqueue_dma source(%dma_start3A_170 : memref<128x64xf32, #tpu.memory_space<vmem>>) target(%dma_start3A_166 : memref<128x64xf32, #tpu.memory_space<vmem_shared>>) target_semaphore(%run_scoped3A_159 : memref<!tpu.dma_semaphore, #tpu.memory_space<semaphore_mem>>)
      %dma_wait3A = arith.constant 0 : i32
      %dma_wait3A_171 = arith.constant 0 : i32
      %dma_wait3A_172 = tpu.memref_slice %arg11[%run_scoped3A_138, %dma_wait3A, %dma_wait3A_171] : memref<2x128x64xf32, #tpu.memory_space<vmem>> -> memref<1x128x64xf32, #tpu.memory_space<vmem>>
      %dma_wait3A_173 = tpu.memref_squeeze %dma_wait3A_172 : memref<1x128x64xf32, #tpu.memory_space<vmem>> -> memref<128x64xf32, #tpu.memory_space<vmem>>
      %dma_wait3A_174 = arith.constant 0 : i32
      %dma_wait3A_175 = tpu.memref_slice %arg12[%add3A_137, %dma_wait3A_174] : memref<10240x64xf32, #tpu.memory_space<vmem_shared>> -> memref<128x64xf32, #tpu.memory_space<vmem_shared>>
      %dma_wait3A_176 = arith.constant 0 : i32
      %dma_wait3A_177 = tpu.memref_slice %arg12[%add3A_137, %dma_wait3A_176] : memref<10240x64xf32, #tpu.memory_space<vmem_shared>> -> memref<128x64xf32, #tpu.memory_space<vmem_shared>>
      %dma_wait3A_178 = arith.constant 0 : i32
      %dma_wait3A_179 = arith.constant 0 : i32
      %dma_wait3A_180 = tpu.memref_slice %arg11[%run_scoped3A_138, %dma_wait3A_178, %dma_wait3A_179] : memref<2x128x64xf32, #tpu.memory_space<vmem>> -> memref<1x128x64xf32, #tpu.memory_space<vmem>>
      %dma_wait3A_181 = tpu.memref_squeeze %dma_wait3A_180 : memref<1x128x64xf32, #tpu.memory_space<vmem>> -> memref<128x64xf32, #tpu.memory_space<vmem>>
      tpu.wait_dma2 semaphore(%run_scoped3A_159 : memref<!tpu.dma_semaphore, #tpu.memory_space<semaphore_mem>>) src(%dma_wait3A_181 : memref<128x64xf32, #tpu.memory_space<vmem>>) dst(%dma_wait3A_177 : memref<128x64xf32, #tpu.memory_space<vmem_shared>>)
      tpu.yield
    }) : () -> ()
    %add3A_139 = arith.constant 128 : i32
    %add3A_140 = arith.addi %mul3A_135, %add3A_139 : i32
    %run_scoped3A_141 = arith.constant 0 : i32
    "tpu.region"() ({
      %run_scoped3A_159 = tpu.sem_alloc : memref<!tpu.dma_semaphore, #tpu.memory_space<semaphore_mem>>
      %dma_start3A = arith.constant 0 : i32
      %dma_start3A_160 = arith.constant 0 : i32
      %dma_start3A_161 = tpu.memref_slice %arg11[%run_scoped3A_141, %dma_start3A, %dma_start3A_160] : memref<2x128x64xf32, #tpu.memory_space<vmem>> -> memref<1x128x64xf32, #tpu.memory_space<vmem>>
      %dma_start3A_162 = tpu.memref_squeeze %dma_start3A_161 : memref<1x128x64xf32, #tpu.memory_space<vmem>> -> memref<128x64xf32, #tpu.memory_space<vmem>>
      %dma_start3A_163 = arith.constant 0 : i32
      %dma_start3A_164 = tpu.memref_slice %arg12[%add3A_140, %dma_start3A_163] : memref<10240x64xf32, #tpu.memory_space<vmem_shared>> -> memref<128x64xf32, #tpu.memory_space<vmem_shared>>
      %dma_start3A_165 = arith.constant 0 : i32
      %dma_start3A_166 = tpu.memref_slice %arg12[%add3A_140, %dma_start3A_165] : memref<10240x64xf32, #tpu.memory_space<vmem_shared>> -> memref<128x64xf32, #tpu.memory_space<vmem_shared>>
      %dma_start3A_167 = arith.constant 0 : i32
      %dma_start3A_168 = arith.constant 0 : i32
      %dma_start3A_169 = tpu.memref_slice %arg11[%run_scoped3A_141, %dma_start3A_167, %dma_start3A_168] : memref<2x128x64xf32, #tpu.memory_space<vmem>> -> memref<1x128x64xf32, #tpu.memory_space<vmem>>
      %dma_start3A_170 = tpu.memref_squeeze %dma_start3A_169 : memref<1x128x64xf32, #tpu.memory_space<vmem>> -> memref<128x64xf32, #tpu.memory_space<vmem>>
      tpu.enqueue_dma source(%dma_start3A_170 : memref<128x64xf32, #tpu.memory_space<vmem>>) target(%dma_start3A_166 : memref<128x64xf32, #tpu.memory_space<vmem_shared>>) target_semaphore(%run_scoped3A_159 : memref<!tpu.dma_semaphore, #tpu.memory_space<semaphore_mem>>)
      %dma_wait3A = arith.constant 0 : i32
      %dma_wait3A_171 = arith.constant 0 : i32
      %dma_wait3A_172 = tpu.memref_slice %arg11[%run_scoped3A_141, %dma_wait3A, %dma_wait3A_171] : memref<2x128x64xf32, #tpu.memory_space<vmem>> -> memref<1x128x64xf32, #tpu.memory_space<vmem>>
      %dma_wait3A_173 = tpu.memref_squeeze %dma_wait3A_172 : memref<1x128x64xf32, #tpu.memory_space<vmem>> -> memref<128x64xf32, #tpu.memory_space<vmem>>
      %dma_wait3A_174 = arith.constant 0 : i32
      %dma_wait3A_175 = tpu.memref_slice %arg12[%add3A_140, %dma_wait3A_174] : memref<10240x64xf32, #tpu.memory_space<vmem_shared>> -> memref<128x64xf32, #tpu.memory_space<vmem_shared>>
      %dma_wait3A_176 = arith.constant 0 : i32
      %dma_wait3A_177 = tpu.memref_slice %arg12[%add3A_140, %dma_wait3A_176] : memref<10240x64xf32, #tpu.memory_space<vmem_shared>> -> memref<128x64xf32, #tpu.memory_space<vmem_shared>>
      %dma_wait3A_178 = arith.constant 0 : i32
      %dma_wait3A_179 = arith.constant 0 : i32
      %dma_wait3A_180 = tpu.memref_slice %arg11[%run_scoped3A_141, %dma_wait3A_178, %dma_wait3A_179] : memref<2x128x64xf32, #tpu.memory_space<vmem>> -> memref<1x128x64xf32, #tpu.memory_space<vmem>>
      %dma_wait3A_181 = tpu.memref_squeeze %dma_wait3A_180 : memref<1x128x64xf32, #tpu.memory_space<vmem>> -> memref<128x64xf32, #tpu.memory_space<vmem>>
      tpu.wait_dma2 semaphore(%run_scoped3A_159 : memref<!tpu.dma_semaphore, #tpu.memory_space<semaphore_mem>>) src(%dma_wait3A_181 : memref<128x64xf32, #tpu.memory_space<vmem>>) dst(%dma_wait3A_177 : memref<128x64xf32, #tpu.memory_space<vmem_shared>>)
      tpu.yield
    }) : () -> ()
    %add3A_142 = arith.constant 256 : i32
    %add3A_143 = arith.addi %mul3A_135, %add3A_142 : i32
    %run_scoped3A_144 = arith.constant 0 : i32
    "tpu.region"() ({
      %run_scoped3A_159 = tpu.sem_alloc : memref<!tpu.dma_semaphore, #tpu.memory_space<semaphore_mem>>
      %dma_start3A = arith.constant 0 : i32
      %dma_start3A_160 = arith.constant 0 : i32
      %dma_start3A_161 = tpu.memref_slice %arg11[%run_scoped3A_144, %dma_start3A, %dma_start3A_160] : memref<2x128x64xf32, #tpu.memory_space<vmem>> -> memref<1x128x64xf32, #tpu.memory_space<vmem>>
      %dma_start3A_162 = tpu.memref_squeeze %dma_start3A_161 : memref<1x128x64xf32, #tpu.memory_space<vmem>> -> memref<128x64xf32, #tpu.memory_space<vmem>>
      %dma_start3A_163 = arith.constant 0 : i32
      %dma_start3A_164 = tpu.memref_slice %arg12[%add3A_143, %dma_start3A_163] : memref<10240x64xf32, #tpu.memory_space<vmem_shared>> -> memref<128x64xf32, #tpu.memory_space<vmem_shared>>
      %dma_start3A_165 = arith.constant 0 : i32
      %dma_start3A_166 = tpu.memref_slice %arg12[%add3A_143, %dma_start3A_165] : memref<10240x64xf32, #tpu.memory_space<vmem_shared>> -> memref<128x64xf32, #tpu.memory_space<vmem_shared>>
      %dma_start3A_167 = arith.constant 0 : i32
      %dma_start3A_168 = arith.constant 0 : i32
      %dma_start3A_169 = tpu.memref_slice %arg11[%run_scoped3A_144, %dma_start3A_167, %dma_start3A_168] : memref<2x128x64xf32, #tpu.memory_space<vmem>> -> memref<1x128x64xf32, #tpu.memory_space<vmem>>
      %dma_start3A_170 = tpu.memref_squeeze %dma_start3A_169 : memref<1x128x64xf32, #tpu.memory_space<vmem>> -> memref<128x64xf32, #tpu.memory_space<vmem>>
      tpu.enqueue_dma source(%dma_start3A_170 : memref<128x64xf32, #tpu.memory_space<vmem>>) target(%dma_start3A_166 : memref<128x64xf32, #tpu.memory_space<vmem_shared>>) target_semaphore(%run_scoped3A_159 : memref<!tpu.dma_semaphore, #tpu.memory_space<semaphore_mem>>)
      %dma_wait3A = arith.constant 0 : i32
      %dma_wait3A_171 = arith.constant 0 : i32
      %dma_wait3A_172 = tpu.memref_slice %arg11[%run_scoped3A_144, %dma_wait3A, %dma_wait3A_171] : memref<2x128x64xf32, #tpu.memory_space<vmem>> -> memref<1x128x64xf32, #tpu.memory_space<vmem>>
      %dma_wait3A_173 = tpu.memref_squeeze %dma_wait3A_172 : memref<1x128x64xf32, #tpu.memory_space<vmem>> -> memref<128x64xf32, #tpu.memory_space<vmem>>
      %dma_wait3A_174 = arith.constant 0 : i32
      %dma_wait3A_175 = tpu.memref_slice %arg12[%add3A_143, %dma_wait3A_174] : memref<10240x64xf32, #tpu.memory_space<vmem_shared>> -> memref<128x64xf32, #tpu.memory_space<vmem_shared>>
      %dma_wait3A_176 = arith.constant 0 : i32
      %dma_wait3A_177 = tpu.memref_slice %arg12[%add3A_143, %dma_wait3A_176] : memref<10240x64xf32, #tpu.memory_space<vmem_shared>> -> memref<128x64xf32, #tpu.memory_space<vmem_shared>>
      %dma_wait3A_178 = arith.constant 0 : i32
      %dma_wait3A_179 = arith.constant 0 : i32
      %dma_wait3A_180 = tpu.memref_slice %arg11[%run_scoped3A_144, %dma_wait3A_178, %dma_wait3A_179] : memref<2x128x64xf32, #tpu.memory_space<vmem>> -> memref<1x128x64xf32, #tpu.memory_space<vmem>>
      %dma_wait3A_181 = tpu.memref_squeeze %dma_wait3A_180 : memref<1x128x64xf32, #tpu.memory_space<vmem>> -> memref<128x64xf32, #tpu.memory_space<vmem>>
      tpu.wait_dma2 semaphore(%run_scoped3A_159 : memref<!tpu.dma_semaphore, #tpu.memory_space<semaphore_mem>>) src(%dma_wait3A_181 : memref<128x64xf32, #tpu.memory_space<vmem>>) dst(%dma_wait3A_177 : memref<128x64xf32, #tpu.memory_space<vmem_shared>>)
      tpu.yield
    }) : () -> ()
    %add3A_145 = arith.constant 384 : i32
    %add3A_146 = arith.addi %mul3A_135, %add3A_145 : i32
    %run_scoped3A_147 = arith.constant 0 : i32
    "tpu.region"() ({
      %run_scoped3A_159 = tpu.sem_alloc : memref<!tpu.dma_semaphore, #tpu.memory_space<semaphore_mem>>
      %dma_start3A = arith.constant 0 : i32
      %dma_start3A_160 = arith.constant 0 : i32
      %dma_start3A_161 = tpu.memref_slice %arg11[%run_scoped3A_147, %dma_start3A, %dma_start3A_160] : memref<2x128x64xf32, #tpu.memory_space<vmem>> -> memref<1x128x64xf32, #tpu.memory_space<vmem>>
      %dma_start3A_162 = tpu.memref_squeeze %dma_start3A_161 : memref<1x128x64xf32, #tpu.memory_space<vmem>> -> memref<128x64xf32, #tpu.memory_space<vmem>>
      %dma_start3A_163 = arith.constant 0 : i32
      %dma_start3A_164 = tpu.memref_slice %arg12[%add3A_146, %dma_start3A_163] : memref<10240x64xf32, #tpu.memory_space<vmem_shared>> -> memref<128x64xf32, #tpu.memory_space<vmem_shared>>
      %dma_start3A_165 = arith.constant 0 : i32
      %dma_start3A_166 = tpu.memref_slice %arg12[%add3A_146, %dma_start3A_165] : memref<10240x64xf32, #tpu.memory_space<vmem_shared>> -> memref<128x64xf32, #tpu.memory_space<vmem_shared>>
      %dma_start3A_167 = arith.constant 0 : i32
      %dma_start3A_168 = arith.constant 0 : i32
      %dma_start3A_169 = tpu.memref_slice %arg11[%run_scoped3A_147, %dma_start3A_167, %dma_start3A_168] : memref<2x128x64xf32, #tpu.memory_space<vmem>> -> memref<1x128x64xf32, #tpu.memory_space<vmem>>
      %dma_start3A_170 = tpu.memref_squeeze %dma_start3A_169 : memref<1x128x64xf32, #tpu.memory_space<vmem>> -> memref<128x64xf32, #tpu.memory_space<vmem>>
      tpu.enqueue_dma source(%dma_start3A_170 : memref<128x64xf32, #tpu.memory_space<vmem>>) target(%dma_start3A_166 : memref<128x64xf32, #tpu.memory_space<vmem_shared>>) target_semaphore(%run_scoped3A_159 : memref<!tpu.dma_semaphore, #tpu.memory_space<semaphore_mem>>)
      %dma_wait3A = arith.constant 0 : i32
      %dma_wait3A_171 = arith.constant 0 : i32
      %dma_wait3A_172 = tpu.memref_slice %arg11[%run_scoped3A_147, %dma_wait3A, %dma_wait3A_171] : memref<2x128x64xf32, #tpu.memory_space<vmem>> -> memref<1x128x64xf32, #tpu.memory_space<vmem>>
      %dma_wait3A_173 = tpu.memref_squeeze %dma_wait3A_172 : memref<1x128x64xf32, #tpu.memory_space<vmem>> -> memref<128x64xf32, #tpu.memory_space<vmem>>
      %dma_wait3A_174 = arith.constant 0 : i32
      %dma_wait3A_175 = tpu.memref_slice %arg12[%add3A_146, %dma_wait3A_174] : memref<10240x64xf32, #tpu.memory_space<vmem_shared>> -> memref<128x64xf32, #tpu.memory_space<vmem_shared>>
      %dma_wait3A_176 = arith.constant 0 : i32
      %dma_wait3A_177 = tpu.memref_slice %arg12[%add3A_146, %dma_wait3A_176] : memref<10240x64xf32, #tpu.memory_space<vmem_shared>> -> memref<128x64xf32, #tpu.memory_space<vmem_shared>>
      %dma_wait3A_178 = arith.constant 0 : i32
      %dma_wait3A_179 = arith.constant 0 : i32
      %dma_wait3A_180 = tpu.memref_slice %arg11[%run_scoped3A_147, %dma_wait3A_178, %dma_wait3A_179] : memref<2x128x64xf32, #tpu.memory_space<vmem>> -> memref<1x128x64xf32, #tpu.memory_space<vmem>>
      %dma_wait3A_181 = tpu.memref_squeeze %dma_wait3A_180 : memref<1x128x64xf32, #tpu.memory_space<vmem>> -> memref<128x64xf32, #tpu.memory_space<vmem>>
      tpu.wait_dma2 semaphore(%run_scoped3A_159 : memref<!tpu.dma_semaphore, #tpu.memory_space<semaphore_mem>>) src(%dma_wait3A_181 : memref<128x64xf32, #tpu.memory_space<vmem>>) dst(%dma_wait3A_177 : memref<128x64xf32, #tpu.memory_space<vmem_shared>>)
      tpu.yield
    }) : () -> ()
    %add3A_148 = arith.constant 512 : i32
    %add3A_149 = arith.addi %mul3A_135, %add3A_148 : i32
    %run_scoped3A_150 = arith.constant 0 : i32
    "tpu.region"() ({
      %run_scoped3A_159 = tpu.sem_alloc : memref<!tpu.dma_semaphore, #tpu.memory_space<semaphore_mem>>
      %dma_start3A = arith.constant 0 : i32
      %dma_start3A_160 = arith.constant 0 : i32
      %dma_start3A_161 = tpu.memref_slice %arg11[%run_scoped3A_150, %dma_start3A, %dma_start3A_160] : memref<2x128x64xf32, #tpu.memory_space<vmem>> -> memref<1x128x64xf32, #tpu.memory_space<vmem>>
      %dma_start3A_162 = tpu.memref_squeeze %dma_start3A_161 : memref<1x128x64xf32, #tpu.memory_space<vmem>> -> memref<128x64xf32, #tpu.memory_space<vmem>>
      %dma_start3A_163 = arith.constant 0 : i32
      %dma_start3A_164 = tpu.memref_slice %arg12[%add3A_149, %dma_start3A_163] : memref<10240x64xf32, #tpu.memory_space<vmem_shared>> -> memref<128x64xf32, #tpu.memory_space<vmem_shared>>
      %dma_start3A_165 = arith.constant 0 : i32
      %dma_start3A_166 = tpu.memref_slice %arg12[%add3A_149, %dma_start3A_165] : memref<10240x64xf32, #tpu.memory_space<vmem_shared>> -> memref<128x64xf32, #tpu.memory_space<vmem_shared>>
      %dma_start3A_167 = arith.constant 0 : i32
      %dma_start3A_168 = arith.constant 0 : i32
      %dma_start3A_169 = tpu.memref_slice %arg11[%run_scoped3A_150, %dma_start3A_167, %dma_start3A_168] : memref<2x128x64xf32, #tpu.memory_space<vmem>> -> memref<1x128x64xf32, #tpu.memory_space<vmem>>
      %dma_start3A_170 = tpu.memref_squeeze %dma_start3A_169 : memref<1x128x64xf32, #tpu.memory_space<vmem>> -> memref<128x64xf32, #tpu.memory_space<vmem>>
      tpu.enqueue_dma source(%dma_start3A_170 : memref<128x64xf32, #tpu.memory_space<vmem>>) target(%dma_start3A_166 : memref<128x64xf32, #tpu.memory_space<vmem_shared>>) target_semaphore(%run_scoped3A_159 : memref<!tpu.dma_semaphore, #tpu.memory_space<semaphore_mem>>)
      %dma_wait3A = arith.constant 0 : i32
      %dma_wait3A_171 = arith.constant 0 : i32
      %dma_wait3A_172 = tpu.memref_slice %arg11[%run_scoped3A_150, %dma_wait3A, %dma_wait3A_171] : memref<2x128x64xf32, #tpu.memory_space<vmem>> -> memref<1x128x64xf32, #tpu.memory_space<vmem>>
      %dma_wait3A_173 = tpu.memref_squeeze %dma_wait3A_172 : memref<1x128x64xf32, #tpu.memory_space<vmem>> -> memref<128x64xf32, #tpu.memory_space<vmem>>
      %dma_wait3A_174 = arith.constant 0 : i32
      %dma_wait3A_175 = tpu.memref_slice %arg12[%add3A_149, %dma_wait3A_174] : memref<10240x64xf32, #tpu.memory_space<vmem_shared>> -> memref<128x64xf32, #tpu.memory_space<vmem_shared>>
      %dma_wait3A_176 = arith.constant 0 : i32
      %dma_wait3A_177 = tpu.memref_slice %arg12[%add3A_149, %dma_wait3A_176] : memref<10240x64xf32, #tpu.memory_space<vmem_shared>> -> memref<128x64xf32, #tpu.memory_space<vmem_shared>>
      %dma_wait3A_178 = arith.constant 0 : i32
      %dma_wait3A_179 = arith.constant 0 : i32
      %dma_wait3A_180 = tpu.memref_slice %arg11[%run_scoped3A_150, %dma_wait3A_178, %dma_wait3A_179] : memref<2x128x64xf32, #tpu.memory_space<vmem>> -> memref<1x128x64xf32, #tpu.memory_space<vmem>>
      %dma_wait3A_181 = tpu.memref_squeeze %dma_wait3A_180 : memref<1x128x64xf32, #tpu.memory_space<vmem>> -> memref<128x64xf32, #tpu.memory_space<vmem>>
      tpu.wait_dma2 semaphore(%run_scoped3A_159 : memref<!tpu.dma_semaphore, #tpu.memory_space<semaphore_mem>>) src(%dma_wait3A_181 : memref<128x64xf32, #tpu.memory_space<vmem>>) dst(%dma_wait3A_177 : memref<128x64xf32, #tpu.memory_space<vmem_shared>>)
      tpu.yield
    }) : () -> ()
    %barrier3A_151 = arith.constant 0 : index
    tpu.barrier barrier_id(%barrier3A_151)
    %scan3A_152 = arith.constant 0 : i32
    %scan3A_153 = arith.constant 0 : i32
    %scan3A_154 = arith.constant 80 : i32
    %scan3A_155 = arith.addi %scan3A_153, %scan3A_154 : i32
    %scan3A_156 = arith.constant 1 : i32
    scf.for %scan3A_159 = %scan3A_153 to %scan3A_155 step %scan3A_156  : i32 {
      %dma_start3A = arith.constant 0 : i32
      %dma_start3A_160 = arith.constant 0 : i32
      %dma_start3A_161 = arith.constant 0 : i32
      %dma_start3A_162 = tpu.memref_slice %arg5[%arg1, %dma_start3A, %dma_start3A_160, %dma_start3A_161] : memref<16x80x128x16xf32, #tpu.memory_space<hbm>> -> memref<1x80x128x16xf32, #tpu.memory_space<hbm>>
      %dma_start3A_163 = tpu.memref_squeeze %dma_start3A_162 : memref<1x80x128x16xf32, #tpu.memory_space<hbm>> -> memref<80x128x16xf32, #tpu.memory_space<hbm>>
      %dma_start3A_164 = arith.constant 0 : i32
      %dma_start3A_165 = arith.constant 0 : i32
      %dma_start3A_166 = tpu.memref_slice %dma_start3A_163[%scan3A_159, %dma_start3A_164, %dma_start3A_165] : memref<80x128x16xf32, #tpu.memory_space<hbm>> -> memref<1x128x16xf32, #tpu.memory_space<hbm>>
      %dma_start3A_167 = tpu.memref_squeeze %dma_start3A_166 : memref<1x128x16xf32, #tpu.memory_space<hbm>> -> memref<128x16xf32, #tpu.memory_space<hbm>>
      %dma_start3A_168 = arith.constant 0 : i32
      %dma_start3A_169 = arith.constant 0 : i32
      %dma_start3A_170 = arith.constant 0 : i32
      %dma_start3A_171 = tpu.memref_slice %arg5[%arg1, %dma_start3A_168, %dma_start3A_169, %dma_start3A_170] : memref<16x80x128x16xf32, #tpu.memory_space<hbm>> -> memref<1x80x128x16xf32, #tpu.memory_space<hbm>>
      %dma_start3A_172 = tpu.memref_squeeze %dma_start3A_171 : memref<1x80x128x16xf32, #tpu.memory_space<hbm>> -> memref<80x128x16xf32, #tpu.memory_space<hbm>>
      %dma_start3A_173 = arith.constant 0 : i32
      %dma_start3A_174 = arith.constant 0 : i32
      %dma_start3A_175 = tpu.memref_slice %dma_start3A_172[%scan3A_159, %dma_start3A_173, %dma_start3A_174] : memref<80x128x16xf32, #tpu.memory_space<hbm>> -> memref<1x128x16xf32, #tpu.memory_space<hbm>>
      %dma_start3A_176 = tpu.memref_squeeze %dma_start3A_175 : memref<1x128x16xf32, #tpu.memory_space<hbm>> -> memref<128x16xf32, #tpu.memory_space<hbm>>
      tpu.enqueue_dma source(%dma_start3A_176 : memref<128x16xf32, #tpu.memory_space<hbm>>) target(%arg9 : memref<128x16xf32, #tpu.memory_space<vmem>>) target_semaphore(%arg14 : memref<!tpu.dma_semaphore, #tpu.memory_space<semaphore_mem>>)
      %dma_start3A_177 = arith.constant 0 : i32
      %dma_start3A_178 = arith.constant 0 : i32
      %dma_start3A_179 = arith.constant 0 : i32
      %dma_start3A_180 = tpu.memref_slice %arg11[%dma_start3A_177, %dma_start3A_178, %dma_start3A_179] : memref<2x128x64xf32, #tpu.memory_space<vmem>> -> memref<1x128x64xf32, #tpu.memory_space<vmem>>
      %dma_start3A_181 = tpu.memref_squeeze %dma_start3A_180 : memref<1x128x64xf32, #tpu.memory_space<vmem>> -> memref<128x64xf32, #tpu.memory_space<vmem>>
      %dma_start3A_182 = arith.constant 0 : i32
      %dma_start3A_183 = tpu.memref_slice %arg10[%scan3A_159, %dma_start3A_182] : memref<80x128xi32, #tpu.memory_space<vmem>> -> memref<1x128xi32, #tpu.memory_space<vmem>>
      %dma_start3A_184 = tpu.memref_squeeze %dma_start3A_183 : memref<1x128xi32, #tpu.memory_space<vmem>> -> memref<128xi32, #tpu.memory_space<vmem>>
      %dma_start3A_185 = arith.constant 0 : i32
      %dma_start3A_186 = arith.constant 0 : i32
      %dma_start3A_187 = tpu.memref_slice %arg2[%dma_start3A_185, %dma_start3A_186] : memref<80000x64xf32, #tpu.memory_space<hbm>> -> memref<80000x64xf32, #tpu.memory_space<hbm>>
      tpu.enqueue_indirect_dma source(%dma_start3A_187 : memref<80000x64xf32, #tpu.memory_space<hbm>>) target(%dma_start3A_181 : memref<128x64xf32, #tpu.memory_space<vmem>>) offsets(%dma_start3A_184 : memref<128xi32, #tpu.memory_space<vmem>>) semaphore(%arg13 : memref<!tpu.dma_semaphore, #tpu.memory_space<semaphore_mem>>)
      %dma_wait3A = arith.constant 0 : i32
      %dma_wait3A_188 = arith.constant 0 : i32
      %dma_wait3A_189 = arith.constant 0 : i32
      %dma_wait3A_190 = tpu.memref_slice %arg5[%arg1, %dma_wait3A, %dma_wait3A_188, %dma_wait3A_189] : memref<16x80x128x16xf32, #tpu.memory_space<hbm>> -> memref<1x80x128x16xf32, #tpu.memory_space<hbm>>
      %dma_wait3A_191 = tpu.memref_squeeze %dma_wait3A_190 : memref<1x80x128x16xf32, #tpu.memory_space<hbm>> -> memref<80x128x16xf32, #tpu.memory_space<hbm>>
      %dma_wait3A_192 = arith.constant 0 : i32
      %dma_wait3A_193 = arith.constant 0 : i32
      %dma_wait3A_194 = tpu.memref_slice %dma_wait3A_191[%scan3A_159, %dma_wait3A_192, %dma_wait3A_193] : memref<80x128x16xf32, #tpu.memory_space<hbm>> -> memref<1x128x16xf32, #tpu.memory_space<hbm>>
      %dma_wait3A_195 = tpu.memref_squeeze %dma_wait3A_194 : memref<1x128x16xf32, #tpu.memory_space<hbm>> -> memref<128x16xf32, #tpu.memory_space<hbm>>
      %dma_wait3A_196 = arith.constant 0 : i32
      %dma_wait3A_197 = arith.constant 0 : i32
      %dma_wait3A_198 = arith.constant 0 : i32
      %dma_wait3A_199 = tpu.memref_slice %arg5[%arg1, %dma_wait3A_196, %dma_wait3A_197, %dma_wait3A_198] : memref<16x80x128x16xf32, #tpu.memory_space<hbm>> -> memref<1x80x128x16xf32, #tpu.memory_space<hbm>>
      %dma_wait3A_200 = tpu.memref_squeeze %dma_wait3A_199 : memref<1x80x128x16xf32, #tpu.memory_space<hbm>> -> memref<80x128x16xf32, #tpu.memory_space<hbm>>
      %dma_wait3A_201 = arith.constant 0 : i32
      %dma_wait3A_202 = arith.constant 0 : i32
      %dma_wait3A_203 = tpu.memref_slice %dma_wait3A_200[%scan3A_159, %dma_wait3A_201, %dma_wait3A_202] : memref<80x128x16xf32, #tpu.memory_space<hbm>> -> memref<1x128x16xf32, #tpu.memory_space<hbm>>
      %dma_wait3A_204 = tpu.memref_squeeze %dma_wait3A_203 : memref<1x128x16xf32, #tpu.memory_space<hbm>> -> memref<128x16xf32, #tpu.memory_space<hbm>>
      tpu.wait_dma2 semaphore(%arg14 : memref<!tpu.dma_semaphore, #tpu.memory_space<semaphore_mem>>) src(%dma_wait3A_204 : memref<128x16xf32, #tpu.memory_space<hbm>>) dst(%arg9 : memref<128x16xf32, #tpu.memory_space<vmem>>)
      %dma_wait3A_205 = arith.constant 0 : i32
      %dma_wait3A_206 = arith.constant 0 : i32
      %dma_wait3A_207 = arith.constant 0 : i32
      %dma_wait3A_208 = tpu.memref_slice %arg11[%dma_wait3A_205, %dma_wait3A_206, %dma_wait3A_207] : memref<2x128x64xf32, #tpu.memory_space<vmem>> -> memref<1x128x64xf32, #tpu.memory_space<vmem>>
      %dma_wait3A_209 = tpu.memref_squeeze %dma_wait3A_208 : memref<1x128x64xf32, #tpu.memory_space<vmem>> -> memref<128x64xf32, #tpu.memory_space<vmem>>
      %dma_wait3A_210 = arith.constant 0 : i32
      %dma_wait3A_211 = tpu.memref_slice %arg10[%scan3A_159, %dma_wait3A_210] : memref<80x128xi32, #tpu.memory_space<vmem>> -> memref<1x128xi32, #tpu.memory_space<vmem>>
      %dma_wait3A_212 = tpu.memref_squeeze %dma_wait3A_211 : memref<1x128xi32, #tpu.memory_space<vmem>> -> memref<128xi32, #tpu.memory_space<vmem>>
      %dma_wait3A_213 = arith.constant 0 : i32
      %dma_wait3A_214 = arith.constant 0 : i32
      %dma_wait3A_215 = tpu.memref_slice %arg2[%dma_wait3A_213, %dma_wait3A_214] : memref<80000x64xf32, #tpu.memory_space<hbm>> -> memref<80000x64xf32, #tpu.memory_space<hbm>>
      tpu.wait_indirect_dma semaphore(%arg13 : memref<!tpu.dma_semaphore, #tpu.memory_space<semaphore_mem>>) src(%dma_wait3A_215 : memref<80000x64xf32, #tpu.memory_space<hbm>>) dst(%dma_wait3A_209 : memref<128x64xf32, #tpu.memory_space<vmem>>)
      %scan3A_216 = arith.constant 0 : i32
      %scan3A_217 = arith.constant 0 : i32
      %scan3A_218 = arith.constant 128 : i32
      %scan3A_219 = arith.addi %scan3A_217, %scan3A_218 : i32
      %scan3A_220 = arith.constant 1 : i32
      scf.for %scan3A_223 = %scan3A_217 to %scan3A_219 step %scan3A_220  : i32 {
        %get3A = arith.index_cast %scan3A_223 : i32 to index
        %get3A_224 = arith.constant 0 : index
        %get3A_225 = tpu.vector_load %arg9[%get3A, %get3A_224] {strides = array<i32>} : memref<128x16xf32, #tpu.memory_space<vmem>>, vector<1x16xf32>,
        %get3A_226 = vector.shape_cast %get3A_225 : vector<1x16xf32> to vector<16xf32>
        %get3A_227 = arith.constant 0 : i32
        %get3A_228 = arith.index_cast %get3A_227 : i32 to index
        %get3A_229 = arith.index_cast %scan3A_223 : i32 to index
        %get3A_230 = arith.constant 0 : index
        %get3A_231 = tpu.vector_load %arg11[%get3A_228, %get3A_229, %get3A_230] {strides = array<i32>} : memref<2x128x64xf32, #tpu.memory_space<vmem>>, vector<1x1x16xf32>,
        %get3A_232 = vector.shape_cast %get3A_231 : vector<1x1x16xf32> to vector<16xf32>
        %mul3A_233 = arith.mulf %get3A_232, %get3A_226 : vector<16xf32>
        %swap3A = arith.constant 0 : i32
        %swap3A_234 = arith.index_cast %swap3A : i32 to index
        %swap3A_235 = arith.index_cast %scan3A_223 : i32 to index
        %swap3A_236 = arith.constant 0 : index
        %swap3A_237 = tpu.vector_load %arg11[%swap3A_234, %swap3A_235, %swap3A_236] {strides = array<i32>} : memref<2x128x64xf32, #tpu.memory_space<vmem>>, vector<1x1x16xf32>,
        %swap3A_238 = vector.shape_cast %swap3A_237 : vector<1x1x16xf32> to vector<16xf32>
        %swap3A_239 = vector.shape_cast %mul3A_233 : vector<16xf32> to vector<1x1x16xf32>
        tpu.vector_store %arg11[%swap3A_234, %swap3A_235, %swap3A_236], %swap3A_239 {strides = array<i32>} : memref<2x128x64xf32, #tpu.memory_space<vmem>>, vector<1x1x16xf32>,
        %get3A_240 = arith.constant 0 : i32
        %get3A_241 = arith.index_cast %get3A_240 : i32 to index
        %get3A_242 = arith.index_cast %scan3A_223 : i32 to index
        %get3A_243 = arith.constant 16 : index
        %get3A_244 = tpu.vector_load %arg11[%get3A_241, %get3A_242, %get3A_243] {strides = array<i32>} : memref<2x128x64xf32, #tpu.memory_space<vmem>>, vector<1x1x16xf32>,
        %get3A_245 = vector.shape_cast %get3A_244 : vector<1x1x16xf32> to vector<16xf32>
        %mul3A_246 = arith.mulf %get3A_245, %get3A_226 : vector<16xf32>
        %swap3A_247 = arith.constant 0 : i32
        %swap3A_248 = arith.index_cast %swap3A_247 : i32 to index
        %swap3A_249 = arith.index_cast %scan3A_223 : i32 to index
        %swap3A_250 = arith.constant 16 : index
        %swap3A_251 = tpu.vector_load %arg11[%swap3A_248, %swap3A_249, %swap3A_250] {strides = array<i32>} : memref<2x128x64xf32, #tpu.memory_space<vmem>>, vector<1x1x16xf32>,
        %swap3A_252 = vector.shape_cast %swap3A_251 : vector<1x1x16xf32> to vector<16xf32>
        %swap3A_253 = vector.shape_cast %mul3A_246 : vector<16xf32> to vector<1x1x16xf32>
        tpu.vector_store %arg11[%swap3A_248, %swap3A_249, %swap3A_250], %swap3A_253 {strides = array<i32>} : memref<2x128x64xf32, #tpu.memory_space<vmem>>, vector<1x1x16xf32>,
        %get3A_254 = arith.constant 0 : i32
        %get3A_255 = arith.index_cast %get3A_254 : i32 to index
        %get3A_256 = arith.index_cast %scan3A_223 : i32 to index
        %get3A_257 = arith.constant 32 : index
        %get3A_258 = tpu.vector_load %arg11[%get3A_255, %get3A_256, %get3A_257] {strides = array<i32>} : memref<2x128x64xf32, #tpu.memory_space<vmem>>, vector<1x1x16xf32>,
        %get3A_259 = vector.shape_cast %get3A_258 : vector<1x1x16xf32> to vector<16xf32>
        %mul3A_260 = arith.mulf %get3A_259, %get3A_226 : vector<16xf32>
        %swap3A_261 = arith.constant 0 : i32
        %swap3A_262 = arith.index_cast %swap3A_261 : i32 to index
        %swap3A_263 = arith.index_cast %scan3A_223 : i32 to index
        %swap3A_264 = arith.constant 32 : index
        %swap3A_265 = tpu.vector_load %arg11[%swap3A_262, %swap3A_263, %swap3A_264] {strides = array<i32>} : memref<2x128x64xf32, #tpu.memory_space<vmem>>, vector<1x1x16xf32>,
        %swap3A_266 = vector.shape_cast %swap3A_265 : vector<1x1x16xf32> to vector<16xf32>
        %swap3A_267 = vector.shape_cast %mul3A_260 : vector<16xf32> to vector<1x1x16xf32>
        tpu.vector_store %arg11[%swap3A_262, %swap3A_263, %swap3A_264], %swap3A_267 {strides = array<i32>} : memref<2x128x64xf32, #tpu.memory_space<vmem>>, vector<1x1x16xf32>,
        %get3A_268 = arith.constant 0 : i32
        %get3A_269 = arith.index_cast %get3A_268 : i32 to index
        %get3A_270 = arith.index_cast %scan3A_223 : i32 to index
        %get3A_271 = arith.constant 48 : index
        %get3A_272 = tpu.vector_load %arg11[%get3A_269, %get3A_270, %get3A_271] {strides = array<i32>} : memref<2x128x64xf32, #tpu.memory_space<vmem>>, vector<1x1x16xf32>,
        %get3A_273 = vector.shape_cast %get3A_272 : vector<1x1x16xf32> to vector<16xf32>
        %mul3A_274 = arith.mulf %get3A_273, %get3A_226 : vector<16xf32>
        %swap3A_275 = arith.constant 0 : i32
        %swap3A_276 = arith.index_cast %swap3A_275 : i32 to index
        %swap3A_277 = arith.index_cast %scan3A_223 : i32 to index
        %swap3A_278 = arith.constant 48 : index
        %swap3A_279 = tpu.vector_load %arg11[%swap3A_276, %swap3A_277, %swap3A_278] {strides = array<i32>} : memref<2x128x64xf32, #tpu.memory_space<vmem>>, vector<1x1x16xf32>,
        %swap3A_280 = vector.shape_cast %swap3A_279 : vector<1x1x16xf32> to vector<16xf32>
        %swap3A_281 = vector.shape_cast %mul3A_274 : vector<16xf32> to vector<1x1x16xf32>
        tpu.vector_store %arg11[%swap3A_276, %swap3A_277, %swap3A_278], %swap3A_281 {strides = array<i32>} : memref<2x128x64xf32, #tpu.memory_space<vmem>>, vector<1x1x16xf32>,
      }
      %scan3A_221 = arith.constant 128 : i32
      %run_scoped3A_222 = arith.constant 0 : i32
      "tpu.region"() ({
        %run_scoped3A_223 = tpu.sem_alloc : memref<!tpu.dma_semaphore, #tpu.memory_space<semaphore_mem>>
        %dma_start3A_224 = arith.constant 0 : i32
        %dma_start3A_225 = arith.constant 0 : i32
        %dma_start3A_226 = tpu.memref_slice %arg11[%run_scoped3A_222, %dma_start3A_224, %dma_start3A_225] : memref<2x128x64xf32, #tpu.memory_space<vmem>> -> memref<1x128x64xf32, #tpu.memory_space<vmem>>
        %dma_start3A_227 = tpu.memref_squeeze %dma_start3A_226 : memref<1x128x64xf32, #tpu.memory_space<vmem>> -> memref<128x64xf32, #tpu.memory_space<vmem>>
        %dma_start3A_228 = arith.constant 0 : i32
        %dma_start3A_229 = tpu.memref_slice %arg8[%scan3A_159, %dma_start3A_228] : memref<80x128xi32, #tpu.memory_space<vmem>> -> memref<1x128xi32, #tpu.memory_space<vmem>>
        %dma_start3A_230 = tpu.memref_squeeze %dma_start3A_229 : memref<1x128xi32, #tpu.memory_space<vmem>> -> memref<128xi32, #tpu.memory_space<vmem>>
        %dma_start3A_231 = arith.constant 0 : i32
        %dma_start3A_232 = arith.constant 0 : i32
        %dma_start3A_233 = tpu.memref_slice %arg12[%dma_start3A_231, %dma_start3A_232] : memref<10240x64xf32, #tpu.memory_space<vmem_shared>> -> memref<10240x64xf32, #tpu.memory_space<vmem_shared>>
        tpu.enqueue_indirect_dma source(%dma_start3A_227 : memref<128x64xf32, #tpu.memory_space<vmem>>) target(%dma_start3A_233 : memref<10240x64xf32, #tpu.memory_space<vmem_shared>>) offsets(%dma_start3A_230 : memref<128xi32, #tpu.memory_space<vmem>>) semaphore(%run_scoped3A_223 : memref<!tpu.dma_semaphore, #tpu.memory_space<semaphore_mem>>) {add = true}
        %dma_wait3A_234 = arith.constant 0 : i32
        %dma_wait3A_235 = arith.constant 0 : i32
        %dma_wait3A_236 = tpu.memref_slice %arg11[%run_scoped3A_222, %dma_wait3A_234, %dma_wait3A_235] : memref<2x128x64xf32, #tpu.memory_space<vmem>> -> memref<1x128x64xf32, #tpu.memory_space<vmem>>
        %dma_wait3A_237 = tpu.memref_squeeze %dma_wait3A_236 : memref<1x128x64xf32, #tpu.memory_space<vmem>> -> memref<128x64xf32, #tpu.memory_space<vmem>>
        %dma_wait3A_238 = arith.constant 0 : i32
        %dma_wait3A_239 = tpu.memref_slice %arg8[%scan3A_159, %dma_wait3A_238] : memref<80x128xi32, #tpu.memory_space<vmem>> -> memref<1x128xi32, #tpu.memory_space<vmem>>
        %dma_wait3A_240 = tpu.memref_squeeze %dma_wait3A_239 : memref<1x128xi32, #tpu.memory_space<vmem>> -> memref<128xi32, #tpu.memory_space<vmem>>
        %dma_wait3A_241 = arith.constant 0 : i32
        %dma_wait3A_242 = arith.constant 0 : i32
        %dma_wait3A_243 = tpu.memref_slice %arg12[%dma_wait3A_241, %dma_wait3A_242] : memref<10240x64xf32, #tpu.memory_space<vmem_shared>> -> memref<10240x64xf32, #tpu.memory_space<vmem_shared>>
        tpu.wait_indirect_dma semaphore(%run_scoped3A_223 : memref<!tpu.dma_semaphore, #tpu.memory_space<semaphore_mem>>) src(%dma_wait3A_237 : memref<128x64xf32, #tpu.memory_space<vmem>>) dst(%dma_wait3A_243 : memref<10240x64xf32, #tpu.memory_space<vmem_shared>>)
        tpu.yield
      }) : () -> ()
    }
    %scan3A_157 = arith.constant 80 : i32
    %barrier3A_158 = arith.constant 0 : index
    tpu.barrier barrier_id(%barrier3A_158)
    "tpu.region"() ({
      %run_scoped3A_159 = tpu.sem_alloc : memref<!tpu.dma_semaphore, #tpu.memory_space<semaphore_mem>>
      %dma_start3A = arith.constant 0 : i32
      %dma_start3A_160 = arith.constant 0 : i32
      %dma_start3A_161 = tpu.memref_slice %arg6[%add3A_119, %dma_start3A, %dma_start3A_160] : memref<8x10240x64xf32, #tpu.memory_space<hbm>> -> memref<1x10240x64xf32, #tpu.memory_space<hbm>>
      %dma_start3A_162 = tpu.memref_squeeze %dma_start3A_161 : memref<1x10240x64xf32, #tpu.memory_space<hbm>> -> memref<10240x64xf32, #tpu.memory_space<hbm>>
      %dma_start3A_163 = arith.constant 0 : i32
      %dma_start3A_164 = tpu.memref_slice %dma_start3A_162[%mul3A_135, %dma_start3A_163] : memref<10240x64xf32, #tpu.memory_space<hbm>> -> memref<640x64xf32, #tpu.memory_space<hbm>>
      %dma_start3A_165 = arith.constant 0 : i32
      %dma_start3A_166 = tpu.memref_slice %arg12[%mul3A_135, %dma_start3A_165] : memref<10240x64xf32, #tpu.memory_space<vmem_shared>> -> memref<640x64xf32, #tpu.memory_space<vmem_shared>>
      tpu.enqueue_dma source(%dma_start3A_166 : memref<640x64xf32, #tpu.memory_space<vmem_shared>>) target(%dma_start3A_164 : memref<640x64xf32, #tpu.memory_space<hbm>>) target_semaphore(%run_scoped3A_159 : memref<!tpu.dma_semaphore, #tpu.memory_space<semaphore_mem>>)
      %dma_wait3A = arith.constant 0 : i32
      %dma_wait3A_167 = arith.constant 0 : i32
      %dma_wait3A_168 = tpu.memref_slice %arg6[%add3A_119, %dma_wait3A, %dma_wait3A_167] : memref<8x10240x64xf32, #tpu.memory_space<hbm>> -> memref<1x10240x64xf32, #tpu.memory_space<hbm>>
      %dma_wait3A_169 = tpu.memref_squeeze %dma_wait3A_168 : memref<1x10240x64xf32, #tpu.memory_space<hbm>> -> memref<10240x64xf32, #tpu.memory_space<hbm>>
      %dma_wait3A_170 = arith.constant 0 : i32
      %dma_wait3A_171 = tpu.memref_slice %dma_wait3A_169[%mul3A_135, %dma_wait3A_170] : memref<10240x64xf32, #tpu.memory_space<hbm>> -> memref<640x64xf32, #tpu.memory_space<hbm>>
      %dma_wait3A_172 = arith.constant 0 : i32
      %dma_wait3A_173 = tpu.memref_slice %arg12[%mul3A_135, %dma_wait3A_172] : memref<10240x64xf32, #tpu.memory_space<vmem_shared>> -> memref<640x64xf32, #tpu.memory_space<vmem_shared>>
      tpu.wait_dma2 semaphore(%run_scoped3A_159 : memref<!tpu.dma_semaphore, #tpu.memory_space<semaphore_mem>>) src(%dma_wait3A_173 : memref<640x64xf32, #tpu.memory_space<vmem_shared>>) dst(%dma_wait3A_171 : memref<640x64xf32, #tpu.memory_space<hbm>>)
      tpu.yield
    }) : () -> ()
    return
  }
}

#map = affine_map<(d0, d1) -> (0, 0, 0)>
#map1 = affine_map<(d0, d1) -> (0, 0)>
module attributes {stable_mosaic.version = 14 : i64} {
  func.func @_sc_gather(%arg0: i32, %arg1: i32, %arg2: memref<32x3x128xi32, #tpu.memory_space<hbm>>, %arg3: memref<50000x256xf32, #tpu.memory_space<hbm>>, %arg4: memref<50000x128xf32, #tpu.memory_space<hbm>>, %arg5: memref<12288x256xf32, #tpu.memory_space<hbm>>, %arg6: memref<12288x128xf32, #tpu.memory_space<hbm>>, %arg7: memref<3x128xi32, #tpu.memory_space<vmem>>, %arg8: memref<128x256xf32, #tpu.memory_space<vmem>>, %arg9: memref<128x128xf32, #tpu.memory_space<vmem>>, %arg10: memref<!tpu.dma_semaphore, #tpu.memory_space<semaphore_mem>>, %arg11: memref<!tpu.dma_semaphore, #tpu.memory_space<semaphore_mem>>) attributes {dimension_semantics = [#tpu.dimension_semantics<core_parallel>, #tpu.dimension_semantics<subcore_parallel>], iteration_bounds = array<i64: 2, 16>, scalar_prefetch = 0 : i64, scratch_operands = 5 : i64, tpu.core_type = #tpu.core_type<sc_vector_subcore>, window_params = [{transform_indices = #map}, {transform_indices = #map1}, {transform_indices = #map1}, {transform_indices = #map1}, {transform_indices = #map1}]} {
    %mul3A = arith.constant 2 : i32
    %mul3A_0 = arith.muli %arg1, %mul3A : i32
    %add3A = arith.addi %mul3A_0, %arg0 : i32
    "tpu.region"() ({
      %run_scoped3A = tpu.sem_alloc : memref<!tpu.dma_semaphore, #tpu.memory_space<semaphore_mem>>
      %dma_start3A_97 = arith.constant 0 : i32
      %dma_start3A_98 = arith.constant 0 : i32
      %dma_start3A_99 = tpu.memref_slice %arg2[%add3A, %dma_start3A_97, %dma_start3A_98] : memref<32x3x128xi32, #tpu.memory_space<hbm>> -> memref<1x3x128xi32, #tpu.memory_space<hbm>>
      %dma_start3A_100 = tpu.memref_squeeze %dma_start3A_99 : memref<1x3x128xi32, #tpu.memory_space<hbm>> -> memref<3x128xi32, #tpu.memory_space<hbm>>
      %dma_start3A_101 = arith.constant 0 : i32
      %dma_start3A_102 = arith.constant 0 : i32
      %dma_start3A_103 = tpu.memref_slice %arg2[%add3A, %dma_start3A_101, %dma_start3A_102] : memref<32x3x128xi32, #tpu.memory_space<hbm>> -> memref<1x3x128xi32, #tpu.memory_space<hbm>>
      %dma_start3A_104 = tpu.memref_squeeze %dma_start3A_103 : memref<1x3x128xi32, #tpu.memory_space<hbm>> -> memref<3x128xi32, #tpu.memory_space<hbm>>
      tpu.enqueue_dma source(%dma_start3A_104 : memref<3x128xi32, #tpu.memory_space<hbm>>) target(%arg7 : memref<3x128xi32, #tpu.memory_space<vmem>>) target_semaphore(%run_scoped3A : memref<!tpu.dma_semaphore, #tpu.memory_space<semaphore_mem>>)
      %dma_wait3A_105 = arith.constant 0 : i32
      %dma_wait3A_106 = arith.constant 0 : i32
      %dma_wait3A_107 = tpu.memref_slice %arg2[%add3A, %dma_wait3A_105, %dma_wait3A_106] : memref<32x3x128xi32, #tpu.memory_space<hbm>> -> memref<1x3x128xi32, #tpu.memory_space<hbm>>
      %dma_wait3A_108 = tpu.memref_squeeze %dma_wait3A_107 : memref<1x3x128xi32, #tpu.memory_space<hbm>> -> memref<3x128xi32, #tpu.memory_space<hbm>>
      %dma_wait3A_109 = arith.constant 0 : i32
      %dma_wait3A_110 = arith.constant 0 : i32
      %dma_wait3A_111 = tpu.memref_slice %arg2[%add3A, %dma_wait3A_109, %dma_wait3A_110] : memref<32x3x128xi32, #tpu.memory_space<hbm>> -> memref<1x3x128xi32, #tpu.memory_space<hbm>>
      %dma_wait3A_112 = tpu.memref_squeeze %dma_wait3A_111 : memref<1x3x128xi32, #tpu.memory_space<hbm>> -> memref<3x128xi32, #tpu.memory_space<hbm>>
      tpu.wait_dma2 semaphore(%run_scoped3A : memref<!tpu.dma_semaphore, #tpu.memory_space<semaphore_mem>>) src(%dma_wait3A_112 : memref<3x128xi32, #tpu.memory_space<hbm>>) dst(%arg7 : memref<3x128xi32, #tpu.memory_space<vmem>>)
      tpu.yield
    }) : () -> ()
    %mul3A_1 = arith.constant 384 : i32
    %mul3A_2 = arith.muli %add3A, %mul3A_1 : i32
    %dma_start3A = arith.constant 0 : i32
    %dma_start3A_3 = arith.constant 0 : i32
    %dma_start3A_4 = tpu.memref_slice %arg7[%dma_start3A, %dma_start3A_3] : memref<3x128xi32, #tpu.memory_space<vmem>> -> memref<1x128xi32, #tpu.memory_space<vmem>>
    %dma_start3A_5 = tpu.memref_squeeze %dma_start3A_4 : memref<1x128xi32, #tpu.memory_space<vmem>> -> memref<128xi32, #tpu.memory_space<vmem>>
    %dma_start3A_6 = arith.constant 0 : i32
    %dma_start3A_7 = arith.constant 0 : i32
    %dma_start3A_8 = tpu.memref_slice %arg3[%dma_start3A_6, %dma_start3A_7] : memref<50000x256xf32, #tpu.memory_space<hbm>> -> memref<50000x256xf32, #tpu.memory_space<hbm>>
    tpu.enqueue_indirect_dma source(%dma_start3A_8 : memref<50000x256xf32, #tpu.memory_space<hbm>>) target(%arg8 : memref<128x256xf32, #tpu.memory_space<vmem>>) offsets(%dma_start3A_5 : memref<128xi32, #tpu.memory_space<vmem>>) semaphore(%arg10 : memref<!tpu.dma_semaphore, #tpu.memory_space<semaphore_mem>>)
    %dma_wait3A = arith.constant 0 : i32
    %dma_wait3A_9 = arith.constant 0 : i32
    %dma_wait3A_10 = tpu.memref_slice %arg7[%dma_wait3A, %dma_wait3A_9] : memref<3x128xi32, #tpu.memory_space<vmem>> -> memref<1x128xi32, #tpu.memory_space<vmem>>
    %dma_wait3A_11 = tpu.memref_squeeze %dma_wait3A_10 : memref<1x128xi32, #tpu.memory_space<vmem>> -> memref<128xi32, #tpu.memory_space<vmem>>
    %dma_wait3A_12 = arith.constant 0 : i32
    %dma_wait3A_13 = arith.constant 0 : i32
    %dma_wait3A_14 = tpu.memref_slice %arg3[%dma_wait3A_12, %dma_wait3A_13] : memref<50000x256xf32, #tpu.memory_space<hbm>> -> memref<50000x256xf32, #tpu.memory_space<hbm>>
    tpu.wait_indirect_dma semaphore(%arg10 : memref<!tpu.dma_semaphore, #tpu.memory_space<semaphore_mem>>) src(%dma_wait3A_14 : memref<50000x256xf32, #tpu.memory_space<hbm>>) dst(%arg8 : memref<128x256xf32, #tpu.memory_space<vmem>>)
    %add3A_15 = arith.constant 0 : i32
    %add3A_16 = arith.addi %mul3A_2, %add3A_15 : i32
    "tpu.region"() ({
      %run_scoped3A = tpu.sem_alloc : memref<!tpu.dma_semaphore, #tpu.memory_space<semaphore_mem>>
      %dma_start3A_97 = arith.constant 0 : i32
      %dma_start3A_98 = tpu.memref_slice %arg5[%add3A_16, %dma_start3A_97] : memref<12288x256xf32, #tpu.memory_space<hbm>> -> memref<128x256xf32, #tpu.memory_space<hbm>>
      %dma_start3A_99 = arith.constant 0 : i32
      %dma_start3A_100 = tpu.memref_slice %arg5[%add3A_16, %dma_start3A_99] : memref<12288x256xf32, #tpu.memory_space<hbm>> -> memref<128x256xf32, #tpu.memory_space<hbm>>
      tpu.enqueue_dma source(%arg8 : memref<128x256xf32, #tpu.memory_space<vmem>>) target(%dma_start3A_100 : memref<128x256xf32, #tpu.memory_space<hbm>>) target_semaphore(%run_scoped3A : memref<!tpu.dma_semaphore, #tpu.memory_space<semaphore_mem>>)
      %dma_wait3A_101 = arith.constant 0 : i32
      %dma_wait3A_102 = tpu.memref_slice %arg5[%add3A_16, %dma_wait3A_101] : memref<12288x256xf32, #tpu.memory_space<hbm>> -> memref<128x256xf32, #tpu.memory_space<hbm>>
      %dma_wait3A_103 = arith.constant 0 : i32
      %dma_wait3A_104 = tpu.memref_slice %arg5[%add3A_16, %dma_wait3A_103] : memref<12288x256xf32, #tpu.memory_space<hbm>> -> memref<128x256xf32, #tpu.memory_space<hbm>>
      tpu.wait_dma2 semaphore(%run_scoped3A : memref<!tpu.dma_semaphore, #tpu.memory_space<semaphore_mem>>) src(%arg8 : memref<128x256xf32, #tpu.memory_space<vmem>>) dst(%dma_wait3A_104 : memref<128x256xf32, #tpu.memory_space<hbm>>)
      tpu.yield
    }) : () -> ()
    %dma_start3A_17 = arith.constant 0 : i32
    %dma_start3A_18 = arith.constant 0 : i32
    %dma_start3A_19 = tpu.memref_slice %arg7[%dma_start3A_17, %dma_start3A_18] : memref<3x128xi32, #tpu.memory_space<vmem>> -> memref<1x128xi32, #tpu.memory_space<vmem>>
    %dma_start3A_20 = tpu.memref_squeeze %dma_start3A_19 : memref<1x128xi32, #tpu.memory_space<vmem>> -> memref<128xi32, #tpu.memory_space<vmem>>
    %dma_start3A_21 = arith.constant 0 : i32
    %dma_start3A_22 = arith.constant 0 : i32
    %dma_start3A_23 = tpu.memref_slice %arg4[%dma_start3A_21, %dma_start3A_22] : memref<50000x128xf32, #tpu.memory_space<hbm>> -> memref<50000x128xf32, #tpu.memory_space<hbm>>
    tpu.enqueue_indirect_dma source(%dma_start3A_23 : memref<50000x128xf32, #tpu.memory_space<hbm>>) target(%arg9 : memref<128x128xf32, #tpu.memory_space<vmem>>) offsets(%dma_start3A_20 : memref<128xi32, #tpu.memory_space<vmem>>) semaphore(%arg11 : memref<!tpu.dma_semaphore, #tpu.memory_space<semaphore_mem>>)
    %dma_wait3A_24 = arith.constant 0 : i32
    %dma_wait3A_25 = arith.constant 0 : i32
    %dma_wait3A_26 = tpu.memref_slice %arg7[%dma_wait3A_24, %dma_wait3A_25] : memref<3x128xi32, #tpu.memory_space<vmem>> -> memref<1x128xi32, #tpu.memory_space<vmem>>
    %dma_wait3A_27 = tpu.memref_squeeze %dma_wait3A_26 : memref<1x128xi32, #tpu.memory_space<vmem>> -> memref<128xi32, #tpu.memory_space<vmem>>
    %dma_wait3A_28 = arith.constant 0 : i32
    %dma_wait3A_29 = arith.constant 0 : i32
    %dma_wait3A_30 = tpu.memref_slice %arg4[%dma_wait3A_28, %dma_wait3A_29] : memref<50000x128xf32, #tpu.memory_space<hbm>> -> memref<50000x128xf32, #tpu.memory_space<hbm>>
    tpu.wait_indirect_dma semaphore(%arg11 : memref<!tpu.dma_semaphore, #tpu.memory_space<semaphore_mem>>) src(%dma_wait3A_30 : memref<50000x128xf32, #tpu.memory_space<hbm>>) dst(%arg9 : memref<128x128xf32, #tpu.memory_space<vmem>>)
    %add3A_31 = arith.constant 0 : i32
    %add3A_32 = arith.addi %mul3A_2, %add3A_31 : i32
    "tpu.region"() ({
      %run_scoped3A = tpu.sem_alloc : memref<!tpu.dma_semaphore, #tpu.memory_space<semaphore_mem>>
      %dma_start3A_97 = arith.constant 0 : i32
      %dma_start3A_98 = tpu.memref_slice %arg6[%add3A_32, %dma_start3A_97] : memref<12288x128xf32, #tpu.memory_space<hbm>> -> memref<128x128xf32, #tpu.memory_space<hbm>>
      %dma_start3A_99 = arith.constant 0 : i32
      %dma_start3A_100 = tpu.memref_slice %arg6[%add3A_32, %dma_start3A_99] : memref<12288x128xf32, #tpu.memory_space<hbm>> -> memref<128x128xf32, #tpu.memory_space<hbm>>
      tpu.enqueue_dma source(%arg9 : memref<128x128xf32, #tpu.memory_space<vmem>>) target(%dma_start3A_100 : memref<128x128xf32, #tpu.memory_space<hbm>>) target_semaphore(%run_scoped3A : memref<!tpu.dma_semaphore, #tpu.memory_space<semaphore_mem>>)
      %dma_wait3A_101 = arith.constant 0 : i32
      %dma_wait3A_102 = tpu.memref_slice %arg6[%add3A_32, %dma_wait3A_101] : memref<12288x128xf32, #tpu.memory_space<hbm>> -> memref<128x128xf32, #tpu.memory_space<hbm>>
      %dma_wait3A_103 = arith.constant 0 : i32
      %dma_wait3A_104 = tpu.memref_slice %arg6[%add3A_32, %dma_wait3A_103] : memref<12288x128xf32, #tpu.memory_space<hbm>> -> memref<128x128xf32, #tpu.memory_space<hbm>>
      tpu.wait_dma2 semaphore(%run_scoped3A : memref<!tpu.dma_semaphore, #tpu.memory_space<semaphore_mem>>) src(%arg9 : memref<128x128xf32, #tpu.memory_space<vmem>>) dst(%dma_wait3A_104 : memref<128x128xf32, #tpu.memory_space<hbm>>)
      tpu.yield
    }) : () -> ()
    %dma_start3A_33 = arith.constant 1 : i32
    %dma_start3A_34 = arith.constant 0 : i32
    %dma_start3A_35 = tpu.memref_slice %arg7[%dma_start3A_33, %dma_start3A_34] : memref<3x128xi32, #tpu.memory_space<vmem>> -> memref<1x128xi32, #tpu.memory_space<vmem>>
    %dma_start3A_36 = tpu.memref_squeeze %dma_start3A_35 : memref<1x128xi32, #tpu.memory_space<vmem>> -> memref<128xi32, #tpu.memory_space<vmem>>
    %dma_start3A_37 = arith.constant 0 : i32
    %dma_start3A_38 = arith.constant 0 : i32
    %dma_start3A_39 = tpu.memref_slice %arg3[%dma_start3A_37, %dma_start3A_38] : memref<50000x256xf32, #tpu.memory_space<hbm>> -> memref<50000x256xf32, #tpu.memory_space<hbm>>
    tpu.enqueue_indirect_dma source(%dma_start3A_39 : memref<50000x256xf32, #tpu.memory_space<hbm>>) target(%arg8 : memref<128x256xf32, #tpu.memory_space<vmem>>) offsets(%dma_start3A_36 : memref<128xi32, #tpu.memory_space<vmem>>) semaphore(%arg10 : memref<!tpu.dma_semaphore, #tpu.memory_space<semaphore_mem>>)
    %dma_wait3A_40 = arith.constant 1 : i32
    %dma_wait3A_41 = arith.constant 0 : i32
    %dma_wait3A_42 = tpu.memref_slice %arg7[%dma_wait3A_40, %dma_wait3A_41] : memref<3x128xi32, #tpu.memory_space<vmem>> -> memref<1x128xi32, #tpu.memory_space<vmem>>
    %dma_wait3A_43 = tpu.memref_squeeze %dma_wait3A_42 : memref<1x128xi32, #tpu.memory_space<vmem>> -> memref<128xi32, #tpu.memory_space<vmem>>
    %dma_wait3A_44 = arith.constant 0 : i32
    %dma_wait3A_45 = arith.constant 0 : i32
    %dma_wait3A_46 = tpu.memref_slice %arg3[%dma_wait3A_44, %dma_wait3A_45] : memref<50000x256xf32, #tpu.memory_space<hbm>> -> memref<50000x256xf32, #tpu.memory_space<hbm>>
    tpu.wait_indirect_dma semaphore(%arg10 : memref<!tpu.dma_semaphore, #tpu.memory_space<semaphore_mem>>) src(%dma_wait3A_46 : memref<50000x256xf32, #tpu.memory_space<hbm>>) dst(%arg8 : memref<128x256xf32, #tpu.memory_space<vmem>>)
    %add3A_47 = arith.constant 128 : i32
    %add3A_48 = arith.addi %mul3A_2, %add3A_47 : i32
    "tpu.region"() ({
      %run_scoped3A = tpu.sem_alloc : memref<!tpu.dma_semaphore, #tpu.memory_space<semaphore_mem>>
      %dma_start3A_97 = arith.constant 0 : i32
      %dma_start3A_98 = tpu.memref_slice %arg5[%add3A_48, %dma_start3A_97] : memref<12288x256xf32, #tpu.memory_space<hbm>> -> memref<128x256xf32, #tpu.memory_space<hbm>>
      %dma_start3A_99 = arith.constant 0 : i32
      %dma_start3A_100 = tpu.memref_slice %arg5[%add3A_48, %dma_start3A_99] : memref<12288x256xf32, #tpu.memory_space<hbm>> -> memref<128x256xf32, #tpu.memory_space<hbm>>
      tpu.enqueue_dma source(%arg8 : memref<128x256xf32, #tpu.memory_space<vmem>>) target(%dma_start3A_100 : memref<128x256xf32, #tpu.memory_space<hbm>>) target_semaphore(%run_scoped3A : memref<!tpu.dma_semaphore, #tpu.memory_space<semaphore_mem>>)
      %dma_wait3A_101 = arith.constant 0 : i32
      %dma_wait3A_102 = tpu.memref_slice %arg5[%add3A_48, %dma_wait3A_101] : memref<12288x256xf32, #tpu.memory_space<hbm>> -> memref<128x256xf32, #tpu.memory_space<hbm>>
      %dma_wait3A_103 = arith.constant 0 : i32
      %dma_wait3A_104 = tpu.memref_slice %arg5[%add3A_48, %dma_wait3A_103] : memref<12288x256xf32, #tpu.memory_space<hbm>> -> memref<128x256xf32, #tpu.memory_space<hbm>>
      tpu.wait_dma2 semaphore(%run_scoped3A : memref<!tpu.dma_semaphore, #tpu.memory_space<semaphore_mem>>) src(%arg8 : memref<128x256xf32, #tpu.memory_space<vmem>>) dst(%dma_wait3A_104 : memref<128x256xf32, #tpu.memory_space<hbm>>)
      tpu.yield
    }) : () -> ()
    %dma_start3A_49 = arith.constant 1 : i32
    %dma_start3A_50 = arith.constant 0 : i32
    %dma_start3A_51 = tpu.memref_slice %arg7[%dma_start3A_49, %dma_start3A_50] : memref<3x128xi32, #tpu.memory_space<vmem>> -> memref<1x128xi32, #tpu.memory_space<vmem>>
    %dma_start3A_52 = tpu.memref_squeeze %dma_start3A_51 : memref<1x128xi32, #tpu.memory_space<vmem>> -> memref<128xi32, #tpu.memory_space<vmem>>
    %dma_start3A_53 = arith.constant 0 : i32
    %dma_start3A_54 = arith.constant 0 : i32
    %dma_start3A_55 = tpu.memref_slice %arg4[%dma_start3A_53, %dma_start3A_54] : memref<50000x128xf32, #tpu.memory_space<hbm>> -> memref<50000x128xf32, #tpu.memory_space<hbm>>
    tpu.enqueue_indirect_dma source(%dma_start3A_55 : memref<50000x128xf32, #tpu.memory_space<hbm>>) target(%arg9 : memref<128x128xf32, #tpu.memory_space<vmem>>) offsets(%dma_start3A_52 : memref<128xi32, #tpu.memory_space<vmem>>) semaphore(%arg11 : memref<!tpu.dma_semaphore, #tpu.memory_space<semaphore_mem>>)
    %dma_wait3A_56 = arith.constant 1 : i32
    %dma_wait3A_57 = arith.constant 0 : i32
    %dma_wait3A_58 = tpu.memref_slice %arg7[%dma_wait3A_56, %dma_wait3A_57] : memref<3x128xi32, #tpu.memory_space<vmem>> -> memref<1x128xi32, #tpu.memory_space<vmem>>
    %dma_wait3A_59 = tpu.memref_squeeze %dma_wait3A_58 : memref<1x128xi32, #tpu.memory_space<vmem>> -> memref<128xi32, #tpu.memory_space<vmem>>
    %dma_wait3A_60 = arith.constant 0 : i32
    %dma_wait3A_61 = arith.constant 0 : i32
    %dma_wait3A_62 = tpu.memref_slice %arg4[%dma_wait3A_60, %dma_wait3A_61] : memref<50000x128xf32, #tpu.memory_space<hbm>> -> memref<50000x128xf32, #tpu.memory_space<hbm>>
    tpu.wait_indirect_dma semaphore(%arg11 : memref<!tpu.dma_semaphore, #tpu.memory_space<semaphore_mem>>) src(%dma_wait3A_62 : memref<50000x128xf32, #tpu.memory_space<hbm>>) dst(%arg9 : memref<128x128xf32, #tpu.memory_space<vmem>>)
    %add3A_63 = arith.constant 128 : i32
    %add3A_64 = arith.addi %mul3A_2, %add3A_63 : i32
    "tpu.region"() ({
      %run_scoped3A = tpu.sem_alloc : memref<!tpu.dma_semaphore, #tpu.memory_space<semaphore_mem>>
      %dma_start3A_97 = arith.constant 0 : i32
      %dma_start3A_98 = tpu.memref_slice %arg6[%add3A_64, %dma_start3A_97] : memref<12288x128xf32, #tpu.memory_space<hbm>> -> memref<128x128xf32, #tpu.memory_space<hbm>>
      %dma_start3A_99 = arith.constant 0 : i32
      %dma_start3A_100 = tpu.memref_slice %arg6[%add3A_64, %dma_start3A_99] : memref<12288x128xf32, #tpu.memory_space<hbm>> -> memref<128x128xf32, #tpu.memory_space<hbm>>
      tpu.enqueue_dma source(%arg9 : memref<128x128xf32, #tpu.memory_space<vmem>>) target(%dma_start3A_100 : memref<128x128xf32, #tpu.memory_space<hbm>>) target_semaphore(%run_scoped3A : memref<!tpu.dma_semaphore, #tpu.memory_space<semaphore_mem>>)
      %dma_wait3A_101 = arith.constant 0 : i32
      %dma_wait3A_102 = tpu.memref_slice %arg6[%add3A_64, %dma_wait3A_101] : memref<12288x128xf32, #tpu.memory_space<hbm>> -> memref<128x128xf32, #tpu.memory_space<hbm>>
      %dma_wait3A_103 = arith.constant 0 : i32
      %dma_wait3A_104 = tpu.memref_slice %arg6[%add3A_64, %dma_wait3A_103] : memref<12288x128xf32, #tpu.memory_space<hbm>> -> memref<128x128xf32, #tpu.memory_space<hbm>>
      tpu.wait_dma2 semaphore(%run_scoped3A : memref<!tpu.dma_semaphore, #tpu.memory_space<semaphore_mem>>) src(%arg9 : memref<128x128xf32, #tpu.memory_space<vmem>>) dst(%dma_wait3A_104 : memref<128x128xf32, #tpu.memory_space<hbm>>)
      tpu.yield
    }) : () -> ()
    %dma_start3A_65 = arith.constant 2 : i32
    %dma_start3A_66 = arith.constant 0 : i32
    %dma_start3A_67 = tpu.memref_slice %arg7[%dma_start3A_65, %dma_start3A_66] : memref<3x128xi32, #tpu.memory_space<vmem>> -> memref<1x128xi32, #tpu.memory_space<vmem>>
    %dma_start3A_68 = tpu.memref_squeeze %dma_start3A_67 : memref<1x128xi32, #tpu.memory_space<vmem>> -> memref<128xi32, #tpu.memory_space<vmem>>
    %dma_start3A_69 = arith.constant 0 : i32
    %dma_start3A_70 = arith.constant 0 : i32
    %dma_start3A_71 = tpu.memref_slice %arg3[%dma_start3A_69, %dma_start3A_70] : memref<50000x256xf32, #tpu.memory_space<hbm>> -> memref<50000x256xf32, #tpu.memory_space<hbm>>
    tpu.enqueue_indirect_dma source(%dma_start3A_71 : memref<50000x256xf32, #tpu.memory_space<hbm>>) target(%arg8 : memref<128x256xf32, #tpu.memory_space<vmem>>) offsets(%dma_start3A_68 : memref<128xi32, #tpu.memory_space<vmem>>) semaphore(%arg10 : memref<!tpu.dma_semaphore, #tpu.memory_space<semaphore_mem>>)
    %dma_wait3A_72 = arith.constant 2 : i32
    %dma_wait3A_73 = arith.constant 0 : i32
    %dma_wait3A_74 = tpu.memref_slice %arg7[%dma_wait3A_72, %dma_wait3A_73] : memref<3x128xi32, #tpu.memory_space<vmem>> -> memref<1x128xi32, #tpu.memory_space<vmem>>
    %dma_wait3A_75 = tpu.memref_squeeze %dma_wait3A_74 : memref<1x128xi32, #tpu.memory_space<vmem>> -> memref<128xi32, #tpu.memory_space<vmem>>
    %dma_wait3A_76 = arith.constant 0 : i32
    %dma_wait3A_77 = arith.constant 0 : i32
    %dma_wait3A_78 = tpu.memref_slice %arg3[%dma_wait3A_76, %dma_wait3A_77] : memref<50000x256xf32, #tpu.memory_space<hbm>> -> memref<50000x256xf32, #tpu.memory_space<hbm>>
    tpu.wait_indirect_dma semaphore(%arg10 : memref<!tpu.dma_semaphore, #tpu.memory_space<semaphore_mem>>) src(%dma_wait3A_78 : memref<50000x256xf32, #tpu.memory_space<hbm>>) dst(%arg8 : memref<128x256xf32, #tpu.memory_space<vmem>>)
    %add3A_79 = arith.constant 256 : i32
    %add3A_80 = arith.addi %mul3A_2, %add3A_79 : i32
    "tpu.region"() ({
      %run_scoped3A = tpu.sem_alloc : memref<!tpu.dma_semaphore, #tpu.memory_space<semaphore_mem>>
      %dma_start3A_97 = arith.constant 0 : i32
      %dma_start3A_98 = tpu.memref_slice %arg5[%add3A_80, %dma_start3A_97] : memref<12288x256xf32, #tpu.memory_space<hbm>> -> memref<128x256xf32, #tpu.memory_space<hbm>>
      %dma_start3A_99 = arith.constant 0 : i32
      %dma_start3A_100 = tpu.memref_slice %arg5[%add3A_80, %dma_start3A_99] : memref<12288x256xf32, #tpu.memory_space<hbm>> -> memref<128x256xf32, #tpu.memory_space<hbm>>
      tpu.enqueue_dma source(%arg8 : memref<128x256xf32, #tpu.memory_space<vmem>>) target(%dma_start3A_100 : memref<128x256xf32, #tpu.memory_space<hbm>>) target_semaphore(%run_scoped3A : memref<!tpu.dma_semaphore, #tpu.memory_space<semaphore_mem>>)
      %dma_wait3A_101 = arith.constant 0 : i32
      %dma_wait3A_102 = tpu.memref_slice %arg5[%add3A_80, %dma_wait3A_101] : memref<12288x256xf32, #tpu.memory_space<hbm>> -> memref<128x256xf32, #tpu.memory_space<hbm>>
      %dma_wait3A_103 = arith.constant 0 : i32
      %dma_wait3A_104 = tpu.memref_slice %arg5[%add3A_80, %dma_wait3A_103] : memref<12288x256xf32, #tpu.memory_space<hbm>> -> memref<128x256xf32, #tpu.memory_space<hbm>>
      tpu.wait_dma2 semaphore(%run_scoped3A : memref<!tpu.dma_semaphore, #tpu.memory_space<semaphore_mem>>) src(%arg8 : memref<128x256xf32, #tpu.memory_space<vmem>>) dst(%dma_wait3A_104 : memref<128x256xf32, #tpu.memory_space<hbm>>)
      tpu.yield
    }) : () -> ()
    %dma_start3A_81 = arith.constant 2 : i32
    %dma_start3A_82 = arith.constant 0 : i32
    %dma_start3A_83 = tpu.memref_slice %arg7[%dma_start3A_81, %dma_start3A_82] : memref<3x128xi32, #tpu.memory_space<vmem>> -> memref<1x128xi32, #tpu.memory_space<vmem>>
    %dma_start3A_84 = tpu.memref_squeeze %dma_start3A_83 : memref<1x128xi32, #tpu.memory_space<vmem>> -> memref<128xi32, #tpu.memory_space<vmem>>
    %dma_start3A_85 = arith.constant 0 : i32
    %dma_start3A_86 = arith.constant 0 : i32
    %dma_start3A_87 = tpu.memref_slice %arg4[%dma_start3A_85, %dma_start3A_86] : memref<50000x128xf32, #tpu.memory_space<hbm>> -> memref<50000x128xf32, #tpu.memory_space<hbm>>
    tpu.enqueue_indirect_dma source(%dma_start3A_87 : memref<50000x128xf32, #tpu.memory_space<hbm>>) target(%arg9 : memref<128x128xf32, #tpu.memory_space<vmem>>) offsets(%dma_start3A_84 : memref<128xi32, #tpu.memory_space<vmem>>) semaphore(%arg11 : memref<!tpu.dma_semaphore, #tpu.memory_space<semaphore_mem>>)
    %dma_wait3A_88 = arith.constant 2 : i32
    %dma_wait3A_89 = arith.constant 0 : i32
    %dma_wait3A_90 = tpu.memref_slice %arg7[%dma_wait3A_88, %dma_wait3A_89] : memref<3x128xi32, #tpu.memory_space<vmem>> -> memref<1x128xi32, #tpu.memory_space<vmem>>
    %dma_wait3A_91 = tpu.memref_squeeze %dma_wait3A_90 : memref<1x128xi32, #tpu.memory_space<vmem>> -> memref<128xi32, #tpu.memory_space<vmem>>
    %dma_wait3A_92 = arith.constant 0 : i32
    %dma_wait3A_93 = arith.constant 0 : i32
    %dma_wait3A_94 = tpu.memref_slice %arg4[%dma_wait3A_92, %dma_wait3A_93] : memref<50000x128xf32, #tpu.memory_space<hbm>> -> memref<50000x128xf32, #tpu.memory_space<hbm>>
    tpu.wait_indirect_dma semaphore(%arg11 : memref<!tpu.dma_semaphore, #tpu.memory_space<semaphore_mem>>) src(%dma_wait3A_94 : memref<50000x128xf32, #tpu.memory_space<hbm>>) dst(%arg9 : memref<128x128xf32, #tpu.memory_space<vmem>>)
    %add3A_95 = arith.constant 256 : i32
    %add3A_96 = arith.addi %mul3A_2, %add3A_95 : i32
    "tpu.region"() ({
      %run_scoped3A = tpu.sem_alloc : memref<!tpu.dma_semaphore, #tpu.memory_space<semaphore_mem>>
      %dma_start3A_97 = arith.constant 0 : i32
      %dma_start3A_98 = tpu.memref_slice %arg6[%add3A_96, %dma_start3A_97] : memref<12288x128xf32, #tpu.memory_space<hbm>> -> memref<128x128xf32, #tpu.memory_space<hbm>>
      %dma_start3A_99 = arith.constant 0 : i32
      %dma_start3A_100 = tpu.memref_slice %arg6[%add3A_96, %dma_start3A_99] : memref<12288x128xf32, #tpu.memory_space<hbm>> -> memref<128x128xf32, #tpu.memory_space<hbm>>
      tpu.enqueue_dma source(%arg9 : memref<128x128xf32, #tpu.memory_space<vmem>>) target(%dma_start3A_100 : memref<128x128xf32, #tpu.memory_space<hbm>>) target_semaphore(%run_scoped3A : memref<!tpu.dma_semaphore, #tpu.memory_space<semaphore_mem>>)
      %dma_wait3A_101 = arith.constant 0 : i32
      %dma_wait3A_102 = tpu.memref_slice %arg6[%add3A_96, %dma_wait3A_101] : memref<12288x128xf32, #tpu.memory_space<hbm>> -> memref<128x128xf32, #tpu.memory_space<hbm>>
      %dma_wait3A_103 = arith.constant 0 : i32
      %dma_wait3A_104 = tpu.memref_slice %arg6[%add3A_96, %dma_wait3A_103] : memref<12288x128xf32, #tpu.memory_space<hbm>> -> memref<128x128xf32, #tpu.memory_space<hbm>>
      tpu.wait_dma2 semaphore(%run_scoped3A : memref<!tpu.dma_semaphore, #tpu.memory_space<semaphore_mem>>) src(%arg9 : memref<128x128xf32, #tpu.memory_space<vmem>>) dst(%dma_wait3A_104 : memref<128x128xf32, #tpu.memory_space<hbm>>)
      tpu.yield
    }) : () -> ()
    return
  }
}

module attributes {stable_mosaic.version = 14 : i64} {
  func.func @_tc1_body(%arg0: i32, %arg1: memref<1000x256xf32, #tpu.memory_space<vmem>>, %arg2: memref<2x1000x128xf32, #tpu.memory_space<vmem>>, %arg3: memref<256x512xf32, #tpu.memory_space<vmem>>, %arg4: memref<1x512xf32, #tpu.memory_space<vmem>>, %arg5: memref<1x512xf32, #tpu.memory_space<vmem>>, %arg6: memref<1x512xf32, #tpu.memory_space<vmem>>, %arg7: memref<256x512xf32, #tpu.memory_space<vmem>>, %arg8: memref<1x512xf32, #tpu.memory_space<vmem>>, %arg9: memref<1x512xf32, #tpu.memory_space<vmem>>, %arg10: memref<1x512xf32, #tpu.memory_space<vmem>>, %arg11: memref<1024x512xf32, #tpu.memory_space<vmem>>, %arg12: memref<1x512xf32, #tpu.memory_space<vmem>>, %arg13: memref<1x512xf32, #tpu.memory_space<vmem>>, %arg14: memref<1x512xf32, #tpu.memory_space<vmem>>, %arg15: memref<1024x512xf32, #tpu.memory_space<vmem>>, %arg16: memref<1000x512xf32, #tpu.memory_space<vmem>>, %arg17: memref<4x1000x128xf32, #tpu.memory_space<vmem>>) attributes {dimension_semantics = [#tpu.dimension_semantics<arbitrary>], iteration_bounds = array<i64: 10>, scalar_prefetch = 0 : i64, scratch_operands = 0 : i64, tpu.core_type = #tpu.core_type<tc>, window_params = [{transform_indices = @transform_0, window_bounds = array<i64: 1000, 256>}, {transform_indices = @transform_1, window_bounds = array<i64: 2, 1000, 128>}, {pipeline_mode = #tpu.pipeline_mode<synchronous>, transform_indices = @transform_2, window_bounds = array<i64: 256, 512>}, {pipeline_mode = #tpu.pipeline_mode<synchronous>, transform_indices = @transform_3, window_bounds = array<i64: 1, 512>}, {pipeline_mode = #tpu.pipeline_mode<synchronous>, transform_indices = @transform_4, window_bounds = array<i64: 1, 512>}, {pipeline_mode = #tpu.pipeline_mode<synchronous>, transform_indices = @transform_5, window_bounds = array<i64: 1, 512>}, {pipeline_mode = #tpu.pipeline_mode<synchronous>, transform_indices = @transform_6, window_bounds = array<i64: 256, 512>}, {pipeline_mode = #tpu.pipeline_mode<synchronous>, transform_indices = @transform_7, window_bounds = array<i64: 1, 512>}, {pipeline_mode = #tpu.pipeline_mode<synchronous>, transform_indices = @transform_8, window_bounds = array<i64: 1, 512>}, {pipeline_mode = #tpu.pipeline_mode<synchronous>, transform_indices = @transform_9, window_bounds = array<i64: 1, 512>}, {pipeline_mode = #tpu.pipeline_mode<synchronous>, transform_indices = @transform_10, window_bounds = array<i64: 1024, 512>}, {pipeline_mode = #tpu.pipeline_mode<synchronous>, transform_indices = @transform_11, window_bounds = array<i64: 1, 512>}, {pipeline_mode = #tpu.pipeline_mode<synchronous>, transform_indices = @transform_12, window_bounds = array<i64: 1, 512>}, {pipeline_mode = #tpu.pipeline_mode<synchronous>, transform_indices = @transform_13, window_bounds = array<i64: 1, 512>}, {pipeline_mode = #tpu.pipeline_mode<synchronous>, transform_indices = @transform_14, window_bounds = array<i64: 1024, 512>}, {transform_indices = @transform_15, window_bounds = array<i64: 1000, 512>}, {transform_indices = @transform_16, window_bounds = array<i64: 4, 1000, 128>}]} {
    %get3A = arith.constant 0 : index
    %get3A_0 = arith.constant 0 : index
    %get3A_1 = vector.load %arg1[%get3A, %get3A_0] : memref<1000x256xf32, #tpu.memory_space<vmem>>, vector<1000x256xf32>
    %get3A_2 = arith.constant 0 : index
    %get3A_3 = arith.constant 0 : index
    %get3A_4 = vector.load %arg3[%get3A_2, %get3A_3] : memref<256x512xf32, #tpu.memory_space<vmem>>, vector<256x512xf32>
    %dot_general3A = arith.constant dense<0.000000e+00> : vector<1000x512xf32>
    %dot_general3A_5 = tpu.matmul %get3A_1, %get3A_4, %dot_general3A {dimension_numbers = #tpu.dot_dimension_numbers<[1], [0], [0], [1], [0, 0, 1, 1], [], []>, precision = #tpu.contract_precision<fp32>, transpose_lhs_hint = false} : vector<1000x256xf32>, vector<256x512xf32>, vector<1000x512xf32> -> vector<1000x512xf32>
    %get3A_6 = arith.constant 0 : index
    %get3A_7 = arith.constant 0 : index
    %get3A_8 = vector.load %arg4[%get3A_6, %get3A_7] : memref<1x512xf32, #tpu.memory_space<vmem>>, vector<1x512xf32>
    %get3A_9 = arith.constant 0 : index
    %get3A_10 = arith.constant 0 : index
    %get3A_11 = vector.load %arg5[%get3A_9, %get3A_10] : memref<1x512xf32, #tpu.memory_space<vmem>>, vector<1x512xf32>
    %get3A_12 = arith.constant 0 : index
    %get3A_13 = arith.constant 0 : index
    %get3A_14 = vector.load %arg6[%get3A_12, %get3A_13] : memref<1x512xf32, #tpu.memory_space<vmem>>, vector<1x512xf32>
    %add3A = vector.broadcast %get3A_8 : vector<1x512xf32> to vector<1000x512xf32>
    %add3A_15 = arith.addf %dot_general3A_5, %add3A : vector<1000x512xf32>
    %max3A = arith.constant 0.000000e+00 : f32
    %max3A_16 = vector.broadcast %max3A : f32 to vector<1000x512xf32>
    %max3A_17 = arith.maximumf %add3A_15, %max3A_16 : vector<1000x512xf32>
    %reduce_sum3A = arith.constant dense<0.000000e+00> : vector<1000xf32>
    %reduce_sum3A_18 = vector.multi_reduction <add>, %max3A_17, %reduce_sum3A [1] : vector<1000x512xf32> to vector<1000xf32>
    %broadcast_in_dim3A = vector.shape_cast %reduce_sum3A_18 : vector<1000xf32> to vector<1000x1xf32>
    %div3A = arith.constant 5.120000e+02 : f32
    %div3A_19 = vector.broadcast %div3A : f32 to vector<1000x1xf32>
    %div3A_20 = arith.divf %broadcast_in_dim3A, %div3A_19 : vector<1000x1xf32>
    %sub3A = vector.broadcast %div3A_20 : vector<1000x1xf32> to vector<1000x512xf32>
    %sub3A_21 = arith.subf %max3A_17, %sub3A : vector<1000x512xf32>
    %mul3A = arith.mulf %sub3A_21, %sub3A_21 : vector<1000x512xf32>
    %reduce_sum3A_22 = arith.constant dense<0.000000e+00> : vector<1000xf32>
    %reduce_sum3A_23 = vector.multi_reduction <add>, %mul3A, %reduce_sum3A_22 [1] : vector<1000x512xf32> to vector<1000xf32>
    %broadcast_in_dim3A_24 = vector.shape_cast %reduce_sum3A_23 : vector<1000xf32> to vector<1000x1xf32>
    %div3A_25 = arith.constant 5.120000e+02 : f32
    %div3A_26 = vector.broadcast %div3A_25 : f32 to vector<1000x1xf32>
    %div3A_27 = arith.divf %broadcast_in_dim3A_24, %div3A_26 : vector<1000x1xf32>
    %add3A_28 = arith.constant 9.99999971E-10 : f32
    %add3A_29 = vector.broadcast %add3A_28 : f32 to vector<1000x1xf32>
    %add3A_30 = arith.addf %div3A_27, %add3A_29 : vector<1000x1xf32>
    %mul3A_31 = vector.broadcast %get3A_11 : vector<1x512xf32> to vector<1000x512xf32>
    %mul3A_32 = arith.mulf %sub3A_21, %mul3A_31 : vector<1000x512xf32>
    %rsqrt3A = math.rsqrt %add3A_30 : vector<1000x1xf32>
    %mul3A_33 = vector.broadcast %rsqrt3A : vector<1000x1xf32> to vector<1000x512xf32>
    %mul3A_34 = arith.mulf %mul3A_32, %mul3A_33 : vector<1000x512xf32>
    %add3A_35 = vector.broadcast %get3A_14 : vector<1x512xf32> to vector<1000x512xf32>
    %add3A_36 = arith.addf %mul3A_34, %add3A_35 : vector<1000x512xf32>
    %get3A_37 = arith.constant 0 : index
    %get3A_38 = arith.constant 0 : index
    %get3A_39 = arith.constant 0 : index
    %get3A_40 = vector.load %arg2[%get3A_37, %get3A_38, %get3A_39] : memref<2x1000x128xf32, #tpu.memory_space<vmem>>, vector<1x1000x128xf32>
    %get3A_41 = vector.shape_cast %get3A_40 : vector<1x1000x128xf32> to vector<1000x128xf32>
    %get3A_42 = arith.constant 0 : index
    %get3A_43 = arith.constant 0 : index
    %get3A_44 = vector.load %arg7[%get3A_42, %get3A_43] : memref<256x512xf32, #tpu.memory_space<vmem>>, vector<128x512xf32>
    %dot_general3A_45 = arith.constant dense<0.000000e+00> : vector<1000x512xf32>
    %dot_general3A_46 = tpu.matmul %get3A_41, %get3A_44, %dot_general3A_45 {dimension_numbers = #tpu.dot_dimension_numbers<[1], [0], [0], [1], [0, 0, 1, 1], [], []>, precision = #tpu.contract_precision<fp32>, transpose_lhs_hint = false} : vector<1000x128xf32>, vector<128x512xf32>, vector<1000x512xf32> -> vector<1000x512xf32>
    %get3A_47 = arith.constant 1 : index
    %get3A_48 = arith.constant 0 : index
    %get3A_49 = arith.constant 0 : index
    %get3A_50 = vector.load %arg2[%get3A_47, %get3A_48, %get3A_49] : memref<2x1000x128xf32, #tpu.memory_space<vmem>>, vector<1x1000x128xf32>
    %get3A_51 = vector.shape_cast %get3A_50 : vector<1x1000x128xf32> to vector<1000x128xf32>
    %get3A_52 = arith.constant 128 : index
    %get3A_53 = arith.constant 0 : index
    %get3A_54 = vector.load %arg7[%get3A_52, %get3A_53] : memref<256x512xf32, #tpu.memory_space<vmem>>, vector<128x512xf32>
    %dot_general3A_55 = arith.constant dense<0.000000e+00> : vector<1000x512xf32>
    %dot_general3A_56 = tpu.matmul %get3A_51, %get3A_54, %dot_general3A_55 {dimension_numbers = #tpu.dot_dimension_numbers<[1], [0], [0], [1], [0, 0, 1, 1], [], []>, precision = #tpu.contract_precision<fp32>, transpose_lhs_hint = false} : vector<1000x128xf32>, vector<128x512xf32>, vector<1000x512xf32> -> vector<1000x512xf32>
    %add3A_57 = arith.addf %dot_general3A_46, %dot_general3A_56 : vector<1000x512xf32>
    %get3A_58 = arith.constant 0 : index
    %get3A_59 = arith.constant 0 : index
    %get3A_60 = vector.load %arg8[%get3A_58, %get3A_59] : memref<1x512xf32, #tpu.memory_space<vmem>>, vector<1x512xf32>
    %get3A_61 = arith.constant 0 : index
    %get3A_62 = arith.constant 0 : index
    %get3A_63 = vector.load %arg9[%get3A_61, %get3A_62] : memref<1x512xf32, #tpu.memory_space<vmem>>, vector<1x512xf32>
    %get3A_64 = arith.constant 0 : index
    %get3A_65 = arith.constant 0 : index
    %get3A_66 = vector.load %arg10[%get3A_64, %get3A_65] : memref<1x512xf32, #tpu.memory_space<vmem>>, vector<1x512xf32>
    %add3A_67 = vector.broadcast %get3A_60 : vector<1x512xf32> to vector<1000x512xf32>
    %add3A_68 = arith.addf %add3A_57, %add3A_67 : vector<1000x512xf32>
    %max3A_69 = arith.constant 0.000000e+00 : f32
    %max3A_70 = vector.broadcast %max3A_69 : f32 to vector<1000x512xf32>
    %max3A_71 = arith.maximumf %add3A_68, %max3A_70 : vector<1000x512xf32>
    %reduce_sum3A_72 = arith.constant dense<0.000000e+00> : vector<1000xf32>
    %reduce_sum3A_73 = vector.multi_reduction <add>, %max3A_71, %reduce_sum3A_72 [1] : vector<1000x512xf32> to vector<1000xf32>
    %broadcast_in_dim3A_74 = vector.shape_cast %reduce_sum3A_73 : vector<1000xf32> to vector<1000x1xf32>
    %div3A_75 = arith.constant 5.120000e+02 : f32
    %div3A_76 = vector.broadcast %div3A_75 : f32 to vector<1000x1xf32>
    %div3A_77 = arith.divf %broadcast_in_dim3A_74, %div3A_76 : vector<1000x1xf32>
    %sub3A_78 = vector.broadcast %div3A_77 : vector<1000x1xf32> to vector<1000x512xf32>
    %sub3A_79 = arith.subf %max3A_71, %sub3A_78 : vector<1000x512xf32>
    %mul3A_80 = arith.mulf %sub3A_79, %sub3A_79 : vector<1000x512xf32>
    %reduce_sum3A_81 = arith.constant dense<0.000000e+00> : vector<1000xf32>
    %reduce_sum3A_82 = vector.multi_reduction <add>, %mul3A_80, %reduce_sum3A_81 [1] : vector<1000x512xf32> to vector<1000xf32>
    %broadcast_in_dim3A_83 = vector.shape_cast %reduce_sum3A_82 : vector<1000xf32> to vector<1000x1xf32>
    %div3A_84 = arith.constant 5.120000e+02 : f32
    %div3A_85 = vector.broadcast %div3A_84 : f32 to vector<1000x1xf32>
    %div3A_86 = arith.divf %broadcast_in_dim3A_83, %div3A_85 : vector<1000x1xf32>
    %add3A_87 = arith.constant 9.99999971E-10 : f32
    %add3A_88 = vector.broadcast %add3A_87 : f32 to vector<1000x1xf32>
    %add3A_89 = arith.addf %div3A_86, %add3A_88 : vector<1000x1xf32>
    %mul3A_90 = vector.broadcast %get3A_63 : vector<1x512xf32> to vector<1000x512xf32>
    %mul3A_91 = arith.mulf %sub3A_79, %mul3A_90 : vector<1000x512xf32>
    %rsqrt3A_92 = math.rsqrt %add3A_89 : vector<1000x1xf32>
    %mul3A_93 = vector.broadcast %rsqrt3A_92 : vector<1000x1xf32> to vector<1000x512xf32>
    %mul3A_94 = arith.mulf %mul3A_91, %mul3A_93 : vector<1000x512xf32>
    %add3A_95 = vector.broadcast %get3A_66 : vector<1x512xf32> to vector<1000x512xf32>
    %add3A_96 = arith.addf %mul3A_94, %add3A_95 : vector<1000x512xf32>
    %get3A_97 = arith.constant 0 : index
    %get3A_98 = arith.constant 0 : index
    %get3A_99 = vector.load %arg11[%get3A_97, %get3A_98] : memref<1024x512xf32, #tpu.memory_space<vmem>>, vector<512x512xf32>
    %dot_general3A_100 = arith.constant dense<0.000000e+00> : vector<1000x512xf32>
    %dot_general3A_101 = tpu.matmul %add3A_36, %get3A_99, %dot_general3A_100 {dimension_numbers = #tpu.dot_dimension_numbers<[1], [0], [0], [1], [0, 0, 1, 1], [], []>, precision = #tpu.contract_precision<fp32>, transpose_lhs_hint = false} : vector<1000x512xf32>, vector<512x512xf32>, vector<1000x512xf32> -> vector<1000x512xf32>
    %get3A_102 = arith.constant 512 : index
    %get3A_103 = arith.constant 0 : index
    %get3A_104 = vector.load %arg11[%get3A_102, %get3A_103] : memref<1024x512xf32, #tpu.memory_space<vmem>>, vector<512x512xf32>
    %dot_general3A_105 = arith.constant dense<0.000000e+00> : vector<1000x512xf32>
    %dot_general3A_106 = tpu.matmul %add3A_96, %get3A_104, %dot_general3A_105 {dimension_numbers = #tpu.dot_dimension_numbers<[1], [0], [0], [1], [0, 0, 1, 1], [], []>, precision = #tpu.contract_precision<fp32>, transpose_lhs_hint = false} : vector<1000x512xf32>, vector<512x512xf32>, vector<1000x512xf32> -> vector<1000x512xf32>
    %add3A_107 = arith.addf %dot_general3A_101, %dot_general3A_106 : vector<1000x512xf32>
    %get3A_108 = arith.constant 0 : index
    %get3A_109 = arith.constant 0 : index
    %get3A_110 = vector.load %arg12[%get3A_108, %get3A_109] : memref<1x512xf32, #tpu.memory_space<vmem>>, vector<1x512xf32>
    %get3A_111 = arith.constant 0 : index
    %get3A_112 = arith.constant 0 : index
    %get3A_113 = vector.load %arg13[%get3A_111, %get3A_112] : memref<1x512xf32, #tpu.memory_space<vmem>>, vector<1x512xf32>
    %get3A_114 = arith.constant 0 : index
    %get3A_115 = arith.constant 0 : index
    %get3A_116 = vector.load %arg14[%get3A_114, %get3A_115] : memref<1x512xf32, #tpu.memory_space<vmem>>, vector<1x512xf32>
    %add3A_117 = vector.broadcast %get3A_110 : vector<1x512xf32> to vector<1000x512xf32>
    %add3A_118 = arith.addf %add3A_107, %add3A_117 : vector<1000x512xf32>
    %max3A_119 = arith.constant 0.000000e+00 : f32
    %max3A_120 = vector.broadcast %max3A_119 : f32 to vector<1000x512xf32>
    %max3A_121 = arith.maximumf %add3A_118, %max3A_120 : vector<1000x512xf32>
    %reduce_sum3A_122 = arith.constant dense<0.000000e+00> : vector<1000xf32>
    %reduce_sum3A_123 = vector.multi_reduction <add>, %max3A_121, %reduce_sum3A_122 [1] : vector<1000x512xf32> to vector<1000xf32>
    %broadcast_in_dim3A_124 = vector.shape_cast %reduce_sum3A_123 : vector<1000xf32> to vector<1000x1xf32>
    %div3A_125 = arith.constant 5.120000e+02 : f32
    %div3A_126 = vector.broadcast %div3A_125 : f32 to vector<1000x1xf32>
    %div3A_127 = arith.divf %broadcast_in_dim3A_124, %div3A_126 : vector<1000x1xf32>
    %sub3A_128 = vector.broadcast %div3A_127 : vector<1000x1xf32> to vector<1000x512xf32>
    %sub3A_129 = arith.subf %max3A_121, %sub3A_128 : vector<1000x512xf32>
    %mul3A_130 = arith.mulf %sub3A_129, %sub3A_129 : vector<1000x512xf32>
    %reduce_sum3A_131 = arith.constant dense<0.000000e+00> : vector<1000xf32>
    %reduce_sum3A_132 = vector.multi_reduction <add>, %mul3A_130, %reduce_sum3A_131 [1] : vector<1000x512xf32> to vector<1000xf32>
    %broadcast_in_dim3A_133 = vector.shape_cast %reduce_sum3A_132 : vector<1000xf32> to vector<1000x1xf32>
    %div3A_134 = arith.constant 5.120000e+02 : f32
    %div3A_135 = vector.broadcast %div3A_134 : f32 to vector<1000x1xf32>
    %div3A_136 = arith.divf %broadcast_in_dim3A_133, %div3A_135 : vector<1000x1xf32>
    %add3A_137 = arith.constant 9.99999971E-10 : f32
    %add3A_138 = vector.broadcast %add3A_137 : f32 to vector<1000x1xf32>
    %add3A_139 = arith.addf %div3A_136, %add3A_138 : vector<1000x1xf32>
    %mul3A_140 = vector.broadcast %get3A_113 : vector<1x512xf32> to vector<1000x512xf32>
    %mul3A_141 = arith.mulf %sub3A_129, %mul3A_140 : vector<1000x512xf32>
    %rsqrt3A_142 = math.rsqrt %add3A_139 : vector<1000x1xf32>
    %mul3A_143 = vector.broadcast %rsqrt3A_142 : vector<1000x1xf32> to vector<1000x512xf32>
    %mul3A_144 = arith.mulf %mul3A_141, %mul3A_143 : vector<1000x512xf32>
    %add3A_145 = vector.broadcast %get3A_116 : vector<1x512xf32> to vector<1000x512xf32>
    %add3A_146 = arith.addf %mul3A_144, %add3A_145 : vector<1000x512xf32>
    %swap3A = arith.constant 0 : index
    %swap3A_147 = arith.constant 0 : index
    %swap3A_148 = vector.load %arg16[%swap3A, %swap3A_147] : memref<1000x512xf32, #tpu.memory_space<vmem>>, vector<1000x512xf32>
    tpu.vector_store %arg16[%swap3A, %swap3A_147], %add3A_146 {strides = array<i32>} : memref<1000x512xf32, #tpu.memory_space<vmem>>, vector<1000x512xf32>,
    %get3A_149 = arith.constant 0 : index
    %get3A_150 = arith.constant 0 : index
    %get3A_151 = vector.load %arg15[%get3A_149, %get3A_150] : memref<1024x512xf32, #tpu.memory_space<vmem>>, vector<512x512xf32>
    %dot_general3A_152 = arith.constant dense<0.000000e+00> : vector<1000x512xf32>
    %dot_general3A_153 = tpu.matmul %add3A_36, %get3A_151, %dot_general3A_152 {dimension_numbers = #tpu.dot_dimension_numbers<[1], [0], [0], [1], [0, 0, 1, 1], [], []>, precision = #tpu.contract_precision<fp32>, transpose_lhs_hint = false} : vector<1000x512xf32>, vector<512x512xf32>, vector<1000x512xf32> -> vector<1000x512xf32>
    %get3A_154 = arith.constant 512 : index
    %get3A_155 = arith.constant 0 : index
    %get3A_156 = vector.load %arg15[%get3A_154, %get3A_155] : memref<1024x512xf32, #tpu.memory_space<vmem>>, vector<512x512xf32>
    %dot_general3A_157 = arith.constant dense<0.000000e+00> : vector<1000x512xf32>
    %dot_general3A_158 = tpu.matmul %add3A_96, %get3A_156, %dot_general3A_157 {dimension_numbers = #tpu.dot_dimension_numbers<[1], [0], [0], [1], [0, 0, 1, 1], [], []>, precision = #tpu.contract_precision<fp32>, transpose_lhs_hint = false} : vector<1000x512xf32>, vector<512x512xf32>, vector<1000x512xf32> -> vector<1000x512xf32>
    %add3A_159 = arith.addf %dot_general3A_153, %dot_general3A_158 : vector<1000x512xf32>
    %slice3A = vector.extract_strided_slice %add3A_159 {offsets = [0, 0], sizes = [1000, 128], strides = [1, 1]} : vector<1000x512xf32> to vector<1000x128xf32>
    %swap3A_160 = arith.constant 0 : index
    %swap3A_161 = arith.constant 0 : index
    %swap3A_162 = arith.constant 0 : index
    %swap3A_163 = vector.load %arg17[%swap3A_160, %swap3A_161, %swap3A_162] : memref<4x1000x128xf32, #tpu.memory_space<vmem>>, vector<1x1000x128xf32>
    %swap3A_164 = vector.shape_cast %swap3A_163 : vector<1x1000x128xf32> to vector<1000x128xf32>
    %swap3A_165 = vector.shape_cast %slice3A : vector<1000x128xf32> to vector<1x1000x128xf32>
    tpu.vector_store %arg17[%swap3A_160, %swap3A_161, %swap3A_162], %swap3A_165 {strides = array<i32>} : memref<4x1000x128xf32, #tpu.memory_space<vmem>>, vector<1x1000x128xf32>,
    %slice3A_166 = vector.extract_strided_slice %add3A_159 {offsets = [0, 128], sizes = [1000, 128], strides = [1, 1]} : vector<1000x512xf32> to vector<1000x128xf32>
    %swap3A_167 = arith.constant 1 : index
    %swap3A_168 = arith.constant 0 : index
    %swap3A_169 = arith.constant 0 : index
    %swap3A_170 = vector.load %arg17[%swap3A_167, %swap3A_168, %swap3A_169] : memref<4x1000x128xf32, #tpu.memory_space<vmem>>, vector<1x1000x128xf32>
    %swap3A_171 = vector.shape_cast %swap3A_170 : vector<1x1000x128xf32> to vector<1000x128xf32>
    %swap3A_172 = vector.shape_cast %slice3A_166 : vector<1000x128xf32> to vector<1x1000x128xf32>
    tpu.vector_store %arg17[%swap3A_167, %swap3A_168, %swap3A_169], %swap3A_172 {strides = array<i32>} : memref<4x1000x128xf32, #tpu.memory_space<vmem>>, vector<1x1000x128xf32>,
    %slice3A_173 = vector.extract_strided_slice %add3A_159 {offsets = [0, 256], sizes = [1000, 128], strides = [1, 1]} : vector<1000x512xf32> to vector<1000x128xf32>
    %swap3A_174 = arith.constant 2 : index
    %swap3A_175 = arith.constant 0 : index
    %swap3A_176 = arith.constant 0 : index
    %swap3A_177 = vector.load %arg17[%swap3A_174, %swap3A_175, %swap3A_176] : memref<4x1000x128xf32, #tpu.memory_space<vmem>>, vector<1x1000x128xf32>
    %swap3A_178 = vector.shape_cast %swap3A_177 : vector<1x1000x128xf32> to vector<1000x128xf32>
    %swap3A_179 = vector.shape_cast %slice3A_173 : vector<1000x128xf32> to vector<1x1000x128xf32>
    tpu.vector_store %arg17[%swap3A_174, %swap3A_175, %swap3A_176], %swap3A_179 {strides = array<i32>} : memref<4x1000x128xf32, #tpu.memory_space<vmem>>, vector<1x1000x128xf32>,
    %slice3A_180 = vector.extract_strided_slice %add3A_159 {offsets = [0, 384], sizes = [1000, 128], strides = [1, 1]} : vector<1000x512xf32> to vector<1000x128xf32>
    %swap3A_181 = arith.constant 3 : index
    %swap3A_182 = arith.constant 0 : index
    %swap3A_183 = arith.constant 0 : index
    %swap3A_184 = vector.load %arg17[%swap3A_181, %swap3A_182, %swap3A_183] : memref<4x1000x128xf32, #tpu.memory_space<vmem>>, vector<1x1000x128xf32>
    %swap3A_185 = vector.shape_cast %swap3A_184 : vector<1x1000x128xf32> to vector<1000x128xf32>
    %swap3A_186 = vector.shape_cast %slice3A_180 : vector<1000x128xf32> to vector<1x1000x128xf32>
    tpu.vector_store %arg17[%swap3A_181, %swap3A_182, %swap3A_183], %swap3A_186 {strides = array<i32>} : memref<4x1000x128xf32, #tpu.memory_space<vmem>>, vector<1x1000x128xf32>,
    return
  }
  func.func @transform_0(%arg0: i32) -> (i32, i32) {
    %c0_i32 = arith.constant 0 : i32
    %c0_i32_0 = arith.constant 0 : i32
    return %arg0, %c0_i32 : i32, i32
  }
  func.func @transform_1(%arg0: i32) -> (i32, i32, i32) {
    %c0_i32 = arith.constant 0 : i32
    %c0_i32_0 = arith.constant 0 : i32
    %c0_i32_1 = arith.constant 0 : i32
    return %c0_i32, %arg0, %c0_i32_0 : i32, i32, i32
  }
  func.func @transform_2(%arg0: i32) -> (i32, i32) {
    %c0_i32 = arith.constant 0 : i32
    %c0_i32_0 = arith.constant 0 : i32
    %c0_i32_1 = arith.constant 0 : i32
    return %c0_i32, %c0_i32_0 : i32, i32
  }
  func.func @transform_3(%arg0: i32) -> (i32, i32) {
    %c0_i32 = arith.constant 0 : i32
    %c0_i32_0 = arith.constant 0 : i32
    %c0_i32_1 = arith.constant 0 : i32
    return %c0_i32, %c0_i32_0 : i32, i32
  }
  func.func @transform_4(%arg0: i32) -> (i32, i32) {
    %c0_i32 = arith.constant 0 : i32
    %c0_i32_0 = arith.constant 0 : i32
    %c0_i32_1 = arith.constant 0 : i32
    return %c0_i32, %c0_i32_0 : i32, i32
  }
  func.func @transform_5(%arg0: i32) -> (i32, i32) {
    %c0_i32 = arith.constant 0 : i32
    %c0_i32_0 = arith.constant 0 : i32
    %c0_i32_1 = arith.constant 0 : i32
    return %c0_i32, %c0_i32_0 : i32, i32
  }
  func.func @transform_6(%arg0: i32) -> (i32, i32) {
    %c0_i32 = arith.constant 0 : i32
    %c0_i32_0 = arith.constant 0 : i32
    %c0_i32_1 = arith.constant 0 : i32
    return %c0_i32, %c0_i32_0 : i32, i32
  }
  func.func @transform_7(%arg0: i32) -> (i32, i32) {
    %c0_i32 = arith.constant 0 : i32
    %c0_i32_0 = arith.constant 0 : i32
    %c0_i32_1 = arith.constant 0 : i32
    return %c0_i32, %c0_i32_0 : i32, i32
  }
  func.func @transform_8(%arg0: i32) -> (i32, i32) {
    %c0_i32 = arith.constant 0 : i32
    %c0_i32_0 = arith.constant 0 : i32
    %c0_i32_1 = arith.constant 0 : i32
    return %c0_i32, %c0_i32_0 : i32, i32
  }
  func.func @transform_9(%arg0: i32) -> (i32, i32) {
    %c0_i32 = arith.constant 0 : i32
    %c0_i32_0 = arith.constant 0 : i32
    %c0_i32_1 = arith.constant 0 : i32
    return %c0_i32, %c0_i32_0 : i32, i32
  }
  func.func @transform_10(%arg0: i32) -> (i32, i32) {
    %c0_i32 = arith.constant 0 : i32
    %c0_i32_0 = arith.constant 0 : i32
    %c0_i32_1 = arith.constant 0 : i32
    return %c0_i32, %c0_i32_0 : i32, i32
  }
  func.func @transform_11(%arg0: i32) -> (i32, i32) {
    %c0_i32 = arith.constant 0 : i32
    %c0_i32_0 = arith.constant 0 : i32
    %c0_i32_1 = arith.constant 0 : i32
    return %c0_i32, %c0_i32_0 : i32, i32
  }
  func.func @transform_12(%arg0: i32) -> (i32, i32) {
    %c0_i32 = arith.constant 0 : i32
    %c0_i32_0 = arith.constant 0 : i32
    %c0_i32_1 = arith.constant 0 : i32
    return %c0_i32, %c0_i32_0 : i32, i32
  }
  func.func @transform_13(%arg0: i32) -> (i32, i32) {
    %c0_i32 = arith.constant 0 : i32
    %c0_i32_0 = arith.constant 0 : i32
    %c0_i32_1 = arith.constant 0 : i32
    return %c0_i32, %c0_i32_0 : i32, i32
  }
  func.func @transform_14(%arg0: i32) -> (i32, i32) {
    %c0_i32 = arith.constant 0 : i32
    %c0_i32_0 = arith.constant 0 : i32
    %c0_i32_1 = arith.constant 0 : i32
    return %c0_i32, %c0_i32_0 : i32, i32
  }
  func.func @transform_15(%arg0: i32) -> (i32, i32) {
    %c0_i32 = arith.constant 0 : i32
    %c0_i32_0 = arith.constant 0 : i32
    return %arg0, %c0_i32 : i32, i32
  }
  func.func @transform_16(%arg0: i32) -> (i32, i32, i32) {
    %c0_i32 = arith.constant 0 : i32
    %c0_i32_0 = arith.constant 0 : i32
    %c0_i32_1 = arith.constant 0 : i32
    return %c0_i32, %arg0, %c0_i32_0 : i32, i32, i32
  }
}

module attributes {stable_mosaic.version = 14 : i64} {
  func.func @_tc2_body(%arg0: i32, %arg1: memref<1000x512xf32, #tpu.memory_space<vmem>>, %arg2: memref<4x1000x128xf32, #tpu.memory_space<vmem>>, %arg3: memref<1x512xf32, #tpu.memory_space<vmem>>, %arg4: memref<1x512xf32, #tpu.memory_space<vmem>>, %arg5: memref<1x512xf32, #tpu.memory_space<vmem>>, %arg6: memref<1024x128xf32, #tpu.memory_space<vmem>>, %arg7: memref<1x128xf32, #tpu.memory_space<vmem>>, %arg8: memref<1000x128xf32, #tpu.memory_space<vmem>>) attributes {dimension_semantics = [#tpu.dimension_semantics<arbitrary>], iteration_bounds = array<i64: 10>, scalar_prefetch = 0 : i64, scratch_operands = 0 : i64, tpu.core_type = #tpu.core_type<tc>, window_params = [{transform_indices = @transform_0, window_bounds = array<i64: 1000, 512>}, {transform_indices = @transform_1, window_bounds = array<i64: 4, 1000, 128>}, {pipeline_mode = #tpu.pipeline_mode<synchronous>, transform_indices = @transform_2, window_bounds = array<i64: 1, 512>}, {pipeline_mode = #tpu.pipeline_mode<synchronous>, transform_indices = @transform_3, window_bounds = array<i64: 1, 512>}, {pipeline_mode = #tpu.pipeline_mode<synchronous>, transform_indices = @transform_4, window_bounds = array<i64: 1, 512>}, {pipeline_mode = #tpu.pipeline_mode<synchronous>, transform_indices = @transform_5, window_bounds = array<i64: 1024, 128>}, {pipeline_mode = #tpu.pipeline_mode<synchronous>, transform_indices = @transform_6, window_bounds = array<i64: 1, 128>}, {transform_indices = @transform_7, window_bounds = array<i64: 1000, 128>}]} {
    %get3A = arith.constant 0 : index
    %get3A_0 = arith.constant 0 : index
    %get3A_1 = arith.constant 0 : index
    %get3A_2 = vector.load %arg2[%get3A, %get3A_0, %get3A_1] : memref<4x1000x128xf32, #tpu.memory_space<vmem>>, vector<1x1000x128xf32>
    %get3A_3 = vector.shape_cast %get3A_2 : vector<1x1000x128xf32> to vector<1000x128xf32>
    %get3A_4 = arith.constant 1 : index
    %get3A_5 = arith.constant 0 : index
    %get3A_6 = arith.constant 0 : index
    %get3A_7 = vector.load %arg2[%get3A_4, %get3A_5, %get3A_6] : memref<4x1000x128xf32, #tpu.memory_space<vmem>>, vector<1x1000x128xf32>
    %get3A_8 = vector.shape_cast %get3A_7 : vector<1x1000x128xf32> to vector<1000x128xf32>
    %get3A_9 = arith.constant 2 : index
    %get3A_10 = arith.constant 0 : index
    %get3A_11 = arith.constant 0 : index
    %get3A_12 = vector.load %arg2[%get3A_9, %get3A_10, %get3A_11] : memref<4x1000x128xf32, #tpu.memory_space<vmem>>, vector<1x1000x128xf32>
    %get3A_13 = vector.shape_cast %get3A_12 : vector<1x1000x128xf32> to vector<1000x128xf32>
    %get3A_14 = arith.constant 3 : index
    %get3A_15 = arith.constant 0 : index
    %get3A_16 = arith.constant 0 : index
    %get3A_17 = vector.load %arg2[%get3A_14, %get3A_15, %get3A_16] : memref<4x1000x128xf32, #tpu.memory_space<vmem>>, vector<1x1000x128xf32>
    %get3A_18 = vector.shape_cast %get3A_17 : vector<1x1000x128xf32> to vector<1000x128xf32>
    %concatenate3A = tpu.concatenate %get3A_3, %get3A_8, %get3A_13, %get3A_18 in 1 : vector<1000x128xf32>, vector<1000x128xf32>, vector<1000x128xf32>, vector<1000x128xf32> -> vector<1000x512xf32>
    %get3A_19 = arith.constant 0 : index
    %get3A_20 = arith.constant 0 : index
    %get3A_21 = vector.load %arg3[%get3A_19, %get3A_20] : memref<1x512xf32, #tpu.memory_space<vmem>>, vector<1x512xf32>
    %get3A_22 = arith.constant 0 : index
    %get3A_23 = arith.constant 0 : index
    %get3A_24 = vector.load %arg4[%get3A_22, %get3A_23] : memref<1x512xf32, #tpu.memory_space<vmem>>, vector<1x512xf32>
    %get3A_25 = arith.constant 0 : index
    %get3A_26 = arith.constant 0 : index
    %get3A_27 = vector.load %arg5[%get3A_25, %get3A_26] : memref<1x512xf32, #tpu.memory_space<vmem>>, vector<1x512xf32>
    %add3A = vector.broadcast %get3A_21 : vector<1x512xf32> to vector<1000x512xf32>
    %add3A_28 = arith.addf %concatenate3A, %add3A : vector<1000x512xf32>
    %max3A = arith.constant 0.000000e+00 : f32
    %max3A_29 = vector.broadcast %max3A : f32 to vector<1000x512xf32>
    %max3A_30 = arith.maximumf %add3A_28, %max3A_29 : vector<1000x512xf32>
    %reduce_sum3A = arith.constant dense<0.000000e+00> : vector<1000xf32>
    %reduce_sum3A_31 = vector.multi_reduction <add>, %max3A_30, %reduce_sum3A [1] : vector<1000x512xf32> to vector<1000xf32>
    %broadcast_in_dim3A = vector.shape_cast %reduce_sum3A_31 : vector<1000xf32> to vector<1000x1xf32>
    %div3A = arith.constant 5.120000e+02 : f32
    %div3A_32 = vector.broadcast %div3A : f32 to vector<1000x1xf32>
    %div3A_33 = arith.divf %broadcast_in_dim3A, %div3A_32 : vector<1000x1xf32>
    %sub3A = vector.broadcast %div3A_33 : vector<1000x1xf32> to vector<1000x512xf32>
    %sub3A_34 = arith.subf %max3A_30, %sub3A : vector<1000x512xf32>
    %mul3A = arith.mulf %sub3A_34, %sub3A_34 : vector<1000x512xf32>
    %reduce_sum3A_35 = arith.constant dense<0.000000e+00> : vector<1000xf32>
    %reduce_sum3A_36 = vector.multi_reduction <add>, %mul3A, %reduce_sum3A_35 [1] : vector<1000x512xf32> to vector<1000xf32>
    %broadcast_in_dim3A_37 = vector.shape_cast %reduce_sum3A_36 : vector<1000xf32> to vector<1000x1xf32>
    %div3A_38 = arith.constant 5.120000e+02 : f32
    %div3A_39 = vector.broadcast %div3A_38 : f32 to vector<1000x1xf32>
    %div3A_40 = arith.divf %broadcast_in_dim3A_37, %div3A_39 : vector<1000x1xf32>
    %add3A_41 = arith.constant 9.99999971E-10 : f32
    %add3A_42 = vector.broadcast %add3A_41 : f32 to vector<1000x1xf32>
    %add3A_43 = arith.addf %div3A_40, %add3A_42 : vector<1000x1xf32>
    %mul3A_44 = vector.broadcast %get3A_24 : vector<1x512xf32> to vector<1000x512xf32>
    %mul3A_45 = arith.mulf %sub3A_34, %mul3A_44 : vector<1000x512xf32>
    %rsqrt3A = math.rsqrt %add3A_43 : vector<1000x1xf32>
    %mul3A_46 = vector.broadcast %rsqrt3A : vector<1000x1xf32> to vector<1000x512xf32>
    %mul3A_47 = arith.mulf %mul3A_45, %mul3A_46 : vector<1000x512xf32>
    %add3A_48 = vector.broadcast %get3A_27 : vector<1x512xf32> to vector<1000x512xf32>
    %add3A_49 = arith.addf %mul3A_47, %add3A_48 : vector<1000x512xf32>
    %get3A_50 = arith.constant 0 : index
    %get3A_51 = arith.constant 0 : index
    %get3A_52 = vector.load %arg1[%get3A_50, %get3A_51] : memref<1000x512xf32, #tpu.memory_space<vmem>>, vector<1000x512xf32>
    %mul3A_53 = arith.mulf %get3A_52, %get3A_52 : vector<1000x512xf32>
    %reduce_sum3A_54 = arith.constant dense<0.000000e+00> : vector<1000xf32>
    %reduce_sum3A_55 = vector.multi_reduction <add>, %mul3A_53, %reduce_sum3A_54 [1] : vector<1000x512xf32> to vector<1000xf32>
    %broadcast_in_dim3A_56 = vector.shape_cast %reduce_sum3A_55 : vector<1000xf32> to vector<1000x1xf32>
    %mul3A_57 = arith.mulf %add3A_49, %add3A_49 : vector<1000x512xf32>
    %reduce_sum3A_58 = arith.constant dense<0.000000e+00> : vector<1000xf32>
    %reduce_sum3A_59 = vector.multi_reduction <add>, %mul3A_57, %reduce_sum3A_58 [1] : vector<1000x512xf32> to vector<1000xf32>
    %broadcast_in_dim3A_60 = vector.shape_cast %reduce_sum3A_59 : vector<1000xf32> to vector<1000x1xf32>
    %add3A_61 = arith.addf %broadcast_in_dim3A_56, %broadcast_in_dim3A_60 : vector<1000x1xf32>
    %sqrt3A = math.sqrt %add3A_61 : vector<1000x1xf32>
    %max3A_62 = arith.constant 9.99999996E-13 : f32
    %max3A_63 = vector.broadcast %max3A_62 : f32 to vector<1000x1xf32>
    %max3A_64 = arith.maximumf %sqrt3A, %max3A_63 : vector<1000x1xf32>
    %get3A_65 = arith.constant 0 : index
    %get3A_66 = arith.constant 0 : index
    %get3A_67 = vector.load %arg6[%get3A_65, %get3A_66] : memref<1024x128xf32, #tpu.memory_space<vmem>>, vector<512x128xf32>
    %dot_general3A = arith.constant dense<0.000000e+00> : vector<1000x128xf32>
    %dot_general3A_68 = tpu.matmul %get3A_52, %get3A_67, %dot_general3A {dimension_numbers = #tpu.dot_dimension_numbers<[1], [0], [0], [1], [0, 0, 1, 1], [], []>, precision = #tpu.contract_precision<fp32>, transpose_lhs_hint = false} : vector<1000x512xf32>, vector<512x128xf32>, vector<1000x128xf32> -> vector<1000x128xf32>
    %get3A_69 = arith.constant 512 : index
    %get3A_70 = arith.constant 0 : index
    %get3A_71 = vector.load %arg6[%get3A_69, %get3A_70] : memref<1024x128xf32, #tpu.memory_space<vmem>>, vector<512x128xf32>
    %dot_general3A_72 = arith.constant dense<0.000000e+00> : vector<1000x128xf32>
    %dot_general3A_73 = tpu.matmul %add3A_49, %get3A_71, %dot_general3A_72 {dimension_numbers = #tpu.dot_dimension_numbers<[1], [0], [0], [1], [0, 0, 1, 1], [], []>, precision = #tpu.contract_precision<fp32>, transpose_lhs_hint = false} : vector<1000x512xf32>, vector<512x128xf32>, vector<1000x128xf32> -> vector<1000x128xf32>
    %add3A_74 = arith.addf %dot_general3A_68, %dot_general3A_73 : vector<1000x128xf32>
    %div3A_75 = vector.broadcast %max3A_64 : vector<1000x1xf32> to vector<1000x128xf32>
    %div3A_76 = arith.divf %add3A_74, %div3A_75 : vector<1000x128xf32>
    %get3A_77 = arith.constant 0 : index
    %get3A_78 = arith.constant 0 : index
    %get3A_79 = vector.load %arg7[%get3A_77, %get3A_78] : memref<1x128xf32, #tpu.memory_space<vmem>>, vector<1x128xf32>
    %add3A_80 = vector.broadcast %get3A_79 : vector<1x128xf32> to vector<1000x128xf32>
    %add3A_81 = arith.addf %div3A_76, %add3A_80 : vector<1000x128xf32>
    %swap3A = arith.constant 0 : index
    %swap3A_82 = arith.constant 0 : index
    %swap3A_83 = vector.load %arg8[%swap3A, %swap3A_82] : memref<1000x128xf32, #tpu.memory_space<vmem>>, vector<1000x128xf32>
    tpu.vector_store %arg8[%swap3A, %swap3A_82], %add3A_81 {strides = array<i32>} : memref<1000x128xf32, #tpu.memory_space<vmem>>, vector<1000x128xf32>,
    return
  }
  func.func @transform_0(%arg0: i32) -> (i32, i32) {
    %c0_i32 = arith.constant 0 : i32
    %c0_i32_0 = arith.constant 0 : i32
    return %arg0, %c0_i32 : i32, i32
  }
  func.func @transform_1(%arg0: i32) -> (i32, i32, i32) {
    %c0_i32 = arith.constant 0 : i32
    %c0_i32_0 = arith.constant 0 : i32
    %c0_i32_1 = arith.constant 0 : i32
    return %c0_i32, %arg0, %c0_i32_0 : i32, i32, i32
  }
  func.func @transform_2(%arg0: i32) -> (i32, i32) {
    %c0_i32 = arith.constant 0 : i32
    %c0_i32_0 = arith.constant 0 : i32
    %c0_i32_1 = arith.constant 0 : i32
    return %c0_i32, %c0_i32_0 : i32, i32
  }
  func.func @transform_3(%arg0: i32) -> (i32, i32) {
    %c0_i32 = arith.constant 0 : i32
    %c0_i32_0 = arith.constant 0 : i32
    %c0_i32_1 = arith.constant 0 : i32
    return %c0_i32, %c0_i32_0 : i32, i32
  }
  func.func @transform_4(%arg0: i32) -> (i32, i32) {
    %c0_i32 = arith.constant 0 : i32
    %c0_i32_0 = arith.constant 0 : i32
    %c0_i32_1 = arith.constant 0 : i32
    return %c0_i32, %c0_i32_0 : i32, i32
  }
  func.func @transform_5(%arg0: i32) -> (i32, i32) {
    %c0_i32 = arith.constant 0 : i32
    %c0_i32_0 = arith.constant 0 : i32
    %c0_i32_1 = arith.constant 0 : i32
    return %c0_i32, %c0_i32_0 : i32, i32
  }
  func.func @transform_6(%arg0: i32) -> (i32, i32) {
    %c0_i32 = arith.constant 0 : i32
    %c0_i32_0 = arith.constant 0 : i32
    %c0_i32_1 = arith.constant 0 : i32
    return %c0_i32, %c0_i32_0 : i32, i32
  }
  func.func @transform_7(%arg0: i32) -> (i32, i32) {
    %c0_i32 = arith.constant 0 : i32
    %c0_i32_0 = arith.constant 0 : i32
    return %arg0, %c0_i32 : i32, i32
  }
}

</mosaic_0001>

<sc_bundles>
// kernel: kernel.10.cloned.1.call-start
scs
__scs_entry_jumppad:
0x0: {  	(pc) =	sbr.rel $0x88, $3  }
0x1: {  	(tag) =	ssettag $0x0;
	lr =	simm.s32 $0x1  }
0x2: {  	[smem:$0x3F8A] =	sst lr;
	_ =	strace $0xD0000000  }
0x3: {  	_ = 	snop  }
0x4: {  	_ = 	snop  }
0x5: {  	_ = 	snop  }
0x6: {  	_ = 	snop  }
0x7: {  	_ = 	snop  }
__scs_overlays_trampoline_lowered:
0x8: {  	[smem:$0x3F99] =	sst s0  }
0x9: {  	[smem:$0x3F9A] =	sst s1  }
0xa: {  	[smem:$0x3F9B] =	sst s2  }
0xb: {  	[smem:$0x3F9C] =	sst s3  }
0xc: {  	[smem:$0x3F9D] =	sst s4  }
0xd: {  	[smem:$0x3F9E] =	sst s5  }
0xe: {  	[smem:$0x3F9F] =	sst s6  }
0xf: {  	[smem:$0x3FA0] =	sst s7  }
0x10: {  	[smem:$0x3FA1] =	sst s8  }
0x11: {  	[smem:$0x3FA2] =	sst s9;
	s0 =	simm.s32 @!p0 $0x0  }
0x12: {  	s1 =	sld [smem:$0x3F88];
	s0 =	simm.s32 @p0 $0x1  }
0x13: {  	[smem:$0x3FA3] =	sst s0;
	s0 =	simm.s32 @!p1 $0x0  }
0x14: {  	s2 =	sld [smem:$0x3F87];
	s0 =	simm.s32 @p1 $0x1  }
0x15: {  	[smem:$0x3FA4] =	sst s0;
	s0 =	simm.s32 @!p2 $0x0  }
0x16: {  	s3 =	sld [smem:$0x3FDB];
	s0 =	simm.s32 @p2 $0x1  }
0x17: {  	s4 =	simm.s32 $0x1BF5;
	[smem:$0x3FA6] =	sst s0  }
0x18: {  	s0 =	sld [smem:$0x3F89];
	_ =	swait.ge [sflag:s4], $0x0  }
0x19: {  	s7 =	sld [smem:$0x3F8A]  }
0x1a: {  	s8 =	sadd.s32 $0xFFFFE003, lr  }
0x1b: {  	s9 =	sadd.s32 $0xFFFFFEF7, lr;
	s5 =	simm.s32 $0xFFFFFFFF;
	p2 =	slt.u32 s8, $0xFFFFF086  }
0x1c: {  	p1 =	slt.u32 s9, $0xF7A;
	s5 =	simm.s32 @!p2 $0x0  }
0x1d: {  	s5 =	simm.s32 @p1 $0x1;
	p0 =	seq.s32 s7, s2  }
0x1e: {  	s7 =	smul.u32 @!p0 $0xF7A, s2;
	p2 =	seq.s32 @!p0 s5, $0x0  }
0x1f: {  	s9 =	smul.u32 $0xF7A, s1;
	s8 =	simm.s32 @!p0 $0x1BF5;
	p2 =	por !p2, p0  }
0x20: {  	[sflag:s8] =	ssyncset.s32 @!p0 $0xFFFFF086;
	s6 =	sadd.s32 @!p0 s3, s7;
	s7 =	simm.s32 @!p0 $0x108  }
0x21: {  	s3 =	sadd.s32 s3, s9;
	s6 =	sadd.s32 @!p0 $0x88, s6;
	s7 =	simm.s32 @p2 $0x1082  }
0x22: {  	[simem:s7], [sflag:s8] =	dma.local @!p0 [hbm:s6], $0xF7A  }
0x23: {  	s9 =	sor.u32 $0xD0000000, s2;
	s6 =	simm.s32 $0x108;
	_ =	swait.ge @!p0 [sflag:s8], $0x0  }
0x24: {  	s3 =	sadd.s32 $0x88, s3;
	s6 =	simm.s32 @!p1 $0x1082;
	[sflag:s4] =	ssyncset.s32 $0xFFFFF086  }
0x25: {  	[simem:s6], [sflag:s4] =	dma.local [hbm:s3], $0xF7A  }
0x26: {  	[smem:$0x3F8A] =	sst s1;
	(tag) =	ssettag s2;
	_ =	strace s9  }
0x27: {  	s1 =	sld [smem:$0x3F9A]  }
0x28: {  	s2 =	sld [smem:$0x3F9B]  }
0x29: {  	s4 =	sld [smem:$0x3F9D]  }
0x2a: {  	p0 =	seq.s32 s5, $0x0;
	s5 =	sld [smem:$0x3F9E]  }
0x2b: {  	s6 =	sld [smem:$0x3F9F]  }
0x2c: {  	s7 =	sld [smem:$0x3FA0]  }
0x2d: {  	s3 =	simm.s32 $0x108;
	s8 =	sld [smem:$0x3FA1]  }
0x2e: {  	s3 =	simm.s32 @!p0 $0x1082;
	s9 =	sld [smem:$0x3FA2]  }
0x2f: {  	lr =	sadd.s32 s0, s3;
	s0 =	sld [smem:$0x3F99]  }
0x30: {  	s3 =	sld [smem:$0x3F9C]  }
0x31: {  	[smem:$0x3FA5] =	sst s10  }
0x32: {  	s10 =	sld [smem:$0x3FA3];
	_ =	sdelay $0x3  }
0x33: {  	p0 =	seq.s32 s10, $0x1;
	s10 =	sld [smem:$0x3FA5];
	_ =	sdelay $0x3  }
0x34: {  	[smem:$0x3FA5] =	sst s10  }
0x35: {  	s10 =	sld [smem:$0x3FA4];
	_ =	sdelay $0x3  }
0x36: {  	p1 =	seq.s32 s10, $0x1;
	s10 =	sld [smem:$0x3FA5];
	_ =	sdelay $0x3  }
0x37: {  	[smem:$0x3FA5] =	sst s10  }
0x38: {  	s10 =	sld [smem:$0x3FA6]  }
0x39: {  	_ = 	snop;
	(pc) =	sbr.ind lr, $3  }
0x3a: {  	_ = 	snop  }
0x3b: {  	_ = 	snop  }
0x3c: {  	p2 =	seq.s32 s10, $0x1;
	s10 =	sld [smem:$0x3FA5]  }
0x3d: {  	_ =	shalt  }
0x3e: {  	_ =	shalt  }
0x3f: {  	_ =	shalt  }
0x40: {  	_ =	shalt  }
0x41: {  	_ =	shalt  }
0x42: {  	_ =	shalt  }
0x43: {  	_ =	shalt  }
0x44: {  	_ =	shalt  }
0x45: {  	_ =	shalt  }
0x46: {  	_ =	shalt  }
0x47: {  	_ =	shalt  }
0x48: {  	_ =	shalt  }
0x49: {  	_ =	shalt  }
0x4a: {  	_ =	shalt  }
0x4b: {  	_ =	shalt  }
0x4c: {  	_ =	shalt  }
0x4d: {  	_ =	shalt  }
0x4e: {  	_ =	shalt  }
0x4f: {  	_ =	shalt  }
0x50: {  	_ =	shalt  }
0x51: {  	_ =	shalt  }
0x52: {  	_ =	shalt  }
0x53: {  	_ =	shalt  }
0x54: {  	_ =	shalt  }
0x55: {  	_ =	shalt  }
0x56: {  	_ =	shalt  }
0x57: {  	_ =	shalt  }
0x58: {  	_ =	shalt  }
0x59: {  	_ =	shalt  }
0x5a: {  	_ =	shalt  }
0x5b: {  	_ =	shalt  }
0x5c: {  	_ =	shalt  }
0x5d: {  	_ =	shalt  }
0x5e: {  	_ =	shalt  }
0x5f: {  	_ =	shalt  }
0x60: {  	_ =	shalt  }
0x61: {  	_ =	shalt  }
0x62: {  	_ =	shalt  }
0x63: {  	_ =	shalt  }
0x64: {  	_ =	shalt  }
0x65: {  	_ =	shalt  }
0x66: {  	_ =	shalt  }
0x67: {  	_ =	shalt  }
0x68: {  	_ =	shalt  }
0x69: {  	_ =	shalt  }
0x6a: {  	_ =	shalt  }
0x6b: {  	_ =	shalt  }
0x6c: {  	_ =	shalt  }
0x6d: {  	_ =	shalt  }
0x6e: {  	_ =	shalt  }
0x6f: {  	_ =	shalt  }
0x70: {  	_ =	shalt  }
0x71: {  	_ =	shalt  }
0x72: {  	_ =	shalt  }
0x73: {  	_ =	shalt  }
0x74: {  	_ =	shalt  }
0x75: {  	_ =	shalt  }
0x76: {  	_ =	shalt  }
0x77: {  	_ =	shalt  }
0x78: {  	_ =	shalt  }
0x79: {  	_ =	shalt  }
0x7a: {  	_ =	shalt  }
0x7b: {  	_ =	shalt  }
0x7c: {  	_ =	shalt  }
0x7d: {  	_ =	shalt  }
0x7e: {  	_ =	shalt  }
0x7f: {  	_ =	shalt  }
0x80: {  	_ =	shalt  }
0x81: {  	_ =	shalt  }
0x82: {  	_ =	shalt  }
0x83: {  	_ =	shalt  }
0x84: {  	_ =	shalt  }
0x85: {  	_ =	shalt  }
0x86: {  	_ =	shalt  }
0x87: {  	_ =	shalt  }
.Lfunc_end0:
.L_simem_size_0:
called_computation.1_lowered:
.L_overlay_start_0:
0x88: {  	s2 =	sld [smem:$0x3FD9]  }
0x89: {  	s3 =	sld [smem:$0x3FFE];
	_ =	sdelay $0x1  }
0x8a: {  	s1 =	srdreg.scid  }
0x8b: {  	s0 =	sand.u32 $0x1, s1  }
0x8c: {  	s14 =	sshll.u32 s0, $0xA;
	s2 =	sadd.s32 s3, s2  }
0x8d: {  	s2 =	sadd.s32 s2, s14  }
0x8e: {  	[smem:$0x3FB1] =	sst s2  }
0x8f: {  	_ = 	snop  }
0x90: {  	s2 =	sld [smem:$0x3FD0];
	_ =	sdelay $0x2  }
0x91: {  	s15 =	simm.s32 $0xA;
	s4 =	simm.s32 $0x10  }
0x92: {  	[smem:s4], [sflag:s15] =	dma.local [hbm:s2], $0x1  }
0x93: {  	_ =	swait.eq [sflag:s15], $0x1  }
0x94: {  	[sflag:s15] =	ssyncset.done $0x0  }
0x95: {  	s16 =	sld [smem:$0x10];
	[sflag:s15] =	ssyncadd.s32 $0xFFFFFFFF  }
0x96: {  	s17 =	sld [smem:$0x12];
	(tm) =	ssettm $0x1  }
0x97: {  	s18 =	sld [smem:$0x3FFB];
	_ =	sdelay $0x3  }
0x98: {  	_ =	strace s18  }
0x99: {  	s4 =	sld [smem:$0x3FFC];
	_ =	sdelay $0x3  }
0x9a: {  	_ =	strace s4  }
0x9b: {  	s4 =	sld [smem:$0x3FFD];
	_ =	sdelay $0x3  }
0x9c: {  	_ =	strace s4  }
0x9d: {  	_ =	strace $0x8FFFFFFF  }
0x9e: {  	s19 =	sld [smem:$0x3FDB];
	_ =	sdelay $0x1  }
0x9f: {  	s5 =	simm.s32 $_scs_section_size  }
0xa0: {  	s6 =	simm.s32 $_size__tile_overlayer_lowered;
	s7 =	simm.s32 $_tile_overlayer_lowered  }
0xa1: {  	s22 =	simm.s32 $0x1BFF;
	s21 =	sshll.u32 s7, $0x1;
	s4 =	sadd.s32 s5, s19  }
0xa2: {  	s8 =	simm.s32 $0x0;
	s20 =	sshll.u32 s6, $0x1;
	s6 =	sadd.s32 s21, s4  }
0xa3: {  	[timem:s8], [sflag:s22] =	dma.local [hbm:s6], s20  }
0xa4: {  	_ =	swait.ge [sflag:s22], s20  }
0xa5: {  	s5 =	ssub.s32 $0x0, s20;
	[sflag:s22] =	ssyncset.done $0x0  }
0xa6: {  	[sflag:s22] =	ssyncadd.s32 s5;
	_ =	sdelay $0x1  }
0xa7: {  	s23 =	simm.s32 $0x1B8B  }
0xa8: {  	_ =	swait.ge [sflag:s23], $0x1  }
0xa9: {  	[sflag:s23] =	ssyncset.done $0x0  }
0xaa: {  	s25 =	simm.s32 $0x1B8E;
	s24 =	sld [smem:$0x3FFE];
	[sflag:s23] =	ssyncadd.s32 $0xFFFFFFFF  }
0xab: {  	s26 =	simm.s32 $execute0_lowered;
	[smem:$0x3FD2] =	sst s25  }
0xac: {  	s6 =	sshll.u32 s26, $0x1;
	_ =	strace $0x80000049;
	[dreg:$0x1] =	wrdreg $0xFFFFFFFF  }
0xad: {  	s28 =	simm.s32 $_size_execute0_lowered;
	s4 =	sadd.s32 s4, s6;
	[dreg:$0x0] =	wrdreg $0x0  }
0xae: {  	s6 =	sshll.u32 s28, $0x1;
	[dreg:$0x2] =	wrdreg s4  }
0xaf: {  	[dreg:$0x3] =	wrdreg s6  }
0xb0: {  	[dreg:$0x4] =	wrdreg $0xC0  }
0xb1: {  	_ =	task [dreg:s8], $0x5FFFF  }
0xb2: {  	[dreg:$0x1] =	wrdreg $0xFFFFFFFF  }
0xb3: {  	[dreg:$0x0] =	wrdreg $0x60  }
0xb4: {  	[dreg:$0x2] =	wrdreg s24  }
0xb5: {  	[dreg:$0x3] =	wrdreg s17  }
0xb6: {  	[dreg:$0x4] =	wrdreg s16  }
0xb7: {  	[dreg:$0x5] =	wrdreg $0xC0000  }
0xb8: {  	[dreg:$0x6] =	wrdreg $0x9  }
0xb9: {  	_ =	task.clear_ibuf [dreg:s8], $0x7FFFF;
	_ =	strace $0x90000049  }
0xba: {  	s29 =	simm.s32 $0x9;
	_ =	strace $0x8000004B  }
0xbb: {  	_ =	swait.ge [sflag:s29], $0x1  }
0xbc: {  	[sflag:s29] =	ssyncadd.s32 $0xFFFFFFFF  }
0xbd: {  	_ =	strace $0x9000004B  }
0xbe: {  	_ =	sfence  }
0xbf: {  	s30 =	sld [smem:$0x0];
	_ =	sdelay $0x2  }
0xc0: {  	s31 =	sshll.u32 s1, $0xD;
	s1 =	sshrl.u32 s1, $0x2  }
0xc1: {  	s3 =	sand.u32 $0x4000, s31;
	s1 =	sadd.s32 s1, s30  }
0xc2: {  	s0 =	sor.u32 s3, s0;
	s1 =	sshll.u32 s1, $0x11  }
0xc3: {  	s0 =	sor.u32 s1, s0  }
0xc4: {  	s0 =	sadd.s32 $0x8F2B, s0  }
0xc5: {  	[sflag:s0] =	ssyncadd.remote.s32 $0x1  }
0xc6: {  	_ =	sfence.sel $0xFFFF  }
0xc7: {  	[dreg:$0x0] =	wrdreg $0xFFFFFFFF;
	(pc) =	sbr.abs _section_cstart, $3  }
0xc8: {  	[dreg:$0x1] =	wrdreg $0xFFFFFFFF  }
0xc9: {  	_ =	task.clear_ibuf [dreg:s8], $0x2FFFF;
	_ =	strace $0x9FFFFFFF  }
0xca: {  	(tm) =	ssettm $0x7FFFFFFF  }
0xcb: {  	_ =	shalt  }
tec
execute0_lowered:
.L_overlay_start_1:
0x0: {  	(tag) =	ssettag $0x1  }
0x1: {  	s0 =	rddreg [dreg:$0x0]  }
0x2: {  	s5 =	rddreg [dreg:$0x1]  }
0x3: {  	s6 =	rddreg [dreg:$0x2]  }
0x4: {  	s2 =	rddreg [dreg:$0x3]  }
0x5: {  	s3 =	simm.s32 $0x0;
	s1 =	stileid.u32;
	s8 =	srdreg.scid  }
0x6: {  	s17 =	simm.s32 $0x5000;
	s18 =	simm.s32 $0x80;
	s7 =	smul.u32 $0x5000, s1  }
0x7: {  	s19 =	simm.s32 $0x2;
	s20 =	simm.s32 $0x1;
	s31 =	smul.u32 $0x28000, s1  }
0x8: {  	[smem:$0x7FF] =	sst s3;
	s4 =	sadd.s32 $0x95000, s0;
	s9 =	smul.u32 $0x500, s1  }
0x9: {  	s21 =	sand.u32 $0x1, s8;
	s13 =	smul.u32 $0xA000, s1;
	_ =	strace $0x8000004A  }
0xa: {  	s8 =	ssub.s32 $0x2, s21;
	s15 =	smul.u32 $0x14000, s21;
	s22 =	sor.u32 $0x2, s21  }
0xb: {  	s12 =	sadd.s32 s7, s0;
	s0 =	sadd.s32 $0xF5000, s0;
	s10 =	sshrl.u32 s8, $0x1  }
0xc: {  	s7 =	sshrl.u32 s31, $0x2;
	s5 =	sadd.s32 s5, s9;
	s6 =	sadd.s32 s6, s9  }
0xd: {  	s16 =	smul.u32 $0x14000, s22;
	s24 =	sshrl.u32 s13, $0x3;
	s14 =	ssub.s32 s8, s10  }
0xe: {  	s11 =	sadd.s32 s7, s2;
	s7 =	sadd.s32 s13, s2;
	s12 =	sadd.s32 $0x315000, s12  }
0xf: {  	s23 =	sadd.s32 s0, s15;
	s8 =	sadd.s32 $0x2000, s11;
	s9 =	sadd.s32 $0x4000, s11  }
0x10: {  	s10 =	sadd.s32 $0x6000, s11;
	s11 =	sadd.s32 $0x8000, s11;
	s0 =	sadd.s32 s0, s16  }
0x11: {  	s13 =	smax.u32 s14, $0x1;
	s14 =	simm.s32 $0x3;
	s16 =	simm.s32 $0x8000  }
0x12: {  	v2 =	vimm.f32 $0.0e+00;
	v0 =	vmov s21;
	v1 =	vmov s22;
	s21 =	sadd.s32 s24, s23;
	s23 =	simm.s32 $0x0;
	s22 =	sadd.s32 s24, s0  }
.LBB2_1:
0x13: {  	[tilespmem:s3], [sflag:$0x3] =	stream.linear.gather [hbm4b:s5+s3], $0x2800, $0x38;
	[tilespmem:$0x16000] =	vst v63  }
0x14: {  	_ =	swait.ge [sflag:s14], $0x2800  }
0x15: {  	[sflag:s14] =	ssyncset.done $0x0  }
0x16: {  	s0 =	simm.s32 $0x2800;
	[sflag:s14] =	ssyncadd.s32 $0xFFFFD800  }
0x17: {  	[tilespmem:s0], [sflag:$0x3] =	stream.linear.gather [hbm4b:s6+s3], $0x2800, $0x38;
	[tilespmem:$0x16000] =	vst v63  }
0x18: {  	_ =	swait.ge [sflag:s14], $0x2800  }
0x19: {  	[sflag:s14] =	ssyncset.done $0x0  }
0x1a: {  	s25 =	simm.s32 $0x0;
	[sflag:s14] =	ssyncadd.s32 $0xFFFFD800  }
0x1b: {  	v3 =	vld [tilespmem:s25+$0x70]  }
0x1c: {  	v5 =	vld [tilespmem:s25+$0x0]  }
0x1d: {  	v9 =	vld [tilespmem:s25+$0x10]  }
0x1e: {  	v7 =	vld [tilespmem:s25+$0x20]  }
0x1f: {  	v6 =	vld [tilespmem:s25+$0x30]  }
0x20: {  	v4 =	vld [tilespmem:s25+$0x40];
	v8 =	vshll.u32 v3, $0x2  }
0x21: {  	v3 =	vld [tilespmem:s25+$0x50];
	v10 =	vshll.u32 v5, $0x2;
	v11 =	vor.u32 v0, v8  }
0x22: {  	s24 =	simm.s32 $0x80;
	s26 =	simm.s32 $0x400;
	v5 =	vld [tilespmem:s25+$0x60];
	v9 =	vshll.u32 v9, $0x2;
	v8 =	vor.u32 v0, v10;
	[tilespmem:s25+$0x5870] =	vst v11  }
.LBB2_2:
0x23: {  	p0 =	sne.s32 s26, $0x9E00;
	v10 =	vld [tilespmem:s24+$0x70];
	[tilespmem:s25+$0x5800] =	vst v8;
	v8 =	vor.u32 v0, v9;
	v7 =	vshll.u32 v7, $0x2  }
0x24: {  	v9 =	vld [tilespmem:s24+$0x0];
	[tilespmem:s25+$0x5810] =	vst v8;
	v7 =	vor.u32 v0, v7;
	v6 =	vshll.u32 v6, $0x2  }
0x25: {  	v11 =	vld [tilespmem:s24+$0x10];
	[tilespmem:s25+$0x5820] =	vst v7;
	v6 =	vor.u32 v0, v6;
	v4 =	vshll.u32 v4, $0x2  }
.Ltmp0:
0x26: {  	v7 =	vld [tilespmem:s24+$0x20];
	[tilespmem:s25+$0x5830] =	vst v6;
	v4 =	vor.u32 v0, v4;
	v3 =	vshll.u32 v3, $0x2;
	(pc) =	sbr.rel @p0 .LBB2_2-.Ltmp0, $4  }
0x27: {  	v6 =	vld [tilespmem:s24+$0x30];
	[tilespmem:s25+$0x5840] =	vst v4;
	v3 =	vor.u32 v0, v3;
	v5 =	vshll.u32 v5, $0x2  }
0x28: {  	v4 =	vld [tilespmem:s24+$0x40];
	v8 =	vshll.u32 v10, $0x2;
	[tilespmem:s25+$0x5850] =	vst v3;
	v5 =	vor.u32 v0, v5  }
0x29: {  	v9 =	vshll.u32 v9, $0x2;
	v3 =	vld [tilespmem:s24+$0x50];
	v10 =	vor.u32 v0, v8;
	[tilespmem:s25+$0x5860] =	vst v5;
	s25 =	smov.u32 s24  }
0x2a: {  	s24 =	sshra.s32 s26, $0x2;
	s26 =	sadd.s32 $0x200, s26;
	v8 =	vor.u32 v0, v9;
	v9 =	vshll.u32 v11, $0x2;
	v5 =	vld [tilespmem:s25+$0x60];
	[tilespmem:s25+$0x5870] =	vst v10  }
0x2b: {  	v10 =	vld [tilespmem:s24+$0x70];
	[tilespmem:s25+$0x5800] =	vst v8;
	v57 =	vor.u32 v0, v9;
	v7 =	vshll.u32 v7, $0x2  }
0x2c: {  	v58 =	vld [tilespmem:s24+$0x0];
	[tilespmem:s25+$0x5810] =	vst v57;
	v7 =	vor.u32 v0, v7;
	v6 =	vshll.u32 v6, $0x2  }
0x2d: {  	v8 =	vld [tilespmem:s24+$0x10];
	[tilespmem:s25+$0x5820] =	vst v7;
	v6 =	vor.u32 v0, v6;
	v4 =	vshll.u32 v4, $0x2  }
0x2e: {  	v7 =	vld [tilespmem:s24+$0x20];
	[tilespmem:s25+$0x5830] =	vst v6;
	v4 =	vor.u32 v0, v4;
	v3 =	vshll.u32 v3, $0x2  }
0x2f: {  	v6 =	vld [tilespmem:s24+$0x30];
	[tilespmem:s25+$0x5840] =	vst v4;
	v3 =	vor.u32 v0, v3;
	v5 =	vshll.u32 v5, $0x2  }
0x30: {  	v4 =	vld [tilespmem:s24+$0x40];
	[tilespmem:s25+$0x5850] =	vst v3;
	v3 =	vor.u32 v0, v5;
	v10 =	vshll.u32 v10, $0x2  }
0x31: {  	v59 =	vld [tilespmem:s24+$0x50];
	[tilespmem:s25+$0x5860] =	vst v3;
	v3 =	vshll.u32 v58, $0x2;
	v60 =	vor.u32 v0, v10  }
0x32: {  	v61 =	vld [tilespmem:s24+$0x60];
	v3 =	vor.u32 v0, v3;
	v8 =	vshll.u32 v8, $0x2;
	[tilespmem:s24+$0x5870] =	vst v60  }
0x33: {  	[tilespmem:s24+$0x5800] =	vst v3;
	v3 =	vor.u32 v0, v8;
	v7 =	vshll.u32 v7, $0x2  }
0x34: {  	[tilespmem:s24+$0x5810] =	vst v3;
	v3 =	vor.u32 v0, v7;
	v6 =	vshll.u32 v6, $0x2  }
0x35: {  	[tilespmem:s24+$0x5820] =	vst v3;
	v3 =	vor.u32 v0, v6;
	v4 =	vshll.u32 v4, $0x2  }
0x36: {  	[tilespmem:s24+$0x5830] =	vst v3;
	v3 =	vor.u32 v0, v4;
	v62 =	vshll.u32 v59, $0x2  }
0x37: {  	[tilespmem:s24+$0x5840] =	vst v3;
	v3 =	vor.u32 v0, v62;
	v63 =	vshll.u32 v61, $0x2  }
0x38: {  	[tilespmem:s24+$0x5850] =	vst v3;
	v3 =	vor.u32 v0, v63  }
0x39: {  	s0 =	simm.s32 $0x0;
	[tilespmem:s24+$0x5860] =	vst v3;
	s24 =	simm.s32 $0x100  }
.LBB2_4:
0x3a: {  	p0 =	sne.s32 s24, $0x7F00;
	[tilespmem:s0+$0x8030] =	vst v2;
	s25 =	smov.u32 s24;
	s24 =	sadd.s32 $0x100, s24  }
.Ltmp1:
0x3b: {  	[tilespmem:s0+$0x8020] =	vst v2;
	(pc) =	sbr.rel @p0 .LBB2_4-.Ltmp1, $3  }
0x3c: {  	[tilespmem:s0+$0x8000] =	vst v2  }
0x3d: {  	[tilespmem:s0+$0x8010] =	vst v2;
	_ =	sdelay $0x1  }
0x3e: {  	s0 =	sshra.s32 s25, $0x2  }
0x3f: {  	[tilespmem:s0+$0x8030] =	vst v2  }
0x40: {  	[tilespmem:s0+$0x8020] =	vst v2  }
0x41: {  	[tilespmem:s0+$0x8000] =	vst v2  }
0x42: {  	[tilespmem:s0+$0x8010] =	vst v2  }
0x43: {  	[spmem:s7] =	stream.linear.scatter [tilespmem:s16], [sflag:$0x3], $0x2000, $0x38;
	[tilespmem:$0x16000] =	vst v63  }
0x44: {  	_ =	swait.ge [sflag:s14], $0x2000  }
0x45: {  	[sflag:s14] =	ssyncset.done $0x0  }
0x46: {  	[sflag:s14] =	ssyncadd.s32 $0xFFFFE000  }
0x47: {  	[spmem:s8] =	stream.linear.scatter [tilespmem:s16], [sflag:$0x3], $0x2000, $0x38;
	[tilespmem:$0x16000] =	vst v63  }
0x48: {  	_ =	swait.ge [sflag:s14], $0x2000  }
0x49: {  	[sflag:s14] =	ssyncset.done $0x0  }
0x4a: {  	[sflag:s14] =	ssyncadd.s32 $0xFFFFE000  }
0x4b: {  	[spmem:s9] =	stream.linear.scatter [tilespmem:s16], [sflag:$0x3], $0x2000, $0x38;
	[tilespmem:$0x16000] =	vst v63  }
0x4c: {  	_ =	swait.ge [sflag:s14], $0x2000  }
0x4d: {  	[sflag:s14] =	ssyncset.done $0x0  }
0x4e: {  	[sflag:s14] =	ssyncadd.s32 $0xFFFFE000  }
0x4f: {  	[spmem:s10] =	stream.linear.scatter [tilespmem:s16], [sflag:$0x3], $0x2000, $0x38;
	[tilespmem:$0x16000] =	vst v63  }
0x50: {  	_ =	swait.ge [sflag:s14], $0x2000  }
0x51: {  	[sflag:s14] =	ssyncset.done $0x0  }
0x52: {  	[sflag:s14] =	ssyncadd.s32 $0xFFFFE000  }
0x53: {  	[spmem:s11] =	stream.linear.scatter [tilespmem:s16], [sflag:$0x3], $0x2000, $0x38;
	[tilespmem:$0x16000] =	vst v63  }
0x54: {  	_ =	swait.ge [sflag:s14], $0x2000  }
0x55: {  	[sflag:s14] =	ssyncset.done $0x0  }
0x56: {  	[sflag:s14] =	ssyncadd.s32 $0xFFFFE000  }
0x57: {  	s24 =	simm.s32 $0x0;
	s25 =	simm.s32 $0x0;
	[bflag:$0x0] =	sbarrier.arrive $0xFFFF  }
.LBB2_6:
0x58: {  	s0 =	sshll.u32 s25, $0x8  }
0x59: {  	s26 =	sshll.u32 s25, $0x7;
	s0 =	sadd.s32 s0, s12  }
0x5a: {  	[tilespmem:s17], [sflag:$0x2] =	stream.linear.gather [hbm4b:s0+s24], $0x800, $0x38;
	[tilespmem:$0x16000] =	vst v63  }
0x5b: {  	s15 =	sadd.s32 $0x5800, s26  }
0x5c: {  	[tilespmem:s16], [sflag:$0x1] =	stream.indirect.gather [hbm4b:s4+s18], $0x40, s15, s18, $0xb8;
	[tilespmem:$0x16000] =	vst v63  }
0x5d: {  	_ =	swait.ge [sflag:s19], $0x800  }
0x5e: {  	[sflag:s19] =	ssyncset.done $0x0  }
0x5f: {  	[sflag:s19] =	ssyncadd.s32 $0xFFFFF800  }
0x60: {  	_ =	swait.ge [sflag:s20], $0x2000  }
0x61: {  	[sflag:s20] =	ssyncset.done $0x0  }
0x62: {  	s28 =	simm.s32 $0x8020;
	[sflag:s20] =	ssyncadd.s32 $0xFFFFE000  }
0x63: {  	v3 =	vld [tilespmem:s28+$0xFFFFFFF0]  }
0x64: {  	v5 =	vld [tilespmem:s28+$0x10]  }
0x65: {  	s31 =	simm.s32 $0x0;
	v4 =	vld [tilespmem:s28+$0xFFFFFFE0]  }
0x66: {  	v7 =	vld [tilespmem:s31+$0x5000]  }
0x67: {  	v8 =	vld [tilespmem:s28+$0x0];
	_ =	sdelay $0x3  }
0x68: {  	v4 =	vmul.f32 v4, v7;
	v6 =	vmul.f32 v5, v7  }
0x69: {  	s29 =	simm.s32 $0x40;
	s30 =	simm.s32 $0x8020;
	v5 =	vmul.f32 v3, v7;
	v3 =	vmul.f32 v8, v7  }
.LBB2_7:
0x6a: {  	p0 =	sne.s32 s29, $0x1FC0  }
0x6b: {  	[tilespmem:s28+$0x10] =	vst v6;
	s30 =	sadd.s32 $0x40, s30;
	s0 =	smov.u32 s29;
	s29 =	sadd.s32 $0x40, s29  }
0x6c: {  	v7 =	vld [tilespmem:s30+$0xFFFFFFF0];
	[tilespmem:s28+$0xFFFFFFE0] =	vst v4  }
0x6d: {  	v6 =	vld [tilespmem:s30+$0x10];
	[tilespmem:s28+$0xFFFFFFF0] =	vst v5  }
0x6e: {  	s0 =	sshra.s32 s0, $0x2;
	v4 =	vld [tilespmem:s30+$0xFFFFFFE0];
	[tilespmem:s28+$0x0] =	vst v3;
	s28 =	smov.u32 s30  }
0x6f: {  	v3 =	vld [tilespmem:s0+$0x5000]  }
0x70: {  	v8 =	vld [tilespmem:s30+$0x0]  }
.Ltmp2:
0x71: {  	(pc) =	sbr.rel @p0 .LBB2_7-.Ltmp2, $3  }
0x72: {  	_ =	sdelay $0x1  }
0x73: {  	v4 =	vmul.f32 v4, v3;
	v6 =	vmul.f32 v6, v3  }
0x74: {  	v5 =	vmul.f32 v7, v3;
	v3 =	vmul.f32 v8, v3  }
0x75: {  	[tilespmem:s28+$0x10] =	vst v6  }
0x76: {  	[tilespmem:s28+$0xFFFFFFE0] =	vst v4;
	s25 =	sadd.s32 $0x1, s25  }
0x77: {  	[tilespmem:s28+$0xFFFFFFF0] =	vst v5;
	p0 =	sne.s32 s25, $0x50  }
.Ltmp3:
0x78: {  	s0 =	sadd.s32 $0x2800, s26;
	[tilespmem:s28+$0x0] =	vst v3;
	(pc) =	sbr.rel @p0 .LBB2_6-.Ltmp3, $4  }
0x79: {  	[spmem:s2] =	stream.indirect.scatter.add.f32 [tilespmem:s16], [sflag:$0x3], $0x40, s0, s18, $0xb8;
	[tilespmem:$0x16000] =	vst v63  }
0x7a: {  	_ =	swait.ge [sflag:s14], $0x2000  }
0x7b: {  	[sflag:s14] =	ssyncset.done $0x0  }
0x7c: {  	[sflag:s14] =	ssyncadd.s32 $0xFFFFE000  }
0x7d: {  	s0 =	sshll.u32 s1, $0x6  }
0x7e: {  	[bflag:$0x0] =	sbarrier.arrive $0xFFFF;
	s25 =	sshrl.u32 s7, $0x3;
	s24 =	sor.u32 $0x1C03, s0  }
0x7f: {  	[hbm:s21], [sflag:s24] =	dma.local [spmem:s25], $0x1400  }
0x80: {  	_ =	swait.ge [sflag:s14], $0x1400  }
0x81: {  	[sflag:s14] =	ssyncset.done $0x0  }
0x82: {  	s28 =	simm.s32 $0x0;
	[sflag:s14] =	ssyncadd.s32 $0xFFFFEC00  }
0x83: {  	v3 =	vld [tilespmem:s28+$0x70]  }
0x84: {  	v5 =	vld [tilespmem:s28+$0x0]  }
0x85: {  	v9 =	vld [tilespmem:s28+$0x10]  }
0x86: {  	v7 =	vld [tilespmem:s28+$0x20]  }
0x87: {  	v6 =	vld [tilespmem:s28+$0x30]  }
0x88: {  	v4 =	vld [tilespmem:s28+$0x40];
	v8 =	vshll.u32 v3, $0x2  }
0x89: {  	v3 =	vld [tilespmem:s28+$0x50];
	v10 =	vshll.u32 v5, $0x2;
	v11 =	vor.u32 v1, v8  }
0x8a: {  	s26 =	simm.s32 $0x80;
	s29 =	simm.s32 $0x400;
	v5 =	vld [tilespmem:s28+$0x60];
	v9 =	vshll.u32 v9, $0x2;
	v8 =	vor.u32 v1, v10;
	[tilespmem:s28+$0x5870] =	vst v11  }
.LBB2_10:
0x8b: {  	p0 =	sne.s32 s29, $0x9E00;
	v10 =	vld [tilespmem:s26+$0x70];
	[tilespmem:s28+$0x5800] =	vst v8;
	v8 =	vor.u32 v1, v9;
	v7 =	vshll.u32 v7, $0x2  }
0x8c: {  	v9 =	vld [tilespmem:s26+$0x0];
	[tilespmem:s28+$0x5810] =	vst v8;
	v7 =	vor.u32 v1, v7;
	v6 =	vshll.u32 v6, $0x2  }
0x8d: {  	v11 =	vld [tilespmem:s26+$0x10];
	[tilespmem:s28+$0x5820] =	vst v7;
	v6 =	vor.u32 v1, v6;
	v4 =	vshll.u32 v4, $0x2  }
.Ltmp4:
0x8e: {  	v7 =	vld [tilespmem:s26+$0x20];
	[tilespmem:s28+$0x5830] =	vst v6;
	v4 =	vor.u32 v1, v4;
	v3 =	vshll.u32 v3, $0x2;
	(pc) =	sbr.rel @p0 .LBB2_10-.Ltmp4, $4  }
0x8f: {  	v6 =	vld [tilespmem:s26+$0x30];
	[tilespmem:s28+$0x5840] =	vst v4;
	v3 =	vor.u32 v1, v3;
	v5 =	vshll.u32 v5, $0x2  }
0x90: {  	v4 =	vld [tilespmem:s26+$0x40];
	v8 =	vshll.u32 v10, $0x2;
	[tilespmem:s28+$0x5850] =	vst v3;
	v5 =	vor.u32 v1, v5  }
0x91: {  	v9 =	vshll.u32 v9, $0x2;
	v3 =	vld [tilespmem:s26+$0x50];
	v10 =	vor.u32 v1, v8;
	[tilespmem:s28+$0x5860] =	vst v5;
	s28 =	smov.u32 s26  }
0x92: {  	s26 =	sshra.s32 s29, $0x2;
	s29 =	sadd.s32 $0x200, s29;
	v8 =	vor.u32 v1, v9;
	v9 =	vshll.u32 v11, $0x2;
	v5 =	vld [tilespmem:s28+$0x60];
	[tilespmem:s28+$0x5870] =	vst v10  }
0x93: {  	v10 =	vld [tilespmem:s26+$0x70];
	[tilespmem:s28+$0x5800] =	vst v8;
	v57 =	vor.u32 v1, v9;
	v7 =	vshll.u32 v7, $0x2  }
0x94: {  	v58 =	vld [tilespmem:s26+$0x0];
	[tilespmem:s28+$0x5810] =	vst v57;
	v7 =	vor.u32 v1, v7;
	v6 =	vshll.u32 v6, $0x2  }
0x95: {  	v8 =	vld [tilespmem:s26+$0x10];
	[tilespmem:s28+$0x5820] =	vst v7;
	v6 =	vor.u32 v1, v6;
	v4 =	vshll.u32 v4, $0x2  }
0x96: {  	v7 =	vld [tilespmem:s26+$0x20];
	[tilespmem:s28+$0x5830] =	vst v6;
	v4 =	vor.u32 v1, v4;
	v3 =	vshll.u32 v3, $0x2  }
0x97: {  	v6 =	vld [tilespmem:s26+$0x30];
	[tilespmem:s28+$0x5840] =	vst v4;
	v3 =	vor.u32 v1, v3;
	v5 =	vshll.u32 v5, $0x2  }
0x98: {  	v4 =	vld [tilespmem:s26+$0x40];
	[tilespmem:s28+$0x5850] =	vst v3;
	v3 =	vor.u32 v1, v5;
	v10 =	vshll.u32 v10, $0x2  }
0x99: {  	v59 =	vld [tilespmem:s26+$0x50];
	[tilespmem:s28+$0x5860] =	vst v3;
	v3 =	vshll.u32 v58, $0x2;
	v60 =	vor.u32 v1, v10  }
0x9a: {  	v61 =	vld [tilespmem:s26+$0x60];
	v3 =	vor.u32 v1, v3;
	v8 =	vshll.u32 v8, $0x2;
	[tilespmem:s26+$0x5870] =	vst v60  }
0x9b: {  	[tilespmem:s26+$0x5800] =	vst v3;
	v3 =	vor.u32 v1, v8;
	v7 =	vshll.u32 v7, $0x2  }
0x9c: {  	[tilespmem:s26+$0x5810] =	vst v3;
	v3 =	vor.u32 v1, v7;
	v6 =	vshll.u32 v6, $0x2  }
0x9d: {  	[tilespmem:s26+$0x5820] =	vst v3;
	v3 =	vor.u32 v1, v6;
	v4 =	vshll.u32 v4, $0x2  }
0x9e: {  	[tilespmem:s26+$0x5830] =	vst v3;
	v3 =	vor.u32 v1, v4;
	v62 =	vshll.u32 v59, $0x2  }
0x9f: {  	[tilespmem:s26+$0x5840] =	vst v3;
	v3 =	vor.u32 v1, v62;
	v63 =	vshll.u32 v61, $0x2  }
0xa0: {  	[tilespmem:s26+$0x5850] =	vst v3;
	v3 =	vor.u32 v1, v63  }
0xa1: {  	s0 =	simm.s32 $0x0;
	[tilespmem:s26+$0x5860] =	vst v3;
	s26 =	simm.s32 $0x100  }
.LBB2_12:
0xa2: {  	p0 =	sne.s32 s26, $0x7F00;
	[tilespmem:s0+$0x8030] =	vst v2;
	s28 =	smov.u32 s26;
	s26 =	sadd.s32 $0x100, s26  }
.Ltmp5:
0xa3: {  	[tilespmem:s0+$0x8020] =	vst v2;
	(pc) =	sbr.rel @p0 .LBB2_12-.Ltmp5, $3  }
0xa4: {  	[tilespmem:s0+$0x8000] =	vst v2  }
0xa5: {  	[tilespmem:s0+$0x8010] =	vst v2;
	_ =	sdelay $0x1  }
0xa6: {  	s0 =	sshra.s32 s28, $0x2  }
0xa7: {  	[tilespmem:s0+$0x8030] =	vst v2  }
0xa8: {  	[tilespmem:s0+$0x8020] =	vst v2  }
0xa9: {  	[tilespmem:s0+$0x8000] =	vst v2  }
0xaa: {  	[tilespmem:s0+$0x8010] =	vst v2  }
0xab: {  	[spmem:s7] =	stream.linear.scatter [tilespmem:s16], [sflag:$0x3], $0x2000, $0x38;
	[tilespmem:$0x16000] =	vst v63  }
0xac: {  	_ =	swait.ge [sflag:s14], $0x2000  }
0xad: {  	[sflag:s14] =	ssyncset.done $0x0  }
0xae: {  	[sflag:s14] =	ssyncadd.s32 $0xFFFFE000  }
0xaf: {  	[spmem:s8] =	stream.linear.scatter [tilespmem:s16], [sflag:$0x3], $0x2000, $0x38;
	[tilespmem:$0x16000] =	vst v63  }
0xb0: {  	_ =	swait.ge [sflag:s14], $0x2000  }
0xb1: {  	[sflag:s14] =	ssyncset.done $0x0  }
0xb2: {  	[sflag:s14] =	ssyncadd.s32 $0xFFFFE000  }
0xb3: {  	[spmem:s9] =	stream.linear.scatter [tilespmem:s16], [sflag:$0x3], $0x2000, $0x38;
	[tilespmem:$0x16000] =	vst v63  }
0xb4: {  	_ =	swait.ge [sflag:s14], $0x2000  }
0xb5: {  	[sflag:s14] =	ssyncset.done $0x0  }
0xb6: {  	[sflag:s14] =	ssyncadd.s32 $0xFFFFE000  }
0xb7: {  	[spmem:s10] =	stream.linear.scatter [tilespmem:s16], [sflag:$0x3], $0x2000, $0x38;
	[tilespmem:$0x16000] =	vst v63  }
0xb8: {  	_ =	swait.ge [sflag:s14], $0x2000  }
0xb9: {  	[sflag:s14] =	ssyncset.done $0x0  }
0xba: {  	[sflag:s14] =	ssyncadd.s32 $0xFFFFE000  }
0xbb: {  	[spmem:s11] =	stream.linear.scatter [tilespmem:s16], [sflag:$0x3], $0x2000, $0x38;
	[tilespmem:$0x16000] =	vst v63  }
0xbc: {  	_ =	swait.ge [sflag:s14], $0x2000  }
0xbd: {  	[sflag:s14] =	ssyncset.done $0x0  }
0xbe: {  	[sflag:s14] =	ssyncadd.s32 $0xFFFFE000  }
0xbf: {  	s26 =	simm.s32 $0x0;
	s28 =	simm.s32 $0x0;
	[bflag:$0x0] =	sbarrier.arrive $0xFFFF  }
.LBB2_14:
0xc0: {  	s0 =	sshll.u32 s28, $0x8  }
0xc1: {  	s29 =	sshll.u32 s28, $0x7;
	s0 =	sadd.s32 s0, s12  }
0xc2: {  	[tilespmem:s17], [sflag:$0x2] =	stream.linear.gather [hbm4b:s0+s26], $0x800, $0x38;
	[tilespmem:$0x16000] =	vst v63  }
0xc3: {  	s15 =	sadd.s32 $0x5800, s29  }
0xc4: {  	[tilespmem:s16], [sflag:$0x1] =	stream.indirect.gather [hbm4b:s4+s18], $0x40, s15, s18, $0xb8;
	[tilespmem:$0x16000] =	vst v63  }
0xc5: {  	_ =	swait.ge [sflag:s19], $0x800  }
0xc6: {  	[sflag:s19] =	ssyncset.done $0x0  }
0xc7: {  	[sflag:s19] =	ssyncadd.s32 $0xFFFFF800  }
0xc8: {  	_ =	swait.ge [sflag:s20], $0x2000  }
0xc9: {  	[sflag:s20] =	ssyncset.done $0x0  }
0xca: {  	s30 =	simm.s32 $0x8020;
	[sflag:s20] =	ssyncadd.s32 $0xFFFFE000  }
0xcb: {  	v3 =	vld [tilespmem:s30+$0xFFFFFFF0]  }
0xcc: {  	v5 =	vld [tilespmem:s30+$0x10]  }
0xcd: {  	s15 =	simm.s32 $0x0;
	v4 =	vld [tilespmem:s30+$0xFFFFFFE0]  }
0xce: {  	v7 =	vld [tilespmem:s15+$0x5000]  }
0xcf: {  	v8 =	vld [tilespmem:s30+$0x0];
	_ =	sdelay $0x3  }
0xd0: {  	v4 =	vmul.f32 v4, v7;
	v6 =	vmul.f32 v5, v7  }
0xd1: {  	s31 =	simm.s32 $0x40;
	s0 =	simm.s32 $0x8020;
	v5 =	vmul.f32 v3, v7;
	v3 =	vmul.f32 v8, v7  }
.LBB2_15:
0xd2: {  	p0 =	sne.s32 s31, $0x1FC0  }
0xd3: {  	[tilespmem:s30+$0x10] =	vst v6;
	s0 =	sadd.s32 $0x40, s0;
	s15 =	smov.u32 s31;
	s31 =	sadd.s32 $0x40, s31  }
0xd4: {  	v7 =	vld [tilespmem:s0+$0xFFFFFFF0];
	[tilespmem:s30+$0xFFFFFFE0] =	vst v4  }
0xd5: {  	v6 =	vld [tilespmem:s0+$0x10];
	[tilespmem:s30+$0xFFFFFFF0] =	vst v5  }
0xd6: {  	s15 =	sshra.s32 s15, $0x2;
	v4 =	vld [tilespmem:s0+$0xFFFFFFE0];
	[tilespmem:s30+$0x0] =	vst v3;
	s30 =	smov.u32 s0  }
0xd7: {  	v3 =	vld [tilespmem:s15+$0x5000]  }
0xd8: {  	v8 =	vld [tilespmem:s0+$0x0]  }
.Ltmp6:
0xd9: {  	(pc) =	sbr.rel @p0 .LBB2_15-.Ltmp6, $3  }
0xda: {  	_ =	sdelay $0x1  }
0xdb: {  	v4 =	vmul.f32 v4, v3;
	v6 =	vmul.f32 v6, v3  }
0xdc: {  	v5 =	vmul.f32 v7, v3;
	v3 =	vmul.f32 v8, v3  }
0xdd: {  	[tilespmem:s30+$0x10] =	vst v6  }
0xde: {  	[tilespmem:s30+$0xFFFFFFE0] =	vst v4;
	s28 =	sadd.s32 $0x1, s28  }
0xdf: {  	[tilespmem:s30+$0xFFFFFFF0] =	vst v5;
	p0 =	sne.s32 s28, $0x50  }
.Ltmp7:
0xe0: {  	s0 =	sadd.s32 $0x2800, s29;
	[tilespmem:s30+$0x0] =	vst v3;
	(pc) =	sbr.rel @p0 .LBB2_14-.Ltmp7, $4  }
0xe1: {  	[spmem:s2] =	stream.indirect.scatter.add.f32 [tilespmem:s16], [sflag:$0x3], $0x40, s0, s18, $0xb8;
	[tilespmem:$0x16000] =	vst v63  }
0xe2: {  	_ =	swait.ge [sflag:s14], $0x2000  }
0xe3: {  	[sflag:s14] =	ssyncset.done $0x0  }
0xe4: {  	[sflag:s14] =	ssyncadd.s32 $0xFFFFE000  }
0xe5: {  	s23 =	sadd.s32 $0x1, s23  }
0xe6: {  	p0 =	sne.s32 s23, s13  }
.Ltmp8:
0xe7: {  	[bflag:$0x0] =	sbarrier.arrive $0xFFFF;
	(pc) =	sbr.rel @p0 .LBB2_1-.Ltmp8, $4  }
0xe8: {  	[hbm:s22], [sflag:s24] =	dma.local [spmem:s25], $0x1400  }
0xe9: {  	_ =	swait.ge [sflag:s14], $0x1400  }
0xea: {  	[sflag:s14] =	ssyncset.done $0x0  }
0xeb: {  	[sflag:s14] =	ssyncadd.s32 $0xFFFFEC00  }
0xec: {  	_ =	sfence.sel $0x180000  }
0xed: {  	[bflag:$0x0] =	sbarrier.arrive $0xFFFF  }
0xee: {  	_ =	strace $0x9000004A  }
0xef: {  	[bflag:$0x2] =	sbarrier.arrive $0xFFFF  }
0xf0: {  	p0 =	sne.s32 s1, $0x0;
	s0 =	rddreg [dreg:$0x4]  }
0xf1: {  	s0 =	sadd.s32 @!p0 $0x100000, s0  }
0xf2: {  	[sflag:s0] =	ssyncadd.tile.s32 @!p0 $0x1;
	_ =	shalt  }
.Lfunc_end2:
_tile_overlayer_lowered:
.L_overlay_start_2:
0xf3: {  	(tag) =	ssettag $0x2  }
0xf4: {  	s0 =	rddreg [dreg:$0x0];
	s2 =	stileid.u32  }
0xf5: {  	s1 =	rddreg [dreg:$0x1];
	p0 =	sne.s32 s2, $0x0  }
0xf6: {  	s3 =	rddreg [dreg:$0x2];
	[bflag:$0x3] =	sbarrier.arrive $0xFFFF;
	s2 =	simm.s32 @!p0 $0x1C03  }
0xf7: {  	[timem:s3], [sflag:s2] =	dma.local @!p0 [hbm:s0], s1  }
0xf8: {  	s0 =	simm.s32 @!p0 $0x3  }
0xf9: {  	_ =	swait.ge @!p0 [sflag:s0], s1  }
0xfa: {  	s1 =	ssub.s32 @!p0 $0x0, s1;
	[sflag:s0] =	ssyncset.done @!p0 $0x0  }
0xfb: {  	[sflag:s0] =	ssyncadd.s32 @!p0 s1  }
0xfc: {  	[bflag:$0x3] =	sbarrier.arrive $0xFFFF  }
0xfd: {  	_ =	shalt  }

// kernel: kernel.13.cloned.1.call-start
scs
__scs_entry_jumppad:
0x0: {  	(pc) =	sbr.rel $0x88, $3  }
0x1: {  	(tag) =	ssettag $0x0;
	lr =	simm.s32 $0x1  }
0x2: {  	[smem:$0x3F8A] =	sst lr;
	_ =	strace $0xD0000000  }
0x3: {  	_ = 	snop  }
0x4: {  	_ = 	snop  }
0x5: {  	_ = 	snop  }
0x6: {  	_ = 	snop  }
0x7: {  	_ = 	snop  }
__scs_overlays_trampoline_lowered:
0x8: {  	[smem:$0x3F99] =	sst s0  }
0x9: {  	[smem:$0x3F9A] =	sst s1  }
0xa: {  	[smem:$0x3F9B] =	sst s2  }
0xb: {  	[smem:$0x3F9C] =	sst s3  }
0xc: {  	[smem:$0x3F9D] =	sst s4  }
0xd: {  	[smem:$0x3F9E] =	sst s5  }
0xe: {  	[smem:$0x3F9F] =	sst s6  }
0xf: {  	[smem:$0x3FA0] =	sst s7  }
0x10: {  	[smem:$0x3FA1] =	sst s8  }
0x11: {  	[smem:$0x3FA2] =	sst s9;
	s0 =	simm.s32 @!p0 $0x0  }
0x12: {  	s1 =	sld [smem:$0x3F88];
	s0 =	simm.s32 @p0 $0x1  }
0x13: {  	[smem:$0x3FA3] =	sst s0;
	s0 =	simm.s32 @!p1 $0x0  }
0x14: {  	s2 =	sld [smem:$0x3F87];
	s0 =	simm.s32 @p1 $0x1  }
0x15: {  	[smem:$0x3FA4] =	sst s0;
	s0 =	simm.s32 @!p2 $0x0  }
0x16: {  	s3 =	sld [smem:$0x3FDB];
	s0 =	simm.s32 @p2 $0x1  }
0x17: {  	s4 =	simm.s32 $0x1BF5;
	[smem:$0x3FA6] =	sst s0  }
0x18: {  	s0 =	sld [smem:$0x3F89];
	_ =	swait.ge [sflag:s4], $0x0  }
0x19: {  	s7 =	sld [smem:$0x3F8A]  }
0x1a: {  	s8 =	sadd.s32 $0xFFFFE003, lr  }
0x1b: {  	s9 =	sadd.s32 $0xFFFFFEF7, lr;
	s5 =	simm.s32 $0xFFFFFFFF;
	p2 =	slt.u32 s8, $0xFFFFF086  }
0x1c: {  	p1 =	slt.u32 s9, $0xF7A;
	s5 =	simm.s32 @!p2 $0x0  }
0x1d: {  	s5 =	simm.s32 @p1 $0x1;
	p0 =	seq.s32 s7, s2  }
0x1e: {  	s7 =	smul.u32 @!p0 $0xF7A, s2;
	p2 =	seq.s32 @!p0 s5, $0x0  }
0x1f: {  	s9 =	smul.u32 $0xF7A, s1;
	s8 =	simm.s32 @!p0 $0x1BF5;
	p2 =	por !p2, p0  }
0x20: {  	[sflag:s8] =	ssyncset.s32 @!p0 $0xFFFFF086;
	s6 =	sadd.s32 @!p0 s3, s7;
	s7 =	simm.s32 @!p0 $0x108  }
0x21: {  	s3 =	sadd.s32 s3, s9;
	s6 =	sadd.s32 @!p0 $0x88, s6;
	s7 =	simm.s32 @p2 $0x1082  }
0x22: {  	[simem:s7], [sflag:s8] =	dma.local @!p0 [hbm:s6], $0xF7A  }
0x23: {  	s9 =	sor.u32 $0xD0000000, s2;
	s6 =	simm.s32 $0x108;
	_ =	swait.ge @!p0 [sflag:s8], $0x0  }
0x24: {  	s3 =	sadd.s32 $0x88, s3;
	s6 =	simm.s32 @!p1 $0x1082;
	[sflag:s4] =	ssyncset.s32 $0xFFFFF086  }
0x25: {  	[simem:s6], [sflag:s4] =	dma.local [hbm:s3], $0xF7A  }
0x26: {  	[smem:$0x3F8A] =	sst s1;
	(tag) =	ssettag s2;
	_ =	strace s9  }
0x27: {  	s1 =	sld [smem:$0x3F9A]  }
0x28: {  	s2 =	sld [smem:$0x3F9B]  }
0x29: {  	s4 =	sld [smem:$0x3F9D]  }
0x2a: {  	p0 =	seq.s32 s5, $0x0;
	s5 =	sld [smem:$0x3F9E]  }
0x2b: {  	s6 =	sld [smem:$0x3F9F]  }
0x2c: {  	s7 =	sld [smem:$0x3FA0]  }
0x2d: {  	s3 =	simm.s32 $0x108;
	s8 =	sld [smem:$0x3FA1]  }
0x2e: {  	s3 =	simm.s32 @!p0 $0x1082;
	s9 =	sld [smem:$0x3FA2]  }
0x2f: {  	lr =	sadd.s32 s0, s3;
	s0 =	sld [smem:$0x3F99]  }
0x30: {  	s3 =	sld [smem:$0x3F9C]  }
0x31: {  	[smem:$0x3FA5] =	sst s10  }
0x32: {  	s10 =	sld [smem:$0x3FA3];
	_ =	sdelay $0x3  }
0x33: {  	p0 =	seq.s32 s10, $0x1;
	s10 =	sld [smem:$0x3FA5];
	_ =	sdelay $0x3  }
0x34: {  	[smem:$0x3FA5] =	sst s10  }
0x35: {  	s10 =	sld [smem:$0x3FA4];
	_ =	sdelay $0x3  }
0x36: {  	p1 =	seq.s32 s10, $0x1;
	s10 =	sld [smem:$0x3FA5];
	_ =	sdelay $0x3  }
0x37: {  	[smem:$0x3FA5] =	sst s10  }
0x38: {  	s10 =	sld [smem:$0x3FA6]  }
0x39: {  	_ = 	snop;
	(pc) =	sbr.ind lr, $3  }
0x3a: {  	_ = 	snop  }
0x3b: {  	_ = 	snop  }
0x3c: {  	p2 =	seq.s32 s10, $0x1;
	s10 =	sld [smem:$0x3FA5]  }
0x3d: {  	_ =	shalt  }
0x3e: {  	_ =	shalt  }
0x3f: {  	_ =	shalt  }
0x40: {  	_ =	shalt  }
0x41: {  	_ =	shalt  }
0x42: {  	_ =	shalt  }
0x43: {  	_ =	shalt  }
0x44: {  	_ =	shalt  }
0x45: {  	_ =	shalt  }
0x46: {  	_ =	shalt  }
0x47: {  	_ =	shalt  }
0x48: {  	_ =	shalt  }
0x49: {  	_ =	shalt  }
0x4a: {  	_ =	shalt  }
0x4b: {  	_ =	shalt  }
0x4c: {  	_ =	shalt  }
0x4d: {  	_ =	shalt  }
0x4e: {  	_ =	shalt  }
0x4f: {  	_ =	shalt  }
0x50: {  	_ =	shalt  }
0x51: {  	_ =	shalt  }
0x52: {  	_ =	shalt  }
0x53: {  	_ =	shalt  }
0x54: {  	_ =	shalt  }
0x55: {  	_ =	shalt  }
0x56: {  	_ =	shalt  }
0x57: {  	_ =	shalt  }
0x58: {  	_ =	shalt  }
0x59: {  	_ =	shalt  }
0x5a: {  	_ =	shalt  }
0x5b: {  	_ =	shalt  }
0x5c: {  	_ =	shalt  }
0x5d: {  	_ =	shalt  }
0x5e: {  	_ =	shalt  }
0x5f: {  	_ =	shalt  }
0x60: {  	_ =	shalt  }
0x61: {  	_ =	shalt  }
0x62: {  	_ =	shalt  }
0x63: {  	_ =	shalt  }
0x64: {  	_ =	shalt  }
0x65: {  	_ =	shalt  }
0x66: {  	_ =	shalt  }
0x67: {  	_ =	shalt  }
0x68: {  	_ =	shalt  }
0x69: {  	_ =	shalt  }
0x6a: {  	_ =	shalt  }
0x6b: {  	_ =	shalt  }
0x6c: {  	_ =	shalt  }
0x6d: {  	_ =	shalt  }
0x6e: {  	_ =	shalt  }
0x6f: {  	_ =	shalt  }
0x70: {  	_ =	shalt  }
0x71: {  	_ =	shalt  }
0x72: {  	_ =	shalt  }
0x73: {  	_ =	shalt  }
0x74: {  	_ =	shalt  }
0x75: {  	_ =	shalt  }
0x76: {  	_ =	shalt  }
0x77: {  	_ =	shalt  }
0x78: {  	_ =	shalt  }
0x79: {  	_ =	shalt  }
0x7a: {  	_ =	shalt  }
0x7b: {  	_ =	shalt  }
0x7c: {  	_ =	shalt  }
0x7d: {  	_ =	shalt  }
0x7e: {  	_ =	shalt  }
0x7f: {  	_ =	shalt  }
0x80: {  	_ =	shalt  }
0x81: {  	_ =	shalt  }
0x82: {  	_ =	shalt  }
0x83: {  	_ =	shalt  }
0x84: {  	_ =	shalt  }
0x85: {  	_ =	shalt  }
0x86: {  	_ =	shalt  }
0x87: {  	_ =	shalt  }
.Lfunc_end0:
.L_simem_size_0:
called_computation.2_lowered:
.L_overlay_start_0:
0x88: {  	s2 =	sld [smem:$0x3FD9]  }
0x89: {  	s3 =	sld [smem:$0x3FFE];
	_ =	sdelay $0x1  }
0x8a: {  	s1 =	srdreg.scid  }
0x8b: {  	s0 =	sand.u32 $0x1, s1  }
0x8c: {  	s14 =	sshll.u32 s0, $0xA;
	s2 =	sadd.s32 s3, s2  }
0x8d: {  	s2 =	sadd.s32 s2, s14  }
0x8e: {  	[smem:$0x3FB1] =	sst s2  }
0x8f: {  	_ = 	snop  }
0x90: {  	s2 =	sld [smem:$0x3FD0];
	_ =	sdelay $0x2  }
0x91: {  	s15 =	simm.s32 $0xA;
	s4 =	simm.s32 $0x10  }
0x92: {  	[smem:s4], [sflag:s15] =	dma.local [hbm:s2], $0x1  }
0x93: {  	_ =	swait.eq [sflag:s15], $0x1  }
0x94: {  	[sflag:s15] =	ssyncset.done $0x0  }
0x95: {  	s16 =	sld [smem:$0x10];
	[sflag:s15] =	ssyncadd.s32 $0xFFFFFFFF  }
0x96: {  	s17 =	sld [smem:$0x12];
	(tm) =	ssettm $0x1  }
0x97: {  	s18 =	sld [smem:$0x3FFB];
	_ =	sdelay $0x3  }
0x98: {  	_ =	strace s18  }
0x99: {  	s4 =	sld [smem:$0x3FFC];
	_ =	sdelay $0x3  }
0x9a: {  	_ =	strace s4  }
0x9b: {  	s4 =	sld [smem:$0x3FFD];
	_ =	sdelay $0x3  }
0x9c: {  	_ =	strace s4  }
0x9d: {  	_ =	strace $0x8FFFFFFF  }
0x9e: {  	s19 =	sld [smem:$0x3FDB];
	_ =	sdelay $0x1  }
0x9f: {  	s5 =	simm.s32 $_scs_section_size  }
0xa0: {  	s6 =	simm.s32 $_size__tile_overlayer_lowered;
	s7 =	simm.s32 $_tile_overlayer_lowered  }
0xa1: {  	s22 =	simm.s32 $0x1BFF;
	s21 =	sshll.u32 s7, $0x1;
	s4 =	sadd.s32 s5, s19  }
0xa2: {  	s8 =	simm.s32 $0x0;
	s20 =	sshll.u32 s6, $0x1;
	s6 =	sadd.s32 s21, s4  }
0xa3: {  	[timem:s8], [sflag:s22] =	dma.local [hbm:s6], s20  }
0xa4: {  	_ =	swait.ge [sflag:s22], s20  }
0xa5: {  	s5 =	ssub.s32 $0x0, s20;
	[sflag:s22] =	ssyncset.done $0x0  }
0xa6: {  	[sflag:s22] =	ssyncadd.s32 s5;
	_ =	sdelay $0x1  }
0xa7: {  	s23 =	simm.s32 $0x1B8B  }
0xa8: {  	_ =	swait.ge [sflag:s23], $0x1  }
0xa9: {  	[sflag:s23] =	ssyncset.done $0x0  }
0xaa: {  	s25 =	simm.s32 $0x1B8E;
	s24 =	sld [smem:$0x3FFE];
	[sflag:s23] =	ssyncadd.s32 $0xFFFFFFFF  }
0xab: {  	s26 =	simm.s32 $execute0_lowered;
	[smem:$0x3FD2] =	sst s25  }
0xac: {  	s6 =	sshll.u32 s26, $0x1;
	_ =	strace $0x8000004C;
	[dreg:$0x1] =	wrdreg $0xFFFFFFFF  }
0xad: {  	s28 =	simm.s32 $_size_execute0_lowered;
	s4 =	sadd.s32 s4, s6;
	[dreg:$0x0] =	wrdreg $0x0  }
0xae: {  	s6 =	sshll.u32 s28, $0x1;
	[dreg:$0x2] =	wrdreg s4  }
0xaf: {  	[dreg:$0x3] =	wrdreg s6  }
0xb0: {  	[dreg:$0x4] =	wrdreg $0xC0  }
0xb1: {  	_ =	task [dreg:s8], $0x5FFFF  }
0xb2: {  	[dreg:$0x1] =	wrdreg $0xFFFFFFFF  }
0xb3: {  	[dreg:$0x0] =	wrdreg $0x60  }
0xb4: {  	[dreg:$0x2] =	wrdreg s24  }
0xb5: {  	[dreg:$0x3] =	wrdreg s17  }
0xb6: {  	[dreg:$0x4] =	wrdreg s16  }
0xb7: {  	[dreg:$0x5] =	wrdreg $0xC0000  }
0xb8: {  	[dreg:$0x6] =	wrdreg $0x9  }
0xb9: {  	_ =	task.clear_ibuf [dreg:s8], $0x7FFFF;
	_ =	strace $0x9000004C  }
0xba: {  	s29 =	simm.s32 $0x9;
	_ =	strace $0x8000004E  }
0xbb: {  	_ =	swait.ge [sflag:s29], $0x1  }
0xbc: {  	[sflag:s29] =	ssyncadd.s32 $0xFFFFFFFF  }
0xbd: {  	_ =	strace $0x9000004E  }
0xbe: {  	_ =	sfence  }
0xbf: {  	s30 =	sld [smem:$0x0];
	_ =	sdelay $0x2  }
0xc0: {  	s31 =	sshll.u32 s1, $0xD;
	s1 =	sshrl.u32 s1, $0x2  }
0xc1: {  	s3 =	sand.u32 $0x4000, s31;
	s1 =	sadd.s32 s1, s30  }
0xc2: {  	s0 =	sor.u32 s3, s0;
	s1 =	sshll.u32 s1, $0x11  }
0xc3: {  	s0 =	sor.u32 s1, s0  }
0xc4: {  	s0 =	sadd.s32 $0x8F2B, s0  }
0xc5: {  	[sflag:s0] =	ssyncadd.remote.s32 $0x1  }
0xc6: {  	_ =	sfence.sel $0xFFFF  }
0xc7: {  	[dreg:$0x0] =	wrdreg $0xFFFFFFFF;
	(pc) =	sbr.abs _section_cstart, $3  }
0xc8: {  	[dreg:$0x1] =	wrdreg $0xFFFFFFFF  }
0xc9: {  	_ =	task.clear_ibuf [dreg:s8], $0x2FFFF;
	_ =	strace $0x9FFFFFFF  }
0xca: {  	(tm) =	ssettm $0x7FFFFFFF  }
0xcb: {  	_ =	shalt  }
tec
execute0_lowered:
.L_overlay_start_1:
0x0: {  	(tag) =	ssettag $0x1  }
0x1: {  	s0 =	rddreg [dreg:$0x0]  }
0x2: {  	s1 =	rddreg [dreg:$0x1]  }
0x3: {  	s6 =	rddreg [dreg:$0x2];
	s3 =	stileid.u32  }
0x4: {  	s2 =	rddreg [dreg:$0x3];
	s28 =	smul.u32 $0x5000, s3  }
0x5: {  	s5 =	simm.s32 $0x0;
	s4 =	srdreg.scid;
	s8 =	smul.u32 $0x500, s3  }
0x6: {  	s18 =	simm.s32 $0x5000;
	s19 =	simm.s32 $0x80;
	s10 =	smul.u32 $0x28000, s3  }
0x7: {  	s22 =	simm.s32 $0x1;
	s15 =	sand.u32 $0x1, s4;
	s29 =	smul.u32 $0xA000, s3  }
0x8: {  	[smem:$0x7FF] =	sst s5;
	s4 =	sadd.s32 $0x95000, s0;
	s14 =	smul.u32 $0x14000, s15  }
0x9: {  	_ =	strace $0x8000004D;
	s7 =	ssub.s32 $0x2, s15;
	s16 =	smul.u32 $0xA0000, s15  }
0xa: {  	s20 =	sor.u32 $0x4E20, s15;
	s23 =	sor.u32 $0x9C40, s15;
	s25 =	sor.u32 $0xEA60, s15  }
0xb: {  	s9 =	sshrl.u32 s7, $0x1;
	s12 =	sadd.s32 s28, s0;
	s0 =	sadd.s32 $0x1CD800, s0  }
0xc: {  	s5 =	sadd.s32 s1, s8;
	s30 =	sshrl.u32 s10, $0x2;
	s6 =	sadd.s32 s6, s8  }
0xd: {  	s1 =	sshrl.u32 s29, $0x3;
	v3 =	vmov s25;
	s25 =	simm.s32 $0x0;
	s13 =	ssub.s32 s7, s9  }
0xe: {  	s11 =	sadd.s32 s30, s2;
	s7 =	sadd.s32 s29, s2;
	s12 =	sadd.s32 $0x315000, s12  }
0xf: {  	s17 =	sadd.s32 s0, s14;
	s31 =	sshrl.u32 s16, $0x3;
	s14 =	simm.s32 $0x3  }
0x10: {  	s16 =	simm.s32 $0x8000;
	s8 =	sadd.s32 $0x2000, s11;
	s9 =	sadd.s32 $0x4000, s11  }
0x11: {  	s10 =	sadd.s32 $0x6000, s11;
	s11 =	sadd.s32 $0x8000, s11;
	s0 =	sadd.s32 s0, s31  }
0x12: {  	s13 =	smax.u32 s13, $0x1;
	s17 =	sadd.s32 s1, s17;
	s21 =	sadd.s32 $0x28000, s0  }
0x13: {  	v1 =	vmov s20;
	s24 =	sadd.s32 $0x50000, s0;
	s0 =	sadd.s32 $0x78000, s0;
	s20 =	sadd.s32 s1, s21  }
0x14: {  	v4 =	vimm.f32 $0.0e+00;
	v0 =	vmov s15;
	v2 =	vmov s23;
	s21 =	simm.s32 $0x2;
	s23 =	sadd.s32 s1, s24;
	s24 =	sadd.s32 s1, s0  }
.LBB2_1:
0x15: {  	s0 =	simm.s32 $0x0  }
0x16: {  	[tilespmem:s0], [sflag:$0x3] =	stream.linear.gather [hbm4b:s5+s0], $0x2800, $0x38;
	[tilespmem:$0x16000] =	vst v63  }
0x17: {  	_ =	swait.ge [sflag:s14], $0x2800  }
0x18: {  	[sflag:s14] =	ssyncset.done $0x0  }
0x19: {  	s1 =	simm.s32 $0x2800;
	[sflag:s14] =	ssyncadd.s32 $0xFFFFD800  }
0x1a: {  	[tilespmem:s1], [sflag:$0x3] =	stream.linear.gather [hbm4b:s6+s0], $0x2800, $0x38;
	[tilespmem:$0x16000] =	vst v63  }
0x1b: {  	_ =	swait.ge [sflag:s14], $0x2800  }
0x1c: {  	[sflag:s14] =	ssyncset.done $0x0  }
0x1d: {  	s28 =	simm.s32 $0x0;
	[sflag:s14] =	ssyncadd.s32 $0xFFFFD800  }
0x1e: {  	v5 =	vld [tilespmem:s28+$0x70]  }
0x1f: {  	v7 =	vld [tilespmem:s28+$0x0]  }
0x20: {  	v11 =	vld [tilespmem:s28+$0x10]  }
0x21: {  	v9 =	vld [tilespmem:s28+$0x20]  }
0x22: {  	v8 =	vld [tilespmem:s28+$0x30]  }
0x23: {  	v6 =	vld [tilespmem:s28+$0x40];
	v10 =	vshll.u32 v5, $0x1  }
0x24: {  	v5 =	vld [tilespmem:s28+$0x50];
	v12 =	vshll.u32 v7, $0x1;
	v13 =	vor.u32 v0, v10  }
0x25: {  	s26 =	simm.s32 $0x80;
	s29 =	simm.s32 $0x400;
	v7 =	vld [tilespmem:s28+$0x60];
	v11 =	vshll.u32 v11, $0x1;
	v10 =	vor.u32 v0, v12;
	[tilespmem:s28+$0x5870] =	vst v13  }
.LBB2_2:
0x26: {  	p0 =	sne.s32 s29, $0x9E00;
	v12 =	vld [tilespmem:s26+$0x70];
	[tilespmem:s28+$0x5800] =	vst v10;
	v10 =	vor.u32 v0, v11;
	v9 =	vshll.u32 v9, $0x1  }
0x27: {  	v11 =	vld [tilespmem:s26+$0x0];
	[tilespmem:s28+$0x5810] =	vst v10;
	v9 =	vor.u32 v0, v9;
	v8 =	vshll.u32 v8, $0x1  }
0x28: {  	v13 =	vld [tilespmem:s26+$0x10];
	[tilespmem:s28+$0x5820] =	vst v9;
	v8 =	vor.u32 v0, v8;
	v6 =	vshll.u32 v6, $0x1  }
.Ltmp0:
0x29: {  	v9 =	vld [tilespmem:s26+$0x20];
	[tilespmem:s28+$0x5830] =	vst v8;
	v6 =	vor.u32 v0, v6;
	v5 =	vshll.u32 v5, $0x1;
	(pc) =	sbr.rel @p0 .LBB2_2-.Ltmp0, $4  }
0x2a: {  	v8 =	vld [tilespmem:s26+$0x30];
	[tilespmem:s28+$0x5840] =	vst v6;
	v5 =	vor.u32 v0, v5;
	v7 =	vshll.u32 v7, $0x1  }
0x2b: {  	v6 =	vld [tilespmem:s26+$0x40];
	v10 =	vshll.u32 v12, $0x1;
	[tilespmem:s28+$0x5850] =	vst v5;
	v7 =	vor.u32 v0, v7  }
0x2c: {  	v11 =	vshll.u32 v11, $0x1;
	v5 =	vld [tilespmem:s26+$0x50];
	v12 =	vor.u32 v0, v10;
	[tilespmem:s28+$0x5860] =	vst v7;
	s28 =	smov.u32 s26  }
0x2d: {  	s26 =	sshra.s32 s29, $0x2;
	s29 =	sadd.s32 $0x200, s29;
	v10 =	vor.u32 v0, v11;
	v11 =	vshll.u32 v13, $0x1;
	v7 =	vld [tilespmem:s28+$0x60];
	[tilespmem:s28+$0x5870] =	vst v12  }
0x2e: {  	v12 =	vld [tilespmem:s26+$0x70];
	[tilespmem:s28+$0x5800] =	vst v10;
	v60 =	vor.u32 v0, v11;
	v9 =	vshll.u32 v9, $0x1  }
0x2f: {  	v61 =	vld [tilespmem:s26+$0x0];
	[tilespmem:s28+$0x5810] =	vst v60;
	v9 =	vor.u32 v0, v9;
	v8 =	vshll.u32 v8, $0x1  }
0x30: {  	v10 =	vld [tilespmem:s26+$0x10];
	[tilespmem:s28+$0x5820] =	vst v9;
	v8 =	vor.u32 v0, v8;
	v6 =	vshll.u32 v6, $0x1  }
0x31: {  	v9 =	vld [tilespmem:s26+$0x20];
	[tilespmem:s28+$0x5830] =	vst v8;
	v6 =	vor.u32 v0, v6;
	v5 =	vshll.u32 v5, $0x1  }
0x32: {  	v8 =	vld [tilespmem:s26+$0x30];
	[tilespmem:s28+$0x5840] =	vst v6;
	v5 =	vor.u32 v0, v5;
	v7 =	vshll.u32 v7, $0x1  }
0x33: {  	v6 =	vld [tilespmem:s26+$0x40];
	[tilespmem:s28+$0x5850] =	vst v5;
	v5 =	vor.u32 v0, v7;
	v12 =	vshll.u32 v12, $0x1  }
0x34: {  	v7 =	vld [tilespmem:s26+$0x50];
	[tilespmem:s28+$0x5860] =	vst v5;
	v5 =	vshll.u32 v61, $0x1;
	v62 =	vor.u32 v0, v12  }
0x35: {  	v63 =	vld [tilespmem:s26+$0x60];
	v5 =	vor.u32 v0, v5;
	v10 =	vshll.u32 v10, $0x1;
	[tilespmem:s26+$0x5870] =	vst v62  }
0x36: {  	[tilespmem:s26+$0x5800] =	vst v5;
	v5 =	vor.u32 v0, v10;
	v9 =	vshll.u32 v9, $0x1  }
0x37: {  	[tilespmem:s26+$0x5810] =	vst v5;
	v5 =	vor.u32 v0, v9;
	v8 =	vshll.u32 v8, $0x1  }
0x38: {  	[tilespmem:s26+$0x5820] =	vst v5;
	v5 =	vor.u32 v0, v8;
	v6 =	vshll.u32 v6, $0x1  }
0x39: {  	[tilespmem:s26+$0x5830] =	vst v5;
	v5 =	vor.u32 v0, v6;
	v6 =	vshll.u32 v7, $0x1  }
0x3a: {  	[tilespmem:s26+$0x5840] =	vst v5;
	v5 =	vor.u32 v0, v6;
	v6 =	vshll.u32 v63, $0x1  }
0x3b: {  	[tilespmem:s26+$0x5850] =	vst v5;
	v5 =	vor.u32 v0, v6  }
0x3c: {  	s1 =	simm.s32 $0x100;
	s0 =	simm.s32 $0x0;
	[tilespmem:s26+$0x5860] =	vst v5  }
.LBB2_4:
0x3d: {  	p0 =	sne.s32 s1, $0x7F00;
	[tilespmem:s0+$0x8030] =	vst v4;
	s15 =	smov.u32 s1;
	s1 =	sadd.s32 $0x100, s1  }
.Ltmp1:
0x3e: {  	[tilespmem:s0+$0x8020] =	vst v4;
	(pc) =	sbr.rel @p0 .LBB2_4-.Ltmp1, $3  }
0x3f: {  	[tilespmem:s0+$0x8000] =	vst v4  }
0x40: {  	[tilespmem:s0+$0x8010] =	vst v4;
	_ =	sdelay $0x1  }
0x41: {  	s0 =	sshra.s32 s15, $0x2  }
0x42: {  	[tilespmem:s0+$0x8030] =	vst v4  }
0x43: {  	[tilespmem:s0+$0x8020] =	vst v4  }
0x44: {  	[tilespmem:s0+$0x8000] =	vst v4  }
0x45: {  	[tilespmem:s0+$0x8010] =	vst v4  }
0x46: {  	[spmem:s7] =	stream.linear.scatter [tilespmem:s16], [sflag:$0x3], $0x2000, $0x38;
	[tilespmem:$0x16000] =	vst v63  }
0x47: {  	_ =	swait.ge [sflag:s14], $0x2000  }
0x48: {  	[sflag:s14] =	ssyncset.done $0x0  }
0x49: {  	[sflag:s14] =	ssyncadd.s32 $0xFFFFE000  }
0x4a: {  	[spmem:s8] =	stream.linear.scatter [tilespmem:s16], [sflag:$0x3], $0x2000, $0x38;
	[tilespmem:$0x16000] =	vst v63  }
0x4b: {  	_ =	swait.ge [sflag:s14], $0x2000  }
0x4c: {  	[sflag:s14] =	ssyncset.done $0x0  }
0x4d: {  	[sflag:s14] =	ssyncadd.s32 $0xFFFFE000  }
0x4e: {  	[spmem:s9] =	stream.linear.scatter [tilespmem:s16], [sflag:$0x3], $0x2000, $0x38;
	[tilespmem:$0x16000] =	vst v63  }
0x4f: {  	_ =	swait.ge [sflag:s14], $0x2000  }
0x50: {  	[sflag:s14] =	ssyncset.done $0x0  }
0x51: {  	[sflag:s14] =	ssyncadd.s32 $0xFFFFE000  }
0x52: {  	[spmem:s10] =	stream.linear.scatter [tilespmem:s16], [sflag:$0x3], $0x2000, $0x38;
	[tilespmem:$0x16000] =	vst v63  }
0x53: {  	_ =	swait.ge [sflag:s14], $0x2000  }
0x54: {  	[sflag:s14] =	ssyncset.done $0x0  }
0x55: {  	[sflag:s14] =	ssyncadd.s32 $0xFFFFE000  }
0x56: {  	[spmem:s11] =	stream.linear.scatter [tilespmem:s16], [sflag:$0x3], $0x2000, $0x38;
	[tilespmem:$0x16000] =	vst v63  }
0x57: {  	_ =	swait.ge [sflag:s14], $0x2000  }
0x58: {  	[sflag:s14] =	ssyncset.done $0x0  }
0x59: {  	[sflag:s14] =	ssyncadd.s32 $0xFFFFE000  }
0x5a: {  	s26 =	simm.s32 $0x0;
	s28 =	simm.s32 $0x0;
	[bflag:$0x0] =	sbarrier.arrive $0xFFFF  }
.LBB2_6:
0x5b: {  	s0 =	sshll.u32 s28, $0x8  }
0x5c: {  	s29 =	sshll.u32 s28, $0x7;
	s0 =	sadd.s32 s0, s12  }
0x5d: {  	[tilespmem:s18], [sflag:$0x2] =	stream.linear.gather [hbm4b:s0+s26], $0x800, $0x38;
	[tilespmem:$0x16000] =	vst v63  }
0x5e: {  	s15 =	sadd.s32 $0x5800, s29  }
0x5f: {  	[tilespmem:s16], [sflag:$0x1] =	stream.indirect.gather [hbm4b:s4+s19], $0x40, s15, s19, $0xb8;
	[tilespmem:$0x16000] =	vst v63  }
0x60: {  	_ =	swait.ge [sflag:s21], $0x800  }
0x61: {  	[sflag:s21] =	ssyncset.done $0x0  }
0x62: {  	[sflag:s21] =	ssyncadd.s32 $0xFFFFF800  }
0x63: {  	_ =	swait.ge [sflag:s22], $0x2000  }
0x64: {  	[sflag:s22] =	ssyncset.done $0x0  }
0x65: {  	s30 =	simm.s32 $0x8020;
	[sflag:s22] =	ssyncadd.s32 $0xFFFFE000  }
0x66: {  	v5 =	vld [tilespmem:s30+$0xFFFFFFF0]  }
0x67: {  	v7 =	vld [tilespmem:s30+$0x10]  }
0x68: {  	s31 =	simm.s32 $0x0;
	v6 =	vld [tilespmem:s30+$0xFFFFFFE0]  }
0x69: {  	v9 =	vld [tilespmem:s31+$0x5000]  }
0x6a: {  	v10 =	vld [tilespmem:s30+$0x0];
	_ =	sdelay $0x3  }
0x6b: {  	v6 =	vmul.f32 v6, v9;
	v8 =	vmul.f32 v7, v9  }
0x6c: {  	s0 =	simm.s32 $0x40;
	s15 =	simm.s32 $0x8020;
	v7 =	vmul.f32 v5, v9;
	v5 =	vmul.f32 v10, v9  }
.LBB2_7:
0x6d: {  	p0 =	sne.s32 s0, $0x1FC0  }
0x6e: {  	[tilespmem:s30+$0x10] =	vst v8;
	s15 =	sadd.s32 $0x40, s15;
	s1 =	smov.u32 s0;
	s0 =	sadd.s32 $0x40, s0  }
0x6f: {  	v9 =	vld [tilespmem:s15+$0xFFFFFFF0];
	[tilespmem:s30+$0xFFFFFFE0] =	vst v6  }
0x70: {  	v8 =	vld [tilespmem:s15+$0x10];
	[tilespmem:s30+$0xFFFFFFF0] =	vst v7  }
0x71: {  	s1 =	sshra.s32 s1, $0x2;
	v6 =	vld [tilespmem:s15+$0xFFFFFFE0];
	[tilespmem:s30+$0x0] =	vst v5;
	s30 =	smov.u32 s15  }
0x72: {  	v5 =	vld [tilespmem:s1+$0x5000]  }
0x73: {  	v10 =	vld [tilespmem:s15+$0x0]  }
.Ltmp2:
0x74: {  	(pc) =	sbr.rel @p0 .LBB2_7-.Ltmp2, $3  }
0x75: {  	_ =	sdelay $0x1  }
0x76: {  	v6 =	vmul.f32 v6, v5;
	v8 =	vmul.f32 v8, v5  }
0x77: {  	v7 =	vmul.f32 v9, v5;
	v5 =	vmul.f32 v10, v5  }
0x78: {  	[tilespmem:s30+$0x10] =	vst v8  }
0x79: {  	[tilespmem:s30+$0xFFFFFFE0] =	vst v6;
	s28 =	sadd.s32 $0x1, s28  }
0x7a: {  	[tilespmem:s30+$0xFFFFFFF0] =	vst v7;
	p0 =	sne.s32 s28, $0x50  }
.Ltmp3:
0x7b: {  	s0 =	sadd.s32 $0x2800, s29;
	[tilespmem:s30+$0x0] =	vst v5;
	(pc) =	sbr.rel @p0 .LBB2_6-.Ltmp3, $4  }
0x7c: {  	[spmem:s2] =	stream.indirect.scatter.add.f32 [tilespmem:s16], [sflag:$0x3], $0x40, s0, s19, $0xb8;
	[tilespmem:$0x16000] =	vst v63  }
0x7d: {  	_ =	swait.ge [sflag:s14], $0x2000  }
0x7e: {  	[sflag:s14] =	ssyncset.done $0x0  }
0x7f: {  	[sflag:s14] =	ssyncadd.s32 $0xFFFFE000  }
0x80: {  	s0 =	stileid.u32  }
0x81: {  	s0 =	sshll.u32 s0, $0x6  }
0x82: {  	[bflag:$0x0] =	sbarrier.arrive $0xFFFF;
	s28 =	sshrl.u32 s7, $0x3;
	s26 =	sor.u32 $0x1C03, s0  }
0x83: {  	[hbm:s17], [sflag:s26] =	dma.local [spmem:s28], $0x1400  }
0x84: {  	_ =	swait.ge [sflag:s14], $0x1400  }
0x85: {  	[sflag:s14] =	ssyncset.done $0x0  }
0x86: {  	s30 =	simm.s32 $0x0;
	[sflag:s14] =	ssyncadd.s32 $0xFFFFEC00  }
0x87: {  	v5 =	vld [tilespmem:s30+$0x70]  }
0x88: {  	v7 =	vld [tilespmem:s30+$0x0]  }
0x89: {  	v11 =	vld [tilespmem:s30+$0x10]  }
0x8a: {  	v9 =	vld [tilespmem:s30+$0x20]  }
0x8b: {  	v8 =	vld [tilespmem:s30+$0x30]  }
0x8c: {  	v6 =	vld [tilespmem:s30+$0x40];
	v10 =	vshll.u32 v5, $0x1  }
0x8d: {  	v5 =	vld [tilespmem:s30+$0x50];
	v12 =	vshll.u32 v7, $0x1;
	v13 =	vadd.s32 v1, v10  }
0x8e: {  	s29 =	simm.s32 $0x80;
	s31 =	simm.s32 $0x400;
	v7 =	vld [tilespmem:s30+$0x60];
	v11 =	vshll.u32 v11, $0x1;
	v10 =	vadd.s32 v1, v12;
	[tilespmem:s30+$0x5870] =	vst v13  }
.LBB2_10:
0x8f: {  	p0 =	sne.s32 s31, $0x9E00;
	v12 =	vld [tilespmem:s29+$0x70];
	[tilespmem:s30+$0x5800] =	vst v10;
	v10 =	vadd.s32 v1, v11;
	v9 =	vshll.u32 v9, $0x1  }
0x90: {  	v11 =	vld [tilespmem:s29+$0x0];
	[tilespmem:s30+$0x5810] =	vst v10;
	v9 =	vadd.s32 v1, v9;
	v8 =	vshll.u32 v8, $0x1  }
0x91: {  	v13 =	vld [tilespmem:s29+$0x10];
	[tilespmem:s30+$0x5820] =	vst v9;
	v8 =	vadd.s32 v1, v8;
	v6 =	vshll.u32 v6, $0x1  }
.Ltmp4:
0x92: {  	v9 =	vld [tilespmem:s29+$0x20];
	[tilespmem:s30+$0x5830] =	vst v8;
	v6 =	vadd.s32 v1, v6;
	v5 =	vshll.u32 v5, $0x1;
	(pc) =	sbr.rel @p0 .LBB2_10-.Ltmp4, $4  }
0x93: {  	v8 =	vld [tilespmem:s29+$0x30];
	[tilespmem:s30+$0x5840] =	vst v6;
	v5 =	vadd.s32 v1, v5;
	v7 =	vshll.u32 v7, $0x1  }
0x94: {  	v6 =	vld [tilespmem:s29+$0x40];
	v10 =	vshll.u32 v12, $0x1;
	[tilespmem:s30+$0x5850] =	vst v5;
	v7 =	vadd.s32 v1, v7  }
0x95: {  	v11 =	vshll.u32 v11, $0x1;
	v5 =	vld [tilespmem:s29+$0x50];
	v12 =	vadd.s32 v1, v10;
	[tilespmem:s30+$0x5860] =	vst v7;
	s30 =	smov.u32 s29  }
0x96: {  	s29 =	sshra.s32 s31, $0x2;
	s31 =	sadd.s32 $0x200, s31;
	v10 =	vadd.s32 v1, v11;
	v11 =	vshll.u32 v13, $0x1;
	v7 =	vld [tilespmem:s30+$0x60];
	[tilespmem:s30+$0x5870] =	vst v12  }
0x97: {  	v12 =	vld [tilespmem:s29+$0x70];
	[tilespmem:s30+$0x5800] =	vst v10;
	v60 =	vadd.s32 v1, v11;
	v9 =	vshll.u32 v9, $0x1  }
0x98: {  	v61 =	vld [tilespmem:s29+$0x0];
	[tilespmem:s30+$0x5810] =	vst v60;
	v9 =	vadd.s32 v1, v9;
	v8 =	vshll.u32 v8, $0x1  }
0x99: {  	v10 =	vld [tilespmem:s29+$0x10];
	[tilespmem:s30+$0x5820] =	vst v9;
	v8 =	vadd.s32 v1, v8;
	v6 =	vshll.u32 v6, $0x1  }
0x9a: {  	v9 =	vld [tilespmem:s29+$0x20];
	[tilespmem:s30+$0x5830] =	vst v8;
	v6 =	vadd.s32 v1, v6;
	v5 =	vshll.u32 v5, $0x1  }
0x9b: {  	v8 =	vld [tilespmem:s29+$0x30];
	[tilespmem:s30+$0x5840] =	vst v6;
	v5 =	vadd.s32 v1, v5;
	v7 =	vshll.u32 v7, $0x1  }
0x9c: {  	v6 =	vld [tilespmem:s29+$0x40];
	[tilespmem:s30+$0x5850] =	vst v5;
	v5 =	vadd.s32 v1, v7;
	v12 =	vshll.u32 v12, $0x1  }
0x9d: {  	v7 =	vld [tilespmem:s29+$0x50];
	[tilespmem:s30+$0x5860] =	vst v5;
	v5 =	vshll.u32 v61, $0x1;
	v62 =	vadd.s32 v1, v12  }
0x9e: {  	v63 =	vld [tilespmem:s29+$0x60];
	v5 =	vadd.s32 v1, v5;
	v10 =	vshll.u32 v10, $0x1;
	[tilespmem:s29+$0x5870] =	vst v62  }
0x9f: {  	[tilespmem:s29+$0x5800] =	vst v5;
	v5 =	vadd.s32 v1, v10;
	v9 =	vshll.u32 v9, $0x1  }
0xa0: {  	[tilespmem:s29+$0x5810] =	vst v5;
	v5 =	vadd.s32 v1, v9;
	v8 =	vshll.u32 v8, $0x1  }
0xa1: {  	[tilespmem:s29+$0x5820] =	vst v5;
	v5 =	vadd.s32 v1, v8;
	v6 =	vshll.u32 v6, $0x1  }
0xa2: {  	[tilespmem:s29+$0x5830] =	vst v5;
	v5 =	vadd.s32 v1, v6;
	v6 =	vshll.u32 v7, $0x1  }
0xa3: {  	[tilespmem:s29+$0x5840] =	vst v5;
	v5 =	vadd.s32 v1, v6;
	v6 =	vshll.u32 v63, $0x1  }
0xa4: {  	[tilespmem:s29+$0x5850] =	vst v5;
	v5 =	vadd.s32 v1, v6  }
0xa5: {  	s1 =	simm.s32 $0x100;
	s0 =	simm.s32 $0x0;
	[tilespmem:s29+$0x5860] =	vst v5  }
.LBB2_12:
0xa6: {  	p0 =	sne.s32 s1, $0x7F00;
	[tilespmem:s0+$0x8030] =	vst v4;
	s15 =	smov.u32 s1;
	s1 =	sadd.s32 $0x100, s1  }
.Ltmp5:
0xa7: {  	[tilespmem:s0+$0x8020] =	vst v4;
	(pc) =	sbr.rel @p0 .LBB2_12-.Ltmp5, $3  }
0xa8: {  	[tilespmem:s0+$0x8000] =	vst v4  }
0xa9: {  	[tilespmem:s0+$0x8010] =	vst v4;
	_ =	sdelay $0x1  }
0xaa: {  	s0 =	sshra.s32 s15, $0x2  }
0xab: {  	[tilespmem:s0+$0x8030] =	vst v4  }
0xac: {  	[tilespmem:s0+$0x8020] =	vst v4  }
0xad: {  	[tilespmem:s0+$0x8000] =	vst v4  }
0xae: {  	[tilespmem:s0+$0x8010] =	vst v4  }
0xaf: {  	[spmem:s7] =	stream.linear.scatter [tilespmem:s16], [sflag:$0x3], $0x2000, $0x38;
	[tilespmem:$0x16000] =	vst v63  }
0xb0: {  	_ =	swait.ge [sflag:s14], $0x2000  }
0xb1: {  	[sflag:s14] =	ssyncset.done $0x0  }
0xb2: {  	[sflag:s14] =	ssyncadd.s32 $0xFFFFE000  }
0xb3: {  	[spmem:s8] =	stream.linear.scatter [tilespmem:s16], [sflag:$0x3], $0x2000, $0x38;
	[tilespmem:$0x16000] =	vst v63  }
0xb4: {  	_ =	swait.ge [sflag:s14], $0x2000  }
0xb5: {  	[sflag:s14] =	ssyncset.done $0x0  }
0xb6: {  	[sflag:s14] =	ssyncadd.s32 $0xFFFFE000  }
0xb7: {  	[spmem:s9] =	stream.linear.scatter [tilespmem:s16], [sflag:$0x3], $0x2000, $0x38;
	[tilespmem:$0x16000] =	vst v63  }
0xb8: {  	_ =	swait.ge [sflag:s14], $0x2000  }
0xb9: {  	[sflag:s14] =	ssyncset.done $0x0  }
0xba: {  	[sflag:s14] =	ssyncadd.s32 $0xFFFFE000  }
0xbb: {  	[spmem:s10] =	stream.linear.scatter [tilespmem:s16], [sflag:$0x3], $0x2000, $0x38;
	[tilespmem:$0x16000] =	vst v63  }
0xbc: {  	_ =	swait.ge [sflag:s14], $0x2000  }
0xbd: {  	[sflag:s14] =	ssyncset.done $0x0  }
0xbe: {  	[sflag:s14] =	ssyncadd.s32 $0xFFFFE000  }
0xbf: {  	[spmem:s11] =	stream.linear.scatter [tilespmem:s16], [sflag:$0x3], $0x2000, $0x38;
	[tilespmem:$0x16000] =	vst v63  }
0xc0: {  	_ =	swait.ge [sflag:s14], $0x2000  }
0xc1: {  	[sflag:s14] =	ssyncset.done $0x0  }
0xc2: {  	[sflag:s14] =	ssyncadd.s32 $0xFFFFE000  }
0xc3: {  	s29 =	simm.s32 $0x0;
	s30 =	simm.s32 $0x0;
	[bflag:$0x0] =	sbarrier.arrive $0xFFFF  }
.LBB2_14:
0xc4: {  	s0 =	sshll.u32 s30, $0x8  }
0xc5: {  	s31 =	sshll.u32 s30, $0x7;
	s0 =	sadd.s32 s0, s12  }
0xc6: {  	[tilespmem:s18], [sflag:$0x2] =	stream.linear.gather [hbm4b:s0+s29], $0x800, $0x38;
	[tilespmem:$0x16000] =	vst v63  }
0xc7: {  	s15 =	sadd.s32 $0x5800, s31  }
0xc8: {  	[tilespmem:s16], [sflag:$0x1] =	stream.indirect.gather [hbm4b:s4+s19], $0x40, s15, s19, $0xb8;
	[tilespmem:$0x16000] =	vst v63  }
0xc9: {  	_ =	swait.ge [sflag:s21], $0x800  }
0xca: {  	[sflag:s21] =	ssyncset.done $0x0  }
0xcb: {  	[sflag:s21] =	ssyncadd.s32 $0xFFFFF800  }
0xcc: {  	_ =	swait.ge [sflag:s22], $0x2000  }
0xcd: {  	[sflag:s22] =	ssyncset.done $0x0  }
0xce: {  	s0 =	simm.s32 $0x8020;
	[sflag:s22] =	ssyncadd.s32 $0xFFFFE000  }
0xcf: {  	v5 =	vld [tilespmem:s0+$0xFFFFFFF0]  }
0xd0: {  	v7 =	vld [tilespmem:s0+$0x10]  }
0xd1: {  	s1 =	simm.s32 $0x0;
	v6 =	vld [tilespmem:s0+$0xFFFFFFE0]  }
0xd2: {  	v9 =	vld [tilespmem:s1+$0x5000]  }
0xd3: {  	v10 =	vld [tilespmem:s0+$0x0];
	_ =	sdelay $0x3  }
0xd4: {  	v6 =	vmul.f32 v6, v9;
	v8 =	vmul.f32 v7, v9  }
0xd5: {  	s15 =	simm.s32 $0x40;
	s1 =	simm.s32 $0x8020;
	v7 =	vmul.f32 v5, v9;
	v5 =	vmul.f32 v10, v9  }
.LBB2_15:
0xd6: {  	p0 =	sne.s32 s15, $0x1FC0  }
0xd7: {  	[tilespmem:s0+$0x10] =	vst v8;
	s1 =	sadd.s32 $0x40, s1;
	s3 =	smov.u32 s15;
	s15 =	sadd.s32 $0x40, s15  }
0xd8: {  	v9 =	vld [tilespmem:s1+$0xFFFFFFF0];
	[tilespmem:s0+$0xFFFFFFE0] =	vst v6  }
0xd9: {  	v8 =	vld [tilespmem:s1+$0x10];
	[tilespmem:s0+$0xFFFFFFF0] =	vst v7  }
0xda: {  	s3 =	sshra.s32 s3, $0x2;
	v6 =	vld [tilespmem:s1+$0xFFFFFFE0];
	[tilespmem:s0+$0x0] =	vst v5;
	s0 =	smov.u32 s1  }
0xdb: {  	v5 =	vld [tilespmem:s3+$0x5000]  }
0xdc: {  	v10 =	vld [tilespmem:s1+$0x0]  }
.Ltmp6:
0xdd: {  	(pc) =	sbr.rel @p0 .LBB2_15-.Ltmp6, $3  }
0xde: {  	_ =	sdelay $0x1  }
0xdf: {  	v6 =	vmul.f32 v6, v5;
	v8 =	vmul.f32 v8, v5  }
0xe0: {  	v7 =	vmul.f32 v9, v5;
	v5 =	vmul.f32 v10, v5  }
0xe1: {  	[tilespmem:s0+$0x10] =	vst v8  }
0xe2: {  	[tilespmem:s0+$0xFFFFFFE0] =	vst v6;
	s30 =	sadd.s32 $0x1, s30  }
0xe3: {  	[tilespmem:s0+$0xFFFFFFF0] =	vst v7;
	p0 =	sne.s32 s30, $0x50  }
.Ltmp7:
0xe4: {  	s31 =	sadd.s32 $0x2800, s31;
	[tilespmem:s0+$0x0] =	vst v5;
	(pc) =	sbr.rel @p0 .LBB2_14-.Ltmp7, $4  }
0xe5: {  	[spmem:s2] =	stream.indirect.scatter.add.f32 [tilespmem:s16], [sflag:$0x3], $0x40, s31, s19, $0xb8;
	[tilespmem:$0x16000] =	vst v63  }
0xe6: {  	_ =	swait.ge [sflag:s14], $0x2000  }
0xe7: {  	[sflag:s14] =	ssyncset.done $0x0  }
0xe8: {  	[sflag:s14] =	ssyncadd.s32 $0xFFFFE000  }
0xe9: {  	[bflag:$0x0] =	sbarrier.arrive $0xFFFF  }
0xea: {  	[hbm:s20], [sflag:s26] =	dma.local [spmem:s28], $0x1400  }
0xeb: {  	_ =	swait.ge [sflag:s14], $0x1400  }
0xec: {  	[sflag:s14] =	ssyncset.done $0x0  }
0xed: {  	s30 =	simm.s32 $0x0;
	[sflag:s14] =	ssyncadd.s32 $0xFFFFEC00  }
0xee: {  	v5 =	vld [tilespmem:s30+$0x70]  }
0xef: {  	v7 =	vld [tilespmem:s30+$0x0]  }
0xf0: {  	v11 =	vld [tilespmem:s30+$0x10]  }
0xf1: {  	v9 =	vld [tilespmem:s30+$0x20]  }
0xf2: {  	v8 =	vld [tilespmem:s30+$0x30]  }
0xf3: {  	v6 =	vld [tilespmem:s30+$0x40];
	v10 =	vshll.u32 v5, $0x1  }
0xf4: {  	v5 =	vld [tilespmem:s30+$0x50];
	v12 =	vshll.u32 v7, $0x1;
	v13 =	vadd.s32 v2, v10  }
0xf5: {  	s29 =	simm.s32 $0x80;
	s31 =	simm.s32 $0x400;
	v7 =	vld [tilespmem:s30+$0x60];
	v11 =	vshll.u32 v11, $0x1;
	v10 =	vadd.s32 v2, v12;
	[tilespmem:s30+$0x5870] =	vst v13  }
.LBB2_18:
0xf6: {  	p0 =	sne.s32 s31, $0x9E00;
	v12 =	vld [tilespmem:s29+$0x70];
	[tilespmem:s30+$0x5800] =	vst v10;
	v10 =	vadd.s32 v2, v11;
	v9 =	vshll.u32 v9, $0x1  }
0xf7: {  	v11 =	vld [tilespmem:s29+$0x0];
	[tilespmem:s30+$0x5810] =	vst v10;
	v9 =	vadd.s32 v2, v9;
	v8 =	vshll.u32 v8, $0x1  }
0xf8: {  	v13 =	vld [tilespmem:s29+$0x10];
	[tilespmem:s30+$0x5820] =	vst v9;
	v8 =	vadd.s32 v2, v8;
	v6 =	vshll.u32 v6, $0x1  }
.Ltmp8:
0xf9: {  	v9 =	vld [tilespmem:s29+$0x20];
	[tilespmem:s30+$0x5830] =	vst v8;
	v6 =	vadd.s32 v2, v6;
	v5 =	vshll.u32 v5, $0x1;
	(pc) =	sbr.rel @p0 .LBB2_18-.Ltmp8, $4  }
0xfa: {  	v8 =	vld [tilespmem:s29+$0x30];
	[tilespmem:s30+$0x5840] =	vst v6;
	v5 =	vadd.s32 v2, v5;
	v7 =	vshll.u32 v7, $0x1  }
0xfb: {  	v6 =	vld [tilespmem:s29+$0x40];
	v10 =	vshll.u32 v12, $0x1;
	[tilespmem:s30+$0x5850] =	vst v5;
	v7 =	vadd.s32 v2, v7  }
0xfc: {  	v11 =	vshll.u32 v11, $0x1;
	v5 =	vld [tilespmem:s29+$0x50];
	v12 =	vadd.s32 v2, v10;
	[tilespmem:s30+$0x5860] =	vst v7;
	s30 =	smov.u32 s29  }
0xfd: {  	s29 =	sshra.s32 s31, $0x2;
	s31 =	sadd.s32 $0x200, s31;
	v10 =	vadd.s32 v2, v11;
	v11 =	vshll.u32 v13, $0x1;
	v7 =	vld [tilespmem:s30+$0x60];
	[tilespmem:s30+$0x5870] =	vst v12  }
0xfe: {  	v12 =	vld [tilespmem:s29+$0x70];
	[tilespmem:s30+$0x5800] =	vst v10;
	v60 =	vadd.s32 v2, v11;
	v9 =	vshll.u32 v9, $0x1  }
0xff: {  	v61 =	vld [tilespmem:s29+$0x0];
	[tilespmem:s30+$0x5810] =	vst v60;
	v9 =	vadd.s32 v2, v9;
	v8 =	vshll.u32 v8, $0x1  }
0x100: {  	v10 =	vld [tilespmem:s29+$0x10];
	[tilespmem:s30+$0x5820] =	vst v9;
	v8 =	vadd.s32 v2, v8;
	v6 =	vshll.u32 v6, $0x1  }
0x101: {  	v9 =	vld [tilespmem:s29+$0x20];
	[tilespmem:s30+$0x5830] =	vst v8;
	v6 =	vadd.s32 v2, v6;
	v5 =	vshll.u32 v5, $0x1  }
0x102: {  	v8 =	vld [tilespmem:s29+$0x30];
	[tilespmem:s30+$0x5840] =	vst v6;
	v5 =	vadd.s32 v2, v5;
	v7 =	vshll.u32 v7, $0x1  }
0x103: {  	v6 =	vld [tilespmem:s29+$0x40];
	[tilespmem:s30+$0x5850] =	vst v5;
	v5 =	vadd.s32 v2, v7;
	v12 =	vshll.u32 v12, $0x1  }
0x104: {  	v7 =	vld [tilespmem:s29+$0x50];
	[tilespmem:s30+$0x5860] =	vst v5;
	v5 =	vshll.u32 v61, $0x1;
	v62 =	vadd.s32 v2, v12  }
0x105: {  	v63 =	vld [tilespmem:s29+$0x60];
	v5 =	vadd.s32 v2, v5;
	v10 =	vshll.u32 v10, $0x1;
	[tilespmem:s29+$0x5870] =	vst v62  }
0x106: {  	[tilespmem:s29+$0x5800] =	vst v5;
	v5 =	vadd.s32 v2, v10;
	v9 =	vshll.u32 v9, $0x1  }
0x107: {  	[tilespmem:s29+$0x5810] =	vst v5;
	v5 =	vadd.s32 v2, v9;
	v8 =	vshll.u32 v8, $0x1  }
0x108: {  	[tilespmem:s29+$0x5820] =	vst v5;
	v5 =	vadd.s32 v2, v8;
	v6 =	vshll.u32 v6, $0x1  }
0x109: {  	[tilespmem:s29+$0x5830] =	vst v5;
	v5 =	vadd.s32 v2, v6;
	v6 =	vshll.u32 v7, $0x1  }
0x10a: {  	[tilespmem:s29+$0x5840] =	vst v5;
	v5 =	vadd.s32 v2, v6;
	v6 =	vshll.u32 v63, $0x1  }
0x10b: {  	[tilespmem:s29+$0x5850] =	vst v5;
	v5 =	vadd.s32 v2, v6  }
0x10c: {  	s1 =	simm.s32 $0x100;
	s0 =	simm.s32 $0x0;
	[tilespmem:s29+$0x5860] =	vst v5  }
.LBB2_20:
0x10d: {  	p0 =	sne.s32 s1, $0x7F00;
	[tilespmem:s0+$0x8030] =	vst v4;
	s3 =	smov.u32 s1;
	s1 =	sadd.s32 $0x100, s1  }
.Ltmp9:
0x10e: {  	[tilespmem:s0+$0x8020] =	vst v4;
	(pc) =	sbr.rel @p0 .LBB2_20-.Ltmp9, $3  }
0x10f: {  	[tilespmem:s0+$0x8000] =	vst v4  }
0x110: {  	[tilespmem:s0+$0x8010] =	vst v4;
	_ =	sdelay $0x1  }
0x111: {  	s0 =	sshra.s32 s3, $0x2  }
0x112: {  	[tilespmem:s0+$0x8030] =	vst v4  }
0x113: {  	[tilespmem:s0+$0x8020] =	vst v4  }
0x114: {  	[tilespmem:s0+$0x8000] =	vst v4  }
0x115: {  	[tilespmem:s0+$0x8010] =	vst v4  }
0x116: {  	[spmem:s7] =	stream.linear.scatter [tilespmem:s16], [sflag:$0x3], $0x2000, $0x38;
	[tilespmem:$0x16000] =	vst v63  }
0x117: {  	_ =	swait.ge [sflag:s14], $0x2000  }
0x118: {  	[sflag:s14] =	ssyncset.done $0x0  }
0x119: {  	[sflag:s14] =	ssyncadd.s32 $0xFFFFE000  }
0x11a: {  	[spmem:s8] =	stream.linear.scatter [tilespmem:s16], [sflag:$0x3], $0x2000, $0x38;
	[tilespmem:$0x16000] =	vst v63  }
0x11b: {  	_ =	swait.ge [sflag:s14], $0x2000  }
0x11c: {  	[sflag:s14] =	ssyncset.done $0x0  }
0x11d: {  	[sflag:s14] =	ssyncadd.s32 $0xFFFFE000  }
0x11e: {  	[spmem:s9] =	stream.linear.scatter [tilespmem:s16], [sflag:$0x3], $0x2000, $0x38;
	[tilespmem:$0x16000] =	vst v63  }
0x11f: {  	_ =	swait.ge [sflag:s14], $0x2000  }
0x120: {  	[sflag:s14] =	ssyncset.done $0x0  }
0x121: {  	[sflag:s14] =	ssyncadd.s32 $0xFFFFE000  }
0x122: {  	[spmem:s10] =	stream.linear.scatter [tilespmem:s16], [sflag:$0x3], $0x2000, $0x38;
	[tilespmem:$0x16000] =	vst v63  }
0x123: {  	_ =	swait.ge [sflag:s14], $0x2000  }
0x124: {  	[sflag:s14] =	ssyncset.done $0x0  }
0x125: {  	[sflag:s14] =	ssyncadd.s32 $0xFFFFE000  }
0x126: {  	[spmem:s11] =	stream.linear.scatter [tilespmem:s16], [sflag:$0x3], $0x2000, $0x38;
	[tilespmem:$0x16000] =	vst v63  }
0x127: {  	_ =	swait.ge [sflag:s14], $0x2000  }
0x128: {  	[sflag:s14] =	ssyncset.done $0x0  }
0x129: {  	[sflag:s14] =	ssyncadd.s32 $0xFFFFE000  }
0x12a: {  	s29 =	simm.s32 $0x0;
	s30 =	simm.s32 $0x0;
	[bflag:$0x0] =	sbarrier.arrive $0xFFFF  }
.LBB2_22:
0x12b: {  	s0 =	sshll.u32 s30, $0x8  }
0x12c: {  	s31 =	sshll.u32 s30, $0x7;
	s0 =	sadd.s32 s0, s12  }
0x12d: {  	[tilespmem:s18], [sflag:$0x2] =	stream.linear.gather [hbm4b:s0+s29], $0x800, $0x38;
	[tilespmem:$0x16000] =	vst v63  }
0x12e: {  	s15 =	sadd.s32 $0x5800, s31  }
0x12f: {  	[tilespmem:s16], [sflag:$0x1] =	stream.indirect.gather [hbm4b:s4+s19], $0x40, s15, s19, $0xb8;
	[tilespmem:$0x16000] =	vst v63  }
0x130: {  	_ =	swait.ge [sflag:s21], $0x800  }
0x131: {  	[sflag:s21] =	ssyncset.done $0x0  }
0x132: {  	[sflag:s21] =	ssyncadd.s32 $0xFFFFF800  }
0x133: {  	_ =	swait.ge [sflag:s22], $0x2000  }
0x134: {  	[sflag:s22] =	ssyncset.done $0x0  }
0x135: {  	s0 =	simm.s32 $0x8020;
	[sflag:s22] =	ssyncadd.s32 $0xFFFFE000  }
0x136: {  	v5 =	vld [tilespmem:s0+$0xFFFFFFF0]  }
0x137: {  	v7 =	vld [tilespmem:s0+$0x10]  }
0x138: {  	s1 =	simm.s32 $0x0;
	v6 =	vld [tilespmem:s0+$0xFFFFFFE0]  }
0x139: {  	v9 =	vld [tilespmem:s1+$0x5000]  }
0x13a: {  	v10 =	vld [tilespmem:s0+$0x0];
	_ =	sdelay $0x3  }
0x13b: {  	v6 =	vmul.f32 v6, v9;
	v8 =	vmul.f32 v7, v9  }
0x13c: {  	s15 =	simm.s32 $0x40;
	s1 =	simm.s32 $0x8020;
	v7 =	vmul.f32 v5, v9;
	v5 =	vmul.f32 v10, v9  }
.LBB2_23:
0x13d: {  	p0 =	sne.s32 s15, $0x1FC0  }
0x13e: {  	[tilespmem:s0+$0x10] =	vst v8;
	s1 =	sadd.s32 $0x40, s1;
	s3 =	smov.u32 s15;
	s15 =	sadd.s32 $0x40, s15  }
0x13f: {  	v9 =	vld [tilespmem:s1+$0xFFFFFFF0];
	[tilespmem:s0+$0xFFFFFFE0] =	vst v6  }
0x140: {  	v8 =	vld [tilespmem:s1+$0x10];
	[tilespmem:s0+$0xFFFFFFF0] =	vst v7  }
0x141: {  	s3 =	sshra.s32 s3, $0x2;
	v6 =	vld [tilespmem:s1+$0xFFFFFFE0];
	[tilespmem:s0+$0x0] =	vst v5;
	s0 =	smov.u32 s1  }
0x142: {  	v5 =	vld [tilespmem:s3+$0x5000]  }
0x143: {  	v10 =	vld [tilespmem:s1+$0x0]  }
.Ltmp10:
0x144: {  	(pc) =	sbr.rel @p0 .LBB2_23-.Ltmp10, $3  }
0x145: {  	_ =	sdelay $0x1  }
0x146: {  	v6 =	vmul.f32 v6, v5;
	v8 =	vmul.f32 v8, v5  }
0x147: {  	v7 =	vmul.f32 v9, v5;
	v5 =	vmul.f32 v10, v5  }
0x148: {  	[tilespmem:s0+$0x10] =	vst v8  }
0x149: {  	[tilespmem:s0+$0xFFFFFFE0] =	vst v6;
	s30 =	sadd.s32 $0x1, s30  }
0x14a: {  	[tilespmem:s0+$0xFFFFFFF0] =	vst v7;
	p0 =	sne.s32 s30, $0x50  }
.Ltmp11:
0x14b: {  	s31 =	sadd.s32 $0x2800, s31;
	[tilespmem:s0+$0x0] =	vst v5;
	(pc) =	sbr.rel @p0 .LBB2_22-.Ltmp11, $4  }
0x14c: {  	[spmem:s2] =	stream.indirect.scatter.add.f32 [tilespmem:s16], [sflag:$0x3], $0x40, s31, s19, $0xb8;
	[tilespmem:$0x16000] =	vst v63  }
0x14d: {  	_ =	swait.ge [sflag:s14], $0x2000  }
0x14e: {  	[sflag:s14] =	ssyncset.done $0x0  }
0x14f: {  	[sflag:s14] =	ssyncadd.s32 $0xFFFFE000  }
0x150: {  	[bflag:$0x0] =	sbarrier.arrive $0xFFFF  }
0x151: {  	[hbm:s23], [sflag:s26] =	dma.local [spmem:s28], $0x1400  }
0x152: {  	_ =	swait.ge [sflag:s14], $0x1400  }
0x153: {  	[sflag:s14] =	ssyncset.done $0x0  }
0x154: {  	s30 =	simm.s32 $0x0;
	[sflag:s14] =	ssyncadd.s32 $0xFFFFEC00  }
0x155: {  	v5 =	vld [tilespmem:s30+$0x70]  }
0x156: {  	v7 =	vld [tilespmem:s30+$0x0]  }
0x157: {  	v11 =	vld [tilespmem:s30+$0x10]  }
0x158: {  	v9 =	vld [tilespmem:s30+$0x20]  }
0x159: {  	v8 =	vld [tilespmem:s30+$0x30]  }
0x15a: {  	v6 =	vld [tilespmem:s30+$0x40];
	v10 =	vshll.u32 v5, $0x1  }
0x15b: {  	v5 =	vld [tilespmem:s30+$0x50];
	v12 =	vshll.u32 v7, $0x1;
	v13 =	vadd.s32 v3, v10  }
0x15c: {  	s29 =	simm.s32 $0x80;
	s31 =	simm.s32 $0x400;
	v7 =	vld [tilespmem:s30+$0x60];
	v11 =	vshll.u32 v11, $0x1;
	v10 =	vadd.s32 v3, v12;
	[tilespmem:s30+$0x5870] =	vst v13  }
.LBB2_26:
0x15d: {  	p0 =	sne.s32 s31, $0x9E00;
	v12 =	vld [tilespmem:s29+$0x70];
	[tilespmem:s30+$0x5800] =	vst v10;
	v10 =	vadd.s32 v3, v11;
	v9 =	vshll.u32 v9, $0x1  }
0x15e: {  	v11 =	vld [tilespmem:s29+$0x0];
	[tilespmem:s30+$0x5810] =	vst v10;
	v9 =	vadd.s32 v3, v9;
	v8 =	vshll.u32 v8, $0x1  }
0x15f: {  	v13 =	vld [tilespmem:s29+$0x10];
	[tilespmem:s30+$0x5820] =	vst v9;
	v8 =	vadd.s32 v3, v8;
	v6 =	vshll.u32 v6, $0x1  }
.Ltmp12:
0x160: {  	v9 =	vld [tilespmem:s29+$0x20];
	[tilespmem:s30+$0x5830] =	vst v8;
	v6 =	vadd.s32 v3, v6;
	v5 =	vshll.u32 v5, $0x1;
	(pc) =	sbr.rel @p0 .LBB2_26-.Ltmp12, $4  }
0x161: {  	v8 =	vld [tilespmem:s29+$0x30];
	[tilespmem:s30+$0x5840] =	vst v6;
	v5 =	vadd.s32 v3, v5;
	v7 =	vshll.u32 v7, $0x1  }
0x162: {  	v6 =	vld [tilespmem:s29+$0x40];
	v10 =	vshll.u32 v12, $0x1;
	[tilespmem:s30+$0x5850] =	vst v5;
	v7 =	vadd.s32 v3, v7  }
0x163: {  	v11 =	vshll.u32 v11, $0x1;
	v5 =	vld [tilespmem:s29+$0x50];
	v12 =	vadd.s32 v3, v10;
	[tilespmem:s30+$0x5860] =	vst v7;
	s30 =	smov.u32 s29  }
0x164: {  	s29 =	sshra.s32 s31, $0x2;
	s31 =	sadd.s32 $0x200, s31;
	v10 =	vadd.s32 v3, v11;
	v11 =	vshll.u32 v13, $0x1;
	v7 =	vld [tilespmem:s30+$0x60];
	[tilespmem:s30+$0x5870] =	vst v12  }
0x165: {  	v12 =	vld [tilespmem:s29+$0x70];
	[tilespmem:s30+$0x5800] =	vst v10;
	v60 =	vadd.s32 v3, v11;
	v9 =	vshll.u32 v9, $0x1  }
0x166: {  	v61 =	vld [tilespmem:s29+$0x0];
	[tilespmem:s30+$0x5810] =	vst v60;
	v9 =	vadd.s32 v3, v9;
	v8 =	vshll.u32 v8, $0x1  }
0x167: {  	v10 =	vld [tilespmem:s29+$0x10];
	[tilespmem:s30+$0x5820] =	vst v9;
	v8 =	vadd.s32 v3, v8;
	v6 =	vshll.u32 v6, $0x1  }
0x168: {  	v9 =	vld [tilespmem:s29+$0x20];
	[tilespmem:s30+$0x5830] =	vst v8;
	v6 =	vadd.s32 v3, v6;
	v5 =	vshll.u32 v5, $0x1  }
0x169: {  	v8 =	vld [tilespmem:s29+$0x30];
	[tilespmem:s30+$0x5840] =	vst v6;
	v5 =	vadd.s32 v3, v5;
	v7 =	vshll.u32 v7, $0x1  }
0x16a: {  	v6 =	vld [tilespmem:s29+$0x40];
	[tilespmem:s30+$0x5850] =	vst v5;
	v5 =	vadd.s32 v3, v7;
	v12 =	vshll.u32 v12, $0x1  }
0x16b: {  	v7 =	vld [tilespmem:s29+$0x50];
	[tilespmem:s30+$0x5860] =	vst v5;
	v5 =	vshll.u32 v61, $0x1;
	v62 =	vadd.s32 v3, v12  }
0x16c: {  	v63 =	vld [tilespmem:s29+$0x60];
	v5 =	vadd.s32 v3, v5;
	v10 =	vshll.u32 v10, $0x1;
	[tilespmem:s29+$0x5870] =	vst v62  }
0x16d: {  	[tilespmem:s29+$0x5800] =	vst v5;
	v5 =	vadd.s32 v3, v10;
	v9 =	vshll.u32 v9, $0x1  }
0x16e: {  	[tilespmem:s29+$0x5810] =	vst v5;
	v5 =	vadd.s32 v3, v9;
	v8 =	vshll.u32 v8, $0x1  }
0x16f: {  	[tilespmem:s29+$0x5820] =	vst v5;
	v5 =	vadd.s32 v3, v8;
	v6 =	vshll.u32 v6, $0x1  }
0x170: {  	[tilespmem:s29+$0x5830] =	vst v5;
	v5 =	vadd.s32 v3, v6;
	v6 =	vshll.u32 v7, $0x1  }
0x171: {  	[tilespmem:s29+$0x5840] =	vst v5;
	v5 =	vadd.s32 v3, v6;
	v6 =	vshll.u32 v63, $0x1  }
0x172: {  	[tilespmem:s29+$0x5850] =	vst v5;
	v5 =	vadd.s32 v3, v6  }
0x173: {  	s1 =	simm.s32 $0x100;
	s0 =	simm.s32 $0x0;
	[tilespmem:s29+$0x5860] =	vst v5  }
.LBB2_28:
0x174: {  	p0 =	sne.s32 s1, $0x7F00;
	[tilespmem:s0+$0x8030] =	vst v4;
	s3 =	smov.u32 s1;
	s1 =	sadd.s32 $0x100, s1  }
.Ltmp13:
0x175: {  	[tilespmem:s0+$0x8020] =	vst v4;
	(pc) =	sbr.rel @p0 .LBB2_28-.Ltmp13, $3  }
0x176: {  	[tilespmem:s0+$0x8000] =	vst v4  }
0x177: {  	[tilespmem:s0+$0x8010] =	vst v4;
	_ =	sdelay $0x1  }
0x178: {  	s0 =	sshra.s32 s3, $0x2  }
0x179: {  	[tilespmem:s0+$0x8030] =	vst v4  }
0x17a: {  	[tilespmem:s0+$0x8020] =	vst v4  }
0x17b: {  	[tilespmem:s0+$0x8000] =	vst v4  }
0x17c: {  	[tilespmem:s0+$0x8010] =	vst v4  }
0x17d: {  	[spmem:s7] =	stream.linear.scatter [tilespmem:s16], [sflag:$0x3], $0x2000, $0x38;
	[tilespmem:$0x16000] =	vst v63  }
0x17e: {  	_ =	swait.ge [sflag:s14], $0x2000  }
0x17f: {  	[sflag:s14] =	ssyncset.done $0x0  }
0x180: {  	[sflag:s14] =	ssyncadd.s32 $0xFFFFE000  }
0x181: {  	[spmem:s8] =	stream.linear.scatter [tilespmem:s16], [sflag:$0x3], $0x2000, $0x38;
	[tilespmem:$0x16000] =	vst v63  }
0x182: {  	_ =	swait.ge [sflag:s14], $0x2000  }
0x183: {  	[sflag:s14] =	ssyncset.done $0x0  }
0x184: {  	[sflag:s14] =	ssyncadd.s32 $0xFFFFE000  }
0x185: {  	[spmem:s9] =	stream.linear.scatter [tilespmem:s16], [sflag:$0x3], $0x2000, $0x38;
	[tilespmem:$0x16000] =	vst v63  }
0x186: {  	_ =	swait.ge [sflag:s14], $0x2000  }
0x187: {  	[sflag:s14] =	ssyncset.done $0x0  }
0x188: {  	[sflag:s14] =	ssyncadd.s32 $0xFFFFE000  }
0x189: {  	[spmem:s10] =	stream.linear.scatter [tilespmem:s16], [sflag:$0x3], $0x2000, $0x38;
	[tilespmem:$0x16000] =	vst v63  }
0x18a: {  	_ =	swait.ge [sflag:s14], $0x2000  }
0x18b: {  	[sflag:s14] =	ssyncset.done $0x0  }
0x18c: {  	[sflag:s14] =	ssyncadd.s32 $0xFFFFE000  }
0x18d: {  	[spmem:s11] =	stream.linear.scatter [tilespmem:s16], [sflag:$0x3], $0x2000, $0x38;
	[tilespmem:$0x16000] =	vst v63  }
0x18e: {  	_ =	swait.ge [sflag:s14], $0x2000  }
0x18f: {  	[sflag:s14] =	ssyncset.done $0x0  }
0x190: {  	[sflag:s14] =	ssyncadd.s32 $0xFFFFE000  }
0x191: {  	s29 =	simm.s32 $0x0;
	s30 =	simm.s32 $0x0;
	[bflag:$0x0] =	sbarrier.arrive $0xFFFF  }
.LBB2_30:
0x192: {  	s0 =	sshll.u32 s30, $0x8  }
0x193: {  	s31 =	sshll.u32 s30, $0x7;
	s0 =	sadd.s32 s0, s12  }
0x194: {  	[tilespmem:s18], [sflag:$0x2] =	stream.linear.gather [hbm4b:s0+s29], $0x800, $0x38;
	[tilespmem:$0x16000] =	vst v63  }
0x195: {  	s15 =	sadd.s32 $0x5800, s31  }
0x196: {  	[tilespmem:s16], [sflag:$0x1] =	stream.indirect.gather [hbm4b:s4+s19], $0x40, s15, s19, $0xb8;
	[tilespmem:$0x16000] =	vst v63  }
0x197: {  	_ =	swait.ge [sflag:s21], $0x800  }
0x198: {  	[sflag:s21] =	ssyncset.done $0x0  }
0x199: {  	[sflag:s21] =	ssyncadd.s32 $0xFFFFF800  }
0x19a: {  	_ =	swait.ge [sflag:s22], $0x2000  }
0x19b: {  	[sflag:s22] =	ssyncset.done $0x0  }
0x19c: {  	s0 =	simm.s32 $0x8020;
	[sflag:s22] =	ssyncadd.s32 $0xFFFFE000  }
0x19d: {  	v5 =	vld [tilespmem:s0+$0xFFFFFFF0]  }
0x19e: {  	v7 =	vld [tilespmem:s0+$0x10]  }
0x19f: {  	s1 =	simm.s32 $0x0;
	v6 =	vld [tilespmem:s0+$0xFFFFFFE0]  }
0x1a0: {  	v9 =	vld [tilespmem:s1+$0x5000]  }
0x1a1: {  	v10 =	vld [tilespmem:s0+$0x0];
	_ =	sdelay $0x3  }
0x1a2: {  	v6 =	vmul.f32 v6, v9;
	v8 =	vmul.f32 v7, v9  }
0x1a3: {  	s15 =	simm.s32 $0x40;
	s1 =	simm.s32 $0x8020;
	v7 =	vmul.f32 v5, v9;
	v5 =	vmul.f32 v10, v9  }
.LBB2_31:
0x1a4: {  	p0 =	sne.s32 s15, $0x1FC0  }
0x1a5: {  	[tilespmem:s0+$0x10] =	vst v8;
	s1 =	sadd.s32 $0x40, s1;
	s3 =	smov.u32 s15;
	s15 =	sadd.s32 $0x40, s15  }
0x1a6: {  	v9 =	vld [tilespmem:s1+$0xFFFFFFF0];
	[tilespmem:s0+$0xFFFFFFE0] =	vst v6  }
0x1a7: {  	v8 =	vld [tilespmem:s1+$0x10];
	[tilespmem:s0+$0xFFFFFFF0] =	vst v7  }
0x1a8: {  	s3 =	sshra.s32 s3, $0x2;
	v6 =	vld [tilespmem:s1+$0xFFFFFFE0];
	[tilespmem:s0+$0x0] =	vst v5;
	s0 =	smov.u32 s1  }
0x1a9: {  	v5 =	vld [tilespmem:s3+$0x5000]  }
0x1aa: {  	v10 =	vld [tilespmem:s1+$0x0]  }
.Ltmp14:
0x1ab: {  	(pc) =	sbr.rel @p0 .LBB2_31-.Ltmp14, $3  }
0x1ac: {  	_ =	sdelay $0x1  }
0x1ad: {  	v6 =	vmul.f32 v6, v5;
	v8 =	vmul.f32 v8, v5  }
0x1ae: {  	v7 =	vmul.f32 v9, v5;
	v5 =	vmul.f32 v10, v5  }
0x1af: {  	[tilespmem:s0+$0x10] =	vst v8  }
0x1b0: {  	[tilespmem:s0+$0xFFFFFFE0] =	vst v6;
	s30 =	sadd.s32 $0x1, s30  }
0x1b1: {  	[tilespmem:s0+$0xFFFFFFF0] =	vst v7;
	p0 =	sne.s32 s30, $0x50  }
.Ltmp15:
0x1b2: {  	s31 =	sadd.s32 $0x2800, s31;
	[tilespmem:s0+$0x0] =	vst v5;
	(pc) =	sbr.rel @p0 .LBB2_30-.Ltmp15, $4  }
0x1b3: {  	[spmem:s2] =	stream.indirect.scatter.add.f32 [tilespmem:s16], [sflag:$0x3], $0x40, s31, s19, $0xb8;
	[tilespmem:$0x16000] =	vst v63  }
0x1b4: {  	_ =	swait.ge [sflag:s14], $0x2000  }
0x1b5: {  	[sflag:s14] =	ssyncset.done $0x0  }
0x1b6: {  	[sflag:s14] =	ssyncadd.s32 $0xFFFFE000  }
0x1b7: {  	s25 =	sadd.s32 $0x1, s25  }
0x1b8: {  	p0 =	sne.s32 s25, s13  }
.Ltmp16:
0x1b9: {  	[bflag:$0x0] =	sbarrier.arrive $0xFFFF;
	(pc) =	sbr.rel @p0 .LBB2_1-.Ltmp16, $4  }
0x1ba: {  	[hbm:s24], [sflag:s26] =	dma.local [spmem:s28], $0x1400  }
0x1bb: {  	_ =	swait.ge [sflag:s14], $0x1400  }
0x1bc: {  	[sflag:s14] =	ssyncset.done $0x0  }
0x1bd: {  	[sflag:s14] =	ssyncadd.s32 $0xFFFFEC00  }
0x1be: {  	_ =	sfence.sel $0x180000  }
0x1bf: {  	[bflag:$0x0] =	sbarrier.arrive $0xFFFF  }
0x1c0: {  	_ =	strace $0x9000004D  }
0x1c1: {  	s0 =	stileid.u32;
	[bflag:$0x2] =	sbarrier.arrive $0xFFFF  }
0x1c2: {  	p0 =	sne.s32 s0, $0x0;
	s0 =	rddreg [dreg:$0x4]  }
0x1c3: {  	s0 =	sadd.s32 @!p0 $0x100000, s0  }
0x1c4: {  	[sflag:s0] =	ssyncadd.tile.s32 @!p0 $0x1;
	_ =	shalt  }
.Lfunc_end2:
_tile_overlayer_lowered:
.L_overlay_start_2:
0x1c5: {  	(tag) =	ssettag $0x2  }
0x1c6: {  	s0 =	rddreg [dreg:$0x0];
	s2 =	stileid.u32  }
0x1c7: {  	s1 =	rddreg [dreg:$0x1];
	p0 =	sne.s32 s2, $0x0  }
0x1c8: {  	s3 =	rddreg [dreg:$0x2];
	[bflag:$0x3] =	sbarrier.arrive $0xFFFF;
	s2 =	simm.s32 @!p0 $0x1C03  }
0x1c9: {  	[timem:s3], [sflag:s2] =	dma.local @!p0 [hbm:s0], s1  }
0x1ca: {  	s0 =	simm.s32 @!p0 $0x3  }
0x1cb: {  	_ =	swait.ge @!p0 [sflag:s0], s1  }
0x1cc: {  	s1 =	ssub.s32 @!p0 $0x0, s1;
	[sflag:s0] =	ssyncset.done @!p0 $0x0  }
0x1cd: {  	[sflag:s0] =	ssyncadd.s32 @!p0 s1  }
0x1ce: {  	[bflag:$0x3] =	sbarrier.arrive $0xFFFF  }
0x1cf: {  	_ =	shalt  }

// kernel: kernel.7.cloned.1.call-start
scs
__scs_entry_jumppad:
0x0: {  	(pc) =	sbr.rel $0x88, $3  }
0x1: {  	(tag) =	ssettag $0x0;
	lr =	simm.s32 $0x1  }
0x2: {  	[smem:$0x3F8A] =	sst lr;
	_ =	strace $0xD0000000  }
0x3: {  	_ = 	snop  }
0x4: {  	_ = 	snop  }
0x5: {  	_ = 	snop  }
0x6: {  	_ = 	snop  }
0x7: {  	_ = 	snop  }
__scs_overlays_trampoline_lowered:
0x8: {  	[smem:$0x3F99] =	sst s0  }
0x9: {  	[smem:$0x3F9A] =	sst s1  }
0xa: {  	[smem:$0x3F9B] =	sst s2  }
0xb: {  	[smem:$0x3F9C] =	sst s3  }
0xc: {  	[smem:$0x3F9D] =	sst s4  }
0xd: {  	[smem:$0x3F9E] =	sst s5  }
0xe: {  	[smem:$0x3F9F] =	sst s6  }
0xf: {  	[smem:$0x3FA0] =	sst s7  }
0x10: {  	[smem:$0x3FA1] =	sst s8  }
0x11: {  	[smem:$0x3FA2] =	sst s9;
	s0 =	simm.s32 @!p0 $0x0  }
0x12: {  	s1 =	sld [smem:$0x3F88];
	s0 =	simm.s32 @p0 $0x1  }
0x13: {  	[smem:$0x3FA3] =	sst s0;
	s0 =	simm.s32 @!p1 $0x0  }
0x14: {  	s2 =	sld [smem:$0x3F87];
	s0 =	simm.s32 @p1 $0x1  }
0x15: {  	[smem:$0x3FA4] =	sst s0;
	s0 =	simm.s32 @!p2 $0x0  }
0x16: {  	s3 =	sld [smem:$0x3FDB];
	s0 =	simm.s32 @p2 $0x1  }
0x17: {  	s4 =	simm.s32 $0x1BF5;
	[smem:$0x3FA6] =	sst s0  }
0x18: {  	s0 =	sld [smem:$0x3F89];
	_ =	swait.ge [sflag:s4], $0x0  }
0x19: {  	s7 =	sld [smem:$0x3F8A]  }
0x1a: {  	s8 =	sadd.s32 $0xFFFFE003, lr  }
0x1b: {  	s9 =	sadd.s32 $0xFFFFFEF7, lr;
	s5 =	simm.s32 $0xFFFFFFFF;
	p2 =	slt.u32 s8, $0xFFFFF086  }
0x1c: {  	p1 =	slt.u32 s9, $0xF7A;
	s5 =	simm.s32 @!p2 $0x0  }
0x1d: {  	s5 =	simm.s32 @p1 $0x1;
	p0 =	seq.s32 s7, s2  }
0x1e: {  	s7 =	smul.u32 @!p0 $0xF7A, s2;
	p2 =	seq.s32 @!p0 s5, $0x0  }
0x1f: {  	s9 =	smul.u32 $0xF7A, s1;
	s8 =	simm.s32 @!p0 $0x1BF5;
	p2 =	por !p2, p0  }
0x20: {  	[sflag:s8] =	ssyncset.s32 @!p0 $0xFFFFF086;
	s6 =	sadd.s32 @!p0 s3, s7;
	s7 =	simm.s32 @!p0 $0x108  }
0x21: {  	s3 =	sadd.s32 s3, s9;
	s6 =	sadd.s32 @!p0 $0x88, s6;
	s7 =	simm.s32 @p2 $0x1082  }
0x22: {  	[simem:s7], [sflag:s8] =	dma.local @!p0 [hbm:s6], $0xF7A  }
0x23: {  	s9 =	sor.u32 $0xD0000000, s2;
	s6 =	simm.s32 $0x108;
	_ =	swait.ge @!p0 [sflag:s8], $0x0  }
0x24: {  	s3 =	sadd.s32 $0x88, s3;
	s6 =	simm.s32 @!p1 $0x1082;
	[sflag:s4] =	ssyncset.s32 $0xFFFFF086  }
0x25: {  	[simem:s6], [sflag:s4] =	dma.local [hbm:s3], $0xF7A  }
0x26: {  	[smem:$0x3F8A] =	sst s1;
	(tag) =	ssettag s2;
	_ =	strace s9  }
0x27: {  	s1 =	sld [smem:$0x3F9A]  }
0x28: {  	s2 =	sld [smem:$0x3F9B]  }
0x29: {  	s4 =	sld [smem:$0x3F9D]  }
0x2a: {  	p0 =	seq.s32 s5, $0x0;
	s5 =	sld [smem:$0x3F9E]  }
0x2b: {  	s6 =	sld [smem:$0x3F9F]  }
0x2c: {  	s7 =	sld [smem:$0x3FA0]  }
0x2d: {  	s3 =	simm.s32 $0x108;
	s8 =	sld [smem:$0x3FA1]  }
0x2e: {  	s3 =	simm.s32 @!p0 $0x1082;
	s9 =	sld [smem:$0x3FA2]  }
0x2f: {  	lr =	sadd.s32 s0, s3;
	s0 =	sld [smem:$0x3F99]  }
0x30: {  	s3 =	sld [smem:$0x3F9C]  }
0x31: {  	[smem:$0x3FA5] =	sst s10  }
0x32: {  	s10 =	sld [smem:$0x3FA3];
	_ =	sdelay $0x3  }
0x33: {  	p0 =	seq.s32 s10, $0x1;
	s10 =	sld [smem:$0x3FA5];
	_ =	sdelay $0x3  }
0x34: {  	[smem:$0x3FA5] =	sst s10  }
0x35: {  	s10 =	sld [smem:$0x3FA4];
	_ =	sdelay $0x3  }
0x36: {  	p1 =	seq.s32 s10, $0x1;
	s10 =	sld [smem:$0x3FA5];
	_ =	sdelay $0x3  }
0x37: {  	[smem:$0x3FA5] =	sst s10  }
0x38: {  	s10 =	sld [smem:$0x3FA6]  }
0x39: {  	_ = 	snop;
	(pc) =	sbr.ind lr, $3  }
0x3a: {  	_ = 	snop  }
0x3b: {  	_ = 	snop  }
0x3c: {  	p2 =	seq.s32 s10, $0x1;
	s10 =	sld [smem:$0x3FA5]  }
0x3d: {  	_ =	shalt  }
0x3e: {  	_ =	shalt  }
0x3f: {  	_ =	shalt  }
0x40: {  	_ =	shalt  }
0x41: {  	_ =	shalt  }
0x42: {  	_ =	shalt  }
0x43: {  	_ =	shalt  }
0x44: {  	_ =	shalt  }
0x45: {  	_ =	shalt  }
0x46: {  	_ =	shalt  }
0x47: {  	_ =	shalt  }
0x48: {  	_ =	shalt  }
0x49: {  	_ =	shalt  }
0x4a: {  	_ =	shalt  }
0x4b: {  	_ =	shalt  }
0x4c: {  	_ =	shalt  }
0x4d: {  	_ =	shalt  }
0x4e: {  	_ =	shalt  }
0x4f: {  	_ =	shalt  }
0x50: {  	_ =	shalt  }
0x51: {  	_ =	shalt  }
0x52: {  	_ =	shalt  }
0x53: {  	_ =	shalt  }
0x54: {  	_ =	shalt  }
0x55: {  	_ =	shalt  }
0x56: {  	_ =	shalt  }
0x57: {  	_ =	shalt  }
0x58: {  	_ =	shalt  }
0x59: {  	_ =	shalt  }
0x5a: {  	_ =	shalt  }
0x5b: {  	_ =	shalt  }
0x5c: {  	_ =	shalt  }
0x5d: {  	_ =	shalt  }
0x5e: {  	_ =	shalt  }
0x5f: {  	_ =	shalt  }
0x60: {  	_ =	shalt  }
0x61: {  	_ =	shalt  }
0x62: {  	_ =	shalt  }
0x63: {  	_ =	shalt  }
0x64: {  	_ =	shalt  }
0x65: {  	_ =	shalt  }
0x66: {  	_ =	shalt  }
0x67: {  	_ =	shalt  }
0x68: {  	_ =	shalt  }
0x69: {  	_ =	shalt  }
0x6a: {  	_ =	shalt  }
0x6b: {  	_ =	shalt  }
0x6c: {  	_ =	shalt  }
0x6d: {  	_ =	shalt  }
0x6e: {  	_ =	shalt  }
0x6f: {  	_ =	shalt  }
0x70: {  	_ =	shalt  }
0x71: {  	_ =	shalt  }
0x72: {  	_ =	shalt  }
0x73: {  	_ =	shalt  }
0x74: {  	_ =	shalt  }
0x75: {  	_ =	shalt  }
0x76: {  	_ =	shalt  }
0x77: {  	_ =	shalt  }
0x78: {  	_ =	shalt  }
0x79: {  	_ =	shalt  }
0x7a: {  	_ =	shalt  }
0x7b: {  	_ =	shalt  }
0x7c: {  	_ =	shalt  }
0x7d: {  	_ =	shalt  }
0x7e: {  	_ =	shalt  }
0x7f: {  	_ =	shalt  }
0x80: {  	_ =	shalt  }
0x81: {  	_ =	shalt  }
0x82: {  	_ =	shalt  }
0x83: {  	_ =	shalt  }
0x84: {  	_ =	shalt  }
0x85: {  	_ =	shalt  }
0x86: {  	_ =	shalt  }
0x87: {  	_ =	shalt  }
.Lfunc_end0:
.L_simem_size_0:
called_computation_lowered:
.L_overlay_start_0:
0x88: {  	s2 =	sld [smem:$0x3FD9]  }
0x89: {  	s3 =	sld [smem:$0x3FFE];
	_ =	sdelay $0x1  }
0x8a: {  	s1 =	srdreg.scid  }
0x8b: {  	s0 =	sand.u32 $0x1, s1  }
0x8c: {  	s14 =	sshll.u32 s0, $0xA;
	s2 =	sadd.s32 s3, s2  }
0x8d: {  	s2 =	sadd.s32 s2, s14  }
0x8e: {  	[smem:$0x3FB1] =	sst s2  }
0x8f: {  	_ = 	snop  }
0x90: {  	s2 =	sld [smem:$0x3FD0];
	_ =	sdelay $0x1  }
0x91: {  	s15 =	sld [smem:$0x3FC6]  }
0x92: {  	s5 =	simm.s32 $0xA;
	s6 =	simm.s32 $0x10;
	s4 =	sld [smem:$0x3FC5]  }
0x93: {  	[smem:s6], [sflag:s5] =	dma.local [hbm:s2], $0x1  }
0x94: {  	_ =	swait.eq [sflag:s5], $0x1  }
0x95: {  	[sflag:s5] =	ssyncset.done $0x0  }
0x96: {  	[sflag:s5] =	ssyncadd.s32 $0xFFFFFFFF  }
0x97: {  	s16 =	sld [smem:$0x11];
	(tm) =	ssettm $0x1  }
0x98: {  	s17 =	sld [smem:$0x3FFB];
	_ =	sdelay $0x3  }
0x99: {  	_ =	strace s17  }
0x9a: {  	s5 =	sld [smem:$0x3FFC];
	_ =	sdelay $0x3  }
0x9b: {  	_ =	strace s5  }
0x9c: {  	s5 =	sld [smem:$0x3FFD];
	_ =	sdelay $0x3  }
0x9d: {  	_ =	strace s5  }
0x9e: {  	_ =	strace $0x8FFFFFFF  }
0x9f: {  	s18 =	sld [smem:$0x3FDB];
	_ =	sdelay $0x1  }
0xa0: {  	s19 =	simm.s32 $_scs_section_size  }
0xa1: {  	s7 =	simm.s32 $_size__tile_overlayer_lowered;
	s8 =	simm.s32 $_tile_overlayer_lowered  }
0xa2: {  	s22 =	simm.s32 $0x1BFF;
	s21 =	sshll.u32 s8, $0x1;
	s5 =	sadd.s32 s19, s18  }
0xa3: {  	s9 =	simm.s32 $0x0;
	s20 =	sshll.u32 s7, $0x1;
	s7 =	sadd.s32 s21, s5  }
0xa4: {  	[timem:s9], [sflag:s22] =	dma.local [hbm:s7], s20  }
0xa5: {  	_ =	swait.ge [sflag:s22], s20  }
0xa6: {  	s6 =	ssub.s32 $0x0, s20;
	[sflag:s22] =	ssyncset.done $0x0  }
0xa7: {  	[sflag:s22] =	ssyncadd.s32 s6;
	_ =	sdelay $0x1  }
0xa8: {  	s23 =	simm.s32 $0x1B8B  }
0xa9: {  	_ =	swait.ge [sflag:s23], $0x1  }
0xaa: {  	[sflag:s23] =	ssyncset.done $0x0  }
0xab: {  	s25 =	simm.s32 $0x1B8E;
	s24 =	sld [smem:$0x3FFE];
	[sflag:s23] =	ssyncadd.s32 $0xFFFFFFFF  }
0xac: {  	s26 =	simm.s32 $execute0_lowered;
	[smem:$0x3FD2] =	sst s25  }
0xad: {  	s7 =	sshll.u32 s26, $0x1;
	_ =	strace $0x80000046;
	[dreg:$0x1] =	wrdreg $0xFFFFFFFF  }
0xae: {  	s28 =	simm.s32 $_size_execute0_lowered;
	s5 =	sadd.s32 s5, s7;
	[dreg:$0x0] =	wrdreg $0x0  }
0xaf: {  	s7 =	sshll.u32 s28, $0x1;
	[dreg:$0x2] =	wrdreg s5  }
0xb0: {  	[dreg:$0x3] =	wrdreg s7  }
0xb1: {  	[dreg:$0x4] =	wrdreg $0xC0  }
0xb2: {  	_ =	task [dreg:s9], $0x5FFFF  }
0xb3: {  	[dreg:$0x1] =	wrdreg $0xFFFFFFFF  }
0xb4: {  	[dreg:$0x0] =	wrdreg $0x60  }
0xb5: {  	[dreg:$0x2] =	wrdreg s16  }
0xb6: {  	[dreg:$0x3] =	wrdreg s15  }
0xb7: {  	[dreg:$0x4] =	wrdreg s4  }
0xb8: {  	[dreg:$0x5] =	wrdreg s24  }
0xb9: {  	[dreg:$0x6] =	wrdreg $0x9  }
0xba: {  	_ =	task.clear_ibuf [dreg:s9], $0x7FFFF;
	_ =	strace $0x90000046  }
0xbb: {  	s29 =	simm.s32 $0x9;
	_ =	strace $0x80000048  }
0xbc: {  	_ =	swait.ge [sflag:s29], $0x1  }
0xbd: {  	[sflag:s29] =	ssyncadd.s32 $0xFFFFFFFF  }
0xbe: {  	_ =	strace $0x90000048  }
0xbf: {  	_ =	sfence  }
0xc0: {  	s30 =	sld [smem:$0x0];
	_ =	sdelay $0x2  }
0xc1: {  	s31 =	sshll.u32 s1, $0xD;
	s1 =	sshrl.u32 s1, $0x2  }
0xc2: {  	s3 =	sand.u32 $0x4000, s31;
	s1 =	sadd.s32 s1, s30  }
0xc3: {  	s0 =	sor.u32 s3, s0;
	s1 =	sshll.u32 s1, $0x11  }
0xc4: {  	s0 =	sor.u32 s1, s0  }
0xc5: {  	s0 =	sadd.s32 $0x8F2B, s0  }
0xc6: {  	[sflag:s0] =	ssyncadd.remote.s32 $0x1  }
0xc7: {  	_ =	sfence.sel $0xFFFF  }
0xc8: {  	[dreg:$0x0] =	wrdreg $0xFFFFFFFF;
	(pc) =	sbr.abs _section_cstart, $3  }
0xc9: {  	[dreg:$0x1] =	wrdreg $0xFFFFFFFF  }
0xca: {  	_ =	task.clear_ibuf [dreg:s9], $0x2FFFF;
	_ =	strace $0x9FFFFFFF  }
0xcb: {  	(tm) =	ssettm $0x7FFFFFFF  }
tec
execute0_lowered:
.L_overlay_start_1:
0x0: {  	(tag) =	ssettag $0x1  }
0x1: {  	s0 =	rddreg [dreg:$0x0]  }
0x2: {  	s1 =	rddreg [dreg:$0x1]  }
0x3: {  	s2 =	rddreg [dreg:$0x2]  }
0x4: {  	s5 =	rddreg [dreg:$0x3];
	s4 =	simm.s32 $0x0;
	s6 =	srdreg.scid  }
0x5: {  	s3 =	stileid.u32;
	s13 =	simm.s32 $0x1200;
	s14 =	simm.s32 $0x1A00  }
0x6: {  	s15 =	simm.s32 $0x2200;
	s16 =	simm.s32 $0x2A00;
	s28 =	simm.s32 $0x1  }
0x7: {  	s29 =	simm.s32 $0x80;
	s30 =	simm.s32 $0x8200;
	s31 =	simm.s32 $0x2  }
0x8: {  	[smem:$0x7FF] =	sst s4;
	s6 =	sand.u32 $0x1, s6;
	s7 =	sshll.u32 s3, $0x1  }
0x9: {  	s8 =	sadd.s32 $0x5000, s5;
	s9 =	sadd.s32 $0x65000, s5;
	s7 =	sor.u32 s6, s7  }
0xa: {  	_ =	strace $0x80000047;
	s6 =	ssub.s32 $0x2, s6;
	s17 =	smul.u32 $0x180, s7  }
0xb: {  	s10 =	sshll.u32 s7, $0x6;
	s11 =	smul.u32 $0x3000, s7;
	s12 =	sshrl.u32 s6, $0x1  }
0xc: {  	s7 =	smul.u32 $0x1800, s7;
	s0 =	sadd.s32 s0, s10;
	s18 =	ssub.s32 s6, s12  }
0xd: {  	s10 =	simm.s32 $0x3;
	s12 =	simm.s32 $0xA00;
	[dreg:$0x5] =	wrdreg s0  }
0xe: {  	s19 =	sadd.s32 s8, s11;
	s20 =	sadd.s32 s9, s7;
	s21 =	sadd.s32 $0x80, s17  }
0xf: {  	s23 =	sadd.s32 $0x100, s17;
	s11 =	simm.s32 $0x200;
	[dreg:$0x6] =	wrdreg s19  }
0x10: {  	s17 =	simm.s32 $0x3200;
	s0 =	simm.s32 $0x100;
	[dreg:$0x7] =	wrdreg s20  }
0x11: {  	s22 =	sshll.u32 s21, $0x5;
	s24 =	sshll.u32 s21, $0x4;
	s25 =	sshll.u32 s23, $0x5  }
0x12: {  	s26 =	sshll.u32 s23, $0x4;
	s19 =	simm.s32 $0x4200;
	s20 =	simm.s32 $0x4A00  }
0x13: {  	s21 =	simm.s32 $0x5200;
	s23 =	simm.s32 $0x6200;
	s5 =	sadd.s32 s8, s22  }
0x14: {  	v2 =	vlaneseq.u32;
	s6 =	sadd.s32 s9, s24;
	s7 =	sadd.s32 s8, s25;
	s8 =	sadd.s32 s9, s26  }
0x15: {  	vm0 =	vmmov $0xffff;
	v1 =	vshrl.u32 v2, $0x3;
	s9 =	smax.u32 s18, $0x1;
	s18 =	simm.s32 $0x3A00;
	s22 =	simm.s32 $0x5A00  }
0x16: {  	v0 =	vand.u32 $0x7, v2;
	v2 =	vor.u32 $0x8, v2;
	v1 =	vmul.u32 $0x8, v1;
	s24 =	simm.s32 $0x6A00;
	s25 =	simm.s32 $0x7200;
	s26 =	simm.s32 $0x7A00  }
.LBB2_1:
0x17: {  	s3 =	rddreg [dreg:$0x5]  }
0x18: {  	[tilespmem:s4], [sflag:$0x3] =	stream.linear.gather [hbm4b:s3+s4], $0x180, $0x38;
	[tilespmem:$0xC200] =	vst v63  }
0x19: {  	_ =	swait.ge [sflag:s10], $0x180  }
0x1a: {  	[sflag:s10] =	ssyncset.done $0x0  }
0x1b: {  	[sflag:s10] =	ssyncadd.s32 $0xFFFFFE80  }
0x1c: {  	v3 =	vld [tilespmem:$0x0];
	_ =	sdelay $0x4  }
0x1d: {  	v4 =	vshll.u32 v3, $0x1  }
0x1e: {  	v3 =	vand.u32 $0x7, v3;
	v4 =	vand.u32 $0xFFFFFFF0, v4  }
0x1f: {  	v3 =	vor.u32 v3, v4  }
0x20: {  	v4 =	vperm.xlane v3, v0;
	_ =	sdelay $0x1  }
0x21: {  	v3 =	vperm.xlane v3, v2;
	v4 =	vadd.s32 v1, v4;
	_ =	sdelay $0x1  }
0x22: {  	v3 =	vadd.s32 v1, v3;
	_ =	sdelay $0x2  }
0x23: {  	[tilespmem:s11], [sflag:$0x1] =	stream.indirect_vreg.gather [hbm4b:s1+s4], $0x80, v4, vm0, $0xb8;
	[tilespmem:$0xC200] =	vst v63  }
0x24: {  	_ = 	snop  }
0x25: {  	[tilespmem:s12], [sflag:$0x1] =	stream.indirect_vreg.gather [hbm4b:s1+s4], $0x80, v3, vm0, $0xb8;
	[tilespmem:$0xC200] =	vst v63  }
0x26: {  	v3 =	vld [tilespmem:$0x10];
	_ =	sdelay $0x4  }
0x27: {  	v41 =	vshll.u32 v3, $0x1  }
0x28: {  	v3 =	vand.u32 $0x7, v3;
	v4 =	vand.u32 $0xFFFFFFF0, v41  }
0x29: {  	v3 =	vor.u32 v3, v4  }
0x2a: {  	v4 =	vperm.xlane v3, v0;
	_ =	sdelay $0x1  }
0x2b: {  	v3 =	vperm.xlane v3, v2;
	v4 =	vadd.s32 v1, v4;
	_ =	sdelay $0x1  }
0x2c: {  	v3 =	vadd.s32 v1, v3;
	_ =	sdelay $0x2  }
0x2d: {  	[tilespmem:s13], [sflag:$0x1] =	stream.indirect_vreg.gather [hbm4b:s1+s4], $0x80, v4, vm0, $0xb8;
	[tilespmem:$0xC200] =	vst v63  }
0x2e: {  	_ = 	snop  }
0x2f: {  	[tilespmem:s14], [sflag:$0x1] =	stream.indirect_vreg.gather [hbm4b:s1+s4], $0x80, v3, vm0, $0xb8;
	[tilespmem:$0xC200] =	vst v63  }
0x30: {  	v3 =	vld [tilespmem:$0x20];
	_ =	sdelay $0x4  }
0x31: {  	v42 =	vshll.u32 v3, $0x1  }
0x32: {  	v3 =	vand.u32 $0x7, v3;
	v4 =	vand.u32 $0xFFFFFFF0, v42  }
0x33: {  	v3 =	vor.u32 v3, v4  }
0x34: {  	v4 =	vperm.xlane v3, v0;
	_ =	sdelay $0x1  }
0x35: {  	v3 =	vperm.xlane v3, v2;
	v4 =	vadd.s32 v1, v4;
	_ =	sdelay $0x1  }
0x36: {  	v3 =	vadd.s32 v1, v3;
	_ =	sdelay $0x2  }
0x37: {  	[tilespmem:s15], [sflag:$0x1] =	stream.indirect_vreg.gather [hbm4b:s1+s4], $0x80, v4, vm0, $0xb8;
	[tilespmem:$0xC200] =	vst v63  }
0x38: {  	_ = 	snop  }
0x39: {  	[tilespmem:s16], [sflag:$0x1] =	stream.indirect_vreg.gather [hbm4b:s1+s4], $0x80, v3, vm0, $0xb8;
	[tilespmem:$0xC200] =	vst v63  }
0x3a: {  	v3 =	vld [tilespmem:$0x30];
	_ =	sdelay $0x4  }
0x3b: {  	v43 =	vshll.u32 v3, $0x1  }
0x3c: {  	v3 =	vand.u32 $0x7, v3;
	v4 =	vand.u32 $0xFFFFFFF0, v43  }
0x3d: {  	v3 =	vor.u32 v3, v4  }
0x3e: {  	v4 =	vperm.xlane v3, v0;
	_ =	sdelay $0x1  }
0x3f: {  	v3 =	vperm.xlane v3, v2;
	v4 =	vadd.s32 v1, v4;
	_ =	sdelay $0x1  }
0x40: {  	v3 =	vadd.s32 v1, v3;
	_ =	sdelay $0x2  }
0x41: {  	[tilespmem:s17], [sflag:$0x1] =	stream.indirect_vreg.gather [hbm4b:s1+s4], $0x80, v4, vm0, $0xb8;
	[tilespmem:$0xC200] =	vst v63  }
0x42: {  	_ = 	snop  }
0x43: {  	[tilespmem:s18], [sflag:$0x1] =	stream.indirect_vreg.gather [hbm4b:s1+s4], $0x80, v3, vm0, $0xb8;
	[tilespmem:$0xC200] =	vst v63  }
0x44: {  	v3 =	vld [tilespmem:$0x40];
	_ =	sdelay $0x4  }
0x45: {  	v44 =	vshll.u32 v3, $0x1  }
0x46: {  	v3 =	vand.u32 $0x7, v3;
	v4 =	vand.u32 $0xFFFFFFF0, v44  }
0x47: {  	v3 =	vor.u32 v3, v4  }
0x48: {  	v4 =	vperm.xlane v3, v0;
	_ =	sdelay $0x1  }
0x49: {  	v3 =	vperm.xlane v3, v2;
	v4 =	vadd.s32 v1, v4;
	_ =	sdelay $0x1  }
0x4a: {  	v3 =	vadd.s32 v1, v3;
	_ =	sdelay $0x2  }
0x4b: {  	[tilespmem:s19], [sflag:$0x1] =	stream.indirect_vreg.gather [hbm4b:s1+s4], $0x80, v4, vm0, $0xb8;
	[tilespmem:$0xC200] =	vst v63  }
0x4c: {  	_ = 	snop  }
0x4d: {  	[tilespmem:s20], [sflag:$0x1] =	stream.indirect_vreg.gather [hbm4b:s1+s4], $0x80, v3, vm0, $0xb8;
	[tilespmem:$0xC200] =	vst v63  }
0x4e: {  	v3 =	vld [tilespmem:$0x50];
	_ =	sdelay $0x4  }
0x4f: {  	v45 =	vshll.u32 v3, $0x1  }
0x50: {  	v3 =	vand.u32 $0x7, v3;
	v4 =	vand.u32 $0xFFFFFFF0, v45  }
0x51: {  	v3 =	vor.u32 v3, v4  }
0x52: {  	v4 =	vperm.xlane v3, v0;
	_ =	sdelay $0x1  }
0x53: {  	v3 =	vperm.xlane v3, v2;
	v4 =	vadd.s32 v1, v4;
	_ =	sdelay $0x1  }
0x54: {  	v3 =	vadd.s32 v1, v3;
	_ =	sdelay $0x2  }
0x55: {  	[tilespmem:s21], [sflag:$0x1] =	stream.indirect_vreg.gather [hbm4b:s1+s4], $0x80, v4, vm0, $0xb8;
	[tilespmem:$0xC200] =	vst v63  }
0x56: {  	_ = 	snop  }
0x57: {  	[tilespmem:s22], [sflag:$0x1] =	stream.indirect_vreg.gather [hbm4b:s1+s4], $0x80, v3, vm0, $0xb8;
	[tilespmem:$0xC200] =	vst v63  }
0x58: {  	v3 =	vld [tilespmem:$0x60];
	_ =	sdelay $0x4  }
0x59: {  	v46 =	vshll.u32 v3, $0x1  }
0x5a: {  	v3 =	vand.u32 $0x7, v3;
	v4 =	vand.u32 $0xFFFFFFF0, v46  }
0x5b: {  	v3 =	vor.u32 v3, v4  }
0x5c: {  	v4 =	vperm.xlane v3, v0;
	_ =	sdelay $0x1  }
0x5d: {  	v3 =	vperm.xlane v3, v2;
	v4 =	vadd.s32 v1, v4;
	_ =	sdelay $0x1  }
0x5e: {  	v3 =	vadd.s32 v1, v3;
	_ =	sdelay $0x2  }
0x5f: {  	[tilespmem:s23], [sflag:$0x1] =	stream.indirect_vreg.gather [hbm4b:s1+s4], $0x80, v4, vm0, $0xb8;
	[tilespmem:$0xC200] =	vst v63  }
0x60: {  	_ = 	snop  }
0x61: {  	[tilespmem:s24], [sflag:$0x1] =	stream.indirect_vreg.gather [hbm4b:s1+s4], $0x80, v3, vm0, $0xb8;
	[tilespmem:$0xC200] =	vst v63  }
0x62: {  	v3 =	vld [tilespmem:$0x70];
	_ =	sdelay $0x4  }
0x63: {  	v47 =	vshll.u32 v3, $0x1  }
0x64: {  	v3 =	vand.u32 $0x7, v3;
	v4 =	vand.u32 $0xFFFFFFF0, v47  }
0x65: {  	v3 =	vor.u32 v3, v4  }
0x66: {  	v4 =	vperm.xlane v3, v0;
	_ =	sdelay $0x1  }
0x67: {  	v3 =	vperm.xlane v3, v2;
	v4 =	vadd.s32 v1, v4;
	_ =	sdelay $0x1  }
0x68: {  	v3 =	vadd.s32 v1, v3;
	_ =	sdelay $0x2  }
0x69: {  	[tilespmem:s25], [sflag:$0x1] =	stream.indirect_vreg.gather [hbm4b:s1+s4], $0x80, v4, vm0, $0xb8;
	[tilespmem:$0xC200] =	vst v63  }
0x6a: {  	_ = 	snop  }
0x6b: {  	[tilespmem:s26], [sflag:$0x1] =	stream.indirect_vreg.gather [hbm4b:s1+s4], $0x80, v3, vm0, $0xb8;
	[tilespmem:$0xC200] =	vst v63  }
0x6c: {  	_ =	swait.ge [sflag:s28], $0x8000  }
0x6d: {  	[sflag:s28] =	ssyncset.done $0x0  }
0x6e: {  	s3 =	rddreg [dreg:$0x6];
	[sflag:s28] =	ssyncadd.s32 $0xFFFF8000  }
0x6f: {  	[hbm4b:s3+s4] =	stream.linear.scatter [tilespmem:s11], [sflag:$0x3], $0x8000, $0x38;
	[tilespmem:$0xC200] =	vst v63  }
0x70: {  	_ =	swait.ge [sflag:s10], $0x8000  }
0x71: {  	[sflag:s10] =	ssyncset.done $0x0  }
0x72: {  	[sflag:s10] =	ssyncadd.s32 $0xFFFF8000  }
0x73: {  	[tilespmem:s30], [sflag:$0x2] =	stream.indirect.gather [hbm4b:s2+s29], $0x80, s4, s29, $0xb8;
	[tilespmem:$0xC200] =	vst v63  }
0x74: {  	_ =	swait.ge [sflag:s31], $0x4000  }
0x75: {  	[sflag:s31] =	ssyncset.done $0x0  }
0x76: {  	s3 =	rddreg [dreg:$0x7];
	[sflag:s31] =	ssyncadd.s32 $0xFFFFC000  }
0x77: {  	[hbm4b:s3+s4] =	stream.linear.scatter [tilespmem:s30], [sflag:$0x3], $0x4000, $0x38;
	[tilespmem:$0xC200] =	vst v63  }
0x78: {  	_ =	swait.ge [sflag:s10], $0x4000  }
0x79: {  	[sflag:s10] =	ssyncset.done $0x0  }
0x7a: {  	[sflag:s10] =	ssyncadd.s32 $0xFFFFC000  }
0x7b: {  	v3 =	vld [tilespmem:$0x80];
	_ =	sdelay $0x4  }
0x7c: {  	v48 =	vshll.u32 v3, $0x1  }
0x7d: {  	v3 =	vand.u32 $0x7, v3;
	v4 =	vand.u32 $0xFFFFFFF0, v48  }
0x7e: {  	v3 =	vor.u32 v3, v4  }
0x7f: {  	v4 =	vperm.xlane v3, v0;
	_ =	sdelay $0x1  }
0x80: {  	v3 =	vperm.xlane v3, v2;
	v4 =	vadd.s32 v1, v4;
	_ =	sdelay $0x1  }
0x81: {  	v3 =	vadd.s32 v1, v3;
	_ =	sdelay $0x2  }
0x82: {  	[tilespmem:s11], [sflag:$0x1] =	stream.indirect_vreg.gather [hbm4b:s1+s4], $0x80, v4, vm0, $0xb8;
	[tilespmem:$0xC200] =	vst v63  }
0x83: {  	_ = 	snop  }
0x84: {  	[tilespmem:s12], [sflag:$0x1] =	stream.indirect_vreg.gather [hbm4b:s1+s4], $0x80, v3, vm0, $0xb8;
	[tilespmem:$0xC200] =	vst v63  }
0x85: {  	v3 =	vld [tilespmem:$0x90];
	_ =	sdelay $0x4  }
0x86: {  	v49 =	vshll.u32 v3, $0x1  }
0x87: {  	v3 =	vand.u32 $0x7, v3;
	v4 =	vand.u32 $0xFFFFFFF0, v49  }
0x88: {  	v3 =	vor.u32 v3, v4  }
0x89: {  	v4 =	vperm.xlane v3, v0;
	_ =	sdelay $0x1  }
0x8a: {  	v3 =	vperm.xlane v3, v2;
	v4 =	vadd.s32 v1, v4;
	_ =	sdelay $0x1  }
0x8b: {  	v3 =	vadd.s32 v1, v3;
	_ =	sdelay $0x2  }
0x8c: {  	[tilespmem:s13], [sflag:$0x1] =	stream.indirect_vreg.gather [hbm4b:s1+s4], $0x80, v4, vm0, $0xb8;
	[tilespmem:$0xC200] =	vst v63  }
0x8d: {  	_ = 	snop  }
0x8e: {  	[tilespmem:s14], [sflag:$0x1] =	stream.indirect_vreg.gather [hbm4b:s1+s4], $0x80, v3, vm0, $0xb8;
	[tilespmem:$0xC200] =	vst v63  }
0x8f: {  	v3 =	vld [tilespmem:$0xA0];
	_ =	sdelay $0x4  }
0x90: {  	v50 =	vshll.u32 v3, $0x1  }
0x91: {  	v3 =	vand.u32 $0x7, v3;
	v4 =	vand.u32 $0xFFFFFFF0, v50  }
0x92: {  	v3 =	vor.u32 v3, v4  }
0x93: {  	v4 =	vperm.xlane v3, v0;
	_ =	sdelay $0x1  }
0x94: {  	v3 =	vperm.xlane v3, v2;
	v4 =	vadd.s32 v1, v4;
	_ =	sdelay $0x1  }
0x95: {  	v3 =	vadd.s32 v1, v3;
	_ =	sdelay $0x2  }
0x96: {  	[tilespmem:s15], [sflag:$0x1] =	stream.indirect_vreg.gather [hbm4b:s1+s4], $0x80, v4, vm0, $0xb8;
	[tilespmem:$0xC200] =	vst v63  }
0x97: {  	_ = 	snop  }
0x98: {  	[tilespmem:s16], [sflag:$0x1] =	stream.indirect_vreg.gather [hbm4b:s1+s4], $0x80, v3, vm0, $0xb8;
	[tilespmem:$0xC200] =	vst v63  }
0x99: {  	v3 =	vld [tilespmem:$0xB0];
	_ =	sdelay $0x4  }
0x9a: {  	v51 =	vshll.u32 v3, $0x1  }
0x9b: {  	v3 =	vand.u32 $0x7, v3;
	v4 =	vand.u32 $0xFFFFFFF0, v51  }
0x9c: {  	v3 =	vor.u32 v3, v4  }
0x9d: {  	v4 =	vperm.xlane v3, v0;
	_ =	sdelay $0x1  }
0x9e: {  	v3 =	vperm.xlane v3, v2;
	v4 =	vadd.s32 v1, v4;
	_ =	sdelay $0x1  }
0x9f: {  	v3 =	vadd.s32 v1, v3;
	_ =	sdelay $0x2  }
0xa0: {  	[tilespmem:s17], [sflag:$0x1] =	stream.indirect_vreg.gather [hbm4b:s1+s4], $0x80, v4, vm0, $0xb8;
	[tilespmem:$0xC200] =	vst v63  }
0xa1: {  	_ = 	snop  }
0xa2: {  	[tilespmem:s18], [sflag:$0x1] =	stream.indirect_vreg.gather [hbm4b:s1+s4], $0x80, v3, vm0, $0xb8;
	[tilespmem:$0xC200] =	vst v63  }
0xa3: {  	v3 =	vld [tilespmem:$0xC0];
	_ =	sdelay $0x4  }
0xa4: {  	v52 =	vshll.u32 v3, $0x1  }
0xa5: {  	v3 =	vand.u32 $0x7, v3;
	v4 =	vand.u32 $0xFFFFFFF0, v52  }
0xa6: {  	v3 =	vor.u32 v3, v4  }
0xa7: {  	v4 =	vperm.xlane v3, v0;
	_ =	sdelay $0x1  }
0xa8: {  	v3 =	vperm.xlane v3, v2;
	v4 =	vadd.s32 v1, v4;
	_ =	sdelay $0x1  }
0xa9: {  	v3 =	vadd.s32 v1, v3;
	_ =	sdelay $0x2  }
0xaa: {  	[tilespmem:s19], [sflag:$0x1] =	stream.indirect_vreg.gather [hbm4b:s1+s4], $0x80, v4, vm0, $0xb8;
	[tilespmem:$0xC200] =	vst v63  }
0xab: {  	_ = 	snop  }
0xac: {  	[tilespmem:s20], [sflag:$0x1] =	stream.indirect_vreg.gather [hbm4b:s1+s4], $0x80, v3, vm0, $0xb8;
	[tilespmem:$0xC200] =	vst v63  }
0xad: {  	v3 =	vld [tilespmem:$0xD0];
	_ =	sdelay $0x4  }
0xae: {  	v53 =	vshll.u32 v3, $0x1  }
0xaf: {  	v3 =	vand.u32 $0x7, v3;
	v4 =	vand.u32 $0xFFFFFFF0, v53  }
0xb0: {  	v3 =	vor.u32 v3, v4  }
0xb1: {  	v4 =	vperm.xlane v3, v0;
	_ =	sdelay $0x1  }
0xb2: {  	v3 =	vperm.xlane v3, v2;
	v4 =	vadd.s32 v1, v4;
	_ =	sdelay $0x1  }
0xb3: {  	v3 =	vadd.s32 v1, v3;
	_ =	sdelay $0x2  }
0xb4: {  	[tilespmem:s21], [sflag:$0x1] =	stream.indirect_vreg.gather [hbm4b:s1+s4], $0x80, v4, vm0, $0xb8;
	[tilespmem:$0xC200] =	vst v63  }
0xb5: {  	_ = 	snop  }
0xb6: {  	[tilespmem:s22], [sflag:$0x1] =	stream.indirect_vreg.gather [hbm4b:s1+s4], $0x80, v3, vm0, $0xb8;
	[tilespmem:$0xC200] =	vst v63  }
0xb7: {  	v3 =	vld [tilespmem:$0xE0];
	_ =	sdelay $0x4  }
0xb8: {  	v54 =	vshll.u32 v3, $0x1  }
0xb9: {  	v3 =	vand.u32 $0x7, v3;
	v4 =	vand.u32 $0xFFFFFFF0, v54  }
0xba: {  	v3 =	vor.u32 v3, v4  }
0xbb: {  	v4 =	vperm.xlane v3, v0;
	_ =	sdelay $0x1  }
0xbc: {  	v3 =	vperm.xlane v3, v2;
	v4 =	vadd.s32 v1, v4;
	_ =	sdelay $0x1  }
0xbd: {  	v3 =	vadd.s32 v1, v3;
	_ =	sdelay $0x2  }
0xbe: {  	[tilespmem:s23], [sflag:$0x1] =	stream.indirect_vreg.gather [hbm4b:s1+s4], $0x80, v4, vm0, $0xb8;
	[tilespmem:$0xC200] =	vst v63  }
0xbf: {  	_ = 	snop  }
0xc0: {  	[tilespmem:s24], [sflag:$0x1] =	stream.indirect_vreg.gather [hbm4b:s1+s4], $0x80, v3, vm0, $0xb8;
	[tilespmem:$0xC200] =	vst v63  }
0xc1: {  	v3 =	vld [tilespmem:$0xF0];
	_ =	sdelay $0x4  }
0xc2: {  	v55 =	vshll.u32 v3, $0x1  }
0xc3: {  	v3 =	vand.u32 $0x7, v3;
	v4 =	vand.u32 $0xFFFFFFF0, v55  }
0xc4: {  	v3 =	vor.u32 v3, v4  }
0xc5: {  	v4 =	vperm.xlane v3, v0;
	_ =	sdelay $0x1  }
0xc6: {  	v3 =	vperm.xlane v3, v2;
	v4 =	vadd.s32 v1, v4;
	_ =	sdelay $0x1  }
0xc7: {  	v3 =	vadd.s32 v1, v3;
	_ =	sdelay $0x2  }
0xc8: {  	[tilespmem:s25], [sflag:$0x1] =	stream.indirect_vreg.gather [hbm4b:s1+s4], $0x80, v4, vm0, $0xb8;
	[tilespmem:$0xC200] =	vst v63  }
0xc9: {  	_ = 	snop  }
0xca: {  	[tilespmem:s26], [sflag:$0x1] =	stream.indirect_vreg.gather [hbm4b:s1+s4], $0x80, v3, vm0, $0xb8;
	[tilespmem:$0xC200] =	vst v63  }
0xcb: {  	_ =	swait.ge [sflag:s28], $0x8000  }
0xcc: {  	[sflag:s28] =	ssyncset.done $0x0  }
0xcd: {  	[sflag:s28] =	ssyncadd.s32 $0xFFFF8000  }
0xce: {  	[hbm4b:s5+s4] =	stream.linear.scatter [tilespmem:s11], [sflag:$0x3], $0x8000, $0x38;
	[tilespmem:$0xC200] =	vst v63  }
0xcf: {  	_ =	swait.ge [sflag:s10], $0x8000  }
0xd0: {  	[sflag:s10] =	ssyncset.done $0x0  }
0xd1: {  	[sflag:s10] =	ssyncadd.s32 $0xFFFF8000  }
0xd2: {  	[tilespmem:s30], [sflag:$0x2] =	stream.indirect.gather [hbm4b:s2+s29], $0x80, s29, s29, $0xb8;
	[tilespmem:$0xC200] =	vst v63  }
0xd3: {  	_ =	swait.ge [sflag:s31], $0x4000  }
0xd4: {  	[sflag:s31] =	ssyncset.done $0x0  }
0xd5: {  	[sflag:s31] =	ssyncadd.s32 $0xFFFFC000  }
0xd6: {  	[hbm4b:s6+s4] =	stream.linear.scatter [tilespmem:s30], [sflag:$0x3], $0x4000, $0x38;
	[tilespmem:$0xC200] =	vst v63  }
0xd7: {  	_ =	swait.ge [sflag:s10], $0x4000  }
0xd8: {  	[sflag:s10] =	ssyncset.done $0x0  }
0xd9: {  	[sflag:s10] =	ssyncadd.s32 $0xFFFFC000  }
0xda: {  	v3 =	vld [tilespmem:$0x100];
	_ =	sdelay $0x4  }
0xdb: {  	v56 =	vshll.u32 v3, $0x1  }
0xdc: {  	v3 =	vand.u32 $0x7, v3;
	v4 =	vand.u32 $0xFFFFFFF0, v56  }
0xdd: {  	v3 =	vor.u32 v3, v4  }
0xde: {  	v4 =	vperm.xlane v3, v0;
	_ =	sdelay $0x1  }
0xdf: {  	v3 =	vperm.xlane v3, v2;
	v4 =	vadd.s32 v1, v4;
	_ =	sdelay $0x1  }
0xe0: {  	v3 =	vadd.s32 v1, v3;
	_ =	sdelay $0x2  }
0xe1: {  	[tilespmem:s11], [sflag:$0x1] =	stream.indirect_vreg.gather [hbm4b:s1+s4], $0x80, v4, vm0, $0xb8;
	[tilespmem:$0xC200] =	vst v63  }
0xe2: {  	_ = 	snop  }
0xe3: {  	[tilespmem:s12], [sflag:$0x1] =	stream.indirect_vreg.gather [hbm4b:s1+s4], $0x80, v3, vm0, $0xb8;
	[tilespmem:$0xC200] =	vst v63  }
0xe4: {  	v3 =	vld [tilespmem:$0x110];
	_ =	sdelay $0x4  }
0xe5: {  	v57 =	vshll.u32 v3, $0x1  }
0xe6: {  	v3 =	vand.u32 $0x7, v3;
	v4 =	vand.u32 $0xFFFFFFF0, v57  }
0xe7: {  	v3 =	vor.u32 v3, v4  }
0xe8: {  	v4 =	vperm.xlane v3, v0;
	_ =	sdelay $0x1  }
0xe9: {  	v3 =	vperm.xlane v3, v2;
	v4 =	vadd.s32 v1, v4;
	_ =	sdelay $0x1  }
0xea: {  	v3 =	vadd.s32 v1, v3;
	_ =	sdelay $0x2  }
0xeb: {  	[tilespmem:s13], [sflag:$0x1] =	stream.indirect_vreg.gather [hbm4b:s1+s4], $0x80, v4, vm0, $0xb8;
	[tilespmem:$0xC200] =	vst v63  }
0xec: {  	_ = 	snop  }
0xed: {  	[tilespmem:s14], [sflag:$0x1] =	stream.indirect_vreg.gather [hbm4b:s1+s4], $0x80, v3, vm0, $0xb8;
	[tilespmem:$0xC200] =	vst v63  }
0xee: {  	v3 =	vld [tilespmem:$0x120];
	_ =	sdelay $0x4  }
0xef: {  	v58 =	vshll.u32 v3, $0x1  }
0xf0: {  	v3 =	vand.u32 $0x7, v3;
	v4 =	vand.u32 $0xFFFFFFF0, v58  }
0xf1: {  	v3 =	vor.u32 v3, v4  }
0xf2: {  	v4 =	vperm.xlane v3, v0;
	_ =	sdelay $0x1  }
0xf3: {  	v3 =	vperm.xlane v3, v2;
	v4 =	vadd.s32 v1, v4;
	_ =	sdelay $0x1  }
0xf4: {  	v3 =	vadd.s32 v1, v3;
	_ =	sdelay $0x2  }
0xf5: {  	[tilespmem:s15], [sflag:$0x1] =	stream.indirect_vreg.gather [hbm4b:s1+s4], $0x80, v4, vm0, $0xb8;
	[tilespmem:$0xC200] =	vst v63  }
0xf6: {  	_ = 	snop  }
0xf7: {  	[tilespmem:s16], [sflag:$0x1] =	stream.indirect_vreg.gather [hbm4b:s1+s4], $0x80, v3, vm0, $0xb8;
	[tilespmem:$0xC200] =	vst v63  }
0xf8: {  	v3 =	vld [tilespmem:$0x130];
	_ =	sdelay $0x4  }
0xf9: {  	v59 =	vshll.u32 v3, $0x1  }
0xfa: {  	v3 =	vand.u32 $0x7, v3;
	v4 =	vand.u32 $0xFFFFFFF0, v59  }
0xfb: {  	v3 =	vor.u32 v3, v4  }
0xfc: {  	v4 =	vperm.xlane v3, v0;
	_ =	sdelay $0x1  }
0xfd: {  	v3 =	vperm.xlane v3, v2;
	v4 =	vadd.s32 v1, v4;
	_ =	sdelay $0x1  }
0xfe: {  	v3 =	vadd.s32 v1, v3;
	_ =	sdelay $0x2  }
0xff: {  	[tilespmem:s17], [sflag:$0x1] =	stream.indirect_vreg.gather [hbm4b:s1+s4], $0x80, v4, vm0, $0xb8;
	[tilespmem:$0xC200] =	vst v63  }
0x100: {  	_ = 	snop  }
0x101: {  	[tilespmem:s18], [sflag:$0x1] =	stream.indirect_vreg.gather [hbm4b:s1+s4], $0x80, v3, vm0, $0xb8;
	[tilespmem:$0xC200] =	vst v63  }
0x102: {  	v3 =	vld [tilespmem:$0x140];
	_ =	sdelay $0x4  }
0x103: {  	v60 =	vshll.u32 v3, $0x1  }
0x104: {  	v3 =	vand.u32 $0x7, v3;
	v4 =	vand.u32 $0xFFFFFFF0, v60  }
0x105: {  	v3 =	vor.u32 v3, v4  }
0x106: {  	v4 =	vperm.xlane v3, v0;
	_ =	sdelay $0x1  }
0x107: {  	v3 =	vperm.xlane v3, v2;
	v4 =	vadd.s32 v1, v4;
	_ =	sdelay $0x1  }
0x108: {  	v3 =	vadd.s32 v1, v3;
	_ =	sdelay $0x2  }
0x109: {  	[tilespmem:s19], [sflag:$0x1] =	stream.indirect_vreg.gather [hbm4b:s1+s4], $0x80, v4, vm0, $0xb8;
	[tilespmem:$0xC200] =	vst v63  }
0x10a: {  	_ = 	snop  }
0x10b: {  	[tilespmem:s20], [sflag:$0x1] =	stream.indirect_vreg.gather [hbm4b:s1+s4], $0x80, v3, vm0, $0xb8;
	[tilespmem:$0xC200] =	vst v63  }
0x10c: {  	v3 =	vld [tilespmem:$0x150];
	_ =	sdelay $0x4  }
0x10d: {  	v61 =	vshll.u32 v3, $0x1  }
0x10e: {  	v3 =	vand.u32 $0x7, v3;
	v4 =	vand.u32 $0xFFFFFFF0, v61  }
0x10f: {  	v3 =	vor.u32 v3, v4  }
0x110: {  	v4 =	vperm.xlane v3, v0;
	_ =	sdelay $0x1  }
0x111: {  	v3 =	vperm.xlane v3, v2;
	v4 =	vadd.s32 v1, v4;
	_ =	sdelay $0x1  }
0x112: {  	v3 =	vadd.s32 v1, v3;
	_ =	sdelay $0x2  }
0x113: {  	[tilespmem:s21], [sflag:$0x1] =	stream.indirect_vreg.gather [hbm4b:s1+s4], $0x80, v4, vm0, $0xb8;
	[tilespmem:$0xC200] =	vst v63  }
0x114: {  	_ = 	snop  }
0x115: {  	[tilespmem:s22], [sflag:$0x1] =	stream.indirect_vreg.gather [hbm4b:s1+s4], $0x80, v3, vm0, $0xb8;
	[tilespmem:$0xC200] =	vst v63  }
0x116: {  	v3 =	vld [tilespmem:$0x160];
	_ =	sdelay $0x4  }
0x117: {  	v62 =	vshll.u32 v3, $0x1  }
0x118: {  	v3 =	vand.u32 $0x7, v3;
	v4 =	vand.u32 $0xFFFFFFF0, v62  }
0x119: {  	v3 =	vor.u32 v3, v4  }
0x11a: {  	v4 =	vperm.xlane v3, v0;
	_ =	sdelay $0x1  }
0x11b: {  	v3 =	vperm.xlane v3, v2;
	v4 =	vadd.s32 v1, v4;
	_ =	sdelay $0x1  }
0x11c: {  	v3 =	vadd.s32 v1, v3;
	_ =	sdelay $0x2  }
0x11d: {  	[tilespmem:s23], [sflag:$0x1] =	stream.indirect_vreg.gather [hbm4b:s1+s4], $0x80, v4, vm0, $0xb8;
	[tilespmem:$0xC200] =	vst v63  }
0x11e: {  	_ = 	snop  }
0x11f: {  	[tilespmem:s24], [sflag:$0x1] =	stream.indirect_vreg.gather [hbm4b:s1+s4], $0x80, v3, vm0, $0xb8;
	[tilespmem:$0xC200] =	vst v63  }
0x120: {  	v3 =	vld [tilespmem:$0x170];
	_ =	sdelay $0x4  }
0x121: {  	v63 =	vshll.u32 v3, $0x1  }
0x122: {  	v3 =	vand.u32 $0x7, v3;
	v4 =	vand.u32 $0xFFFFFFF0, v63  }
0x123: {  	v3 =	vor.u32 v3, v4  }
0x124: {  	v4 =	vperm.xlane v3, v0;
	_ =	sdelay $0x1  }
0x125: {  	v3 =	vperm.xlane v3, v2;
	v4 =	vadd.s32 v1, v4;
	_ =	sdelay $0x1  }
0x126: {  	v3 =	vadd.s32 v1, v3;
	_ =	sdelay $0x2  }
0x127: {  	[tilespmem:s25], [sflag:$0x1] =	stream.indirect_vreg.gather [hbm4b:s1+s4], $0x80, v4, vm0, $0xb8;
	[tilespmem:$0xC200] =	vst v63  }
0x128: {  	_ = 	snop  }
0x129: {  	[tilespmem:s26], [sflag:$0x1] =	stream.indirect_vreg.gather [hbm4b:s1+s4], $0x80, v3, vm0, $0xb8;
	[tilespmem:$0xC200] =	vst v63  }
0x12a: {  	_ =	swait.ge [sflag:s28], $0x8000  }
0x12b: {  	[sflag:s28] =	ssyncset.done $0x0  }
0x12c: {  	[sflag:s28] =	ssyncadd.s32 $0xFFFF8000  }
0x12d: {  	[hbm4b:s7+s4] =	stream.linear.scatter [tilespmem:s11], [sflag:$0x3], $0x8000, $0x38;
	[tilespmem:$0xC200] =	vst v63  }
0x12e: {  	_ =	swait.ge [sflag:s10], $0x8000  }
0x12f: {  	[sflag:s10] =	ssyncset.done $0x0  }
0x130: {  	[sflag:s10] =	ssyncadd.s32 $0xFFFF8000  }
0x131: {  	[tilespmem:s30], [sflag:$0x2] =	stream.indirect.gather [hbm4b:s2+s29], $0x80, s0, s29, $0xb8;
	[tilespmem:$0xC200] =	vst v63  }
0x132: {  	_ =	swait.ge [sflag:s31], $0x4000  }
0x133: {  	p0 =	sne.s32 s9, $0x1;
	[sflag:s31] =	ssyncset.done $0x0  }
.Ltmp0:
0x134: {  	[sflag:s31] =	ssyncadd.s32 $0xFFFFC000;
	(pc) =	sbr.rel @p0 .LBB2_1-.Ltmp0, $4  }
0x135: {  	[hbm4b:s8+s4] =	stream.linear.scatter [tilespmem:s30], [sflag:$0x3], $0x4000, $0x38;
	[tilespmem:$0xC200] =	vst v63  }
0x136: {  	_ =	swait.ge [sflag:s10], $0x4000  }
0x137: {  	[sflag:s10] =	ssyncset.done $0x0  }
0x138: {  	s9 =	sadd.s32 $0xFFFFFFFF, s9;
	[sflag:s10] =	ssyncadd.s32 $0xFFFFC000  }
0x139: {  	_ =	sfence.sel $0x180000  }
0x13a: {  	[bflag:$0x0] =	sbarrier.arrive $0xFFFF  }
0x13b: {  	_ =	strace $0x90000047  }
0x13c: {  	s0 =	stileid.u32;
	[bflag:$0x2] =	sbarrier.arrive $0xFFFF  }
0x13d: {  	p0 =	sne.s32 s0, $0x0;
	s0 =	rddreg [dreg:$0x4]  }
0x13e: {  	s0 =	sadd.s32 @!p0 $0x100000, s0  }
0x13f: {  	[sflag:s0] =	ssyncadd.tile.s32 @!p0 $0x1;
	_ =	shalt  }
.Lfunc_end2:
_tile_overlayer_lowered:
.L_overlay_start_2:
0x140: {  	(tag) =	ssettag $0x2  }
0x141: {  	s0 =	rddreg [dreg:$0x0];
	s2 =	stileid.u32  }
0x142: {  	s1 =	rddreg [dreg:$0x1];
	p0 =	sne.s32 s2, $0x0  }
0x143: {  	s3 =	rddreg [dreg:$0x2];
	[bflag:$0x3] =	sbarrier.arrive $0xFFFF;
	s2 =	simm.s32 @!p0 $0x1C03  }
0x144: {  	[timem:s3], [sflag:s2] =	dma.local @!p0 [hbm:s0], s1  }
0x145: {  	s0 =	simm.s32 @!p0 $0x3  }
0x146: {  	_ =	swait.ge @!p0 [sflag:s0], s1  }
0x147: {  	s1 =	ssub.s32 @!p0 $0x0, s1;
	[sflag:s0] =	ssyncset.done @!p0 $0x0  }
0x148: {  	[sflag:s0] =	ssyncadd.s32 @!p0 s1  }
0x149: {  	[bflag:$0x3] =	sbarrier.arrive $0xFFFF  }
0x14a: {  	_ =	shalt  }

</sc_bundles>
